<compile_context>
chip_gen: v7x
topology: tpu7x:2x2x1
jax: 0.10.2.dev20260603
libtpu: 0.0.44.dev20260713+nightly
codegen_flags: <defaults>
</compile_context>

<pallas_src>
import functools

import jax
import jax.numpy as jnp
from jax import lax
from jax.experimental import pallas as pl
from jax.experimental.pallas import tpu as pltpu
from jax.experimental.pallas import tpu_sc as plsc

_K = 8192
_D = 256
_N = 9216
_BETA = 0.25

_NBLK = 1024
_KCHUNK = 2048

_NW = 32
_BPW = _N // _NW
_GCH = 96


_TB = 128


def _argmin_body(z_ref, w_ref, idx_ref):
    z = z_ref[...]
    z2 = z * 2.0
    sz = jnp.sum(z * z, axis=1, keepdims=True)
    ntb = _NBLK // _TB
    vregs_per_chunk = _KCHUNK // 128
    states = [
        (jnp.full((_TB, 128), jnp.inf, jnp.float32),
         jnp.zeros((_TB, 128), jnp.int32))
        for _ in range(ntb)
    ]
    for c in range(_K // _KCHUNK):
        w = w_ref[pl.ds(c * _KCHUNK, _KCHUNK), :]
        mm = lax.dot_general(z2, w, (((1,), (1,)), ((), ())),
                             preferred_element_type=jnp.float32)
        for tb in range(ntb):
            rmin, rvid = states[tb]
            sz_tb = sz[tb * _TB:(tb + 1) * _TB, :]
            for v in range(vregs_per_chunk):
                dv = sz_tb - mm[tb * _TB:(tb + 1) * _TB,
                                v * 128:(v + 1) * 128]
                m = dv < rmin
                rmin = jnp.where(m, dv, rmin)
                rvid = jnp.where(m, jnp.int32(c * vregs_per_chunk + v), rvid)
            states[tb] = (rmin, rvid)
    lane = lax.broadcasted_iota(jnp.int32, (1, 128), 1)
    for tb in range(ntb):
        rmin, rvid = states[tb]
        kid = rvid * 128 + lane
        rowmin = jnp.min(rmin, axis=1, keepdims=True)
        cand = jnp.where(rmin == rowmin, kid, jnp.int32(_K))
        idxcol = jnp.min(cand, axis=1, keepdims=True)
        idx_ref[pl.ds(tb, 1), :] = idxcol.reshape(1, _TB)


def _nearest_code(z_flat, weight, blk0, nblks):
    return pl.pallas_call(
        _argmin_body,
        grid=(nblks,),
        in_specs=[
            pl.BlockSpec((_NBLK, _D), lambda n: (n + blk0, 0)),
            pl.BlockSpec((_K, _D), lambda n: (0, 0)),
        ],
        out_specs=pl.BlockSpec((_NBLK // _TB, _TB), lambda n: (n, 0)),
        out_shape=jax.ShapeDtypeStruct((nblks * _NBLK // _TB, _TB),
                                       jnp.int32),
    )(z_flat, weight)


@functools.cache
def _gather_rows_fn(n_rows, gch):
    bpw = n_rows // _NW
    nch = bpw // gch

    def body(w_hbm, idx_hbm, out_hbm, idx_v, rows_v, sem):
        wid = lax.axis_index("s") * 2 + lax.axis_index("c")
        base = wid * bpw
        pltpu.sync_copy(idx_hbm.at[pl.ds(base, bpw)], idx_v)
        copies = [
            pltpu.async_copy(
                w_hbm.at[idx_v.at[pl.ds(c * gch, gch)]],
                rows_v.at[pl.ds(c * gch, gch)], sem)
            for c in range(nch)
        ]
        for cp in copies:
            cp.wait()
        pltpu.sync_copy(rows_v, out_hbm.at[pl.ds(base, bpw)])

    return pl.kernel(
        body,
        out_type=jax.ShapeDtypeStruct((n_rows, _D), jnp.float32),
        mesh=plsc.VectorSubcoreMesh(core_axis_name="c", subcore_axis_name="s"),
        scratch_types=[
            pltpu.VMEM((bpw,), jnp.int32),
            pltpu.VMEM((bpw, _D), jnp.float32),
            pltpu.SemaphoreType.DMA,
        ],
    )


def _st_loss_body(zp_ref, zq_ref, out_ref, loss_ref):
    i = pl.program_id(0)
    zp = zp_ref[...]
    zq = zq_ref[...]
    diff = zq - zp
    out_ref[...] = zp + diff

    @pl.when(i == 0)
    def _():
        loss_ref[...] = jnp.zeros((1, 1), jnp.float32)

    loss_ref[...] += jnp.full((1, 1), jnp.sum(diff * diff), jnp.float32)

    @pl.when(i == pl.num_programs(0) - 1)
    def _():
        loss_ref[...] = (loss_ref[...] / jnp.float32(_N * _D)) * _BETA


def _st_and_loss(zp_flat, zq_half, blk0, nblks):
    return pl.pallas_call(
        _st_loss_body,
        grid=(nblks,),
        in_specs=[
            pl.BlockSpec((_NBLK, _D), lambda n: (n + blk0, 0)),
            pl.BlockSpec((_NBLK, _D), lambda n: (n, 0)),
        ],
        out_specs=[
            pl.BlockSpec((_NBLK, _D), lambda n: (n, 0)),
            pl.BlockSpec((1, 1), lambda n: (0, 0)),
        ],
        out_shape=[
            jax.ShapeDtypeStruct((nblks * _NBLK, _D), jnp.float32),
            jax.ShapeDtypeStruct((1, 1), jnp.float32),
        ],
    )(zp_flat, zq_half)


def kernel(z, weight):
    zp = jnp.transpose(z, (0, 2, 3, 1))
    b, h, w, d = zp.shape
    z_flat = zp.reshape(-1, d)

    nblks = _N // _NBLK
    idx = _nearest_code(z_flat, weight, 0, nblks).reshape(_N)
    zq_flat = _gather_rows_fn(_N, _GCH)(weight, idx)
    st_flat, loss_raw = _st_and_loss(z_flat, zq_flat, 0, nblks)

    out = jnp.transpose(st_flat.reshape(b, h, w, d), (0, 3, 1, 2))
    return out, loss_raw[0, 0]

# --- scband reference (transcript-rebuilt; emitter-appended) ---
"""Pipeline reference for scband-emavector-quantizer-40931038330996 (READ-ONLY COPY).

The authoritative reference and input builder live on the scoring server;
editing this copy changes nothing except your own understanding.
"""

import jax, jax.numpy as jnp
import numpy as np

NUM_CODEBOOK = 8192
EMBED_DIM = 256
BETA = 0.25

def setup_inputs(seed: int = 0) -> dict:
    key = jax.random.key(seed)
    k1, k2 = jax.random.split(key)
    z = jax.random.normal(k1, (16, EMBED_DIM, 24, 24), dtype=jnp.float32)
    # EmbeddingEMA weight: uniform(-1/K, 1/K)
    weight = jax.random.uniform(k2, (NUM_CODEBOOK, EMBED_DIM), minval=-1.0 / NUM_CODEBOOK, maxval=1.0 / NUM_CODEBOOK, dtype=jnp.float32)
    return {"z": z, "weight": weight}

def reference(z, weight):
    # eval-mode forward of EMAVectorQuantizer with normalize='none'
    zp = jnp.transpose(z, (0, 2, 3, 1))  # (b, h, w, d)
    b, h, w, d = zp.shape
    z_flat = zp.reshape(-1, d)
    codebook = weight
    # squared L2 distance: ||z||^2 + ||c||^2 - 2 z c^T
    distance = (jnp.sum(z_flat ** 2, axis=1, keepdims=True)
                + jnp.sum(codebook ** 2, axis=1)
                - 2.0 * jnp.matmul(z_flat, codebook.T))  # (n, K)
    vq_indices = jnp.argmin(distance, axis=1)  # (n,)
    z_q_flat = jnp.take(weight, vq_indices, axis=0)  # embedding lookup
    z_q = z_q_flat.reshape(b, h, w, d)
    # commitment loss (codebook is EMA-updated, so only beta * commitment)
    loss = BETA * jnp.mean((jax.lax.stop_gradient(z_q) - zp) ** 2)
    # straight-through estimator
    z_q_st = zp + jax.lax.stop_gradient(z_q - zp)
    out = jnp.transpose(z_q_st, (0, 3, 1, 2))  # (b, d, h, w)
    return out, loss

if __name__ == "__main__":
    import jax
    _d = setup_inputs()
    print(jax.jit(kernel)(*tuple(_d.values())))

</pallas_src>

<mosaic_0001>
#map = affine_map<(d0, d1) -> (0, 0)>
#map1 = affine_map<(d0, d1) -> (0)>
module attributes {stable_mosaic.version = 14 : i64} {
  func.func @body(%arg0: i32, %arg1: i32, %arg2: memref<8192x256xf32, #tpu.memory_space<hbm>>, %arg3: memref<9216xi32, #tpu.memory_space<hbm>>, %arg4: memref<9216x256xf32, #tpu.memory_space<hbm>>, %arg5: memref<288xi32, #tpu.memory_space<vmem>>, %arg6: memref<288x256xf32, #tpu.memory_space<vmem>>, %arg7: memref<!tpu.dma_semaphore, #tpu.memory_space<semaphore_mem>>) attributes {dimension_semantics = [#tpu.dimension_semantics<core_parallel>, #tpu.dimension_semantics<subcore_parallel>], iteration_bounds = array<i64: 2, 16>, scalar_prefetch = 0 : i64, scratch_operands = 3 : i64, tpu.core_type = #tpu.core_type<sc_vector_subcore>, window_params = [{transform_indices = #map}, {transform_indices = #map1}, {transform_indices = #map}]} {
    %mul3A = arith.constant 2 : i32
    %mul3A_0 = arith.muli %arg1, %mul3A : i32
    %add3A = arith.addi %mul3A_0, %arg0 : i32
    %mul3A_1 = arith.constant 288 : i32
    %mul3A_2 = arith.muli %add3A, %mul3A_1 : i32
    "tpu.region"() ({
      %run_scoped3A = tpu.sem_alloc : memref<!tpu.dma_semaphore, #tpu.memory_space<semaphore_mem>>
      %dma_start3A_49 = tpu.memref_slice %arg3[%mul3A_2] : memref<9216xi32, #tpu.memory_space<hbm>> -> memref<288xi32, #tpu.memory_space<hbm>>
      %dma_start3A_50 = tpu.memref_slice %arg3[%mul3A_2] : memref<9216xi32, #tpu.memory_space<hbm>> -> memref<288xi32, #tpu.memory_space<hbm>>
      tpu.enqueue_dma source(%dma_start3A_50 : memref<288xi32, #tpu.memory_space<hbm>>) target(%arg5 : memref<288xi32, #tpu.memory_space<vmem>>) target_semaphore(%run_scoped3A : memref<!tpu.dma_semaphore, #tpu.memory_space<semaphore_mem>>)
      %dma_wait3A_51 = tpu.memref_slice %arg3[%mul3A_2] : memref<9216xi32, #tpu.memory_space<hbm>> -> memref<288xi32, #tpu.memory_space<hbm>>
      %dma_wait3A_52 = tpu.memref_slice %arg3[%mul3A_2] : memref<9216xi32, #tpu.memory_space<hbm>> -> memref<288xi32, #tpu.memory_space<hbm>>
      tpu.wait_dma2 semaphore(%run_scoped3A : memref<!tpu.dma_semaphore, #tpu.memory_space<semaphore_mem>>) src(%dma_wait3A_52 : memref<288xi32, #tpu.memory_space<hbm>>) dst(%arg5 : memref<288xi32, #tpu.memory_space<vmem>>)
      tpu.yield
    }) : () -> ()
    %dma_start3A = arith.constant 0 : i32
    %dma_start3A_3 = arith.constant 0 : i32
    %dma_start3A_4 = tpu.memref_slice %arg6[%dma_start3A, %dma_start3A_3] : memref<288x256xf32, #tpu.memory_space<vmem>> -> memref<96x256xf32, #tpu.memory_space<vmem>>
    %dma_start3A_5 = arith.constant 0 : i32
    %dma_start3A_6 = tpu.memref_slice %arg5[%dma_start3A_5] : memref<288xi32, #tpu.memory_space<vmem>> -> memref<96xi32, #tpu.memory_space<vmem>>
    %dma_start3A_7 = arith.constant 0 : i32
    %dma_start3A_8 = arith.constant 0 : i32
    %dma_start3A_9 = tpu.memref_slice %arg2[%dma_start3A_7, %dma_start3A_8] : memref<8192x256xf32, #tpu.memory_space<hbm>> -> memref<8192x256xf32, #tpu.memory_space<hbm>>
    tpu.enqueue_indirect_dma source(%dma_start3A_9 : memref<8192x256xf32, #tpu.memory_space<hbm>>) target(%dma_start3A_4 : memref<96x256xf32, #tpu.memory_space<vmem>>) offsets(%dma_start3A_6 : memref<96xi32, #tpu.memory_space<vmem>>) semaphore(%arg7 : memref<!tpu.dma_semaphore, #tpu.memory_space<semaphore_mem>>)
    %dma_start3A_10 = arith.constant 96 : i32
    %dma_start3A_11 = arith.constant 0 : i32
    %dma_start3A_12 = tpu.memref_slice %arg6[%dma_start3A_10, %dma_start3A_11] : memref<288x256xf32, #tpu.memory_space<vmem>> -> memref<96x256xf32, #tpu.memory_space<vmem>>
    %dma_start3A_13 = arith.constant 96 : i32
    %dma_start3A_14 = tpu.memref_slice %arg5[%dma_start3A_13] : memref<288xi32, #tpu.memory_space<vmem>> -> memref<96xi32, #tpu.memory_space<vmem>>
    %dma_start3A_15 = arith.constant 0 : i32
    %dma_start3A_16 = arith.constant 0 : i32
    %dma_start3A_17 = tpu.memref_slice %arg2[%dma_start3A_15, %dma_start3A_16] : memref<8192x256xf32, #tpu.memory_space<hbm>> -> memref<8192x256xf32, #tpu.memory_space<hbm>>
    tpu.enqueue_indirect_dma source(%dma_start3A_17 : memref<8192x256xf32, #tpu.memory_space<hbm>>) target(%dma_start3A_12 : memref<96x256xf32, #tpu.memory_space<vmem>>) offsets(%dma_start3A_14 : memref<96xi32, #tpu.memory_space<vmem>>) semaphore(%arg7 : memref<!tpu.dma_semaphore, #tpu.memory_space<semaphore_mem>>)
    %dma_start3A_18 = arith.constant 192 : i32
    %dma_start3A_19 = arith.constant 0 : i32
    %dma_start3A_20 = tpu.memref_slice %arg6[%dma_start3A_18, %dma_start3A_19] : memref<288x256xf32, #tpu.memory_space<vmem>> -> memref<96x256xf32, #tpu.memory_space<vmem>>
    %dma_start3A_21 = arith.constant 192 : i32
    %dma_start3A_22 = tpu.memref_slice %arg5[%dma_start3A_21] : memref<288xi32, #tpu.memory_space<vmem>> -> memref<96xi32, #tpu.memory_space<vmem>>
    %dma_start3A_23 = arith.constant 0 : i32
    %dma_start3A_24 = arith.constant 0 : i32
    %dma_start3A_25 = tpu.memref_slice %arg2[%dma_start3A_23, %dma_start3A_24] : memref<8192x256xf32, #tpu.memory_space<hbm>> -> memref<8192x256xf32, #tpu.memory_space<hbm>>
    tpu.enqueue_indirect_dma source(%dma_start3A_25 : memref<8192x256xf32, #tpu.memory_space<hbm>>) target(%dma_start3A_20 : memref<96x256xf32, #tpu.memory_space<vmem>>) offsets(%dma_start3A_22 : memref<96xi32, #tpu.memory_space<vmem>>) semaphore(%arg7 : memref<!tpu.dma_semaphore, #tpu.memory_space<semaphore_mem>>)
    %dma_wait3A = arith.constant 0 : i32
    %dma_wait3A_26 = arith.constant 0 : i32
    %dma_wait3A_27 = tpu.memref_slice %arg6[%dma_wait3A, %dma_wait3A_26] : memref<288x256xf32, #tpu.memory_space<vmem>> -> memref<96x256xf32, #tpu.memory_space<vmem>>
    %dma_wait3A_28 = arith.constant 0 : i32
    %dma_wait3A_29 = tpu.memref_slice %arg5[%dma_wait3A_28] : memref<288xi32, #tpu.memory_space<vmem>> -> memref<96xi32, #tpu.memory_space<vmem>>
    %dma_wait3A_30 = arith.constant 0 : i32
    %dma_wait3A_31 = arith.constant 0 : i32
    %dma_wait3A_32 = tpu.memref_slice %arg2[%dma_wait3A_30, %dma_wait3A_31] : memref<8192x256xf32, #tpu.memory_space<hbm>> -> memref<8192x256xf32, #tpu.memory_space<hbm>>
    tpu.wait_indirect_dma semaphore(%arg7 : memref<!tpu.dma_semaphore, #tpu.memory_space<semaphore_mem>>) src(%dma_wait3A_32 : memref<8192x256xf32, #tpu.memory_space<hbm>>) dst(%dma_wait3A_27 : memref<96x256xf32, #tpu.memory_space<vmem>>)
    %dma_wait3A_33 = arith.constant 96 : i32
    %dma_wait3A_34 = arith.constant 0 : i32
    %dma_wait3A_35 = tpu.memref_slice %arg6[%dma_wait3A_33, %dma_wait3A_34] : memref<288x256xf32, #tpu.memory_space<vmem>> -> memref<96x256xf32, #tpu.memory_space<vmem>>
    %dma_wait3A_36 = arith.constant 96 : i32
    %dma_wait3A_37 = tpu.memref_slice %arg5[%dma_wait3A_36] : memref<288xi32, #tpu.memory_space<vmem>> -> memref<96xi32, #tpu.memory_space<vmem>>
    %dma_wait3A_38 = arith.constant 0 : i32
    %dma_wait3A_39 = arith.constant 0 : i32
    %dma_wait3A_40 = tpu.memref_slice %arg2[%dma_wait3A_38, %dma_wait3A_39] : memref<8192x256xf32, #tpu.memory_space<hbm>> -> memref<8192x256xf32, #tpu.memory_space<hbm>>
    tpu.wait_indirect_dma semaphore(%arg7 : memref<!tpu.dma_semaphore, #tpu.memory_space<semaphore_mem>>) src(%dma_wait3A_40 : memref<8192x256xf32, #tpu.memory_space<hbm>>) dst(%dma_wait3A_35 : memref<96x256xf32, #tpu.memory_space<vmem>>)
    %dma_wait3A_41 = arith.constant 192 : i32
    %dma_wait3A_42 = arith.constant 0 : i32
    %dma_wait3A_43 = tpu.memref_slice %arg6[%dma_wait3A_41, %dma_wait3A_42] : memref<288x256xf32, #tpu.memory_space<vmem>> -> memref<96x256xf32, #tpu.memory_space<vmem>>
    %dma_wait3A_44 = arith.constant 192 : i32
    %dma_wait3A_45 = tpu.memref_slice %arg5[%dma_wait3A_44] : memref<288xi32, #tpu.memory_space<vmem>> -> memref<96xi32, #tpu.memory_space<vmem>>
    %dma_wait3A_46 = arith.constant 0 : i32
    %dma_wait3A_47 = arith.constant 0 : i32
    %dma_wait3A_48 = tpu.memref_slice %arg2[%dma_wait3A_46, %dma_wait3A_47] : memref<8192x256xf32, #tpu.memory_space<hbm>> -> memref<8192x256xf32, #tpu.memory_space<hbm>>
    tpu.wait_indirect_dma semaphore(%arg7 : memref<!tpu.dma_semaphore, #tpu.memory_space<semaphore_mem>>) src(%dma_wait3A_48 : memref<8192x256xf32, #tpu.memory_space<hbm>>) dst(%dma_wait3A_43 : memref<96x256xf32, #tpu.memory_space<vmem>>)
    "tpu.region"() ({
      %run_scoped3A = tpu.sem_alloc : memref<!tpu.dma_semaphore, #tpu.memory_space<semaphore_mem>>
      %dma_start3A_49 = arith.constant 0 : i32
      %dma_start3A_50 = tpu.memref_slice %arg4[%mul3A_2, %dma_start3A_49] : memref<9216x256xf32, #tpu.memory_space<hbm>> -> memref<288x256xf32, #tpu.memory_space<hbm>>
      %dma_start3A_51 = arith.constant 0 : i32
      %dma_start3A_52 = tpu.memref_slice %arg4[%mul3A_2, %dma_start3A_51] : memref<9216x256xf32, #tpu.memory_space<hbm>> -> memref<288x256xf32, #tpu.memory_space<hbm>>
      tpu.enqueue_dma source(%arg6 : memref<288x256xf32, #tpu.memory_space<vmem>>) target(%dma_start3A_52 : memref<288x256xf32, #tpu.memory_space<hbm>>) target_semaphore(%run_scoped3A : memref<!tpu.dma_semaphore, #tpu.memory_space<semaphore_mem>>)
      %dma_wait3A_53 = arith.constant 0 : i32
      %dma_wait3A_54 = tpu.memref_slice %arg4[%mul3A_2, %dma_wait3A_53] : memref<9216x256xf32, #tpu.memory_space<hbm>> -> memref<288x256xf32, #tpu.memory_space<hbm>>
      %dma_wait3A_55 = arith.constant 0 : i32
      %dma_wait3A_56 = tpu.memref_slice %arg4[%mul3A_2, %dma_wait3A_55] : memref<9216x256xf32, #tpu.memory_space<hbm>> -> memref<288x256xf32, #tpu.memory_space<hbm>>
      tpu.wait_dma2 semaphore(%run_scoped3A : memref<!tpu.dma_semaphore, #tpu.memory_space<semaphore_mem>>) src(%arg6 : memref<288x256xf32, #tpu.memory_space<vmem>>) dst(%dma_wait3A_56 : memref<288x256xf32, #tpu.memory_space<hbm>>)
      tpu.yield
    }) : () -> ()
    return
  }
}

module attributes {stable_mosaic.version = 14 : i64} {
  func.func @_st_loss_body(%arg0: i32, %arg1: memref<1024x256xf32, #tpu.memory_space<vmem>>, %arg2: memref<1024x256xf32, #tpu.memory_space<vmem>>, %arg3: memref<1024x256xf32, #tpu.memory_space<vmem>>, %arg4: memref<1x1xf32, #tpu.memory_space<vmem>>) attributes {dimension_semantics = [#tpu.dimension_semantics<arbitrary>], iteration_bounds = array<i64: 9>, scalar_prefetch = 0 : i64, scratch_operands = 0 : i64, tpu.core_type = #tpu.core_type<tc>, window_params = [{transform_indices = @transform_0, window_bounds = array<i64: 1024, 256>}, {transform_indices = @transform_1, window_bounds = array<i64: 1024, 256>}, {transform_indices = @transform_2, window_bounds = array<i64: 1024, 256>}, {pipeline_mode = #tpu.pipeline_mode<synchronous>, transform_indices = @transform_3, window_bounds = array<i64: 1, 1>}]} {
    %get3A = arith.constant 0 : index
    %get3A_0 = arith.constant 0 : index
    %get3A_1 = vector.load %arg1[%get3A, %get3A_0] : memref<1024x256xf32, #tpu.memory_space<vmem>>, vector<1024x256xf32>
    %get3A_2 = arith.constant 0 : index
    %get3A_3 = arith.constant 0 : index
    %get3A_4 = vector.load %arg2[%get3A_2, %get3A_3] : memref<1024x256xf32, #tpu.memory_space<vmem>>, vector<1024x256xf32>
    %sub3A = arith.subf %get3A_4, %get3A_1 : vector<1024x256xf32>
    %add3A = arith.addf %get3A_1, %sub3A : vector<1024x256xf32>
    %swap3A = arith.constant 0 : index
    %swap3A_5 = arith.constant 0 : index
    %swap3A_6 = vector.load %arg3[%swap3A, %swap3A_5] : memref<1024x256xf32, #tpu.memory_space<vmem>>, vector<1024x256xf32>
    tpu.vector_store %arg3[%swap3A, %swap3A_5], %add3A {strides = array<i32>} : memref<1024x256xf32, #tpu.memory_space<vmem>>, vector<1024x256xf32>,
    %eq3A = arith.constant 0 : i32
    %eq3A_7 = arith.cmpi eq, %arg0, %eq3A : i32
    %convert_element_type3A = arith.extui %eq3A_7 : i1 to i32
    %cond3A = arith.constant 0 : i32
    %cond3A_8 = arith.cmpi ne, %convert_element_type3A, %cond3A : i32
    scf.if %cond3A_8 {
      %broadcast_in_dim3A_25 = arith.constant 0.000000e+00 : f32
      %broadcast_in_dim3A_26 = vector.broadcast %broadcast_in_dim3A_25 : f32 to vector<1x1xf32>
      %swap3A_27 = arith.constant 0 : index
      %swap3A_28 = arith.constant 0 : index
      %swap3A_29 = vector.load %arg4[%swap3A_27, %swap3A_28] : memref<1x1xf32, #tpu.memory_space<vmem>>, vector<1x1xf32>
      tpu.vector_store %arg4[%swap3A_27, %swap3A_28], %broadcast_in_dim3A_26 {strides = array<i32>} : memref<1x1xf32, #tpu.memory_space<vmem>>, vector<1x1xf32>,
    } else {
    }
    %get3A_9 = arith.constant 0 : index
    %get3A_10 = arith.constant 0 : index
    %get3A_11 = vector.load %arg4[%get3A_9, %get3A_10] : memref<1x1xf32, #tpu.memory_space<vmem>>, vector<1x1xf32>
    %mul3A = arith.mulf %sub3A, %sub3A : vector<1024x256xf32>
    %reduce_sum3A = vector.shape_cast %mul3A : vector<1024x256xf32> to vector<1x1024x256xf32>
    %reduce_sum3A_12 = arith.constant dense<0.000000e+00> : vector<1xf32>
    %reduce_sum3A_13 = vector.multi_reduction <add>, %reduce_sum3A, %reduce_sum3A_12 [1, 2] : vector<1x1024x256xf32> to vector<1xf32>
    %reduce_sum3A_14 = vector.shape_cast %reduce_sum3A_13 : vector<1xf32> to vector<1x1x1xf32>
    %reduce_sum3A_15 = vector.extract %reduce_sum3A_14[0, 0, 0] : f32 from vector<1x1x1xf32>
    %broadcast_in_dim3A = vector.broadcast %reduce_sum3A_15 : f32 to vector<1x1xf32>
    %add3A_16 = arith.addf %get3A_11, %broadcast_in_dim3A : vector<1x1xf32>
    %swap3A_17 = arith.constant 0 : index
    %swap3A_18 = arith.constant 0 : index
    %swap3A_19 = vector.load %arg4[%swap3A_17, %swap3A_18] : memref<1x1xf32, #tpu.memory_space<vmem>>, vector<1x1xf32>
    tpu.vector_store %arg4[%swap3A_17, %swap3A_18], %add3A_16 {strides = array<i32>} : memref<1x1xf32, #tpu.memory_space<vmem>>, vector<1x1xf32>,
    %eq3A_20 = arith.constant 8 : i32
    %eq3A_21 = arith.cmpi eq, %arg0, %eq3A_20 : i32
    %convert_element_type3A_22 = arith.extui %eq3A_21 : i1 to i32
    %cond3A_23 = arith.constant 0 : i32
    %cond3A_24 = arith.cmpi ne, %convert_element_type3A_22, %cond3A_23 : i32
    scf.if %cond3A_24 {
      %get3A_25 = arith.constant 0 : index
      %get3A_26 = arith.constant 0 : index
      %get3A_27 = vector.load %arg4[%get3A_25, %get3A_26] : memref<1x1xf32, #tpu.memory_space<vmem>>, vector<1x1xf32>
      %div3A = arith.constant 0x4A100000 : f32
      %div3A_28 = vector.broadcast %div3A : f32 to vector<1x1xf32>
      %div3A_29 = arith.divf %get3A_27, %div3A_28 : vector<1x1xf32>
      %mul3A_30 = arith.constant 2.500000e-01 : f32
      %mul3A_31 = vector.broadcast %mul3A_30 : f32 to vector<1x1xf32>
      %mul3A_32 = arith.mulf %div3A_29, %mul3A_31 : vector<1x1xf32>
      %swap3A_33 = arith.constant 0 : index
      %swap3A_34 = arith.constant 0 : index
      %swap3A_35 = vector.load %arg4[%swap3A_33, %swap3A_34] : memref<1x1xf32, #tpu.memory_space<vmem>>, vector<1x1xf32>
      tpu.vector_store %arg4[%swap3A_33, %swap3A_34], %mul3A_32 {strides = array<i32>} : memref<1x1xf32, #tpu.memory_space<vmem>>, vector<1x1xf32>,
    } else {
    }
    return
  }
  func.func @transform_0(%arg0: i32) -> (i32, i32) {
    %add3A = arith.constant 0 : i32
    %add3A_0 = arith.addi %arg0, %add3A : i32
    %c0_i32 = arith.constant 0 : i32
    %c0_i32_1 = arith.constant 0 : i32
    return %add3A_0, %c0_i32 : i32, i32
  }
  func.func @transform_1(%arg0: i32) -> (i32, i32) {
    %c0_i32 = arith.constant 0 : i32
    %c0_i32_0 = arith.constant 0 : i32
    return %arg0, %c0_i32 : i32, i32
  }
  func.func @transform_2(%arg0: i32) -> (i32, i32) {
    %c0_i32 = arith.constant 0 : i32
    %c0_i32_0 = arith.constant 0 : i32
    return %arg0, %c0_i32 : i32, i32
  }
  func.func @transform_3(%arg0: i32) -> (i32, i32) {
    %c0_i32 = arith.constant 0 : i32
    %c0_i32_0 = arith.constant 0 : i32
    %c0_i32_1 = arith.constant 0 : i32
    return %c0_i32, %c0_i32_0 : i32, i32
  }
}

module attributes {stable_mosaic.version = 14 : i64} {
  func.func @_argmin_body(%arg0: i32, %arg1: memref<1024x256xf32, #tpu.memory_space<vmem>>, %arg2: memref<8192x256xf32, #tpu.memory_space<vmem>>, %arg3: memref<8x128xi32, #tpu.memory_space<vmem>>) attributes {dimension_semantics = [#tpu.dimension_semantics<arbitrary>], iteration_bounds = array<i64: 9>, scalar_prefetch = 0 : i64, scratch_operands = 0 : i64, tpu.core_type = #tpu.core_type<tc>, window_params = [{transform_indices = @transform_0, window_bounds = array<i64: 1024, 256>}, {pipeline_mode = #tpu.pipeline_mode<synchronous>, transform_indices = @transform_1, window_bounds = array<i64: 8192, 256>}, {transform_indices = @transform_2, window_bounds = array<i64: 8, 128>}]} {
    %get3A = arith.constant 0 : index
    %get3A_0 = arith.constant 0 : index
    %get3A_1 = vector.load %arg1[%get3A, %get3A_0] : memref<1024x256xf32, #tpu.memory_space<vmem>>, vector<1024x256xf32>
    %mul3A = arith.constant 2.000000e+00 : f32
    %mul3A_2 = vector.broadcast %mul3A : f32 to vector<1024x256xf32>
    %mul3A_3 = arith.mulf %get3A_1, %mul3A_2 : vector<1024x256xf32>
    %mul3A_4 = arith.mulf %get3A_1, %get3A_1 : vector<1024x256xf32>
    %reduce_sum3A = arith.constant dense<0.000000e+00> : vector<1024xf32>
    %reduce_sum3A_5 = vector.multi_reduction <add>, %mul3A_4, %reduce_sum3A [1] : vector<1024x256xf32> to vector<1024xf32>
    %broadcast_in_dim3A = vector.shape_cast %reduce_sum3A_5 : vector<1024xf32> to vector<1024x1xf32>
    %broadcast_in_dim3A_6 = arith.constant 0x7F800000 : f32
    %broadcast_in_dim3A_7 = vector.broadcast %broadcast_in_dim3A_6 : f32 to vector<128x128xf32>
    %broadcast_in_dim3A_8 = arith.constant 0 : i32
    %broadcast_in_dim3A_9 = vector.broadcast %broadcast_in_dim3A_8 : i32 to vector<128x128xi32>
    %broadcast_in_dim3A_10 = arith.constant 0x7F800000 : f32
    %broadcast_in_dim3A_11 = vector.broadcast %broadcast_in_dim3A_10 : f32 to vector<128x128xf32>
    %broadcast_in_dim3A_12 = arith.constant 0 : i32
    %broadcast_in_dim3A_13 = vector.broadcast %broadcast_in_dim3A_12 : i32 to vector<128x128xi32>
    %broadcast_in_dim3A_14 = arith.constant 0x7F800000 : f32
    %broadcast_in_dim3A_15 = vector.broadcast %broadcast_in_dim3A_14 : f32 to vector<128x128xf32>
    %broadcast_in_dim3A_16 = arith.constant 0 : i32
    %broadcast_in_dim3A_17 = vector.broadcast %broadcast_in_dim3A_16 : i32 to vector<128x128xi32>
    %broadcast_in_dim3A_18 = arith.constant 0x7F800000 : f32
    %broadcast_in_dim3A_19 = vector.broadcast %broadcast_in_dim3A_18 : f32 to vector<128x128xf32>
    %broadcast_in_dim3A_20 = arith.constant 0 : i32
    %broadcast_in_dim3A_21 = vector.broadcast %broadcast_in_dim3A_20 : i32 to vector<128x128xi32>
    %broadcast_in_dim3A_22 = arith.constant 0x7F800000 : f32
    %broadcast_in_dim3A_23 = vector.broadcast %broadcast_in_dim3A_22 : f32 to vector<128x128xf32>
    %broadcast_in_dim3A_24 = arith.constant 0 : i32
    %broadcast_in_dim3A_25 = vector.broadcast %broadcast_in_dim3A_24 : i32 to vector<128x128xi32>
    %broadcast_in_dim3A_26 = arith.constant 0x7F800000 : f32
    %broadcast_in_dim3A_27 = vector.broadcast %broadcast_in_dim3A_26 : f32 to vector<128x128xf32>
    %broadcast_in_dim3A_28 = arith.constant 0 : i32
    %broadcast_in_dim3A_29 = vector.broadcast %broadcast_in_dim3A_28 : i32 to vector<128x128xi32>
    %broadcast_in_dim3A_30 = arith.constant 0x7F800000 : f32
    %broadcast_in_dim3A_31 = vector.broadcast %broadcast_in_dim3A_30 : f32 to vector<128x128xf32>
    %broadcast_in_dim3A_32 = arith.constant 0 : i32
    %broadcast_in_dim3A_33 = vector.broadcast %broadcast_in_dim3A_32 : i32 to vector<128x128xi32>
    %broadcast_in_dim3A_34 = arith.constant 0x7F800000 : f32
    %broadcast_in_dim3A_35 = vector.broadcast %broadcast_in_dim3A_34 : f32 to vector<128x128xf32>
    %broadcast_in_dim3A_36 = arith.constant 0 : i32
    %broadcast_in_dim3A_37 = vector.broadcast %broadcast_in_dim3A_36 : i32 to vector<128x128xi32>
    %get3A_38 = arith.constant 0 : index
    %get3A_39 = arith.constant 0 : index
    %get3A_40 = vector.load %arg2[%get3A_38, %get3A_39] : memref<8192x256xf32, #tpu.memory_space<vmem>>, vector<2048x256xf32>
    %dot_general3A = arith.constant dense<0.000000e+00> : vector<1024x2048xf32>
    %dot_general3A_41 = tpu.matmul %mul3A_3, %get3A_40, %dot_general3A {dimension_numbers = #tpu.dot_dimension_numbers<[1], [1], [0], [0], [0, 0, 1, 0], [], []>, transpose_lhs_hint = false} : vector<1024x256xf32>, vector<2048x256xf32>, vector<1024x2048xf32> -> vector<1024x2048xf32>
    %slice3A = vector.extract_strided_slice %broadcast_in_dim3A {offsets = [0, 0], sizes = [128, 1], strides = [1, 1]} : vector<1024x1xf32> to vector<128x1xf32>
    %slice3A_42 = vector.extract_strided_slice %dot_general3A_41 {offsets = [0, 0], sizes = [128, 128], strides = [1, 1]} : vector<1024x2048xf32> to vector<128x128xf32>
    %sub3A = vector.broadcast %slice3A : vector<128x1xf32> to vector<128x128xf32>
    %sub3A_43 = arith.subf %sub3A, %slice3A_42 : vector<128x128xf32>
    %lt3A = arith.cmpf olt, %sub3A_43, %broadcast_in_dim3A_7 : vector<128x128xf32>
    %select_n3A = arith.select %lt3A, %sub3A_43, %broadcast_in_dim3A_7 : vector<128x128xi1>, vector<128x128xf32>
    %jit3A = arith.constant 0 : i32
    %broadcast_in_dim3A_44 = vector.broadcast %jit3A : i32 to vector<128x128xi32>
    %select_n3A_45 = arith.select %lt3A, %broadcast_in_dim3A_44, %broadcast_in_dim3A_9 : vector<128x128xi1>, vector<128x128xi32>
    %slice3A_46 = vector.extract_strided_slice %dot_general3A_41 {offsets = [0, 128], sizes = [128, 128], strides = [1, 1]} : vector<1024x2048xf32> to vector<128x128xf32>
    %sub3A_47 = vector.broadcast %slice3A : vector<128x1xf32> to vector<128x128xf32>
    %sub3A_48 = arith.subf %sub3A_47, %slice3A_46 : vector<128x128xf32>
    %lt3A_49 = arith.cmpf olt, %sub3A_48, %select_n3A : vector<128x128xf32>
    %select_n3A_50 = arith.select %lt3A_49, %sub3A_48, %select_n3A : vector<128x128xi1>, vector<128x128xf32>
    %jit3A_51 = arith.constant 1 : i32
    %broadcast_in_dim3A_52 = vector.broadcast %jit3A_51 : i32 to vector<128x128xi32>
    %select_n3A_53 = arith.select %lt3A_49, %broadcast_in_dim3A_52, %select_n3A_45 : vector<128x128xi1>, vector<128x128xi32>
    %slice3A_54 = vector.extract_strided_slice %dot_general3A_41 {offsets = [0, 256], sizes = [128, 128], strides = [1, 1]} : vector<1024x2048xf32> to vector<128x128xf32>
    %sub3A_55 = vector.broadcast %slice3A : vector<128x1xf32> to vector<128x128xf32>
    %sub3A_56 = arith.subf %sub3A_55, %slice3A_54 : vector<128x128xf32>
    %lt3A_57 = arith.cmpf olt, %sub3A_56, %select_n3A_50 : vector<128x128xf32>
    %select_n3A_58 = arith.select %lt3A_57, %sub3A_56, %select_n3A_50 : vector<128x128xi1>, vector<128x128xf32>
    %jit3A_59 = arith.constant 2 : i32
    %broadcast_in_dim3A_60 = vector.broadcast %jit3A_59 : i32 to vector<128x128xi32>
    %select_n3A_61 = arith.select %lt3A_57, %broadcast_in_dim3A_60, %select_n3A_53 : vector<128x128xi1>, vector<128x128xi32>
    %slice3A_62 = vector.extract_strided_slice %dot_general3A_41 {offsets = [0, 384], sizes = [128, 128], strides = [1, 1]} : vector<1024x2048xf32> to vector<128x128xf32>
    %sub3A_63 = vector.broadcast %slice3A : vector<128x1xf32> to vector<128x128xf32>
    %sub3A_64 = arith.subf %sub3A_63, %slice3A_62 : vector<128x128xf32>
    %lt3A_65 = arith.cmpf olt, %sub3A_64, %select_n3A_58 : vector<128x128xf32>
    %select_n3A_66 = arith.select %lt3A_65, %sub3A_64, %select_n3A_58 : vector<128x128xi1>, vector<128x128xf32>
    %jit3A_67 = arith.constant 3 : i32
    %broadcast_in_dim3A_68 = vector.broadcast %jit3A_67 : i32 to vector<128x128xi32>
    %select_n3A_69 = arith.select %lt3A_65, %broadcast_in_dim3A_68, %select_n3A_61 : vector<128x128xi1>, vector<128x128xi32>
    %slice3A_70 = vector.extract_strided_slice %dot_general3A_41 {offsets = [0, 512], sizes = [128, 128], strides = [1, 1]} : vector<1024x2048xf32> to vector<128x128xf32>
    %sub3A_71 = vector.broadcast %slice3A : vector<128x1xf32> to vector<128x128xf32>
    %sub3A_72 = arith.subf %sub3A_71, %slice3A_70 : vector<128x128xf32>
    %lt3A_73 = arith.cmpf olt, %sub3A_72, %select_n3A_66 : vector<128x128xf32>
    %select_n3A_74 = arith.select %lt3A_73, %sub3A_72, %select_n3A_66 : vector<128x128xi1>, vector<128x128xf32>
    %jit3A_75 = arith.constant 4 : i32
    %broadcast_in_dim3A_76 = vector.broadcast %jit3A_75 : i32 to vector<128x128xi32>
    %select_n3A_77 = arith.select %lt3A_73, %broadcast_in_dim3A_76, %select_n3A_69 : vector<128x128xi1>, vector<128x128xi32>
    %slice3A_78 = vector.extract_strided_slice %dot_general3A_41 {offsets = [0, 640], sizes = [128, 128], strides = [1, 1]} : vector<1024x2048xf32> to vector<128x128xf32>
    %sub3A_79 = vector.broadcast %slice3A : vector<128x1xf32> to vector<128x128xf32>
    %sub3A_80 = arith.subf %sub3A_79, %slice3A_78 : vector<128x128xf32>
    %lt3A_81 = arith.cmpf olt, %sub3A_80, %select_n3A_74 : vector<128x128xf32>
    %select_n3A_82 = arith.select %lt3A_81, %sub3A_80, %select_n3A_74 : vector<128x128xi1>, vector<128x128xf32>
    %jit3A_83 = arith.constant 5 : i32
    %broadcast_in_dim3A_84 = vector.broadcast %jit3A_83 : i32 to vector<128x128xi32>
    %select_n3A_85 = arith.select %lt3A_81, %broadcast_in_dim3A_84, %select_n3A_77 : vector<128x128xi1>, vector<128x128xi32>
    %slice3A_86 = vector.extract_strided_slice %dot_general3A_41 {offsets = [0, 768], sizes = [128, 128], strides = [1, 1]} : vector<1024x2048xf32> to vector<128x128xf32>
    %sub3A_87 = vector.broadcast %slice3A : vector<128x1xf32> to vector<128x128xf32>
    %sub3A_88 = arith.subf %sub3A_87, %slice3A_86 : vector<128x128xf32>
    %lt3A_89 = arith.cmpf olt, %sub3A_88, %select_n3A_82 : vector<128x128xf32>
    %select_n3A_90 = arith.select %lt3A_89, %sub3A_88, %select_n3A_82 : vector<128x128xi1>, vector<128x128xf32>
    %jit3A_91 = arith.constant 6 : i32
    %broadcast_in_dim3A_92 = vector.broadcast %jit3A_91 : i32 to vector<128x128xi32>
    %select_n3A_93 = arith.select %lt3A_89, %broadcast_in_dim3A_92, %select_n3A_85 : vector<128x128xi1>, vector<128x128xi32>
    %slice3A_94 = vector.extract_strided_slice %dot_general3A_41 {offsets = [0, 896], sizes = [128, 128], strides = [1, 1]} : vector<1024x2048xf32> to vector<128x128xf32>
    %sub3A_95 = vector.broadcast %slice3A : vector<128x1xf32> to vector<128x128xf32>
    %sub3A_96 = arith.subf %sub3A_95, %slice3A_94 : vector<128x128xf32>
    %lt3A_97 = arith.cmpf olt, %sub3A_96, %select_n3A_90 : vector<128x128xf32>
    %select_n3A_98 = arith.select %lt3A_97, %sub3A_96, %select_n3A_90 : vector<128x128xi1>, vector<128x128xf32>
    %jit3A_99 = arith.constant 7 : i32
    %broadcast_in_dim3A_100 = vector.broadcast %jit3A_99 : i32 to vector<128x128xi32>
    %select_n3A_101 = arith.select %lt3A_97, %broadcast_in_dim3A_100, %select_n3A_93 : vector<128x128xi1>, vector<128x128xi32>
    %slice3A_102 = vector.extract_strided_slice %dot_general3A_41 {offsets = [0, 1024], sizes = [128, 128], strides = [1, 1]} : vector<1024x2048xf32> to vector<128x128xf32>
    %sub3A_103 = vector.broadcast %slice3A : vector<128x1xf32> to vector<128x128xf32>
    %sub3A_104 = arith.subf %sub3A_103, %slice3A_102 : vector<128x128xf32>
    %lt3A_105 = arith.cmpf olt, %sub3A_104, %select_n3A_98 : vector<128x128xf32>
    %select_n3A_106 = arith.select %lt3A_105, %sub3A_104, %select_n3A_98 : vector<128x128xi1>, vector<128x128xf32>
    %jit3A_107 = arith.constant 8 : i32
    %broadcast_in_dim3A_108 = vector.broadcast %jit3A_107 : i32 to vector<128x128xi32>
    %select_n3A_109 = arith.select %lt3A_105, %broadcast_in_dim3A_108, %select_n3A_101 : vector<128x128xi1>, vector<128x128xi32>
    %slice3A_110 = vector.extract_strided_slice %dot_general3A_41 {offsets = [0, 1152], sizes = [128, 128], strides = [1, 1]} : vector<1024x2048xf32> to vector<128x128xf32>
    %sub3A_111 = vector.broadcast %slice3A : vector<128x1xf32> to vector<128x128xf32>
    %sub3A_112 = arith.subf %sub3A_111, %slice3A_110 : vector<128x128xf32>
    %lt3A_113 = arith.cmpf olt, %sub3A_112, %select_n3A_106 : vector<128x128xf32>
    %select_n3A_114 = arith.select %lt3A_113, %sub3A_112, %select_n3A_106 : vector<128x128xi1>, vector<128x128xf32>
    %jit3A_115 = arith.constant 9 : i32
    %broadcast_in_dim3A_116 = vector.broadcast %jit3A_115 : i32 to vector<128x128xi32>
    %select_n3A_117 = arith.select %lt3A_113, %broadcast_in_dim3A_116, %select_n3A_109 : vector<128x128xi1>, vector<128x128xi32>
    %slice3A_118 = vector.extract_strided_slice %dot_general3A_41 {offsets = [0, 1280], sizes = [128, 128], strides = [1, 1]} : vector<1024x2048xf32> to vector<128x128xf32>
    %sub3A_119 = vector.broadcast %slice3A : vector<128x1xf32> to vector<128x128xf32>
    %sub3A_120 = arith.subf %sub3A_119, %slice3A_118 : vector<128x128xf32>
    %lt3A_121 = arith.cmpf olt, %sub3A_120, %select_n3A_114 : vector<128x128xf32>
    %select_n3A_122 = arith.select %lt3A_121, %sub3A_120, %select_n3A_114 : vector<128x128xi1>, vector<128x128xf32>
    %jit3A_123 = arith.constant 10 : i32
    %broadcast_in_dim3A_124 = vector.broadcast %jit3A_123 : i32 to vector<128x128xi32>
    %select_n3A_125 = arith.select %lt3A_121, %broadcast_in_dim3A_124, %select_n3A_117 : vector<128x128xi1>, vector<128x128xi32>
    %slice3A_126 = vector.extract_strided_slice %dot_general3A_41 {offsets = [0, 1408], sizes = [128, 128], strides = [1, 1]} : vector<1024x2048xf32> to vector<128x128xf32>
    %sub3A_127 = vector.broadcast %slice3A : vector<128x1xf32> to vector<128x128xf32>
    %sub3A_128 = arith.subf %sub3A_127, %slice3A_126 : vector<128x128xf32>
    %lt3A_129 = arith.cmpf olt, %sub3A_128, %select_n3A_122 : vector<128x128xf32>
    %select_n3A_130 = arith.select %lt3A_129, %sub3A_128, %select_n3A_122 : vector<128x128xi1>, vector<128x128xf32>
    %jit3A_131 = arith.constant 11 : i32
    %broadcast_in_dim3A_132 = vector.broadcast %jit3A_131 : i32 to vector<128x128xi32>
    %select_n3A_133 = arith.select %lt3A_129, %broadcast_in_dim3A_132, %select_n3A_125 : vector<128x128xi1>, vector<128x128xi32>
    %slice3A_134 = vector.extract_strided_slice %dot_general3A_41 {offsets = [0, 1536], sizes = [128, 128], strides = [1, 1]} : vector<1024x2048xf32> to vector<128x128xf32>
    %sub3A_135 = vector.broadcast %slice3A : vector<128x1xf32> to vector<128x128xf32>
    %sub3A_136 = arith.subf %sub3A_135, %slice3A_134 : vector<128x128xf32>
    %lt3A_137 = arith.cmpf olt, %sub3A_136, %select_n3A_130 : vector<128x128xf32>
    %select_n3A_138 = arith.select %lt3A_137, %sub3A_136, %select_n3A_130 : vector<128x128xi1>, vector<128x128xf32>
    %jit3A_139 = arith.constant 12 : i32
    %broadcast_in_dim3A_140 = vector.broadcast %jit3A_139 : i32 to vector<128x128xi32>
    %select_n3A_141 = arith.select %lt3A_137, %broadcast_in_dim3A_140, %select_n3A_133 : vector<128x128xi1>, vector<128x128xi32>
    %slice3A_142 = vector.extract_strided_slice %dot_general3A_41 {offsets = [0, 1664], sizes = [128, 128], strides = [1, 1]} : vector<1024x2048xf32> to vector<128x128xf32>
    %sub3A_143 = vector.broadcast %slice3A : vector<128x1xf32> to vector<128x128xf32>
    %sub3A_144 = arith.subf %sub3A_143, %slice3A_142 : vector<128x128xf32>
    %lt3A_145 = arith.cmpf olt, %sub3A_144, %select_n3A_138 : vector<128x128xf32>
    %select_n3A_146 = arith.select %lt3A_145, %sub3A_144, %select_n3A_138 : vector<128x128xi1>, vector<128x128xf32>
    %jit3A_147 = arith.constant 13 : i32
    %broadcast_in_dim3A_148 = vector.broadcast %jit3A_147 : i32 to vector<128x128xi32>
    %select_n3A_149 = arith.select %lt3A_145, %broadcast_in_dim3A_148, %select_n3A_141 : vector<128x128xi1>, vector<128x128xi32>
    %slice3A_150 = vector.extract_strided_slice %dot_general3A_41 {offsets = [0, 1792], sizes = [128, 128], strides = [1, 1]} : vector<1024x2048xf32> to vector<128x128xf32>
    %sub3A_151 = vector.broadcast %slice3A : vector<128x1xf32> to vector<128x128xf32>
    %sub3A_152 = arith.subf %sub3A_151, %slice3A_150 : vector<128x128xf32>
    %lt3A_153 = arith.cmpf olt, %sub3A_152, %select_n3A_146 : vector<128x128xf32>
    %select_n3A_154 = arith.select %lt3A_153, %sub3A_152, %select_n3A_146 : vector<128x128xi1>, vector<128x128xf32>
    %jit3A_155 = arith.constant 14 : i32
    %broadcast_in_dim3A_156 = vector.broadcast %jit3A_155 : i32 to vector<128x128xi32>
    %select_n3A_157 = arith.select %lt3A_153, %broadcast_in_dim3A_156, %select_n3A_149 : vector<128x128xi1>, vector<128x128xi32>
    %slice3A_158 = vector.extract_strided_slice %dot_general3A_41 {offsets = [0, 1920], sizes = [128, 128], strides = [1, 1]} : vector<1024x2048xf32> to vector<128x128xf32>
    %sub3A_159 = vector.broadcast %slice3A : vector<128x1xf32> to vector<128x128xf32>
    %sub3A_160 = arith.subf %sub3A_159, %slice3A_158 : vector<128x128xf32>
    %lt3A_161 = arith.cmpf olt, %sub3A_160, %select_n3A_154 : vector<128x128xf32>
    %select_n3A_162 = arith.select %lt3A_161, %sub3A_160, %select_n3A_154 : vector<128x128xi1>, vector<128x128xf32>
    %jit3A_163 = arith.constant 15 : i32
    %broadcast_in_dim3A_164 = vector.broadcast %jit3A_163 : i32 to vector<128x128xi32>
    %select_n3A_165 = arith.select %lt3A_161, %broadcast_in_dim3A_164, %select_n3A_157 : vector<128x128xi1>, vector<128x128xi32>
    %slice3A_166 = vector.extract_strided_slice %broadcast_in_dim3A {offsets = [128, 0], sizes = [128, 1], strides = [1, 1]} : vector<1024x1xf32> to vector<128x1xf32>
    %slice3A_167 = vector.extract_strided_slice %dot_general3A_41 {offsets = [128, 0], sizes = [128, 128], strides = [1, 1]} : vector<1024x2048xf32> to vector<128x128xf32>
    %sub3A_168 = vector.broadcast %slice3A_166 : vector<128x1xf32> to vector<128x128xf32>
    %sub3A_169 = arith.subf %sub3A_168, %slice3A_167 : vector<128x128xf32>
    %lt3A_170 = arith.cmpf olt, %sub3A_169, %broadcast_in_dim3A_11 : vector<128x128xf32>
    %select_n3A_171 = arith.select %lt3A_170, %sub3A_169, %broadcast_in_dim3A_11 : vector<128x128xi1>, vector<128x128xf32>
    %jit3A_172 = arith.constant 0 : i32
    %broadcast_in_dim3A_173 = vector.broadcast %jit3A_172 : i32 to vector<128x128xi32>
    %select_n3A_174 = arith.select %lt3A_170, %broadcast_in_dim3A_173, %broadcast_in_dim3A_13 : vector<128x128xi1>, vector<128x128xi32>
    %slice3A_175 = vector.extract_strided_slice %dot_general3A_41 {offsets = [128, 128], sizes = [128, 128], strides = [1, 1]} : vector<1024x2048xf32> to vector<128x128xf32>
    %sub3A_176 = vector.broadcast %slice3A_166 : vector<128x1xf32> to vector<128x128xf32>
    %sub3A_177 = arith.subf %sub3A_176, %slice3A_175 : vector<128x128xf32>
    %lt3A_178 = arith.cmpf olt, %sub3A_177, %select_n3A_171 : vector<128x128xf32>
    %select_n3A_179 = arith.select %lt3A_178, %sub3A_177, %select_n3A_171 : vector<128x128xi1>, vector<128x128xf32>
    %jit3A_180 = arith.constant 1 : i32
    %broadcast_in_dim3A_181 = vector.broadcast %jit3A_180 : i32 to vector<128x128xi32>
    %select_n3A_182 = arith.select %lt3A_178, %broadcast_in_dim3A_181, %select_n3A_174 : vector<128x128xi1>, vector<128x128xi32>
    %slice3A_183 = vector.extract_strided_slice %dot_general3A_41 {offsets = [128, 256], sizes = [128, 128], strides = [1, 1]} : vector<1024x2048xf32> to vector<128x128xf32>
    %sub3A_184 = vector.broadcast %slice3A_166 : vector<128x1xf32> to vector<128x128xf32>
    %sub3A_185 = arith.subf %sub3A_184, %slice3A_183 : vector<128x128xf32>
    %lt3A_186 = arith.cmpf olt, %sub3A_185, %select_n3A_179 : vector<128x128xf32>
    %select_n3A_187 = arith.select %lt3A_186, %sub3A_185, %select_n3A_179 : vector<128x128xi1>, vector<128x128xf32>
    %jit3A_188 = arith.constant 2 : i32
    %broadcast_in_dim3A_189 = vector.broadcast %jit3A_188 : i32 to vector<128x128xi32>
    %select_n3A_190 = arith.select %lt3A_186, %broadcast_in_dim3A_189, %select_n3A_182 : vector<128x128xi1>, vector<128x128xi32>
    %slice3A_191 = vector.extract_strided_slice %dot_general3A_41 {offsets = [128, 384], sizes = [128, 128], strides = [1, 1]} : vector<1024x2048xf32> to vector<128x128xf32>
    %sub3A_192 = vector.broadcast %slice3A_166 : vector<128x1xf32> to vector<128x128xf32>
    %sub3A_193 = arith.subf %sub3A_192, %slice3A_191 : vector<128x128xf32>
    %lt3A_194 = arith.cmpf olt, %sub3A_193, %select_n3A_187 : vector<128x128xf32>
    %select_n3A_195 = arith.select %lt3A_194, %sub3A_193, %select_n3A_187 : vector<128x128xi1>, vector<128x128xf32>
    %jit3A_196 = arith.constant 3 : i32
    %broadcast_in_dim3A_197 = vector.broadcast %jit3A_196 : i32 to vector<128x128xi32>
    %select_n3A_198 = arith.select %lt3A_194, %broadcast_in_dim3A_197, %select_n3A_190 : vector<128x128xi1>, vector<128x128xi32>
    %slice3A_199 = vector.extract_strided_slice %dot_general3A_41 {offsets = [128, 512], sizes = [128, 128], strides = [1, 1]} : vector<1024x2048xf32> to vector<128x128xf32>
    %sub3A_200 = vector.broadcast %slice3A_166 : vector<128x1xf32> to vector<128x128xf32>
    %sub3A_201 = arith.subf %sub3A_200, %slice3A_199 : vector<128x128xf32>
    %lt3A_202 = arith.cmpf olt, %sub3A_201, %select_n3A_195 : vector<128x128xf32>
    %select_n3A_203 = arith.select %lt3A_202, %sub3A_201, %select_n3A_195 : vector<128x128xi1>, vector<128x128xf32>
    %jit3A_204 = arith.constant 4 : i32
    %broadcast_in_dim3A_205 = vector.broadcast %jit3A_204 : i32 to vector<128x128xi32>
    %select_n3A_206 = arith.select %lt3A_202, %broadcast_in_dim3A_205, %select_n3A_198 : vector<128x128xi1>, vector<128x128xi32>
    %slice3A_207 = vector.extract_strided_slice %dot_general3A_41 {offsets = [128, 640], sizes = [128, 128], strides = [1, 1]} : vector<1024x2048xf32> to vector<128x128xf32>
    %sub3A_208 = vector.broadcast %slice3A_166 : vector<128x1xf32> to vector<128x128xf32>
    %sub3A_209 = arith.subf %sub3A_208, %slice3A_207 : vector<128x128xf32>
    %lt3A_210 = arith.cmpf olt, %sub3A_209, %select_n3A_203 : vector<128x128xf32>
    %select_n3A_211 = arith.select %lt3A_210, %sub3A_209, %select_n3A_203 : vector<128x128xi1>, vector<128x128xf32>
    %jit3A_212 = arith.constant 5 : i32
    %broadcast_in_dim3A_213 = vector.broadcast %jit3A_212 : i32 to vector<128x128xi32>
    %select_n3A_214 = arith.select %lt3A_210, %broadcast_in_dim3A_213, %select_n3A_206 : vector<128x128xi1>, vector<128x128xi32>
    %slice3A_215 = vector.extract_strided_slice %dot_general3A_41 {offsets = [128, 768], sizes = [128, 128], strides = [1, 1]} : vector<1024x2048xf32> to vector<128x128xf32>
    %sub3A_216 = vector.broadcast %slice3A_166 : vector<128x1xf32> to vector<128x128xf32>
    %sub3A_217 = arith.subf %sub3A_216, %slice3A_215 : vector<128x128xf32>
    %lt3A_218 = arith.cmpf olt, %sub3A_217, %select_n3A_211 : vector<128x128xf32>
    %select_n3A_219 = arith.select %lt3A_218, %sub3A_217, %select_n3A_211 : vector<128x128xi1>, vector<128x128xf32>
    %jit3A_220 = arith.constant 6 : i32
    %broadcast_in_dim3A_221 = vector.broadcast %jit3A_220 : i32 to vector<128x128xi32>
    %select_n3A_222 = arith.select %lt3A_218, %broadcast_in_dim3A_221, %select_n3A_214 : vector<128x128xi1>, vector<128x128xi32>
    %slice3A_223 = vector.extract_strided_slice %dot_general3A_41 {offsets = [128, 896], sizes = [128, 128], strides = [1, 1]} : vector<1024x2048xf32> to vector<128x128xf32>
    %sub3A_224 = vector.broadcast %slice3A_166 : vector<128x1xf32> to vector<128x128xf32>
    %sub3A_225 = arith.subf %sub3A_224, %slice3A_223 : vector<128x128xf32>
    %lt3A_226 = arith.cmpf olt, %sub3A_225, %select_n3A_219 : vector<128x128xf32>
    %select_n3A_227 = arith.select %lt3A_226, %sub3A_225, %select_n3A_219 : vector<128x128xi1>, vector<128x128xf32>
    %jit3A_228 = arith.constant 7 : i32
    %broadcast_in_dim3A_229 = vector.broadcast %jit3A_228 : i32 to vector<128x128xi32>
    %select_n3A_230 = arith.select %lt3A_226, %broadcast_in_dim3A_229, %select_n3A_222 : vector<128x128xi1>, vector<128x128xi32>
    %slice3A_231 = vector.extract_strided_slice %dot_general3A_41 {offsets = [128, 1024], sizes = [128, 128], strides = [1, 1]} : vector<1024x2048xf32> to vector<128x128xf32>
    %sub3A_232 = vector.broadcast %slice3A_166 : vector<128x1xf32> to vector<128x128xf32>
    %sub3A_233 = arith.subf %sub3A_232, %slice3A_231 : vector<128x128xf32>
    %lt3A_234 = arith.cmpf olt, %sub3A_233, %select_n3A_227 : vector<128x128xf32>
    %select_n3A_235 = arith.select %lt3A_234, %sub3A_233, %select_n3A_227 : vector<128x128xi1>, vector<128x128xf32>
    %jit3A_236 = arith.constant 8 : i32
    %broadcast_in_dim3A_237 = vector.broadcast %jit3A_236 : i32 to vector<128x128xi32>
    %select_n3A_238 = arith.select %lt3A_234, %broadcast_in_dim3A_237, %select_n3A_230 : vector<128x128xi1>, vector<128x128xi32>
    %slice3A_239 = vector.extract_strided_slice %dot_general3A_41 {offsets = [128, 1152], sizes = [128, 128], strides = [1, 1]} : vector<1024x2048xf32> to vector<128x128xf32>
    %sub3A_240 = vector.broadcast %slice3A_166 : vector<128x1xf32> to vector<128x128xf32>
    %sub3A_241 = arith.subf %sub3A_240, %slice3A_239 : vector<128x128xf32>
    %lt3A_242 = arith.cmpf olt, %sub3A_241, %select_n3A_235 : vector<128x128xf32>
    %select_n3A_243 = arith.select %lt3A_242, %sub3A_241, %select_n3A_235 : vector<128x128xi1>, vector<128x128xf32>
    %jit3A_244 = arith.constant 9 : i32
    %broadcast_in_dim3A_245 = vector.broadcast %jit3A_244 : i32 to vector<128x128xi32>
    %select_n3A_246 = arith.select %lt3A_242, %broadcast_in_dim3A_245, %select_n3A_238 : vector<128x128xi1>, vector<128x128xi32>
    %slice3A_247 = vector.extract_strided_slice %dot_general3A_41 {offsets = [128, 1280], sizes = [128, 128], strides = [1, 1]} : vector<1024x2048xf32> to vector<128x128xf32>
    %sub3A_248 = vector.broadcast %slice3A_166 : vector<128x1xf32> to vector<128x128xf32>
    %sub3A_249 = arith.subf %sub3A_248, %slice3A_247 : vector<128x128xf32>
    %lt3A_250 = arith.cmpf olt, %sub3A_249, %select_n3A_243 : vector<128x128xf32>
    %select_n3A_251 = arith.select %lt3A_250, %sub3A_249, %select_n3A_243 : vector<128x128xi1>, vector<128x128xf32>
    %jit3A_252 = arith.constant 10 : i32
    %broadcast_in_dim3A_253 = vector.broadcast %jit3A_252 : i32 to vector<128x128xi32>
    %select_n3A_254 = arith.select %lt3A_250, %broadcast_in_dim3A_253, %select_n3A_246 : vector<128x128xi1>, vector<128x128xi32>
    %slice3A_255 = vector.extract_strided_slice %dot_general3A_41 {offsets = [128, 1408], sizes = [128, 128], strides = [1, 1]} : vector<1024x2048xf32> to vector<128x128xf32>
    %sub3A_256 = vector.broadcast %slice3A_166 : vector<128x1xf32> to vector<128x128xf32>
    %sub3A_257 = arith.subf %sub3A_256, %slice3A_255 : vector<128x128xf32>
    %lt3A_258 = arith.cmpf olt, %sub3A_257, %select_n3A_251 : vector<128x128xf32>
    %select_n3A_259 = arith.select %lt3A_258, %sub3A_257, %select_n3A_251 : vector<128x128xi1>, vector<128x128xf32>
    %jit3A_260 = arith.constant 11 : i32
    %broadcast_in_dim3A_261 = vector.broadcast %jit3A_260 : i32 to vector<128x128xi32>
    %select_n3A_262 = arith.select %lt3A_258, %broadcast_in_dim3A_261, %select_n3A_254 : vector<128x128xi1>, vector<128x128xi32>
    %slice3A_263 = vector.extract_strided_slice %dot_general3A_41 {offsets = [128, 1536], sizes = [128, 128], strides = [1, 1]} : vector<1024x2048xf32> to vector<128x128xf32>
    %sub3A_264 = vector.broadcast %slice3A_166 : vector<128x1xf32> to vector<128x128xf32>
    %sub3A_265 = arith.subf %sub3A_264, %slice3A_263 : vector<128x128xf32>
    %lt3A_266 = arith.cmpf olt, %sub3A_265, %select_n3A_259 : vector<128x128xf32>
    %select_n3A_267 = arith.select %lt3A_266, %sub3A_265, %select_n3A_259 : vector<128x128xi1>, vector<128x128xf32>
    %jit3A_268 = arith.constant 12 : i32
    %broadcast_in_dim3A_269 = vector.broadcast %jit3A_268 : i32 to vector<128x128xi32>
    %select_n3A_270 = arith.select %lt3A_266, %broadcast_in_dim3A_269, %select_n3A_262 : vector<128x128xi1>, vector<128x128xi32>
    %slice3A_271 = vector.extract_strided_slice %dot_general3A_41 {offsets = [128, 1664], sizes = [128, 128], strides = [1, 1]} : vector<1024x2048xf32> to vector<128x128xf32>
    %sub3A_272 = vector.broadcast %slice3A_166 : vector<128x1xf32> to vector<128x128xf32>
    %sub3A_273 = arith.subf %sub3A_272, %slice3A_271 : vector<128x128xf32>
    %lt3A_274 = arith.cmpf olt, %sub3A_273, %select_n3A_267 : vector<128x128xf32>
    %select_n3A_275 = arith.select %lt3A_274, %sub3A_273, %select_n3A_267 : vector<128x128xi1>, vector<128x128xf32>
    %jit3A_276 = arith.constant 13 : i32
    %broadcast_in_dim3A_277 = vector.broadcast %jit3A_276 : i32 to vector<128x128xi32>
    %select_n3A_278 = arith.select %lt3A_274, %broadcast_in_dim3A_277, %select_n3A_270 : vector<128x128xi1>, vector<128x128xi32>
    %slice3A_279 = vector.extract_strided_slice %dot_general3A_41 {offsets = [128, 1792], sizes = [128, 128], strides = [1, 1]} : vector<1024x2048xf32> to vector<128x128xf32>
    %sub3A_280 = vector.broadcast %slice3A_166 : vector<128x1xf32> to vector<128x128xf32>
    %sub3A_281 = arith.subf %sub3A_280, %slice3A_279 : vector<128x128xf32>
    %lt3A_282 = arith.cmpf olt, %sub3A_281, %select_n3A_275 : vector<128x128xf32>
    %select_n3A_283 = arith.select %lt3A_282, %sub3A_281, %select_n3A_275 : vector<128x128xi1>, vector<128x128xf32>
    %jit3A_284 = arith.constant 14 : i32
    %broadcast_in_dim3A_285 = vector.broadcast %jit3A_284 : i32 to vector<128x128xi32>
    %select_n3A_286 = arith.select %lt3A_282, %broadcast_in_dim3A_285, %select_n3A_278 : vector<128x128xi1>, vector<128x128xi32>
    %slice3A_287 = vector.extract_strided_slice %dot_general3A_41 {offsets = [128, 1920], sizes = [128, 128], strides = [1, 1]} : vector<1024x2048xf32> to vector<128x128xf32>
    %sub3A_288 = vector.broadcast %slice3A_166 : vector<128x1xf32> to vector<128x128xf32>
    %sub3A_289 = arith.subf %sub3A_288, %slice3A_287 : vector<128x128xf32>
    %lt3A_290 = arith.cmpf olt, %sub3A_289, %select_n3A_283 : vector<128x128xf32>
    %select_n3A_291 = arith.select %lt3A_290, %sub3A_289, %select_n3A_283 : vector<128x128xi1>, vector<128x128xf32>
    %jit3A_292 = arith.constant 15 : i32
    %broadcast_in_dim3A_293 = vector.broadcast %jit3A_292 : i32 to vector<128x128xi32>
    %select_n3A_294 = arith.select %lt3A_290, %broadcast_in_dim3A_293, %select_n3A_286 : vector<128x128xi1>, vector<128x128xi32>
    %slice3A_295 = vector.extract_strided_slice %broadcast_in_dim3A {offsets = [256, 0], sizes = [128, 1], strides = [1, 1]} : vector<1024x1xf32> to vector<128x1xf32>
    %slice3A_296 = vector.extract_strided_slice %dot_general3A_41 {offsets = [256, 0], sizes = [128, 128], strides = [1, 1]} : vector<1024x2048xf32> to vector<128x128xf32>
    %sub3A_297 = vector.broadcast %slice3A_295 : vector<128x1xf32> to vector<128x128xf32>
    %sub3A_298 = arith.subf %sub3A_297, %slice3A_296 : vector<128x128xf32>
    %lt3A_299 = arith.cmpf olt, %sub3A_298, %broadcast_in_dim3A_15 : vector<128x128xf32>
    %select_n3A_300 = arith.select %lt3A_299, %sub3A_298, %broadcast_in_dim3A_15 : vector<128x128xi1>, vector<128x128xf32>
    %jit3A_301 = arith.constant 0 : i32
    %broadcast_in_dim3A_302 = vector.broadcast %jit3A_301 : i32 to vector<128x128xi32>
    %select_n3A_303 = arith.select %lt3A_299, %broadcast_in_dim3A_302, %broadcast_in_dim3A_17 : vector<128x128xi1>, vector<128x128xi32>
    %slice3A_304 = vector.extract_strided_slice %dot_general3A_41 {offsets = [256, 128], sizes = [128, 128], strides = [1, 1]} : vector<1024x2048xf32> to vector<128x128xf32>
    %sub3A_305 = vector.broadcast %slice3A_295 : vector<128x1xf32> to vector<128x128xf32>
    %sub3A_306 = arith.subf %sub3A_305, %slice3A_304 : vector<128x128xf32>
    %lt3A_307 = arith.cmpf olt, %sub3A_306, %select_n3A_300 : vector<128x128xf32>
    %select_n3A_308 = arith.select %lt3A_307, %sub3A_306, %select_n3A_300 : vector<128x128xi1>, vector<128x128xf32>
    %jit3A_309 = arith.constant 1 : i32
    %broadcast_in_dim3A_310 = vector.broadcast %jit3A_309 : i32 to vector<128x128xi32>
    %select_n3A_311 = arith.select %lt3A_307, %broadcast_in_dim3A_310, %select_n3A_303 : vector<128x128xi1>, vector<128x128xi32>
    %slice3A_312 = vector.extract_strided_slice %dot_general3A_41 {offsets = [256, 256], sizes = [128, 128], strides = [1, 1]} : vector<1024x2048xf32> to vector<128x128xf32>
    %sub3A_313 = vector.broadcast %slice3A_295 : vector<128x1xf32> to vector<128x128xf32>
    %sub3A_314 = arith.subf %sub3A_313, %slice3A_312 : vector<128x128xf32>
    %lt3A_315 = arith.cmpf olt, %sub3A_314, %select_n3A_308 : vector<128x128xf32>
    %select_n3A_316 = arith.select %lt3A_315, %sub3A_314, %select_n3A_308 : vector<128x128xi1>, vector<128x128xf32>
    %jit3A_317 = arith.constant 2 : i32
    %broadcast_in_dim3A_318 = vector.broadcast %jit3A_317 : i32 to vector<128x128xi32>
    %select_n3A_319 = arith.select %lt3A_315, %broadcast_in_dim3A_318, %select_n3A_311 : vector<128x128xi1>, vector<128x128xi32>
    %slice3A_320 = vector.extract_strided_slice %dot_general3A_41 {offsets = [256, 384], sizes = [128, 128], strides = [1, 1]} : vector<1024x2048xf32> to vector<128x128xf32>
    %sub3A_321 = vector.broadcast %slice3A_295 : vector<128x1xf32> to vector<128x128xf32>
    %sub3A_322 = arith.subf %sub3A_321, %slice3A_320 : vector<128x128xf32>
    %lt3A_323 = arith.cmpf olt, %sub3A_322, %select_n3A_316 : vector<128x128xf32>
    %select_n3A_324 = arith.select %lt3A_323, %sub3A_322, %select_n3A_316 : vector<128x128xi1>, vector<128x128xf32>
    %jit3A_325 = arith.constant 3 : i32
    %broadcast_in_dim3A_326 = vector.broadcast %jit3A_325 : i32 to vector<128x128xi32>
    %select_n3A_327 = arith.select %lt3A_323, %broadcast_in_dim3A_326, %select_n3A_319 : vector<128x128xi1>, vector<128x128xi32>
    %slice3A_328 = vector.extract_strided_slice %dot_general3A_41 {offsets = [256, 512], sizes = [128, 128], strides = [1, 1]} : vector<1024x2048xf32> to vector<128x128xf32>
    %sub3A_329 = vector.broadcast %slice3A_295 : vector<128x1xf32> to vector<128x128xf32>
    %sub3A_330 = arith.subf %sub3A_329, %slice3A_328 : vector<128x128xf32>
    %lt3A_331 = arith.cmpf olt, %sub3A_330, %select_n3A_324 : vector<128x128xf32>
    %select_n3A_332 = arith.select %lt3A_331, %sub3A_330, %select_n3A_324 : vector<128x128xi1>, vector<128x128xf32>
    %jit3A_333 = arith.constant 4 : i32
    %broadcast_in_dim3A_334 = vector.broadcast %jit3A_333 : i32 to vector<128x128xi32>
    %select_n3A_335 = arith.select %lt3A_331, %broadcast_in_dim3A_334, %select_n3A_327 : vector<128x128xi1>, vector<128x128xi32>
    %slice3A_336 = vector.extract_strided_slice %dot_general3A_41 {offsets = [256, 640], sizes = [128, 128], strides = [1, 1]} : vector<1024x2048xf32> to vector<128x128xf32>
    %sub3A_337 = vector.broadcast %slice3A_295 : vector<128x1xf32> to vector<128x128xf32>
    %sub3A_338 = arith.subf %sub3A_337, %slice3A_336 : vector<128x128xf32>
    %lt3A_339 = arith.cmpf olt, %sub3A_338, %select_n3A_332 : vector<128x128xf32>
    %select_n3A_340 = arith.select %lt3A_339, %sub3A_338, %select_n3A_332 : vector<128x128xi1>, vector<128x128xf32>
    %jit3A_341 = arith.constant 5 : i32
    %broadcast_in_dim3A_342 = vector.broadcast %jit3A_341 : i32 to vector<128x128xi32>
    %select_n3A_343 = arith.select %lt3A_339, %broadcast_in_dim3A_342, %select_n3A_335 : vector<128x128xi1>, vector<128x128xi32>
    %slice3A_344 = vector.extract_strided_slice %dot_general3A_41 {offsets = [256, 768], sizes = [128, 128], strides = [1, 1]} : vector<1024x2048xf32> to vector<128x128xf32>
    %sub3A_345 = vector.broadcast %slice3A_295 : vector<128x1xf32> to vector<128x128xf32>
    %sub3A_346 = arith.subf %sub3A_345, %slice3A_344 : vector<128x128xf32>
    %lt3A_347 = arith.cmpf olt, %sub3A_346, %select_n3A_340 : vector<128x128xf32>
    %select_n3A_348 = arith.select %lt3A_347, %sub3A_346, %select_n3A_340 : vector<128x128xi1>, vector<128x128xf32>
    %jit3A_349 = arith.constant 6 : i32
    %broadcast_in_dim3A_350 = vector.broadcast %jit3A_349 : i32 to vector<128x128xi32>
    %select_n3A_351 = arith.select %lt3A_347, %broadcast_in_dim3A_350, %select_n3A_343 : vector<128x128xi1>, vector<128x128xi32>
    %slice3A_352 = vector.extract_strided_slice %dot_general3A_41 {offsets = [256, 896], sizes = [128, 128], strides = [1, 1]} : vector<1024x2048xf32> to vector<128x128xf32>
    %sub3A_353 = vector.broadcast %slice3A_295 : vector<128x1xf32> to vector<128x128xf32>
    %sub3A_354 = arith.subf %sub3A_353, %slice3A_352 : vector<128x128xf32>
    %lt3A_355 = arith.cmpf olt, %sub3A_354, %select_n3A_348 : vector<128x128xf32>
    %select_n3A_356 = arith.select %lt3A_355, %sub3A_354, %select_n3A_348 : vector<128x128xi1>, vector<128x128xf32>
    %jit3A_357 = arith.constant 7 : i32
    %broadcast_in_dim3A_358 = vector.broadcast %jit3A_357 : i32 to vector<128x128xi32>
    %select_n3A_359 = arith.select %lt3A_355, %broadcast_in_dim3A_358, %select_n3A_351 : vector<128x128xi1>, vector<128x128xi32>
    %slice3A_360 = vector.extract_strided_slice %dot_general3A_41 {offsets = [256, 1024], sizes = [128, 128], strides = [1, 1]} : vector<1024x2048xf32> to vector<128x128xf32>
    %sub3A_361 = vector.broadcast %slice3A_295 : vector<128x1xf32> to vector<128x128xf32>
    %sub3A_362 = arith.subf %sub3A_361, %slice3A_360 : vector<128x128xf32>
    %lt3A_363 = arith.cmpf olt, %sub3A_362, %select_n3A_356 : vector<128x128xf32>
    %select_n3A_364 = arith.select %lt3A_363, %sub3A_362, %select_n3A_356 : vector<128x128xi1>, vector<128x128xf32>
    %jit3A_365 = arith.constant 8 : i32
    %broadcast_in_dim3A_366 = vector.broadcast %jit3A_365 : i32 to vector<128x128xi32>
    %select_n3A_367 = arith.select %lt3A_363, %broadcast_in_dim3A_366, %select_n3A_359 : vector<128x128xi1>, vector<128x128xi32>
    %slice3A_368 = vector.extract_strided_slice %dot_general3A_41 {offsets = [256, 1152], sizes = [128, 128], strides = [1, 1]} : vector<1024x2048xf32> to vector<128x128xf32>
    %sub3A_369 = vector.broadcast %slice3A_295 : vector<128x1xf32> to vector<128x128xf32>
    %sub3A_370 = arith.subf %sub3A_369, %slice3A_368 : vector<128x128xf32>
    %lt3A_371 = arith.cmpf olt, %sub3A_370, %select_n3A_364 : vector<128x128xf32>
    %select_n3A_372 = arith.select %lt3A_371, %sub3A_370, %select_n3A_364 : vector<128x128xi1>, vector<128x128xf32>
    %jit3A_373 = arith.constant 9 : i32
    %broadcast_in_dim3A_374 = vector.broadcast %jit3A_373 : i32 to vector<128x128xi32>
    %select_n3A_375 = arith.select %lt3A_371, %broadcast_in_dim3A_374, %select_n3A_367 : vector<128x128xi1>, vector<128x128xi32>
    %slice3A_376 = vector.extract_strided_slice %dot_general3A_41 {offsets = [256, 1280], sizes = [128, 128], strides = [1, 1]} : vector<1024x2048xf32> to vector<128x128xf32>
    %sub3A_377 = vector.broadcast %slice3A_295 : vector<128x1xf32> to vector<128x128xf32>
    %sub3A_378 = arith.subf %sub3A_377, %slice3A_376 : vector<128x128xf32>
    %lt3A_379 = arith.cmpf olt, %sub3A_378, %select_n3A_372 : vector<128x128xf32>
    %select_n3A_380 = arith.select %lt3A_379, %sub3A_378, %select_n3A_372 : vector<128x128xi1>, vector<128x128xf32>
    %jit3A_381 = arith.constant 10 : i32
    %broadcast_in_dim3A_382 = vector.broadcast %jit3A_381 : i32 to vector<128x128xi32>
    %select_n3A_383 = arith.select %lt3A_379, %broadcast_in_dim3A_382, %select_n3A_375 : vector<128x128xi1>, vector<128x128xi32>
    %slice3A_384 = vector.extract_strided_slice %dot_general3A_41 {offsets = [256, 1408], sizes = [128, 128], strides = [1, 1]} : vector<1024x2048xf32> to vector<128x128xf32>
    %sub3A_385 = vector.broadcast %slice3A_295 : vector<128x1xf32> to vector<128x128xf32>
    %sub3A_386 = arith.subf %sub3A_385, %slice3A_384 : vector<128x128xf32>
    %lt3A_387 = arith.cmpf olt, %sub3A_386, %select_n3A_380 : vector<128x128xf32>
    %select_n3A_388 = arith.select %lt3A_387, %sub3A_386, %select_n3A_380 : vector<128x128xi1>, vector<128x128xf32>
    %jit3A_389 = arith.constant 11 : i32
    %broadcast_in_dim3A_390 = vector.broadcast %jit3A_389 : i32 to vector<128x128xi32>
    %select_n3A_391 = arith.select %lt3A_387, %broadcast_in_dim3A_390, %select_n3A_383 : vector<128x128xi1>, vector<128x128xi32>
    %slice3A_392 = vector.extract_strided_slice %dot_general3A_41 {offsets = [256, 1536], sizes = [128, 128], strides = [1, 1]} : vector<1024x2048xf32> to vector<128x128xf32>
    %sub3A_393 = vector.broadcast %slice3A_295 : vector<128x1xf32> to vector<128x128xf32>
    %sub3A_394 = arith.subf %sub3A_393, %slice3A_392 : vector<128x128xf32>
    %lt3A_395 = arith.cmpf olt, %sub3A_394, %select_n3A_388 : vector<128x128xf32>
    %select_n3A_396 = arith.select %lt3A_395, %sub3A_394, %select_n3A_388 : vector<128x128xi1>, vector<128x128xf32>
    %jit3A_397 = arith.constant 12 : i32
    %broadcast_in_dim3A_398 = vector.broadcast %jit3A_397 : i32 to vector<128x128xi32>
    %select_n3A_399 = arith.select %lt3A_395, %broadcast_in_dim3A_398, %select_n3A_391 : vector<128x128xi1>, vector<128x128xi32>
    %slice3A_400 = vector.extract_strided_slice %dot_general3A_41 {offsets = [256, 1664], sizes = [128, 128], strides = [1, 1]} : vector<1024x2048xf32> to vector<128x128xf32>
    %sub3A_401 = vector.broadcast %slice3A_295 : vector<128x1xf32> to vector<128x128xf32>
    %sub3A_402 = arith.subf %sub3A_401, %slice3A_400 : vector<128x128xf32>
    %lt3A_403 = arith.cmpf olt, %sub3A_402, %select_n3A_396 : vector<128x128xf32>
    %select_n3A_404 = arith.select %lt3A_403, %sub3A_402, %select_n3A_396 : vector<128x128xi1>, vector<128x128xf32>
    %jit3A_405 = arith.constant 13 : i32
    %broadcast_in_dim3A_406 = vector.broadcast %jit3A_405 : i32 to vector<128x128xi32>
    %select_n3A_407 = arith.select %lt3A_403, %broadcast_in_dim3A_406, %select_n3A_399 : vector<128x128xi1>, vector<128x128xi32>
    %slice3A_408 = vector.extract_strided_slice %dot_general3A_41 {offsets = [256, 1792], sizes = [128, 128], strides = [1, 1]} : vector<1024x2048xf32> to vector<128x128xf32>
    %sub3A_409 = vector.broadcast %slice3A_295 : vector<128x1xf32> to vector<128x128xf32>
    %sub3A_410 = arith.subf %sub3A_409, %slice3A_408 : vector<128x128xf32>
    %lt3A_411 = arith.cmpf olt, %sub3A_410, %select_n3A_404 : vector<128x128xf32>
    %select_n3A_412 = arith.select %lt3A_411, %sub3A_410, %select_n3A_404 : vector<128x128xi1>, vector<128x128xf32>
    %jit3A_413 = arith.constant 14 : i32
    %broadcast_in_dim3A_414 = vector.broadcast %jit3A_413 : i32 to vector<128x128xi32>
    %select_n3A_415 = arith.select %lt3A_411, %broadcast_in_dim3A_414, %select_n3A_407 : vector<128x128xi1>, vector<128x128xi32>
    %slice3A_416 = vector.extract_strided_slice %dot_general3A_41 {offsets = [256, 1920], sizes = [128, 128], strides = [1, 1]} : vector<1024x2048xf32> to vector<128x128xf32>
    %sub3A_417 = vector.broadcast %slice3A_295 : vector<128x1xf32> to vector<128x128xf32>
    %sub3A_418 = arith.subf %sub3A_417, %slice3A_416 : vector<128x128xf32>
    %lt3A_419 = arith.cmpf olt, %sub3A_418, %select_n3A_412 : vector<128x128xf32>
    %select_n3A_420 = arith.select %lt3A_419, %sub3A_418, %select_n3A_412 : vector<128x128xi1>, vector<128x128xf32>
    %jit3A_421 = arith.constant 15 : i32
    %broadcast_in_dim3A_422 = vector.broadcast %jit3A_421 : i32 to vector<128x128xi32>
    %select_n3A_423 = arith.select %lt3A_419, %broadcast_in_dim3A_422, %select_n3A_415 : vector<128x128xi1>, vector<128x128xi32>
    %slice3A_424 = vector.extract_strided_slice %broadcast_in_dim3A {offsets = [384, 0], sizes = [128, 1], strides = [1, 1]} : vector<1024x1xf32> to vector<128x1xf32>
    %slice3A_425 = vector.extract_strided_slice %dot_general3A_41 {offsets = [384, 0], sizes = [128, 128], strides = [1, 1]} : vector<1024x2048xf32> to vector<128x128xf32>
    %sub3A_426 = vector.broadcast %slice3A_424 : vector<128x1xf32> to vector<128x128xf32>
    %sub3A_427 = arith.subf %sub3A_426, %slice3A_425 : vector<128x128xf32>
    %lt3A_428 = arith.cmpf olt, %sub3A_427, %broadcast_in_dim3A_19 : vector<128x128xf32>
    %select_n3A_429 = arith.select %lt3A_428, %sub3A_427, %broadcast_in_dim3A_19 : vector<128x128xi1>, vector<128x128xf32>
    %jit3A_430 = arith.constant 0 : i32
    %broadcast_in_dim3A_431 = vector.broadcast %jit3A_430 : i32 to vector<128x128xi32>
    %select_n3A_432 = arith.select %lt3A_428, %broadcast_in_dim3A_431, %broadcast_in_dim3A_21 : vector<128x128xi1>, vector<128x128xi32>
    %slice3A_433 = vector.extract_strided_slice %dot_general3A_41 {offsets = [384, 128], sizes = [128, 128], strides = [1, 1]} : vector<1024x2048xf32> to vector<128x128xf32>
    %sub3A_434 = vector.broadcast %slice3A_424 : vector<128x1xf32> to vector<128x128xf32>
    %sub3A_435 = arith.subf %sub3A_434, %slice3A_433 : vector<128x128xf32>
    %lt3A_436 = arith.cmpf olt, %sub3A_435, %select_n3A_429 : vector<128x128xf32>
    %select_n3A_437 = arith.select %lt3A_436, %sub3A_435, %select_n3A_429 : vector<128x128xi1>, vector<128x128xf32>
    %jit3A_438 = arith.constant 1 : i32
    %broadcast_in_dim3A_439 = vector.broadcast %jit3A_438 : i32 to vector<128x128xi32>
    %select_n3A_440 = arith.select %lt3A_436, %broadcast_in_dim3A_439, %select_n3A_432 : vector<128x128xi1>, vector<128x128xi32>
    %slice3A_441 = vector.extract_strided_slice %dot_general3A_41 {offsets = [384, 256], sizes = [128, 128], strides = [1, 1]} : vector<1024x2048xf32> to vector<128x128xf32>
    %sub3A_442 = vector.broadcast %slice3A_424 : vector<128x1xf32> to vector<128x128xf32>
    %sub3A_443 = arith.subf %sub3A_442, %slice3A_441 : vector<128x128xf32>
    %lt3A_444 = arith.cmpf olt, %sub3A_443, %select_n3A_437 : vector<128x128xf32>
    %select_n3A_445 = arith.select %lt3A_444, %sub3A_443, %select_n3A_437 : vector<128x128xi1>, vector<128x128xf32>
    %jit3A_446 = arith.constant 2 : i32
    %broadcast_in_dim3A_447 = vector.broadcast %jit3A_446 : i32 to vector<128x128xi32>
    %select_n3A_448 = arith.select %lt3A_444, %broadcast_in_dim3A_447, %select_n3A_440 : vector<128x128xi1>, vector<128x128xi32>
    %slice3A_449 = vector.extract_strided_slice %dot_general3A_41 {offsets = [384, 384], sizes = [128, 128], strides = [1, 1]} : vector<1024x2048xf32> to vector<128x128xf32>
    %sub3A_450 = vector.broadcast %slice3A_424 : vector<128x1xf32> to vector<128x128xf32>
    %sub3A_451 = arith.subf %sub3A_450, %slice3A_449 : vector<128x128xf32>
    %lt3A_452 = arith.cmpf olt, %sub3A_451, %select_n3A_445 : vector<128x128xf32>
    %select_n3A_453 = arith.select %lt3A_452, %sub3A_451, %select_n3A_445 : vector<128x128xi1>, vector<128x128xf32>
    %jit3A_454 = arith.constant 3 : i32
    %broadcast_in_dim3A_455 = vector.broadcast %jit3A_454 : i32 to vector<128x128xi32>
    %select_n3A_456 = arith.select %lt3A_452, %broadcast_in_dim3A_455, %select_n3A_448 : vector<128x128xi1>, vector<128x128xi32>
    %slice3A_457 = vector.extract_strided_slice %dot_general3A_41 {offsets = [384, 512], sizes = [128, 128], strides = [1, 1]} : vector<1024x2048xf32> to vector<128x128xf32>
    %sub3A_458 = vector.broadcast %slice3A_424 : vector<128x1xf32> to vector<128x128xf32>
    %sub3A_459 = arith.subf %sub3A_458, %slice3A_457 : vector<128x128xf32>
    %lt3A_460 = arith.cmpf olt, %sub3A_459, %select_n3A_453 : vector<128x128xf32>
    %select_n3A_461 = arith.select %lt3A_460, %sub3A_459, %select_n3A_453 : vector<128x128xi1>, vector<128x128xf32>
    %jit3A_462 = arith.constant 4 : i32
    %broadcast_in_dim3A_463 = vector.broadcast %jit3A_462 : i32 to vector<128x128xi32>
    %select_n3A_464 = arith.select %lt3A_460, %broadcast_in_dim3A_463, %select_n3A_456 : vector<128x128xi1>, vector<128x128xi32>
    %slice3A_465 = vector.extract_strided_slice %dot_general3A_41 {offsets = [384, 640], sizes = [128, 128], strides = [1, 1]} : vector<1024x2048xf32> to vector<128x128xf32>
    %sub3A_466 = vector.broadcast %slice3A_424 : vector<128x1xf32> to vector<128x128xf32>
    %sub3A_467 = arith.subf %sub3A_466, %slice3A_465 : vector<128x128xf32>
    %lt3A_468 = arith.cmpf olt, %sub3A_467, %select_n3A_461 : vector<128x128xf32>
    %select_n3A_469 = arith.select %lt3A_468, %sub3A_467, %select_n3A_461 : vector<128x128xi1>, vector<128x128xf32>
    %jit3A_470 = arith.constant 5 : i32
    %broadcast_in_dim3A_471 = vector.broadcast %jit3A_470 : i32 to vector<128x128xi32>
    %select_n3A_472 = arith.select %lt3A_468, %broadcast_in_dim3A_471, %select_n3A_464 : vector<128x128xi1>, vector<128x128xi32>
    %slice3A_473 = vector.extract_strided_slice %dot_general3A_41 {offsets = [384, 768], sizes = [128, 128], strides = [1, 1]} : vector<1024x2048xf32> to vector<128x128xf32>
    %sub3A_474 = vector.broadcast %slice3A_424 : vector<128x1xf32> to vector<128x128xf32>
    %sub3A_475 = arith.subf %sub3A_474, %slice3A_473 : vector<128x128xf32>
    %lt3A_476 = arith.cmpf olt, %sub3A_475, %select_n3A_469 : vector<128x128xf32>
    %select_n3A_477 = arith.select %lt3A_476, %sub3A_475, %select_n3A_469 : vector<128x128xi1>, vector<128x128xf32>
    %jit3A_478 = arith.constant 6 : i32
    %broadcast_in_dim3A_479 = vector.broadcast %jit3A_478 : i32 to vector<128x128xi32>
    %select_n3A_480 = arith.select %lt3A_476, %broadcast_in_dim3A_479, %select_n3A_472 : vector<128x128xi1>, vector<128x128xi32>
    %slice3A_481 = vector.extract_strided_slice %dot_general3A_41 {offsets = [384, 896], sizes = [128, 128], strides = [1, 1]} : vector<1024x2048xf32> to vector<128x128xf32>
    %sub3A_482 = vector.broadcast %slice3A_424 : vector<128x1xf32> to vector<128x128xf32>
    %sub3A_483 = arith.subf %sub3A_482, %slice3A_481 : vector<128x128xf32>
    %lt3A_484 = arith.cmpf olt, %sub3A_483, %select_n3A_477 : vector<128x128xf32>
    %select_n3A_485 = arith.select %lt3A_484, %sub3A_483, %select_n3A_477 : vector<128x128xi1>, vector<128x128xf32>
    %jit3A_486 = arith.constant 7 : i32
    %broadcast_in_dim3A_487 = vector.broadcast %jit3A_486 : i32 to vector<128x128xi32>
    %select_n3A_488 = arith.select %lt3A_484, %broadcast_in_dim3A_487, %select_n3A_480 : vector<128x128xi1>, vector<128x128xi32>
    %slice3A_489 = vector.extract_strided_slice %dot_general3A_41 {offsets = [384, 1024], sizes = [128, 128], strides = [1, 1]} : vector<1024x2048xf32> to vector<128x128xf32>
    %sub3A_490 = vector.broadcast %slice3A_424 : vector<128x1xf32> to vector<128x128xf32>
    %sub3A_491 = arith.subf %sub3A_490, %slice3A_489 : vector<128x128xf32>
    %lt3A_492 = arith.cmpf olt, %sub3A_491, %select_n3A_485 : vector<128x128xf32>
    %select_n3A_493 = arith.select %lt3A_492, %sub3A_491, %select_n3A_485 : vector<128x128xi1>, vector<128x128xf32>
    %jit3A_494 = arith.constant 8 : i32
    %broadcast_in_dim3A_495 = vector.broadcast %jit3A_494 : i32 to vector<128x128xi32>
    %select_n3A_496 = arith.select %lt3A_492, %broadcast_in_dim3A_495, %select_n3A_488 : vector<128x128xi1>, vector<128x128xi32>
    %slice3A_497 = vector.extract_strided_slice %dot_general3A_41 {offsets = [384, 1152], sizes = [128, 128], strides = [1, 1]} : vector<1024x2048xf32> to vector<128x128xf32>
    %sub3A_498 = vector.broadcast %slice3A_424 : vector<128x1xf32> to vector<128x128xf32>
    %sub3A_499 = arith.subf %sub3A_498, %slice3A_497 : vector<128x128xf32>
    %lt3A_500 = arith.cmpf olt, %sub3A_499, %select_n3A_493 : vector<128x128xf32>
    %select_n3A_501 = arith.select %lt3A_500, %sub3A_499, %select_n3A_493 : vector<128x128xi1>, vector<128x128xf32>
    %jit3A_502 = arith.constant 9 : i32
    %broadcast_in_dim3A_503 = vector.broadcast %jit3A_502 : i32 to vector<128x128xi32>
    %select_n3A_504 = arith.select %lt3A_500, %broadcast_in_dim3A_503, %select_n3A_496 : vector<128x128xi1>, vector<128x128xi32>
    %slice3A_505 = vector.extract_strided_slice %dot_general3A_41 {offsets = [384, 1280], sizes = [128, 128], strides = [1, 1]} : vector<1024x2048xf32> to vector<128x128xf32>
    %sub3A_506 = vector.broadcast %slice3A_424 : vector<128x1xf32> to vector<128x128xf32>
    %sub3A_507 = arith.subf %sub3A_506, %slice3A_505 : vector<128x128xf32>
    %lt3A_508 = arith.cmpf olt, %sub3A_507, %select_n3A_501 : vector<128x128xf32>
    %select_n3A_509 = arith.select %lt3A_508, %sub3A_507, %select_n3A_501 : vector<128x128xi1>, vector<128x128xf32>
    %jit3A_510 = arith.constant 10 : i32
    %broadcast_in_dim3A_511 = vector.broadcast %jit3A_510 : i32 to vector<128x128xi32>
    %select_n3A_512 = arith.select %lt3A_508, %broadcast_in_dim3A_511, %select_n3A_504 : vector<128x128xi1>, vector<128x128xi32>
    %slice3A_513 = vector.extract_strided_slice %dot_general3A_41 {offsets = [384, 1408], sizes = [128, 128], strides = [1, 1]} : vector<1024x2048xf32> to vector<128x128xf32>
    %sub3A_514 = vector.broadcast %slice3A_424 : vector<128x1xf32> to vector<128x128xf32>
    %sub3A_515 = arith.subf %sub3A_514, %slice3A_513 : vector<128x128xf32>
    %lt3A_516 = arith.cmpf olt, %sub3A_515, %select_n3A_509 : vector<128x128xf32>
    %select_n3A_517 = arith.select %lt3A_516, %sub3A_515, %select_n3A_509 : vector<128x128xi1>, vector<128x128xf32>
    %jit3A_518 = arith.constant 11 : i32
    %broadcast_in_dim3A_519 = vector.broadcast %jit3A_518 : i32 to vector<128x128xi32>
    %select_n3A_520 = arith.select %lt3A_516, %broadcast_in_dim3A_519, %select_n3A_512 : vector<128x128xi1>, vector<128x128xi32>
    %slice3A_521 = vector.extract_strided_slice %dot_general3A_41 {offsets = [384, 1536], sizes = [128, 128], strides = [1, 1]} : vector<1024x2048xf32> to vector<128x128xf32>
    %sub3A_522 = vector.broadcast %slice3A_424 : vector<128x1xf32> to vector<128x128xf32>
    %sub3A_523 = arith.subf %sub3A_522, %slice3A_521 : vector<128x128xf32>
    %lt3A_524 = arith.cmpf olt, %sub3A_523, %select_n3A_517 : vector<128x128xf32>
    %select_n3A_525 = arith.select %lt3A_524, %sub3A_523, %select_n3A_517 : vector<128x128xi1>, vector<128x128xf32>
    %jit3A_526 = arith.constant 12 : i32
    %broadcast_in_dim3A_527 = vector.broadcast %jit3A_526 : i32 to vector<128x128xi32>
    %select_n3A_528 = arith.select %lt3A_524, %broadcast_in_dim3A_527, %select_n3A_520 : vector<128x128xi1>, vector<128x128xi32>
    %slice3A_529 = vector.extract_strided_slice %dot_general3A_41 {offsets = [384, 1664], sizes = [128, 128], strides = [1, 1]} : vector<1024x2048xf32> to vector<128x128xf32>
    %sub3A_530 = vector.broadcast %slice3A_424 : vector<128x1xf32> to vector<128x128xf32>
    %sub3A_531 = arith.subf %sub3A_530, %slice3A_529 : vector<128x128xf32>
    %lt3A_532 = arith.cmpf olt, %sub3A_531, %select_n3A_525 : vector<128x128xf32>
    %select_n3A_533 = arith.select %lt3A_532, %sub3A_531, %select_n3A_525 : vector<128x128xi1>, vector<128x128xf32>
    %jit3A_534 = arith.constant 13 : i32
    %broadcast_in_dim3A_535 = vector.broadcast %jit3A_534 : i32 to vector<128x128xi32>
    %select_n3A_536 = arith.select %lt3A_532, %broadcast_in_dim3A_535, %select_n3A_528 : vector<128x128xi1>, vector<128x128xi32>
    %slice3A_537 = vector.extract_strided_slice %dot_general3A_41 {offsets = [384, 1792], sizes = [128, 128], strides = [1, 1]} : vector<1024x2048xf32> to vector<128x128xf32>
    %sub3A_538 = vector.broadcast %slice3A_424 : vector<128x1xf32> to vector<128x128xf32>
    %sub3A_539 = arith.subf %sub3A_538, %slice3A_537 : vector<128x128xf32>
    %lt3A_540 = arith.cmpf olt, %sub3A_539, %select_n3A_533 : vector<128x128xf32>
    %select_n3A_541 = arith.select %lt3A_540, %sub3A_539, %select_n3A_533 : vector<128x128xi1>, vector<128x128xf32>
    %jit3A_542 = arith.constant 14 : i32
    %broadcast_in_dim3A_543 = vector.broadcast %jit3A_542 : i32 to vector<128x128xi32>
    %select_n3A_544 = arith.select %lt3A_540, %broadcast_in_dim3A_543, %select_n3A_536 : vector<128x128xi1>, vector<128x128xi32>
    %slice3A_545 = vector.extract_strided_slice %dot_general3A_41 {offsets = [384, 1920], sizes = [128, 128], strides = [1, 1]} : vector<1024x2048xf32> to vector<128x128xf32>
    %sub3A_546 = vector.broadcast %slice3A_424 : vector<128x1xf32> to vector<128x128xf32>
    %sub3A_547 = arith.subf %sub3A_546, %slice3A_545 : vector<128x128xf32>
    %lt3A_548 = arith.cmpf olt, %sub3A_547, %select_n3A_541 : vector<128x128xf32>
    %select_n3A_549 = arith.select %lt3A_548, %sub3A_547, %select_n3A_541 : vector<128x128xi1>, vector<128x128xf32>
    %jit3A_550 = arith.constant 15 : i32
    %broadcast_in_dim3A_551 = vector.broadcast %jit3A_550 : i32 to vector<128x128xi32>
    %select_n3A_552 = arith.select %lt3A_548, %broadcast_in_dim3A_551, %select_n3A_544 : vector<128x128xi1>, vector<128x128xi32>
    %slice3A_553 = vector.extract_strided_slice %broadcast_in_dim3A {offsets = [512, 0], sizes = [128, 1], strides = [1, 1]} : vector<1024x1xf32> to vector<128x1xf32>
    %slice3A_554 = vector.extract_strided_slice %dot_general3A_41 {offsets = [512, 0], sizes = [128, 128], strides = [1, 1]} : vector<1024x2048xf32> to vector<128x128xf32>
    %sub3A_555 = vector.broadcast %slice3A_553 : vector<128x1xf32> to vector<128x128xf32>
    %sub3A_556 = arith.subf %sub3A_555, %slice3A_554 : vector<128x128xf32>
    %lt3A_557 = arith.cmpf olt, %sub3A_556, %broadcast_in_dim3A_23 : vector<128x128xf32>
    %select_n3A_558 = arith.select %lt3A_557, %sub3A_556, %broadcast_in_dim3A_23 : vector<128x128xi1>, vector<128x128xf32>
    %jit3A_559 = arith.constant 0 : i32
    %broadcast_in_dim3A_560 = vector.broadcast %jit3A_559 : i32 to vector<128x128xi32>
    %select_n3A_561 = arith.select %lt3A_557, %broadcast_in_dim3A_560, %broadcast_in_dim3A_25 : vector<128x128xi1>, vector<128x128xi32>
    %slice3A_562 = vector.extract_strided_slice %dot_general3A_41 {offsets = [512, 128], sizes = [128, 128], strides = [1, 1]} : vector<1024x2048xf32> to vector<128x128xf32>
    %sub3A_563 = vector.broadcast %slice3A_553 : vector<128x1xf32> to vector<128x128xf32>
    %sub3A_564 = arith.subf %sub3A_563, %slice3A_562 : vector<128x128xf32>
    %lt3A_565 = arith.cmpf olt, %sub3A_564, %select_n3A_558 : vector<128x128xf32>
    %select_n3A_566 = arith.select %lt3A_565, %sub3A_564, %select_n3A_558 : vector<128x128xi1>, vector<128x128xf32>
    %jit3A_567 = arith.constant 1 : i32
    %broadcast_in_dim3A_568 = vector.broadcast %jit3A_567 : i32 to vector<128x128xi32>
    %select_n3A_569 = arith.select %lt3A_565, %broadcast_in_dim3A_568, %select_n3A_561 : vector<128x128xi1>, vector<128x128xi32>
    %slice3A_570 = vector.extract_strided_slice %dot_general3A_41 {offsets = [512, 256], sizes = [128, 128], strides = [1, 1]} : vector<1024x2048xf32> to vector<128x128xf32>
    %sub3A_571 = vector.broadcast %slice3A_553 : vector<128x1xf32> to vector<128x128xf32>
    %sub3A_572 = arith.subf %sub3A_571, %slice3A_570 : vector<128x128xf32>
    %lt3A_573 = arith.cmpf olt, %sub3A_572, %select_n3A_566 : vector<128x128xf32>
    %select_n3A_574 = arith.select %lt3A_573, %sub3A_572, %select_n3A_566 : vector<128x128xi1>, vector<128x128xf32>
    %jit3A_575 = arith.constant 2 : i32
    %broadcast_in_dim3A_576 = vector.broadcast %jit3A_575 : i32 to vector<128x128xi32>
    %select_n3A_577 = arith.select %lt3A_573, %broadcast_in_dim3A_576, %select_n3A_569 : vector<128x128xi1>, vector<128x128xi32>
    %slice3A_578 = vector.extract_strided_slice %dot_general3A_41 {offsets = [512, 384], sizes = [128, 128], strides = [1, 1]} : vector<1024x2048xf32> to vector<128x128xf32>
    %sub3A_579 = vector.broadcast %slice3A_553 : vector<128x1xf32> to vector<128x128xf32>
    %sub3A_580 = arith.subf %sub3A_579, %slice3A_578 : vector<128x128xf32>
    %lt3A_581 = arith.cmpf olt, %sub3A_580, %select_n3A_574 : vector<128x128xf32>
    %select_n3A_582 = arith.select %lt3A_581, %sub3A_580, %select_n3A_574 : vector<128x128xi1>, vector<128x128xf32>
    %jit3A_583 = arith.constant 3 : i32
    %broadcast_in_dim3A_584 = vector.broadcast %jit3A_583 : i32 to vector<128x128xi32>
    %select_n3A_585 = arith.select %lt3A_581, %broadcast_in_dim3A_584, %select_n3A_577 : vector<128x128xi1>, vector<128x128xi32>
    %slice3A_586 = vector.extract_strided_slice %dot_general3A_41 {offsets = [512, 512], sizes = [128, 128], strides = [1, 1]} : vector<1024x2048xf32> to vector<128x128xf32>
    %sub3A_587 = vector.broadcast %slice3A_553 : vector<128x1xf32> to vector<128x128xf32>
    %sub3A_588 = arith.subf %sub3A_587, %slice3A_586 : vector<128x128xf32>
    %lt3A_589 = arith.cmpf olt, %sub3A_588, %select_n3A_582 : vector<128x128xf32>
    %select_n3A_590 = arith.select %lt3A_589, %sub3A_588, %select_n3A_582 : vector<128x128xi1>, vector<128x128xf32>
    %jit3A_591 = arith.constant 4 : i32
    %broadcast_in_dim3A_592 = vector.broadcast %jit3A_591 : i32 to vector<128x128xi32>
    %select_n3A_593 = arith.select %lt3A_589, %broadcast_in_dim3A_592, %select_n3A_585 : vector<128x128xi1>, vector<128x128xi32>
    %slice3A_594 = vector.extract_strided_slice %dot_general3A_41 {offsets = [512, 640], sizes = [128, 128], strides = [1, 1]} : vector<1024x2048xf32> to vector<128x128xf32>
    %sub3A_595 = vector.broadcast %slice3A_553 : vector<128x1xf32> to vector<128x128xf32>
    %sub3A_596 = arith.subf %sub3A_595, %slice3A_594 : vector<128x128xf32>
    %lt3A_597 = arith.cmpf olt, %sub3A_596, %select_n3A_590 : vector<128x128xf32>
    %select_n3A_598 = arith.select %lt3A_597, %sub3A_596, %select_n3A_590 : vector<128x128xi1>, vector<128x128xf32>
    %jit3A_599 = arith.constant 5 : i32
    %broadcast_in_dim3A_600 = vector.broadcast %jit3A_599 : i32 to vector<128x128xi32>
    %select_n3A_601 = arith.select %lt3A_597, %broadcast_in_dim3A_600, %select_n3A_593 : vector<128x128xi1>, vector<128x128xi32>
    %slice3A_602 = vector.extract_strided_slice %dot_general3A_41 {offsets = [512, 768], sizes = [128, 128], strides = [1, 1]} : vector<1024x2048xf32> to vector<128x128xf32>
    %sub3A_603 = vector.broadcast %slice3A_553 : vector<128x1xf32> to vector<128x128xf32>
    %sub3A_604 = arith.subf %sub3A_603, %slice3A_602 : vector<128x128xf32>
    %lt3A_605 = arith.cmpf olt, %sub3A_604, %select_n3A_598 : vector<128x128xf32>
    %select_n3A_606 = arith.select %lt3A_605, %sub3A_604, %select_n3A_598 : vector<128x128xi1>, vector<128x128xf32>
    %jit3A_607 = arith.constant 6 : i32
    %broadcast_in_dim3A_608 = vector.broadcast %jit3A_607 : i32 to vector<128x128xi32>
    %select_n3A_609 = arith.select %lt3A_605, %broadcast_in_dim3A_608, %select_n3A_601 : vector<128x128xi1>, vector<128x128xi32>
    %slice3A_610 = vector.extract_strided_slice %dot_general3A_41 {offsets = [512, 896], sizes = [128, 128], strides = [1, 1]} : vector<1024x2048xf32> to vector<128x128xf32>
    %sub3A_611 = vector.broadcast %slice3A_553 : vector<128x1xf32> to vector<128x128xf32>
    %sub3A_612 = arith.subf %sub3A_611, %slice3A_610 : vector<128x128xf32>
    %lt3A_613 = arith.cmpf olt, %sub3A_612, %select_n3A_606 : vector<128x128xf32>
    %select_n3A_614 = arith.select %lt3A_613, %sub3A_612, %select_n3A_606 : vector<128x128xi1>, vector<128x128xf32>
    %jit3A_615 = arith.constant 7 : i32
    %broadcast_in_dim3A_616 = vector.broadcast %jit3A_615 : i32 to vector<128x128xi32>
    %select_n3A_617 = arith.select %lt3A_613, %broadcast_in_dim3A_616, %select_n3A_609 : vector<128x128xi1>, vector<128x128xi32>
    %slice3A_618 = vector.extract_strided_slice %dot_general3A_41 {offsets = [512, 1024], sizes = [128, 128], strides = [1, 1]} : vector<1024x2048xf32> to vector<128x128xf32>
    %sub3A_619 = vector.broadcast %slice3A_553 : vector<128x1xf32> to vector<128x128xf32>
    %sub3A_620 = arith.subf %sub3A_619, %slice3A_618 : vector<128x128xf32>
    %lt3A_621 = arith.cmpf olt, %sub3A_620, %select_n3A_614 : vector<128x128xf32>
    %select_n3A_622 = arith.select %lt3A_621, %sub3A_620, %select_n3A_614 : vector<128x128xi1>, vector<128x128xf32>
    %jit3A_623 = arith.constant 8 : i32
    %broadcast_in_dim3A_624 = vector.broadcast %jit3A_623 : i32 to vector<128x128xi32>
    %select_n3A_625 = arith.select %lt3A_621, %broadcast_in_dim3A_624, %select_n3A_617 : vector<128x128xi1>, vector<128x128xi32>
    %slice3A_626 = vector.extract_strided_slice %dot_general3A_41 {offsets = [512, 1152], sizes = [128, 128], strides = [1, 1]} : vector<1024x2048xf32> to vector<128x128xf32>
    %sub3A_627 = vector.broadcast %slice3A_553 : vector<128x1xf32> to vector<128x128xf32>
    %sub3A_628 = arith.subf %sub3A_627, %slice3A_626 : vector<128x128xf32>
    %lt3A_629 = arith.cmpf olt, %sub3A_628, %select_n3A_622 : vector<128x128xf32>
    %select_n3A_630 = arith.select %lt3A_629, %sub3A_628, %select_n3A_622 : vector<128x128xi1>, vector<128x128xf32>
    %jit3A_631 = arith.constant 9 : i32
    %broadcast_in_dim3A_632 = vector.broadcast %jit3A_631 : i32 to vector<128x128xi32>
    %select_n3A_633 = arith.select %lt3A_629, %broadcast_in_dim3A_632, %select_n3A_625 : vector<128x128xi1>, vector<128x128xi32>
    %slice3A_634 = vector.extract_strided_slice %dot_general3A_41 {offsets = [512, 1280], sizes = [128, 128], strides = [1, 1]} : vector<1024x2048xf32> to vector<128x128xf32>
    %sub3A_635 = vector.broadcast %slice3A_553 : vector<128x1xf32> to vector<128x128xf32>
    %sub3A_636 = arith.subf %sub3A_635, %slice3A_634 : vector<128x128xf32>
    %lt3A_637 = arith.cmpf olt, %sub3A_636, %select_n3A_630 : vector<128x128xf32>
    %select_n3A_638 = arith.select %lt3A_637, %sub3A_636, %select_n3A_630 : vector<128x128xi1>, vector<128x128xf32>
    %jit3A_639 = arith.constant 10 : i32
    %broadcast_in_dim3A_640 = vector.broadcast %jit3A_639 : i32 to vector<128x128xi32>
    %select_n3A_641 = arith.select %lt3A_637, %broadcast_in_dim3A_640, %select_n3A_633 : vector<128x128xi1>, vector<128x128xi32>
    %slice3A_642 = vector.extract_strided_slice %dot_general3A_41 {offsets = [512, 1408], sizes = [128, 128], strides = [1, 1]} : vector<1024x2048xf32> to vector<128x128xf32>
    %sub3A_643 = vector.broadcast %slice3A_553 : vector<128x1xf32> to vector<128x128xf32>
    %sub3A_644 = arith.subf %sub3A_643, %slice3A_642 : vector<128x128xf32>
    %lt3A_645 = arith.cmpf olt, %sub3A_644, %select_n3A_638 : vector<128x128xf32>
    %select_n3A_646 = arith.select %lt3A_645, %sub3A_644, %select_n3A_638 : vector<128x128xi1>, vector<128x128xf32>
    %jit3A_647 = arith.constant 11 : i32
    %broadcast_in_dim3A_648 = vector.broadcast %jit3A_647 : i32 to vector<128x128xi32>
    %select_n3A_649 = arith.select %lt3A_645, %broadcast_in_dim3A_648, %select_n3A_641 : vector<128x128xi1>, vector<128x128xi32>
    %slice3A_650 = vector.extract_strided_slice %dot_general3A_41 {offsets = [512, 1536], sizes = [128, 128], strides = [1, 1]} : vector<1024x2048xf32> to vector<128x128xf32>
    %sub3A_651 = vector.broadcast %slice3A_553 : vector<128x1xf32> to vector<128x128xf32>
    %sub3A_652 = arith.subf %sub3A_651, %slice3A_650 : vector<128x128xf32>
    %lt3A_653 = arith.cmpf olt, %sub3A_652, %select_n3A_646 : vector<128x128xf32>
    %select_n3A_654 = arith.select %lt3A_653, %sub3A_652, %select_n3A_646 : vector<128x128xi1>, vector<128x128xf32>
    %jit3A_655 = arith.constant 12 : i32
    %broadcast_in_dim3A_656 = vector.broadcast %jit3A_655 : i32 to vector<128x128xi32>
    %select_n3A_657 = arith.select %lt3A_653, %broadcast_in_dim3A_656, %select_n3A_649 : vector<128x128xi1>, vector<128x128xi32>
    %slice3A_658 = vector.extract_strided_slice %dot_general3A_41 {offsets = [512, 1664], sizes = [128, 128], strides = [1, 1]} : vector<1024x2048xf32> to vector<128x128xf32>
    %sub3A_659 = vector.broadcast %slice3A_553 : vector<128x1xf32> to vector<128x128xf32>
    %sub3A_660 = arith.subf %sub3A_659, %slice3A_658 : vector<128x128xf32>
    %lt3A_661 = arith.cmpf olt, %sub3A_660, %select_n3A_654 : vector<128x128xf32>
    %select_n3A_662 = arith.select %lt3A_661, %sub3A_660, %select_n3A_654 : vector<128x128xi1>, vector<128x128xf32>
    %jit3A_663 = arith.constant 13 : i32
    %broadcast_in_dim3A_664 = vector.broadcast %jit3A_663 : i32 to vector<128x128xi32>
    %select_n3A_665 = arith.select %lt3A_661, %broadcast_in_dim3A_664, %select_n3A_657 : vector<128x128xi1>, vector<128x128xi32>
    %slice3A_666 = vector.extract_strided_slice %dot_general3A_41 {offsets = [512, 1792], sizes = [128, 128], strides = [1, 1]} : vector<1024x2048xf32> to vector<128x128xf32>
    %sub3A_667 = vector.broadcast %slice3A_553 : vector<128x1xf32> to vector<128x128xf32>
    %sub3A_668 = arith.subf %sub3A_667, %slice3A_666 : vector<128x128xf32>
    %lt3A_669 = arith.cmpf olt, %sub3A_668, %select_n3A_662 : vector<128x128xf32>
    %select_n3A_670 = arith.select %lt3A_669, %sub3A_668, %select_n3A_662 : vector<128x128xi1>, vector<128x128xf32>
    %jit3A_671 = arith.constant 14 : i32
    %broadcast_in_dim3A_672 = vector.broadcast %jit3A_671 : i32 to vector<128x128xi32>
    %select_n3A_673 = arith.select %lt3A_669, %broadcast_in_dim3A_672, %select_n3A_665 : vector<128x128xi1>, vector<128x128xi32>
    %slice3A_674 = vector.extract_strided_slice %dot_general3A_41 {offsets = [512, 1920], sizes = [128, 128], strides = [1, 1]} : vector<1024x2048xf32> to vector<128x128xf32>
    %sub3A_675 = vector.broadcast %slice3A_553 : vector<128x1xf32> to vector<128x128xf32>
    %sub3A_676 = arith.subf %sub3A_675, %slice3A_674 : vector<128x128xf32>
    %lt3A_677 = arith.cmpf olt, %sub3A_676, %select_n3A_670 : vector<128x128xf32>
    %select_n3A_678 = arith.select %lt3A_677, %sub3A_676, %select_n3A_670 : vector<128x128xi1>, vector<128x128xf32>
    %jit3A_679 = arith.constant 15 : i32
    %broadcast_in_dim3A_680 = vector.broadcast %jit3A_679 : i32 to vector<128x128xi32>
    %select_n3A_681 = arith.select %lt3A_677, %broadcast_in_dim3A_680, %select_n3A_673 : vector<128x128xi1>, vector<128x128xi32>
    %slice3A_682 = vector.extract_strided_slice %broadcast_in_dim3A {offsets = [640, 0], sizes = [128, 1], strides = [1, 1]} : vector<1024x1xf32> to vector<128x1xf32>
    %slice3A_683 = vector.extract_strided_slice %dot_general3A_41 {offsets = [640, 0], sizes = [128, 128], strides = [1, 1]} : vector<1024x2048xf32> to vector<128x128xf32>
    %sub3A_684 = vector.broadcast %slice3A_682 : vector<128x1xf32> to vector<128x128xf32>
    %sub3A_685 = arith.subf %sub3A_684, %slice3A_683 : vector<128x128xf32>
    %lt3A_686 = arith.cmpf olt, %sub3A_685, %broadcast_in_dim3A_27 : vector<128x128xf32>
    %select_n3A_687 = arith.select %lt3A_686, %sub3A_685, %broadcast_in_dim3A_27 : vector<128x128xi1>, vector<128x128xf32>
    %jit3A_688 = arith.constant 0 : i32
    %broadcast_in_dim3A_689 = vector.broadcast %jit3A_688 : i32 to vector<128x128xi32>
    %select_n3A_690 = arith.select %lt3A_686, %broadcast_in_dim3A_689, %broadcast_in_dim3A_29 : vector<128x128xi1>, vector<128x128xi32>
    %slice3A_691 = vector.extract_strided_slice %dot_general3A_41 {offsets = [640, 128], sizes = [128, 128], strides = [1, 1]} : vector<1024x2048xf32> to vector<128x128xf32>
    %sub3A_692 = vector.broadcast %slice3A_682 : vector<128x1xf32> to vector<128x128xf32>
    %sub3A_693 = arith.subf %sub3A_692, %slice3A_691 : vector<128x128xf32>
    %lt3A_694 = arith.cmpf olt, %sub3A_693, %select_n3A_687 : vector<128x128xf32>
    %select_n3A_695 = arith.select %lt3A_694, %sub3A_693, %select_n3A_687 : vector<128x128xi1>, vector<128x128xf32>
    %jit3A_696 = arith.constant 1 : i32
    %broadcast_in_dim3A_697 = vector.broadcast %jit3A_696 : i32 to vector<128x128xi32>
    %select_n3A_698 = arith.select %lt3A_694, %broadcast_in_dim3A_697, %select_n3A_690 : vector<128x128xi1>, vector<128x128xi32>
    %slice3A_699 = vector.extract_strided_slice %dot_general3A_41 {offsets = [640, 256], sizes = [128, 128], strides = [1, 1]} : vector<1024x2048xf32> to vector<128x128xf32>
    %sub3A_700 = vector.broadcast %slice3A_682 : vector<128x1xf32> to vector<128x128xf32>
    %sub3A_701 = arith.subf %sub3A_700, %slice3A_699 : vector<128x128xf32>
    %lt3A_702 = arith.cmpf olt, %sub3A_701, %select_n3A_695 : vector<128x128xf32>
    %select_n3A_703 = arith.select %lt3A_702, %sub3A_701, %select_n3A_695 : vector<128x128xi1>, vector<128x128xf32>
    %jit3A_704 = arith.constant 2 : i32
    %broadcast_in_dim3A_705 = vector.broadcast %jit3A_704 : i32 to vector<128x128xi32>
    %select_n3A_706 = arith.select %lt3A_702, %broadcast_in_dim3A_705, %select_n3A_698 : vector<128x128xi1>, vector<128x128xi32>
    %slice3A_707 = vector.extract_strided_slice %dot_general3A_41 {offsets = [640, 384], sizes = [128, 128], strides = [1, 1]} : vector<1024x2048xf32> to vector<128x128xf32>
    %sub3A_708 = vector.broadcast %slice3A_682 : vector<128x1xf32> to vector<128x128xf32>
    %sub3A_709 = arith.subf %sub3A_708, %slice3A_707 : vector<128x128xf32>
    %lt3A_710 = arith.cmpf olt, %sub3A_709, %select_n3A_703 : vector<128x128xf32>
    %select_n3A_711 = arith.select %lt3A_710, %sub3A_709, %select_n3A_703 : vector<128x128xi1>, vector<128x128xf32>
    %jit3A_712 = arith.constant 3 : i32
    %broadcast_in_dim3A_713 = vector.broadcast %jit3A_712 : i32 to vector<128x128xi32>
    %select_n3A_714 = arith.select %lt3A_710, %broadcast_in_dim3A_713, %select_n3A_706 : vector<128x128xi1>, vector<128x128xi32>
    %slice3A_715 = vector.extract_strided_slice %dot_general3A_41 {offsets = [640, 512], sizes = [128, 128], strides = [1, 1]} : vector<1024x2048xf32> to vector<128x128xf32>
    %sub3A_716 = vector.broadcast %slice3A_682 : vector<128x1xf32> to vector<128x128xf32>
    %sub3A_717 = arith.subf %sub3A_716, %slice3A_715 : vector<128x128xf32>
    %lt3A_718 = arith.cmpf olt, %sub3A_717, %select_n3A_711 : vector<128x128xf32>
    %select_n3A_719 = arith.select %lt3A_718, %sub3A_717, %select_n3A_711 : vector<128x128xi1>, vector<128x128xf32>
    %jit3A_720 = arith.constant 4 : i32
    %broadcast_in_dim3A_721 = vector.broadcast %jit3A_720 : i32 to vector<128x128xi32>
    %select_n3A_722 = arith.select %lt3A_718, %broadcast_in_dim3A_721, %select_n3A_714 : vector<128x128xi1>, vector<128x128xi32>
    %slice3A_723 = vector.extract_strided_slice %dot_general3A_41 {offsets = [640, 640], sizes = [128, 128], strides = [1, 1]} : vector<1024x2048xf32> to vector<128x128xf32>
    %sub3A_724 = vector.broadcast %slice3A_682 : vector<128x1xf32> to vector<128x128xf32>
    %sub3A_725 = arith.subf %sub3A_724, %slice3A_723 : vector<128x128xf32>
    %lt3A_726 = arith.cmpf olt, %sub3A_725, %select_n3A_719 : vector<128x128xf32>
    %select_n3A_727 = arith.select %lt3A_726, %sub3A_725, %select_n3A_719 : vector<128x128xi1>, vector<128x128xf32>
    %jit3A_728 = arith.constant 5 : i32
    %broadcast_in_dim3A_729 = vector.broadcast %jit3A_728 : i32 to vector<128x128xi32>
    %select_n3A_730 = arith.select %lt3A_726, %broadcast_in_dim3A_729, %select_n3A_722 : vector<128x128xi1>, vector<128x128xi32>
    %slice3A_731 = vector.extract_strided_slice %dot_general3A_41 {offsets = [640, 768], sizes = [128, 128], strides = [1, 1]} : vector<1024x2048xf32> to vector<128x128xf32>
    %sub3A_732 = vector.broadcast %slice3A_682 : vector<128x1xf32> to vector<128x128xf32>
    %sub3A_733 = arith.subf %sub3A_732, %slice3A_731 : vector<128x128xf32>
    %lt3A_734 = arith.cmpf olt, %sub3A_733, %select_n3A_727 : vector<128x128xf32>
    %select_n3A_735 = arith.select %lt3A_734, %sub3A_733, %select_n3A_727 : vector<128x128xi1>, vector<128x128xf32>
    %jit3A_736 = arith.constant 6 : i32
    %broadcast_in_dim3A_737 = vector.broadcast %jit3A_736 : i32 to vector<128x128xi32>
    %select_n3A_738 = arith.select %lt3A_734, %broadcast_in_dim3A_737, %select_n3A_730 : vector<128x128xi1>, vector<128x128xi32>
    %slice3A_739 = vector.extract_strided_slice %dot_general3A_41 {offsets = [640, 896], sizes = [128, 128], strides = [1, 1]} : vector<1024x2048xf32> to vector<128x128xf32>
    %sub3A_740 = vector.broadcast %slice3A_682 : vector<128x1xf32> to vector<128x128xf32>
    %sub3A_741 = arith.subf %sub3A_740, %slice3A_739 : vector<128x128xf32>
    %lt3A_742 = arith.cmpf olt, %sub3A_741, %select_n3A_735 : vector<128x128xf32>
    %select_n3A_743 = arith.select %lt3A_742, %sub3A_741, %select_n3A_735 : vector<128x128xi1>, vector<128x128xf32>
    %jit3A_744 = arith.constant 7 : i32
    %broadcast_in_dim3A_745 = vector.broadcast %jit3A_744 : i32 to vector<128x128xi32>
    %select_n3A_746 = arith.select %lt3A_742, %broadcast_in_dim3A_745, %select_n3A_738 : vector<128x128xi1>, vector<128x128xi32>
    %slice3A_747 = vector.extract_strided_slice %dot_general3A_41 {offsets = [640, 1024], sizes = [128, 128], strides = [1, 1]} : vector<1024x2048xf32> to vector<128x128xf32>
    %sub3A_748 = vector.broadcast %slice3A_682 : vector<128x1xf32> to vector<128x128xf32>
    %sub3A_749 = arith.subf %sub3A_748, %slice3A_747 : vector<128x128xf32>
    %lt3A_750 = arith.cmpf olt, %sub3A_749, %select_n3A_743 : vector<128x128xf32>
    %select_n3A_751 = arith.select %lt3A_750, %sub3A_749, %select_n3A_743 : vector<128x128xi1>, vector<128x128xf32>
    %jit3A_752 = arith.constant 8 : i32
    %broadcast_in_dim3A_753 = vector.broadcast %jit3A_752 : i32 to vector<128x128xi32>
    %select_n3A_754 = arith.select %lt3A_750, %broadcast_in_dim3A_753, %select_n3A_746 : vector<128x128xi1>, vector<128x128xi32>
    %slice3A_755 = vector.extract_strided_slice %dot_general3A_41 {offsets = [640, 1152], sizes = [128, 128], strides = [1, 1]} : vector<1024x2048xf32> to vector<128x128xf32>
    %sub3A_756 = vector.broadcast %slice3A_682 : vector<128x1xf32> to vector<128x128xf32>
    %sub3A_757 = arith.subf %sub3A_756, %slice3A_755 : vector<128x128xf32>
    %lt3A_758 = arith.cmpf olt, %sub3A_757, %select_n3A_751 : vector<128x128xf32>
    %select_n3A_759 = arith.select %lt3A_758, %sub3A_757, %select_n3A_751 : vector<128x128xi1>, vector<128x128xf32>
    %jit3A_760 = arith.constant 9 : i32
    %broadcast_in_dim3A_761 = vector.broadcast %jit3A_760 : i32 to vector<128x128xi32>
    %select_n3A_762 = arith.select %lt3A_758, %broadcast_in_dim3A_761, %select_n3A_754 : vector<128x128xi1>, vector<128x128xi32>
    %slice3A_763 = vector.extract_strided_slice %dot_general3A_41 {offsets = [640, 1280], sizes = [128, 128], strides = [1, 1]} : vector<1024x2048xf32> to vector<128x128xf32>
    %sub3A_764 = vector.broadcast %slice3A_682 : vector<128x1xf32> to vector<128x128xf32>
    %sub3A_765 = arith.subf %sub3A_764, %slice3A_763 : vector<128x128xf32>
    %lt3A_766 = arith.cmpf olt, %sub3A_765, %select_n3A_759 : vector<128x128xf32>
    %select_n3A_767 = arith.select %lt3A_766, %sub3A_765, %select_n3A_759 : vector<128x128xi1>, vector<128x128xf32>
    %jit3A_768 = arith.constant 10 : i32
    %broadcast_in_dim3A_769 = vector.broadcast %jit3A_768 : i32 to vector<128x128xi32>
    %select_n3A_770 = arith.select %lt3A_766, %broadcast_in_dim3A_769, %select_n3A_762 : vector<128x128xi1>, vector<128x128xi32>
    %slice3A_771 = vector.extract_strided_slice %dot_general3A_41 {offsets = [640, 1408], sizes = [128, 128], strides = [1, 1]} : vector<1024x2048xf32> to vector<128x128xf32>
    %sub3A_772 = vector.broadcast %slice3A_682 : vector<128x1xf32> to vector<128x128xf32>
    %sub3A_773 = arith.subf %sub3A_772, %slice3A_771 : vector<128x128xf32>
    %lt3A_774 = arith.cmpf olt, %sub3A_773, %select_n3A_767 : vector<128x128xf32>
    %select_n3A_775 = arith.select %lt3A_774, %sub3A_773, %select_n3A_767 : vector<128x128xi1>, vector<128x128xf32>
    %jit3A_776 = arith.constant 11 : i32
    %broadcast_in_dim3A_777 = vector.broadcast %jit3A_776 : i32 to vector<128x128xi32>
    %select_n3A_778 = arith.select %lt3A_774, %broadcast_in_dim3A_777, %select_n3A_770 : vector<128x128xi1>, vector<128x128xi32>
    %slice3A_779 = vector.extract_strided_slice %dot_general3A_41 {offsets = [640, 1536], sizes = [128, 128], strides = [1, 1]} : vector<1024x2048xf32> to vector<128x128xf32>
    %sub3A_780 = vector.broadcast %slice3A_682 : vector<128x1xf32> to vector<128x128xf32>
    %sub3A_781 = arith.subf %sub3A_780, %slice3A_779 : vector<128x128xf32>
    %lt3A_782 = arith.cmpf olt, %sub3A_781, %select_n3A_775 : vector<128x128xf32>
    %select_n3A_783 = arith.select %lt3A_782, %sub3A_781, %select_n3A_775 : vector<128x128xi1>, vector<128x128xf32>
    %jit3A_784 = arith.constant 12 : i32
    %broadcast_in_dim3A_785 = vector.broadcast %jit3A_784 : i32 to vector<128x128xi32>
    %select_n3A_786 = arith.select %lt3A_782, %broadcast_in_dim3A_785, %select_n3A_778 : vector<128x128xi1>, vector<128x128xi32>
    %slice3A_787 = vector.extract_strided_slice %dot_general3A_41 {offsets = [640, 1664], sizes = [128, 128], strides = [1, 1]} : vector<1024x2048xf32> to vector<128x128xf32>
    %sub3A_788 = vector.broadcast %slice3A_682 : vector<128x1xf32> to vector<128x128xf32>
    %sub3A_789 = arith.subf %sub3A_788, %slice3A_787 : vector<128x128xf32>
    %lt3A_790 = arith.cmpf olt, %sub3A_789, %select_n3A_783 : vector<128x128xf32>
    %select_n3A_791 = arith.select %lt3A_790, %sub3A_789, %select_n3A_783 : vector<128x128xi1>, vector<128x128xf32>
    %jit3A_792 = arith.constant 13 : i32
    %broadcast_in_dim3A_793 = vector.broadcast %jit3A_792 : i32 to vector<128x128xi32>
    %select_n3A_794 = arith.select %lt3A_790, %broadcast_in_dim3A_793, %select_n3A_786 : vector<128x128xi1>, vector<128x128xi32>
    %slice3A_795 = vector.extract_strided_slice %dot_general3A_41 {offsets = [640, 1792], sizes = [128, 128], strides = [1, 1]} : vector<1024x2048xf32> to vector<128x128xf32>
    %sub3A_796 = vector.broadcast %slice3A_682 : vector<128x1xf32> to vector<128x128xf32>
    %sub3A_797 = arith.subf %sub3A_796, %slice3A_795 : vector<128x128xf32>
    %lt3A_798 = arith.cmpf olt, %sub3A_797, %select_n3A_791 : vector<128x128xf32>
    %select_n3A_799 = arith.select %lt3A_798, %sub3A_797, %select_n3A_791 : vector<128x128xi1>, vector<128x128xf32>
    %jit3A_800 = arith.constant 14 : i32
    %broadcast_in_dim3A_801 = vector.broadcast %jit3A_800 : i32 to vector<128x128xi32>
    %select_n3A_802 = arith.select %lt3A_798, %broadcast_in_dim3A_801, %select_n3A_794 : vector<128x128xi1>, vector<128x128xi32>
    %slice3A_803 = vector.extract_strided_slice %dot_general3A_41 {offsets = [640, 1920], sizes = [128, 128], strides = [1, 1]} : vector<1024x2048xf32> to vector<128x128xf32>
    %sub3A_804 = vector.broadcast %slice3A_682 : vector<128x1xf32> to vector<128x128xf32>
    %sub3A_805 = arith.subf %sub3A_804, %slice3A_803 : vector<128x128xf32>
    %lt3A_806 = arith.cmpf olt, %sub3A_805, %select_n3A_799 : vector<128x128xf32>
    %select_n3A_807 = arith.select %lt3A_806, %sub3A_805, %select_n3A_799 : vector<128x128xi1>, vector<128x128xf32>
    %jit3A_808 = arith.constant 15 : i32
    %broadcast_in_dim3A_809 = vector.broadcast %jit3A_808 : i32 to vector<128x128xi32>
    %select_n3A_810 = arith.select %lt3A_806, %broadcast_in_dim3A_809, %select_n3A_802 : vector<128x128xi1>, vector<128x128xi32>
    %slice3A_811 = vector.extract_strided_slice %broadcast_in_dim3A {offsets = [768, 0], sizes = [128, 1], strides = [1, 1]} : vector<1024x1xf32> to vector<128x1xf32>
    %slice3A_812 = vector.extract_strided_slice %dot_general3A_41 {offsets = [768, 0], sizes = [128, 128], strides = [1, 1]} : vector<1024x2048xf32> to vector<128x128xf32>
    %sub3A_813 = vector.broadcast %slice3A_811 : vector<128x1xf32> to vector<128x128xf32>
    %sub3A_814 = arith.subf %sub3A_813, %slice3A_812 : vector<128x128xf32>
    %lt3A_815 = arith.cmpf olt, %sub3A_814, %broadcast_in_dim3A_31 : vector<128x128xf32>
    %select_n3A_816 = arith.select %lt3A_815, %sub3A_814, %broadcast_in_dim3A_31 : vector<128x128xi1>, vector<128x128xf32>
    %jit3A_817 = arith.constant 0 : i32
    %broadcast_in_dim3A_818 = vector.broadcast %jit3A_817 : i32 to vector<128x128xi32>
    %select_n3A_819 = arith.select %lt3A_815, %broadcast_in_dim3A_818, %broadcast_in_dim3A_33 : vector<128x128xi1>, vector<128x128xi32>
    %slice3A_820 = vector.extract_strided_slice %dot_general3A_41 {offsets = [768, 128], sizes = [128, 128], strides = [1, 1]} : vector<1024x2048xf32> to vector<128x128xf32>
    %sub3A_821 = vector.broadcast %slice3A_811 : vector<128x1xf32> to vector<128x128xf32>
    %sub3A_822 = arith.subf %sub3A_821, %slice3A_820 : vector<128x128xf32>
    %lt3A_823 = arith.cmpf olt, %sub3A_822, %select_n3A_816 : vector<128x128xf32>
    %select_n3A_824 = arith.select %lt3A_823, %sub3A_822, %select_n3A_816 : vector<128x128xi1>, vector<128x128xf32>
    %jit3A_825 = arith.constant 1 : i32
    %broadcast_in_dim3A_826 = vector.broadcast %jit3A_825 : i32 to vector<128x128xi32>
    %select_n3A_827 = arith.select %lt3A_823, %broadcast_in_dim3A_826, %select_n3A_819 : vector<128x128xi1>, vector<128x128xi32>
    %slice3A_828 = vector.extract_strided_slice %dot_general3A_41 {offsets = [768, 256], sizes = [128, 128], strides = [1, 1]} : vector<1024x2048xf32> to vector<128x128xf32>
    %sub3A_829 = vector.broadcast %slice3A_811 : vector<128x1xf32> to vector<128x128xf32>
    %sub3A_830 = arith.subf %sub3A_829, %slice3A_828 : vector<128x128xf32>
    %lt3A_831 = arith.cmpf olt, %sub3A_830, %select_n3A_824 : vector<128x128xf32>
    %select_n3A_832 = arith.select %lt3A_831, %sub3A_830, %select_n3A_824 : vector<128x128xi1>, vector<128x128xf32>
    %jit3A_833 = arith.constant 2 : i32
    %broadcast_in_dim3A_834 = vector.broadcast %jit3A_833 : i32 to vector<128x128xi32>
    %select_n3A_835 = arith.select %lt3A_831, %broadcast_in_dim3A_834, %select_n3A_827 : vector<128x128xi1>, vector<128x128xi32>
    %slice3A_836 = vector.extract_strided_slice %dot_general3A_41 {offsets = [768, 384], sizes = [128, 128], strides = [1, 1]} : vector<1024x2048xf32> to vector<128x128xf32>
    %sub3A_837 = vector.broadcast %slice3A_811 : vector<128x1xf32> to vector<128x128xf32>
    %sub3A_838 = arith.subf %sub3A_837, %slice3A_836 : vector<128x128xf32>
    %lt3A_839 = arith.cmpf olt, %sub3A_838, %select_n3A_832 : vector<128x128xf32>
    %select_n3A_840 = arith.select %lt3A_839, %sub3A_838, %select_n3A_832 : vector<128x128xi1>, vector<128x128xf32>
    %jit3A_841 = arith.constant 3 : i32
    %broadcast_in_dim3A_842 = vector.broadcast %jit3A_841 : i32 to vector<128x128xi32>
    %select_n3A_843 = arith.select %lt3A_839, %broadcast_in_dim3A_842, %select_n3A_835 : vector<128x128xi1>, vector<128x128xi32>
    %slice3A_844 = vector.extract_strided_slice %dot_general3A_41 {offsets = [768, 512], sizes = [128, 128], strides = [1, 1]} : vector<1024x2048xf32> to vector<128x128xf32>
    %sub3A_845 = vector.broadcast %slice3A_811 : vector<128x1xf32> to vector<128x128xf32>
    %sub3A_846 = arith.subf %sub3A_845, %slice3A_844 : vector<128x128xf32>
    %lt3A_847 = arith.cmpf olt, %sub3A_846, %select_n3A_840 : vector<128x128xf32>
    %select_n3A_848 = arith.select %lt3A_847, %sub3A_846, %select_n3A_840 : vector<128x128xi1>, vector<128x128xf32>
    %jit3A_849 = arith.constant 4 : i32
    %broadcast_in_dim3A_850 = vector.broadcast %jit3A_849 : i32 to vector<128x128xi32>
    %select_n3A_851 = arith.select %lt3A_847, %broadcast_in_dim3A_850, %select_n3A_843 : vector<128x128xi1>, vector<128x128xi32>
    %slice3A_852 = vector.extract_strided_slice %dot_general3A_41 {offsets = [768, 640], sizes = [128, 128], strides = [1, 1]} : vector<1024x2048xf32> to vector<128x128xf32>
    %sub3A_853 = vector.broadcast %slice3A_811 : vector<128x1xf32> to vector<128x128xf32>
    %sub3A_854 = arith.subf %sub3A_853, %slice3A_852 : vector<128x128xf32>
    %lt3A_855 = arith.cmpf olt, %sub3A_854, %select_n3A_848 : vector<128x128xf32>
    %select_n3A_856 = arith.select %lt3A_855, %sub3A_854, %select_n3A_848 : vector<128x128xi1>, vector<128x128xf32>
    %jit3A_857 = arith.constant 5 : i32
    %broadcast_in_dim3A_858 = vector.broadcast %jit3A_857 : i32 to vector<128x128xi32>
    %select_n3A_859 = arith.select %lt3A_855, %broadcast_in_dim3A_858, %select_n3A_851 : vector<128x128xi1>, vector<128x128xi32>
    %slice3A_860 = vector.extract_strided_slice %dot_general3A_41 {offsets = [768, 768], sizes = [128, 128], strides = [1, 1]} : vector<1024x2048xf32> to vector<128x128xf32>
    %sub3A_861 = vector.broadcast %slice3A_811 : vector<128x1xf32> to vector<128x128xf32>
    %sub3A_862 = arith.subf %sub3A_861, %slice3A_860 : vector<128x128xf32>
    %lt3A_863 = arith.cmpf olt, %sub3A_862, %select_n3A_856 : vector<128x128xf32>
    %select_n3A_864 = arith.select %lt3A_863, %sub3A_862, %select_n3A_856 : vector<128x128xi1>, vector<128x128xf32>
    %jit3A_865 = arith.constant 6 : i32
    %broadcast_in_dim3A_866 = vector.broadcast %jit3A_865 : i32 to vector<128x128xi32>
    %select_n3A_867 = arith.select %lt3A_863, %broadcast_in_dim3A_866, %select_n3A_859 : vector<128x128xi1>, vector<128x128xi32>
    %slice3A_868 = vector.extract_strided_slice %dot_general3A_41 {offsets = [768, 896], sizes = [128, 128], strides = [1, 1]} : vector<1024x2048xf32> to vector<128x128xf32>
    %sub3A_869 = vector.broadcast %slice3A_811 : vector<128x1xf32> to vector<128x128xf32>
    %sub3A_870 = arith.subf %sub3A_869, %slice3A_868 : vector<128x128xf32>
    %lt3A_871 = arith.cmpf olt, %sub3A_870, %select_n3A_864 : vector<128x128xf32>
    %select_n3A_872 = arith.select %lt3A_871, %sub3A_870, %select_n3A_864 : vector<128x128xi1>, vector<128x128xf32>
    %jit3A_873 = arith.constant 7 : i32
    %broadcast_in_dim3A_874 = vector.broadcast %jit3A_873 : i32 to vector<128x128xi32>
    %select_n3A_875 = arith.select %lt3A_871, %broadcast_in_dim3A_874, %select_n3A_867 : vector<128x128xi1>, vector<128x128xi32>
    %slice3A_876 = vector.extract_strided_slice %dot_general3A_41 {offsets = [768, 1024], sizes = [128, 128], strides = [1, 1]} : vector<1024x2048xf32> to vector<128x128xf32>
    %sub3A_877 = vector.broadcast %slice3A_811 : vector<128x1xf32> to vector<128x128xf32>
    %sub3A_878 = arith.subf %sub3A_877, %slice3A_876 : vector<128x128xf32>
    %lt3A_879 = arith.cmpf olt, %sub3A_878, %select_n3A_872 : vector<128x128xf32>
    %select_n3A_880 = arith.select %lt3A_879, %sub3A_878, %select_n3A_872 : vector<128x128xi1>, vector<128x128xf32>
    %jit3A_881 = arith.constant 8 : i32
    %broadcast_in_dim3A_882 = vector.broadcast %jit3A_881 : i32 to vector<128x128xi32>
    %select_n3A_883 = arith.select %lt3A_879, %broadcast_in_dim3A_882, %select_n3A_875 : vector<128x128xi1>, vector<128x128xi32>
    %slice3A_884 = vector.extract_strided_slice %dot_general3A_41 {offsets = [768, 1152], sizes = [128, 128], strides = [1, 1]} : vector<1024x2048xf32> to vector<128x128xf32>
    %sub3A_885 = vector.broadcast %slice3A_811 : vector<128x1xf32> to vector<128x128xf32>
    %sub3A_886 = arith.subf %sub3A_885, %slice3A_884 : vector<128x128xf32>
    %lt3A_887 = arith.cmpf olt, %sub3A_886, %select_n3A_880 : vector<128x128xf32>
    %select_n3A_888 = arith.select %lt3A_887, %sub3A_886, %select_n3A_880 : vector<128x128xi1>, vector<128x128xf32>
    %jit3A_889 = arith.constant 9 : i32
    %broadcast_in_dim3A_890 = vector.broadcast %jit3A_889 : i32 to vector<128x128xi32>
    %select_n3A_891 = arith.select %lt3A_887, %broadcast_in_dim3A_890, %select_n3A_883 : vector<128x128xi1>, vector<128x128xi32>
    %slice3A_892 = vector.extract_strided_slice %dot_general3A_41 {offsets = [768, 1280], sizes = [128, 128], strides = [1, 1]} : vector<1024x2048xf32> to vector<128x128xf32>
    %sub3A_893 = vector.broadcast %slice3A_811 : vector<128x1xf32> to vector<128x128xf32>
    %sub3A_894 = arith.subf %sub3A_893, %slice3A_892 : vector<128x128xf32>
    %lt3A_895 = arith.cmpf olt, %sub3A_894, %select_n3A_888 : vector<128x128xf32>
    %select_n3A_896 = arith.select %lt3A_895, %sub3A_894, %select_n3A_888 : vector<128x128xi1>, vector<128x128xf32>
    %jit3A_897 = arith.constant 10 : i32
    %broadcast_in_dim3A_898 = vector.broadcast %jit3A_897 : i32 to vector<128x128xi32>
    %select_n3A_899 = arith.select %lt3A_895, %broadcast_in_dim3A_898, %select_n3A_891 : vector<128x128xi1>, vector<128x128xi32>
    %slice3A_900 = vector.extract_strided_slice %dot_general3A_41 {offsets = [768, 1408], sizes = [128, 128], strides = [1, 1]} : vector<1024x2048xf32> to vector<128x128xf32>
    %sub3A_901 = vector.broadcast %slice3A_811 : vector<128x1xf32> to vector<128x128xf32>
    %sub3A_902 = arith.subf %sub3A_901, %slice3A_900 : vector<128x128xf32>
    %lt3A_903 = arith.cmpf olt, %sub3A_902, %select_n3A_896 : vector<128x128xf32>
    %select_n3A_904 = arith.select %lt3A_903, %sub3A_902, %select_n3A_896 : vector<128x128xi1>, vector<128x128xf32>
    %jit3A_905 = arith.constant 11 : i32
    %broadcast_in_dim3A_906 = vector.broadcast %jit3A_905 : i32 to vector<128x128xi32>
    %select_n3A_907 = arith.select %lt3A_903, %broadcast_in_dim3A_906, %select_n3A_899 : vector<128x128xi1>, vector<128x128xi32>
    %slice3A_908 = vector.extract_strided_slice %dot_general3A_41 {offsets = [768, 1536], sizes = [128, 128], strides = [1, 1]} : vector<1024x2048xf32> to vector<128x128xf32>
    %sub3A_909 = vector.broadcast %slice3A_811 : vector<128x1xf32> to vector<128x128xf32>
    %sub3A_910 = arith.subf %sub3A_909, %slice3A_908 : vector<128x128xf32>
    %lt3A_911 = arith.cmpf olt, %sub3A_910, %select_n3A_904 : vector<128x128xf32>
    %select_n3A_912 = arith.select %lt3A_911, %sub3A_910, %select_n3A_904 : vector<128x128xi1>, vector<128x128xf32>
    %jit3A_913 = arith.constant 12 : i32
    %broadcast_in_dim3A_914 = vector.broadcast %jit3A_913 : i32 to vector<128x128xi32>
    %select_n3A_915 = arith.select %lt3A_911, %broadcast_in_dim3A_914, %select_n3A_907 : vector<128x128xi1>, vector<128x128xi32>
    %slice3A_916 = vector.extract_strided_slice %dot_general3A_41 {offsets = [768, 1664], sizes = [128, 128], strides = [1, 1]} : vector<1024x2048xf32> to vector<128x128xf32>
    %sub3A_917 = vector.broadcast %slice3A_811 : vector<128x1xf32> to vector<128x128xf32>
    %sub3A_918 = arith.subf %sub3A_917, %slice3A_916 : vector<128x128xf32>
    %lt3A_919 = arith.cmpf olt, %sub3A_918, %select_n3A_912 : vector<128x128xf32>
    %select_n3A_920 = arith.select %lt3A_919, %sub3A_918, %select_n3A_912 : vector<128x128xi1>, vector<128x128xf32>
    %jit3A_921 = arith.constant 13 : i32
    %broadcast_in_dim3A_922 = vector.broadcast %jit3A_921 : i32 to vector<128x128xi32>
    %select_n3A_923 = arith.select %lt3A_919, %broadcast_in_dim3A_922, %select_n3A_915 : vector<128x128xi1>, vector<128x128xi32>
    %slice3A_924 = vector.extract_strided_slice %dot_general3A_41 {offsets = [768, 1792], sizes = [128, 128], strides = [1, 1]} : vector<1024x2048xf32> to vector<128x128xf32>
    %sub3A_925 = vector.broadcast %slice3A_811 : vector<128x1xf32> to vector<128x128xf32>
    %sub3A_926 = arith.subf %sub3A_925, %slice3A_924 : vector<128x128xf32>
    %lt3A_927 = arith.cmpf olt, %sub3A_926, %select_n3A_920 : vector<128x128xf32>
    %select_n3A_928 = arith.select %lt3A_927, %sub3A_926, %select_n3A_920 : vector<128x128xi1>, vector<128x128xf32>
    %jit3A_929 = arith.constant 14 : i32
    %broadcast_in_dim3A_930 = vector.broadcast %jit3A_929 : i32 to vector<128x128xi32>
    %select_n3A_931 = arith.select %lt3A_927, %broadcast_in_dim3A_930, %select_n3A_923 : vector<128x128xi1>, vector<128x128xi32>
    %slice3A_932 = vector.extract_strided_slice %dot_general3A_41 {offsets = [768, 1920], sizes = [128, 128], strides = [1, 1]} : vector<1024x2048xf32> to vector<128x128xf32>
    %sub3A_933 = vector.broadcast %slice3A_811 : vector<128x1xf32> to vector<128x128xf32>
    %sub3A_934 = arith.subf %sub3A_933, %slice3A_932 : vector<128x128xf32>
    %lt3A_935 = arith.cmpf olt, %sub3A_934, %select_n3A_928 : vector<128x128xf32>
    %select_n3A_936 = arith.select %lt3A_935, %sub3A_934, %select_n3A_928 : vector<128x128xi1>, vector<128x128xf32>
    %jit3A_937 = arith.constant 15 : i32
    %broadcast_in_dim3A_938 = vector.broadcast %jit3A_937 : i32 to vector<128x128xi32>
    %select_n3A_939 = arith.select %lt3A_935, %broadcast_in_dim3A_938, %select_n3A_931 : vector<128x128xi1>, vector<128x128xi32>
    %slice3A_940 = vector.extract_strided_slice %broadcast_in_dim3A {offsets = [896, 0], sizes = [128, 1], strides = [1, 1]} : vector<1024x1xf32> to vector<128x1xf32>
    %slice3A_941 = vector.extract_strided_slice %dot_general3A_41 {offsets = [896, 0], sizes = [128, 128], strides = [1, 1]} : vector<1024x2048xf32> to vector<128x128xf32>
    %sub3A_942 = vector.broadcast %slice3A_940 : vector<128x1xf32> to vector<128x128xf32>
    %sub3A_943 = arith.subf %sub3A_942, %slice3A_941 : vector<128x128xf32>
    %lt3A_944 = arith.cmpf olt, %sub3A_943, %broadcast_in_dim3A_35 : vector<128x128xf32>
    %select_n3A_945 = arith.select %lt3A_944, %sub3A_943, %broadcast_in_dim3A_35 : vector<128x128xi1>, vector<128x128xf32>
    %jit3A_946 = arith.constant 0 : i32
    %broadcast_in_dim3A_947 = vector.broadcast %jit3A_946 : i32 to vector<128x128xi32>
    %select_n3A_948 = arith.select %lt3A_944, %broadcast_in_dim3A_947, %broadcast_in_dim3A_37 : vector<128x128xi1>, vector<128x128xi32>
    %slice3A_949 = vector.extract_strided_slice %dot_general3A_41 {offsets = [896, 128], sizes = [128, 128], strides = [1, 1]} : vector<1024x2048xf32> to vector<128x128xf32>
    %sub3A_950 = vector.broadcast %slice3A_940 : vector<128x1xf32> to vector<128x128xf32>
    %sub3A_951 = arith.subf %sub3A_950, %slice3A_949 : vector<128x128xf32>
    %lt3A_952 = arith.cmpf olt, %sub3A_951, %select_n3A_945 : vector<128x128xf32>
    %select_n3A_953 = arith.select %lt3A_952, %sub3A_951, %select_n3A_945 : vector<128x128xi1>, vector<128x128xf32>
    %jit3A_954 = arith.constant 1 : i32
    %broadcast_in_dim3A_955 = vector.broadcast %jit3A_954 : i32 to vector<128x128xi32>
    %select_n3A_956 = arith.select %lt3A_952, %broadcast_in_dim3A_955, %select_n3A_948 : vector<128x128xi1>, vector<128x128xi32>
    %slice3A_957 = vector.extract_strided_slice %dot_general3A_41 {offsets = [896, 256], sizes = [128, 128], strides = [1, 1]} : vector<1024x2048xf32> to vector<128x128xf32>
    %sub3A_958 = vector.broadcast %slice3A_940 : vector<128x1xf32> to vector<128x128xf32>
    %sub3A_959 = arith.subf %sub3A_958, %slice3A_957 : vector<128x128xf32>
    %lt3A_960 = arith.cmpf olt, %sub3A_959, %select_n3A_953 : vector<128x128xf32>
    %select_n3A_961 = arith.select %lt3A_960, %sub3A_959, %select_n3A_953 : vector<128x128xi1>, vector<128x128xf32>
    %jit3A_962 = arith.constant 2 : i32
    %broadcast_in_dim3A_963 = vector.broadcast %jit3A_962 : i32 to vector<128x128xi32>
    %select_n3A_964 = arith.select %lt3A_960, %broadcast_in_dim3A_963, %select_n3A_956 : vector<128x128xi1>, vector<128x128xi32>
    %slice3A_965 = vector.extract_strided_slice %dot_general3A_41 {offsets = [896, 384], sizes = [128, 128], strides = [1, 1]} : vector<1024x2048xf32> to vector<128x128xf32>
    %sub3A_966 = vector.broadcast %slice3A_940 : vector<128x1xf32> to vector<128x128xf32>
    %sub3A_967 = arith.subf %sub3A_966, %slice3A_965 : vector<128x128xf32>
    %lt3A_968 = arith.cmpf olt, %sub3A_967, %select_n3A_961 : vector<128x128xf32>
    %select_n3A_969 = arith.select %lt3A_968, %sub3A_967, %select_n3A_961 : vector<128x128xi1>, vector<128x128xf32>
    %jit3A_970 = arith.constant 3 : i32
    %broadcast_in_dim3A_971 = vector.broadcast %jit3A_970 : i32 to vector<128x128xi32>
    %select_n3A_972 = arith.select %lt3A_968, %broadcast_in_dim3A_971, %select_n3A_964 : vector<128x128xi1>, vector<128x128xi32>
    %slice3A_973 = vector.extract_strided_slice %dot_general3A_41 {offsets = [896, 512], sizes = [128, 128], strides = [1, 1]} : vector<1024x2048xf32> to vector<128x128xf32>
    %sub3A_974 = vector.broadcast %slice3A_940 : vector<128x1xf32> to vector<128x128xf32>
    %sub3A_975 = arith.subf %sub3A_974, %slice3A_973 : vector<128x128xf32>
    %lt3A_976 = arith.cmpf olt, %sub3A_975, %select_n3A_969 : vector<128x128xf32>
    %select_n3A_977 = arith.select %lt3A_976, %sub3A_975, %select_n3A_969 : vector<128x128xi1>, vector<128x128xf32>
    %jit3A_978 = arith.constant 4 : i32
    %broadcast_in_dim3A_979 = vector.broadcast %jit3A_978 : i32 to vector<128x128xi32>
    %select_n3A_980 = arith.select %lt3A_976, %broadcast_in_dim3A_979, %select_n3A_972 : vector<128x128xi1>, vector<128x128xi32>
    %slice3A_981 = vector.extract_strided_slice %dot_general3A_41 {offsets = [896, 640], sizes = [128, 128], strides = [1, 1]} : vector<1024x2048xf32> to vector<128x128xf32>
    %sub3A_982 = vector.broadcast %slice3A_940 : vector<128x1xf32> to vector<128x128xf32>
    %sub3A_983 = arith.subf %sub3A_982, %slice3A_981 : vector<128x128xf32>
    %lt3A_984 = arith.cmpf olt, %sub3A_983, %select_n3A_977 : vector<128x128xf32>
    %select_n3A_985 = arith.select %lt3A_984, %sub3A_983, %select_n3A_977 : vector<128x128xi1>, vector<128x128xf32>
    %jit3A_986 = arith.constant 5 : i32
    %broadcast_in_dim3A_987 = vector.broadcast %jit3A_986 : i32 to vector<128x128xi32>
    %select_n3A_988 = arith.select %lt3A_984, %broadcast_in_dim3A_987, %select_n3A_980 : vector<128x128xi1>, vector<128x128xi32>
    %slice3A_989 = vector.extract_strided_slice %dot_general3A_41 {offsets = [896, 768], sizes = [128, 128], strides = [1, 1]} : vector<1024x2048xf32> to vector<128x128xf32>
    %sub3A_990 = vector.broadcast %slice3A_940 : vector<128x1xf32> to vector<128x128xf32>
    %sub3A_991 = arith.subf %sub3A_990, %slice3A_989 : vector<128x128xf32>
    %lt3A_992 = arith.cmpf olt, %sub3A_991, %select_n3A_985 : vector<128x128xf32>
    %select_n3A_993 = arith.select %lt3A_992, %sub3A_991, %select_n3A_985 : vector<128x128xi1>, vector<128x128xf32>
    %jit3A_994 = arith.constant 6 : i32
    %broadcast_in_dim3A_995 = vector.broadcast %jit3A_994 : i32 to vector<128x128xi32>
    %select_n3A_996 = arith.select %lt3A_992, %broadcast_in_dim3A_995, %select_n3A_988 : vector<128x128xi1>, vector<128x128xi32>
    %slice3A_997 = vector.extract_strided_slice %dot_general3A_41 {offsets = [896, 896], sizes = [128, 128], strides = [1, 1]} : vector<1024x2048xf32> to vector<128x128xf32>
    %sub3A_998 = vector.broadcast %slice3A_940 : vector<128x1xf32> to vector<128x128xf32>
    %sub3A_999 = arith.subf %sub3A_998, %slice3A_997 : vector<128x128xf32>
    %lt3A_1000 = arith.cmpf olt, %sub3A_999, %select_n3A_993 : vector<128x128xf32>
    %select_n3A_1001 = arith.select %lt3A_1000, %sub3A_999, %select_n3A_993 : vector<128x128xi1>, vector<128x128xf32>
    %jit3A_1002 = arith.constant 7 : i32
    %broadcast_in_dim3A_1003 = vector.broadcast %jit3A_1002 : i32 to vector<128x128xi32>
    %select_n3A_1004 = arith.select %lt3A_1000, %broadcast_in_dim3A_1003, %select_n3A_996 : vector<128x128xi1>, vector<128x128xi32>
    %slice3A_1005 = vector.extract_strided_slice %dot_general3A_41 {offsets = [896, 1024], sizes = [128, 128], strides = [1, 1]} : vector<1024x2048xf32> to vector<128x128xf32>
    %sub3A_1006 = vector.broadcast %slice3A_940 : vector<128x1xf32> to vector<128x128xf32>
    %sub3A_1007 = arith.subf %sub3A_1006, %slice3A_1005 : vector<128x128xf32>
    %lt3A_1008 = arith.cmpf olt, %sub3A_1007, %select_n3A_1001 : vector<128x128xf32>
    %select_n3A_1009 = arith.select %lt3A_1008, %sub3A_1007, %select_n3A_1001 : vector<128x128xi1>, vector<128x128xf32>
    %jit3A_1010 = arith.constant 8 : i32
    %broadcast_in_dim3A_1011 = vector.broadcast %jit3A_1010 : i32 to vector<128x128xi32>
    %select_n3A_1012 = arith.select %lt3A_1008, %broadcast_in_dim3A_1011, %select_n3A_1004 : vector<128x128xi1>, vector<128x128xi32>
    %slice3A_1013 = vector.extract_strided_slice %dot_general3A_41 {offsets = [896, 1152], sizes = [128, 128], strides = [1, 1]} : vector<1024x2048xf32> to vector<128x128xf32>
    %sub3A_1014 = vector.broadcast %slice3A_940 : vector<128x1xf32> to vector<128x128xf32>
    %sub3A_1015 = arith.subf %sub3A_1014, %slice3A_1013 : vector<128x128xf32>
    %lt3A_1016 = arith.cmpf olt, %sub3A_1015, %select_n3A_1009 : vector<128x128xf32>
    %select_n3A_1017 = arith.select %lt3A_1016, %sub3A_1015, %select_n3A_1009 : vector<128x128xi1>, vector<128x128xf32>
    %jit3A_1018 = arith.constant 9 : i32
    %broadcast_in_dim3A_1019 = vector.broadcast %jit3A_1018 : i32 to vector<128x128xi32>
    %select_n3A_1020 = arith.select %lt3A_1016, %broadcast_in_dim3A_1019, %select_n3A_1012 : vector<128x128xi1>, vector<128x128xi32>
    %slice3A_1021 = vector.extract_strided_slice %dot_general3A_41 {offsets = [896, 1280], sizes = [128, 128], strides = [1, 1]} : vector<1024x2048xf32> to vector<128x128xf32>
    %sub3A_1022 = vector.broadcast %slice3A_940 : vector<128x1xf32> to vector<128x128xf32>
    %sub3A_1023 = arith.subf %sub3A_1022, %slice3A_1021 : vector<128x128xf32>
    %lt3A_1024 = arith.cmpf olt, %sub3A_1023, %select_n3A_1017 : vector<128x128xf32>
    %select_n3A_1025 = arith.select %lt3A_1024, %sub3A_1023, %select_n3A_1017 : vector<128x128xi1>, vector<128x128xf32>
    %jit3A_1026 = arith.constant 10 : i32
    %broadcast_in_dim3A_1027 = vector.broadcast %jit3A_1026 : i32 to vector<128x128xi32>
    %select_n3A_1028 = arith.select %lt3A_1024, %broadcast_in_dim3A_1027, %select_n3A_1020 : vector<128x128xi1>, vector<128x128xi32>
    %slice3A_1029 = vector.extract_strided_slice %dot_general3A_41 {offsets = [896, 1408], sizes = [128, 128], strides = [1, 1]} : vector<1024x2048xf32> to vector<128x128xf32>
    %sub3A_1030 = vector.broadcast %slice3A_940 : vector<128x1xf32> to vector<128x128xf32>
    %sub3A_1031 = arith.subf %sub3A_1030, %slice3A_1029 : vector<128x128xf32>
    %lt3A_1032 = arith.cmpf olt, %sub3A_1031, %select_n3A_1025 : vector<128x128xf32>
    %select_n3A_1033 = arith.select %lt3A_1032, %sub3A_1031, %select_n3A_1025 : vector<128x128xi1>, vector<128x128xf32>
    %jit3A_1034 = arith.constant 11 : i32
    %broadcast_in_dim3A_1035 = vector.broadcast %jit3A_1034 : i32 to vector<128x128xi32>
    %select_n3A_1036 = arith.select %lt3A_1032, %broadcast_in_dim3A_1035, %select_n3A_1028 : vector<128x128xi1>, vector<128x128xi32>
    %slice3A_1037 = vector.extract_strided_slice %dot_general3A_41 {offsets = [896, 1536], sizes = [128, 128], strides = [1, 1]} : vector<1024x2048xf32> to vector<128x128xf32>
    %sub3A_1038 = vector.broadcast %slice3A_940 : vector<128x1xf32> to vector<128x128xf32>
    %sub3A_1039 = arith.subf %sub3A_1038, %slice3A_1037 : vector<128x128xf32>
    %lt3A_1040 = arith.cmpf olt, %sub3A_1039, %select_n3A_1033 : vector<128x128xf32>
    %select_n3A_1041 = arith.select %lt3A_1040, %sub3A_1039, %select_n3A_1033 : vector<128x128xi1>, vector<128x128xf32>
    %jit3A_1042 = arith.constant 12 : i32
    %broadcast_in_dim3A_1043 = vector.broadcast %jit3A_1042 : i32 to vector<128x128xi32>
    %select_n3A_1044 = arith.select %lt3A_1040, %broadcast_in_dim3A_1043, %select_n3A_1036 : vector<128x128xi1>, vector<128x128xi32>
    %slice3A_1045 = vector.extract_strided_slice %dot_general3A_41 {offsets = [896, 1664], sizes = [128, 128], strides = [1, 1]} : vector<1024x2048xf32> to vector<128x128xf32>
    %sub3A_1046 = vector.broadcast %slice3A_940 : vector<128x1xf32> to vector<128x128xf32>
    %sub3A_1047 = arith.subf %sub3A_1046, %slice3A_1045 : vector<128x128xf32>
    %lt3A_1048 = arith.cmpf olt, %sub3A_1047, %select_n3A_1041 : vector<128x128xf32>
    %select_n3A_1049 = arith.select %lt3A_1048, %sub3A_1047, %select_n3A_1041 : vector<128x128xi1>, vector<128x128xf32>
    %jit3A_1050 = arith.constant 13 : i32
    %broadcast_in_dim3A_1051 = vector.broadcast %jit3A_1050 : i32 to vector<128x128xi32>
    %select_n3A_1052 = arith.select %lt3A_1048, %broadcast_in_dim3A_1051, %select_n3A_1044 : vector<128x128xi1>, vector<128x128xi32>
    %slice3A_1053 = vector.extract_strided_slice %dot_general3A_41 {offsets = [896, 1792], sizes = [128, 128], strides = [1, 1]} : vector<1024x2048xf32> to vector<128x128xf32>
    %sub3A_1054 = vector.broadcast %slice3A_940 : vector<128x1xf32> to vector<128x128xf32>
    %sub3A_1055 = arith.subf %sub3A_1054, %slice3A_1053 : vector<128x128xf32>
    %lt3A_1056 = arith.cmpf olt, %sub3A_1055, %select_n3A_1049 : vector<128x128xf32>
    %select_n3A_1057 = arith.select %lt3A_1056, %sub3A_1055, %select_n3A_1049 : vector<128x128xi1>, vector<128x128xf32>
    %jit3A_1058 = arith.constant 14 : i32
    %broadcast_in_dim3A_1059 = vector.broadcast %jit3A_1058 : i32 to vector<128x128xi32>
    %select_n3A_1060 = arith.select %lt3A_1056, %broadcast_in_dim3A_1059, %select_n3A_1052 : vector<128x128xi1>, vector<128x128xi32>
    %slice3A_1061 = vector.extract_strided_slice %dot_general3A_41 {offsets = [896, 1920], sizes = [128, 128], strides = [1, 1]} : vector<1024x2048xf32> to vector<128x128xf32>
    %sub3A_1062 = vector.broadcast %slice3A_940 : vector<128x1xf32> to vector<128x128xf32>
    %sub3A_1063 = arith.subf %sub3A_1062, %slice3A_1061 : vector<128x128xf32>
    %lt3A_1064 = arith.cmpf olt, %sub3A_1063, %select_n3A_1057 : vector<128x128xf32>
    %select_n3A_1065 = arith.select %lt3A_1064, %sub3A_1063, %select_n3A_1057 : vector<128x128xi1>, vector<128x128xf32>
    %jit3A_1066 = arith.constant 15 : i32
    %broadcast_in_dim3A_1067 = vector.broadcast %jit3A_1066 : i32 to vector<128x128xi32>
    %select_n3A_1068 = arith.select %lt3A_1064, %broadcast_in_dim3A_1067, %select_n3A_1060 : vector<128x128xi1>, vector<128x128xi32>
    %get3A_1069 = arith.constant 2048 : index
    %get3A_1070 = arith.constant 0 : index
    %get3A_1071 = vector.load %arg2[%get3A_1069, %get3A_1070] : memref<8192x256xf32, #tpu.memory_space<vmem>>, vector<2048x256xf32>
    %dot_general3A_1072 = arith.constant dense<0.000000e+00> : vector<1024x2048xf32>
    %dot_general3A_1073 = tpu.matmul %mul3A_3, %get3A_1071, %dot_general3A_1072 {dimension_numbers = #tpu.dot_dimension_numbers<[1], [1], [0], [0], [0, 0, 1, 0], [], []>, transpose_lhs_hint = false} : vector<1024x256xf32>, vector<2048x256xf32>, vector<1024x2048xf32> -> vector<1024x2048xf32>
    %slice3A_1074 = vector.extract_strided_slice %broadcast_in_dim3A {offsets = [0, 0], sizes = [128, 1], strides = [1, 1]} : vector<1024x1xf32> to vector<128x1xf32>
    %slice3A_1075 = vector.extract_strided_slice %dot_general3A_1073 {offsets = [0, 0], sizes = [128, 128], strides = [1, 1]} : vector<1024x2048xf32> to vector<128x128xf32>
    %sub3A_1076 = vector.broadcast %slice3A_1074 : vector<128x1xf32> to vector<128x128xf32>
    %sub3A_1077 = arith.subf %sub3A_1076, %slice3A_1075 : vector<128x128xf32>
    %lt3A_1078 = arith.cmpf olt, %sub3A_1077, %select_n3A_162 : vector<128x128xf32>
    %select_n3A_1079 = arith.select %lt3A_1078, %sub3A_1077, %select_n3A_162 : vector<128x128xi1>, vector<128x128xf32>
    %jit3A_1080 = arith.constant 16 : i32
    %broadcast_in_dim3A_1081 = vector.broadcast %jit3A_1080 : i32 to vector<128x128xi32>
    %select_n3A_1082 = arith.select %lt3A_1078, %broadcast_in_dim3A_1081, %select_n3A_165 : vector<128x128xi1>, vector<128x128xi32>
    %slice3A_1083 = vector.extract_strided_slice %dot_general3A_1073 {offsets = [0, 128], sizes = [128, 128], strides = [1, 1]} : vector<1024x2048xf32> to vector<128x128xf32>
    %sub3A_1084 = vector.broadcast %slice3A_1074 : vector<128x1xf32> to vector<128x128xf32>
    %sub3A_1085 = arith.subf %sub3A_1084, %slice3A_1083 : vector<128x128xf32>
    %lt3A_1086 = arith.cmpf olt, %sub3A_1085, %select_n3A_1079 : vector<128x128xf32>
    %select_n3A_1087 = arith.select %lt3A_1086, %sub3A_1085, %select_n3A_1079 : vector<128x128xi1>, vector<128x128xf32>
    %jit3A_1088 = arith.constant 17 : i32
    %broadcast_in_dim3A_1089 = vector.broadcast %jit3A_1088 : i32 to vector<128x128xi32>
    %select_n3A_1090 = arith.select %lt3A_1086, %broadcast_in_dim3A_1089, %select_n3A_1082 : vector<128x128xi1>, vector<128x128xi32>
    %slice3A_1091 = vector.extract_strided_slice %dot_general3A_1073 {offsets = [0, 256], sizes = [128, 128], strides = [1, 1]} : vector<1024x2048xf32> to vector<128x128xf32>
    %sub3A_1092 = vector.broadcast %slice3A_1074 : vector<128x1xf32> to vector<128x128xf32>
    %sub3A_1093 = arith.subf %sub3A_1092, %slice3A_1091 : vector<128x128xf32>
    %lt3A_1094 = arith.cmpf olt, %sub3A_1093, %select_n3A_1087 : vector<128x128xf32>
    %select_n3A_1095 = arith.select %lt3A_1094, %sub3A_1093, %select_n3A_1087 : vector<128x128xi1>, vector<128x128xf32>
    %jit3A_1096 = arith.constant 18 : i32
    %broadcast_in_dim3A_1097 = vector.broadcast %jit3A_1096 : i32 to vector<128x128xi32>
    %select_n3A_1098 = arith.select %lt3A_1094, %broadcast_in_dim3A_1097, %select_n3A_1090 : vector<128x128xi1>, vector<128x128xi32>
    %slice3A_1099 = vector.extract_strided_slice %dot_general3A_1073 {offsets = [0, 384], sizes = [128, 128], strides = [1, 1]} : vector<1024x2048xf32> to vector<128x128xf32>
    %sub3A_1100 = vector.broadcast %slice3A_1074 : vector<128x1xf32> to vector<128x128xf32>
    %sub3A_1101 = arith.subf %sub3A_1100, %slice3A_1099 : vector<128x128xf32>
    %lt3A_1102 = arith.cmpf olt, %sub3A_1101, %select_n3A_1095 : vector<128x128xf32>
    %select_n3A_1103 = arith.select %lt3A_1102, %sub3A_1101, %select_n3A_1095 : vector<128x128xi1>, vector<128x128xf32>
    %jit3A_1104 = arith.constant 19 : i32
    %broadcast_in_dim3A_1105 = vector.broadcast %jit3A_1104 : i32 to vector<128x128xi32>
    %select_n3A_1106 = arith.select %lt3A_1102, %broadcast_in_dim3A_1105, %select_n3A_1098 : vector<128x128xi1>, vector<128x128xi32>
    %slice3A_1107 = vector.extract_strided_slice %dot_general3A_1073 {offsets = [0, 512], sizes = [128, 128], strides = [1, 1]} : vector<1024x2048xf32> to vector<128x128xf32>
    %sub3A_1108 = vector.broadcast %slice3A_1074 : vector<128x1xf32> to vector<128x128xf32>
    %sub3A_1109 = arith.subf %sub3A_1108, %slice3A_1107 : vector<128x128xf32>
    %lt3A_1110 = arith.cmpf olt, %sub3A_1109, %select_n3A_1103 : vector<128x128xf32>
    %select_n3A_1111 = arith.select %lt3A_1110, %sub3A_1109, %select_n3A_1103 : vector<128x128xi1>, vector<128x128xf32>
    %jit3A_1112 = arith.constant 20 : i32
    %broadcast_in_dim3A_1113 = vector.broadcast %jit3A_1112 : i32 to vector<128x128xi32>
    %select_n3A_1114 = arith.select %lt3A_1110, %broadcast_in_dim3A_1113, %select_n3A_1106 : vector<128x128xi1>, vector<128x128xi32>
    %slice3A_1115 = vector.extract_strided_slice %dot_general3A_1073 {offsets = [0, 640], sizes = [128, 128], strides = [1, 1]} : vector<1024x2048xf32> to vector<128x128xf32>
    %sub3A_1116 = vector.broadcast %slice3A_1074 : vector<128x1xf32> to vector<128x128xf32>
    %sub3A_1117 = arith.subf %sub3A_1116, %slice3A_1115 : vector<128x128xf32>
    %lt3A_1118 = arith.cmpf olt, %sub3A_1117, %select_n3A_1111 : vector<128x128xf32>
    %select_n3A_1119 = arith.select %lt3A_1118, %sub3A_1117, %select_n3A_1111 : vector<128x128xi1>, vector<128x128xf32>
    %jit3A_1120 = arith.constant 21 : i32
    %broadcast_in_dim3A_1121 = vector.broadcast %jit3A_1120 : i32 to vector<128x128xi32>
    %select_n3A_1122 = arith.select %lt3A_1118, %broadcast_in_dim3A_1121, %select_n3A_1114 : vector<128x128xi1>, vector<128x128xi32>
    %slice3A_1123 = vector.extract_strided_slice %dot_general3A_1073 {offsets = [0, 768], sizes = [128, 128], strides = [1, 1]} : vector<1024x2048xf32> to vector<128x128xf32>
    %sub3A_1124 = vector.broadcast %slice3A_1074 : vector<128x1xf32> to vector<128x128xf32>
    %sub3A_1125 = arith.subf %sub3A_1124, %slice3A_1123 : vector<128x128xf32>
    %lt3A_1126 = arith.cmpf olt, %sub3A_1125, %select_n3A_1119 : vector<128x128xf32>
    %select_n3A_1127 = arith.select %lt3A_1126, %sub3A_1125, %select_n3A_1119 : vector<128x128xi1>, vector<128x128xf32>
    %jit3A_1128 = arith.constant 22 : i32
    %broadcast_in_dim3A_1129 = vector.broadcast %jit3A_1128 : i32 to vector<128x128xi32>
    %select_n3A_1130 = arith.select %lt3A_1126, %broadcast_in_dim3A_1129, %select_n3A_1122 : vector<128x128xi1>, vector<128x128xi32>
    %slice3A_1131 = vector.extract_strided_slice %dot_general3A_1073 {offsets = [0, 896], sizes = [128, 128], strides = [1, 1]} : vector<1024x2048xf32> to vector<128x128xf32>
    %sub3A_1132 = vector.broadcast %slice3A_1074 : vector<128x1xf32> to vector<128x128xf32>
    %sub3A_1133 = arith.subf %sub3A_1132, %slice3A_1131 : vector<128x128xf32>
    %lt3A_1134 = arith.cmpf olt, %sub3A_1133, %select_n3A_1127 : vector<128x128xf32>
    %select_n3A_1135 = arith.select %lt3A_1134, %sub3A_1133, %select_n3A_1127 : vector<128x128xi1>, vector<128x128xf32>
    %jit3A_1136 = arith.constant 23 : i32
    %broadcast_in_dim3A_1137 = vector.broadcast %jit3A_1136 : i32 to vector<128x128xi32>
    %select_n3A_1138 = arith.select %lt3A_1134, %broadcast_in_dim3A_1137, %select_n3A_1130 : vector<128x128xi1>, vector<128x128xi32>
    %slice3A_1139 = vector.extract_strided_slice %dot_general3A_1073 {offsets = [0, 1024], sizes = [128, 128], strides = [1, 1]} : vector<1024x2048xf32> to vector<128x128xf32>
    %sub3A_1140 = vector.broadcast %slice3A_1074 : vector<128x1xf32> to vector<128x128xf32>
    %sub3A_1141 = arith.subf %sub3A_1140, %slice3A_1139 : vector<128x128xf32>
    %lt3A_1142 = arith.cmpf olt, %sub3A_1141, %select_n3A_1135 : vector<128x128xf32>
    %select_n3A_1143 = arith.select %lt3A_1142, %sub3A_1141, %select_n3A_1135 : vector<128x128xi1>, vector<128x128xf32>
    %jit3A_1144 = arith.constant 24 : i32
    %broadcast_in_dim3A_1145 = vector.broadcast %jit3A_1144 : i32 to vector<128x128xi32>
    %select_n3A_1146 = arith.select %lt3A_1142, %broadcast_in_dim3A_1145, %select_n3A_1138 : vector<128x128xi1>, vector<128x128xi32>
    %slice3A_1147 = vector.extract_strided_slice %dot_general3A_1073 {offsets = [0, 1152], sizes = [128, 128], strides = [1, 1]} : vector<1024x2048xf32> to vector<128x128xf32>
    %sub3A_1148 = vector.broadcast %slice3A_1074 : vector<128x1xf32> to vector<128x128xf32>
    %sub3A_1149 = arith.subf %sub3A_1148, %slice3A_1147 : vector<128x128xf32>
    %lt3A_1150 = arith.cmpf olt, %sub3A_1149, %select_n3A_1143 : vector<128x128xf32>
    %select_n3A_1151 = arith.select %lt3A_1150, %sub3A_1149, %select_n3A_1143 : vector<128x128xi1>, vector<128x128xf32>
    %jit3A_1152 = arith.constant 25 : i32
    %broadcast_in_dim3A_1153 = vector.broadcast %jit3A_1152 : i32 to vector<128x128xi32>
    %select_n3A_1154 = arith.select %lt3A_1150, %broadcast_in_dim3A_1153, %select_n3A_1146 : vector<128x128xi1>, vector<128x128xi32>
    %slice3A_1155 = vector.extract_strided_slice %dot_general3A_1073 {offsets = [0, 1280], sizes = [128, 128], strides = [1, 1]} : vector<1024x2048xf32> to vector<128x128xf32>
    %sub3A_1156 = vector.broadcast %slice3A_1074 : vector<128x1xf32> to vector<128x128xf32>
    %sub3A_1157 = arith.subf %sub3A_1156, %slice3A_1155 : vector<128x128xf32>
    %lt3A_1158 = arith.cmpf olt, %sub3A_1157, %select_n3A_1151 : vector<128x128xf32>
    %select_n3A_1159 = arith.select %lt3A_1158, %sub3A_1157, %select_n3A_1151 : vector<128x128xi1>, vector<128x128xf32>
    %jit3A_1160 = arith.constant 26 : i32
    %broadcast_in_dim3A_1161 = vector.broadcast %jit3A_1160 : i32 to vector<128x128xi32>
    %select_n3A_1162 = arith.select %lt3A_1158, %broadcast_in_dim3A_1161, %select_n3A_1154 : vector<128x128xi1>, vector<128x128xi32>
    %slice3A_1163 = vector.extract_strided_slice %dot_general3A_1073 {offsets = [0, 1408], sizes = [128, 128], strides = [1, 1]} : vector<1024x2048xf32> to vector<128x128xf32>
    %sub3A_1164 = vector.broadcast %slice3A_1074 : vector<128x1xf32> to vector<128x128xf32>
    %sub3A_1165 = arith.subf %sub3A_1164, %slice3A_1163 : vector<128x128xf32>
    %lt3A_1166 = arith.cmpf olt, %sub3A_1165, %select_n3A_1159 : vector<128x128xf32>
    %select_n3A_1167 = arith.select %lt3A_1166, %sub3A_1165, %select_n3A_1159 : vector<128x128xi1>, vector<128x128xf32>
    %jit3A_1168 = arith.constant 27 : i32
    %broadcast_in_dim3A_1169 = vector.broadcast %jit3A_1168 : i32 to vector<128x128xi32>
    %select_n3A_1170 = arith.select %lt3A_1166, %broadcast_in_dim3A_1169, %select_n3A_1162 : vector<128x128xi1>, vector<128x128xi32>
    %slice3A_1171 = vector.extract_strided_slice %dot_general3A_1073 {offsets = [0, 1536], sizes = [128, 128], strides = [1, 1]} : vector<1024x2048xf32> to vector<128x128xf32>
    %sub3A_1172 = vector.broadcast %slice3A_1074 : vector<128x1xf32> to vector<128x128xf32>
    %sub3A_1173 = arith.subf %sub3A_1172, %slice3A_1171 : vector<128x128xf32>
    %lt3A_1174 = arith.cmpf olt, %sub3A_1173, %select_n3A_1167 : vector<128x128xf32>
    %select_n3A_1175 = arith.select %lt3A_1174, %sub3A_1173, %select_n3A_1167 : vector<128x128xi1>, vector<128x128xf32>
    %jit3A_1176 = arith.constant 28 : i32
    %broadcast_in_dim3A_1177 = vector.broadcast %jit3A_1176 : i32 to vector<128x128xi32>
    %select_n3A_1178 = arith.select %lt3A_1174, %broadcast_in_dim3A_1177, %select_n3A_1170 : vector<128x128xi1>, vector<128x128xi32>
    %slice3A_1179 = vector.extract_strided_slice %dot_general3A_1073 {offsets = [0, 1664], sizes = [128, 128], strides = [1, 1]} : vector<1024x2048xf32> to vector<128x128xf32>
    %sub3A_1180 = vector.broadcast %slice3A_1074 : vector<128x1xf32> to vector<128x128xf32>
    %sub3A_1181 = arith.subf %sub3A_1180, %slice3A_1179 : vector<128x128xf32>
    %lt3A_1182 = arith.cmpf olt, %sub3A_1181, %select_n3A_1175 : vector<128x128xf32>
    %select_n3A_1183 = arith.select %lt3A_1182, %sub3A_1181, %select_n3A_1175 : vector<128x128xi1>, vector<128x128xf32>
    %jit3A_1184 = arith.constant 29 : i32
    %broadcast_in_dim3A_1185 = vector.broadcast %jit3A_1184 : i32 to vector<128x128xi32>
    %select_n3A_1186 = arith.select %lt3A_1182, %broadcast_in_dim3A_1185, %select_n3A_1178 : vector<128x128xi1>, vector<128x128xi32>
    %slice3A_1187 = vector.extract_strided_slice %dot_general3A_1073 {offsets = [0, 1792], sizes = [128, 128], strides = [1, 1]} : vector<1024x2048xf32> to vector<128x128xf32>
    %sub3A_1188 = vector.broadcast %slice3A_1074 : vector<128x1xf32> to vector<128x128xf32>
    %sub3A_1189 = arith.subf %sub3A_1188, %slice3A_1187 : vector<128x128xf32>
    %lt3A_1190 = arith.cmpf olt, %sub3A_1189, %select_n3A_1183 : vector<128x128xf32>
    %select_n3A_1191 = arith.select %lt3A_1190, %sub3A_1189, %select_n3A_1183 : vector<128x128xi1>, vector<128x128xf32>
    %jit3A_1192 = arith.constant 30 : i32
    %broadcast_in_dim3A_1193 = vector.broadcast %jit3A_1192 : i32 to vector<128x128xi32>
    %select_n3A_1194 = arith.select %lt3A_1190, %broadcast_in_dim3A_1193, %select_n3A_1186 : vector<128x128xi1>, vector<128x128xi32>
    %slice3A_1195 = vector.extract_strided_slice %dot_general3A_1073 {offsets = [0, 1920], sizes = [128, 128], strides = [1, 1]} : vector<1024x2048xf32> to vector<128x128xf32>
    %sub3A_1196 = vector.broadcast %slice3A_1074 : vector<128x1xf32> to vector<128x128xf32>
    %sub3A_1197 = arith.subf %sub3A_1196, %slice3A_1195 : vector<128x128xf32>
    %lt3A_1198 = arith.cmpf olt, %sub3A_1197, %select_n3A_1191 : vector<128x128xf32>
    %select_n3A_1199 = arith.select %lt3A_1198, %sub3A_1197, %select_n3A_1191 : vector<128x128xi1>, vector<128x128xf32>
    %jit3A_1200 = arith.constant 31 : i32
    %broadcast_in_dim3A_1201 = vector.broadcast %jit3A_1200 : i32 to vector<128x128xi32>
    %select_n3A_1202 = arith.select %lt3A_1198, %broadcast_in_dim3A_1201, %select_n3A_1194 : vector<128x128xi1>, vector<128x128xi32>
    %slice3A_1203 = vector.extract_strided_slice %broadcast_in_dim3A {offsets = [128, 0], sizes = [128, 1], strides = [1, 1]} : vector<1024x1xf32> to vector<128x1xf32>
    %slice3A_1204 = vector.extract_strided_slice %dot_general3A_1073 {offsets = [128, 0], sizes = [128, 128], strides = [1, 1]} : vector<1024x2048xf32> to vector<128x128xf32>
    %sub3A_1205 = vector.broadcast %slice3A_1203 : vector<128x1xf32> to vector<128x128xf32>
    %sub3A_1206 = arith.subf %sub3A_1205, %slice3A_1204 : vector<128x128xf32>
    %lt3A_1207 = arith.cmpf olt, %sub3A_1206, %select_n3A_291 : vector<128x128xf32>
    %select_n3A_1208 = arith.select %lt3A_1207, %sub3A_1206, %select_n3A_291 : vector<128x128xi1>, vector<128x128xf32>
    %jit3A_1209 = arith.constant 16 : i32
    %broadcast_in_dim3A_1210 = vector.broadcast %jit3A_1209 : i32 to vector<128x128xi32>
    %select_n3A_1211 = arith.select %lt3A_1207, %broadcast_in_dim3A_1210, %select_n3A_294 : vector<128x128xi1>, vector<128x128xi32>
    %slice3A_1212 = vector.extract_strided_slice %dot_general3A_1073 {offsets = [128, 128], sizes = [128, 128], strides = [1, 1]} : vector<1024x2048xf32> to vector<128x128xf32>
    %sub3A_1213 = vector.broadcast %slice3A_1203 : vector<128x1xf32> to vector<128x128xf32>
    %sub3A_1214 = arith.subf %sub3A_1213, %slice3A_1212 : vector<128x128xf32>
    %lt3A_1215 = arith.cmpf olt, %sub3A_1214, %select_n3A_1208 : vector<128x128xf32>
    %select_n3A_1216 = arith.select %lt3A_1215, %sub3A_1214, %select_n3A_1208 : vector<128x128xi1>, vector<128x128xf32>
    %jit3A_1217 = arith.constant 17 : i32
    %broadcast_in_dim3A_1218 = vector.broadcast %jit3A_1217 : i32 to vector<128x128xi32>
    %select_n3A_1219 = arith.select %lt3A_1215, %broadcast_in_dim3A_1218, %select_n3A_1211 : vector<128x128xi1>, vector<128x128xi32>
    %slice3A_1220 = vector.extract_strided_slice %dot_general3A_1073 {offsets = [128, 256], sizes = [128, 128], strides = [1, 1]} : vector<1024x2048xf32> to vector<128x128xf32>
    %sub3A_1221 = vector.broadcast %slice3A_1203 : vector<128x1xf32> to vector<128x128xf32>
    %sub3A_1222 = arith.subf %sub3A_1221, %slice3A_1220 : vector<128x128xf32>
    %lt3A_1223 = arith.cmpf olt, %sub3A_1222, %select_n3A_1216 : vector<128x128xf32>
    %select_n3A_1224 = arith.select %lt3A_1223, %sub3A_1222, %select_n3A_1216 : vector<128x128xi1>, vector<128x128xf32>
    %jit3A_1225 = arith.constant 18 : i32
    %broadcast_in_dim3A_1226 = vector.broadcast %jit3A_1225 : i32 to vector<128x128xi32>
    %select_n3A_1227 = arith.select %lt3A_1223, %broadcast_in_dim3A_1226, %select_n3A_1219 : vector<128x128xi1>, vector<128x128xi32>
    %slice3A_1228 = vector.extract_strided_slice %dot_general3A_1073 {offsets = [128, 384], sizes = [128, 128], strides = [1, 1]} : vector<1024x2048xf32> to vector<128x128xf32>
    %sub3A_1229 = vector.broadcast %slice3A_1203 : vector<128x1xf32> to vector<128x128xf32>
    %sub3A_1230 = arith.subf %sub3A_1229, %slice3A_1228 : vector<128x128xf32>
    %lt3A_1231 = arith.cmpf olt, %sub3A_1230, %select_n3A_1224 : vector<128x128xf32>
    %select_n3A_1232 = arith.select %lt3A_1231, %sub3A_1230, %select_n3A_1224 : vector<128x128xi1>, vector<128x128xf32>
    %jit3A_1233 = arith.constant 19 : i32
    %broadcast_in_dim3A_1234 = vector.broadcast %jit3A_1233 : i32 to vector<128x128xi32>
    %select_n3A_1235 = arith.select %lt3A_1231, %broadcast_in_dim3A_1234, %select_n3A_1227 : vector<128x128xi1>, vector<128x128xi32>
    %slice3A_1236 = vector.extract_strided_slice %dot_general3A_1073 {offsets = [128, 512], sizes = [128, 128], strides = [1, 1]} : vector<1024x2048xf32> to vector<128x128xf32>
    %sub3A_1237 = vector.broadcast %slice3A_1203 : vector<128x1xf32> to vector<128x128xf32>
    %sub3A_1238 = arith.subf %sub3A_1237, %slice3A_1236 : vector<128x128xf32>
    %lt3A_1239 = arith.cmpf olt, %sub3A_1238, %select_n3A_1232 : vector<128x128xf32>
    %select_n3A_1240 = arith.select %lt3A_1239, %sub3A_1238, %select_n3A_1232 : vector<128x128xi1>, vector<128x128xf32>
    %jit3A_1241 = arith.constant 20 : i32
    %broadcast_in_dim3A_1242 = vector.broadcast %jit3A_1241 : i32 to vector<128x128xi32>
    %select_n3A_1243 = arith.select %lt3A_1239, %broadcast_in_dim3A_1242, %select_n3A_1235 : vector<128x128xi1>, vector<128x128xi32>
    %slice3A_1244 = vector.extract_strided_slice %dot_general3A_1073 {offsets = [128, 640], sizes = [128, 128], strides = [1, 1]} : vector<1024x2048xf32> to vector<128x128xf32>
    %sub3A_1245 = vector.broadcast %slice3A_1203 : vector<128x1xf32> to vector<128x128xf32>
    %sub3A_1246 = arith.subf %sub3A_1245, %slice3A_1244 : vector<128x128xf32>
    %lt3A_1247 = arith.cmpf olt, %sub3A_1246, %select_n3A_1240 : vector<128x128xf32>
    %select_n3A_1248 = arith.select %lt3A_1247, %sub3A_1246, %select_n3A_1240 : vector<128x128xi1>, vector<128x128xf32>
    %jit3A_1249 = arith.constant 21 : i32
    %broadcast_in_dim3A_1250 = vector.broadcast %jit3A_1249 : i32 to vector<128x128xi32>
    %select_n3A_1251 = arith.select %lt3A_1247, %broadcast_in_dim3A_1250, %select_n3A_1243 : vector<128x128xi1>, vector<128x128xi32>
    %slice3A_1252 = vector.extract_strided_slice %dot_general3A_1073 {offsets = [128, 768], sizes = [128, 128], strides = [1, 1]} : vector<1024x2048xf32> to vector<128x128xf32>
    %sub3A_1253 = vector.broadcast %slice3A_1203 : vector<128x1xf32> to vector<128x128xf32>
    %sub3A_1254 = arith.subf %sub3A_1253, %slice3A_1252 : vector<128x128xf32>
    %lt3A_1255 = arith.cmpf olt, %sub3A_1254, %select_n3A_1248 : vector<128x128xf32>
    %select_n3A_1256 = arith.select %lt3A_1255, %sub3A_1254, %select_n3A_1248 : vector<128x128xi1>, vector<128x128xf32>
    %jit3A_1257 = arith.constant 22 : i32
    %broadcast_in_dim3A_1258 = vector.broadcast %jit3A_1257 : i32 to vector<128x128xi32>
    %select_n3A_1259 = arith.select %lt3A_1255, %broadcast_in_dim3A_1258, %select_n3A_1251 : vector<128x128xi1>, vector<128x128xi32>
    %slice3A_1260 = vector.extract_strided_slice %dot_general3A_1073 {offsets = [128, 896], sizes = [128, 128], strides = [1, 1]} : vector<1024x2048xf32> to vector<128x128xf32>
    %sub3A_1261 = vector.broadcast %slice3A_1203 : vector<128x1xf32> to vector<128x128xf32>
    %sub3A_1262 = arith.subf %sub3A_1261, %slice3A_1260 : vector<128x128xf32>
    %lt3A_1263 = arith.cmpf olt, %sub3A_1262, %select_n3A_1256 : vector<128x128xf32>
    %select_n3A_1264 = arith.select %lt3A_1263, %sub3A_1262, %select_n3A_1256 : vector<128x128xi1>, vector<128x128xf32>
    %jit3A_1265 = arith.constant 23 : i32
    %broadcast_in_dim3A_1266 = vector.broadcast %jit3A_1265 : i32 to vector<128x128xi32>
    %select_n3A_1267 = arith.select %lt3A_1263, %broadcast_in_dim3A_1266, %select_n3A_1259 : vector<128x128xi1>, vector<128x128xi32>
    %slice3A_1268 = vector.extract_strided_slice %dot_general3A_1073 {offsets = [128, 1024], sizes = [128, 128], strides = [1, 1]} : vector<1024x2048xf32> to vector<128x128xf32>
    %sub3A_1269 = vector.broadcast %slice3A_1203 : vector<128x1xf32> to vector<128x128xf32>
    %sub3A_1270 = arith.subf %sub3A_1269, %slice3A_1268 : vector<128x128xf32>
    %lt3A_1271 = arith.cmpf olt, %sub3A_1270, %select_n3A_1264 : vector<128x128xf32>
    %select_n3A_1272 = arith.select %lt3A_1271, %sub3A_1270, %select_n3A_1264 : vector<128x128xi1>, vector<128x128xf32>
    %jit3A_1273 = arith.constant 24 : i32
    %broadcast_in_dim3A_1274 = vector.broadcast %jit3A_1273 : i32 to vector<128x128xi32>
    %select_n3A_1275 = arith.select %lt3A_1271, %broadcast_in_dim3A_1274, %select_n3A_1267 : vector<128x128xi1>, vector<128x128xi32>
    %slice3A_1276 = vector.extract_strided_slice %dot_general3A_1073 {offsets = [128, 1152], sizes = [128, 128], strides = [1, 1]} : vector<1024x2048xf32> to vector<128x128xf32>
    %sub3A_1277 = vector.broadcast %slice3A_1203 : vector<128x1xf32> to vector<128x128xf32>
    %sub3A_1278 = arith.subf %sub3A_1277, %slice3A_1276 : vector<128x128xf32>
    %lt3A_1279 = arith.cmpf olt, %sub3A_1278, %select_n3A_1272 : vector<128x128xf32>
    %select_n3A_1280 = arith.select %lt3A_1279, %sub3A_1278, %select_n3A_1272 : vector<128x128xi1>, vector<128x128xf32>
    %jit3A_1281 = arith.constant 25 : i32
    %broadcast_in_dim3A_1282 = vector.broadcast %jit3A_1281 : i32 to vector<128x128xi32>
    %select_n3A_1283 = arith.select %lt3A_1279, %broadcast_in_dim3A_1282, %select_n3A_1275 : vector<128x128xi1>, vector<128x128xi32>
    %slice3A_1284 = vector.extract_strided_slice %dot_general3A_1073 {offsets = [128, 1280], sizes = [128, 128], strides = [1, 1]} : vector<1024x2048xf32> to vector<128x128xf32>
    %sub3A_1285 = vector.broadcast %slice3A_1203 : vector<128x1xf32> to vector<128x128xf32>
    %sub3A_1286 = arith.subf %sub3A_1285, %slice3A_1284 : vector<128x128xf32>
    %lt3A_1287 = arith.cmpf olt, %sub3A_1286, %select_n3A_1280 : vector<128x128xf32>
    %select_n3A_1288 = arith.select %lt3A_1287, %sub3A_1286, %select_n3A_1280 : vector<128x128xi1>, vector<128x128xf32>
    %jit3A_1289 = arith.constant 26 : i32
    %broadcast_in_dim3A_1290 = vector.broadcast %jit3A_1289 : i32 to vector<128x128xi32>
    %select_n3A_1291 = arith.select %lt3A_1287, %broadcast_in_dim3A_1290, %select_n3A_1283 : vector<128x128xi1>, vector<128x128xi32>
    %slice3A_1292 = vector.extract_strided_slice %dot_general3A_1073 {offsets = [128, 1408], sizes = [128, 128], strides = [1, 1]} : vector<1024x2048xf32> to vector<128x128xf32>
    %sub3A_1293 = vector.broadcast %slice3A_1203 : vector<128x1xf32> to vector<128x128xf32>
    %sub3A_1294 = arith.subf %sub3A_1293, %slice3A_1292 : vector<128x128xf32>
    %lt3A_1295 = arith.cmpf olt, %sub3A_1294, %select_n3A_1288 : vector<128x128xf32>
    %select_n3A_1296 = arith.select %lt3A_1295, %sub3A_1294, %select_n3A_1288 : vector<128x128xi1>, vector<128x128xf32>
    %jit3A_1297 = arith.constant 27 : i32
    %broadcast_in_dim3A_1298 = vector.broadcast %jit3A_1297 : i32 to vector<128x128xi32>
    %select_n3A_1299 = arith.select %lt3A_1295, %broadcast_in_dim3A_1298, %select_n3A_1291 : vector<128x128xi1>, vector<128x128xi32>
    %slice3A_1300 = vector.extract_strided_slice %dot_general3A_1073 {offsets = [128, 1536], sizes = [128, 128], strides = [1, 1]} : vector<1024x2048xf32> to vector<128x128xf32>
    %sub3A_1301 = vector.broadcast %slice3A_1203 : vector<128x1xf32> to vector<128x128xf32>
    %sub3A_1302 = arith.subf %sub3A_1301, %slice3A_1300 : vector<128x128xf32>
    %lt3A_1303 = arith.cmpf olt, %sub3A_1302, %select_n3A_1296 : vector<128x128xf32>
    %select_n3A_1304 = arith.select %lt3A_1303, %sub3A_1302, %select_n3A_1296 : vector<128x128xi1>, vector<128x128xf32>
    %jit3A_1305 = arith.constant 28 : i32
    %broadcast_in_dim3A_1306 = vector.broadcast %jit3A_1305 : i32 to vector<128x128xi32>
    %select_n3A_1307 = arith.select %lt3A_1303, %broadcast_in_dim3A_1306, %select_n3A_1299 : vector<128x128xi1>, vector<128x128xi32>
    %slice3A_1308 = vector.extract_strided_slice %dot_general3A_1073 {offsets = [128, 1664], sizes = [128, 128], strides = [1, 1]} : vector<1024x2048xf32> to vector<128x128xf32>
    %sub3A_1309 = vector.broadcast %slice3A_1203 : vector<128x1xf32> to vector<128x128xf32>
    %sub3A_1310 = arith.subf %sub3A_1309, %slice3A_1308 : vector<128x128xf32>
    %lt3A_1311 = arith.cmpf olt, %sub3A_1310, %select_n3A_1304 : vector<128x128xf32>
    %select_n3A_1312 = arith.select %lt3A_1311, %sub3A_1310, %select_n3A_1304 : vector<128x128xi1>, vector<128x128xf32>
    %jit3A_1313 = arith.constant 29 : i32
    %broadcast_in_dim3A_1314 = vector.broadcast %jit3A_1313 : i32 to vector<128x128xi32>
    %select_n3A_1315 = arith.select %lt3A_1311, %broadcast_in_dim3A_1314, %select_n3A_1307 : vector<128x128xi1>, vector<128x128xi32>
    %slice3A_1316 = vector.extract_strided_slice %dot_general3A_1073 {offsets = [128, 1792], sizes = [128, 128], strides = [1, 1]} : vector<1024x2048xf32> to vector<128x128xf32>
    %sub3A_1317 = vector.broadcast %slice3A_1203 : vector<128x1xf32> to vector<128x128xf32>
    %sub3A_1318 = arith.subf %sub3A_1317, %slice3A_1316 : vector<128x128xf32>
    %lt3A_1319 = arith.cmpf olt, %sub3A_1318, %select_n3A_1312 : vector<128x128xf32>
    %select_n3A_1320 = arith.select %lt3A_1319, %sub3A_1318, %select_n3A_1312 : vector<128x128xi1>, vector<128x128xf32>
    %jit3A_1321 = arith.constant 30 : i32
    %broadcast_in_dim3A_1322 = vector.broadcast %jit3A_1321 : i32 to vector<128x128xi32>
    %select_n3A_1323 = arith.select %lt3A_1319, %broadcast_in_dim3A_1322, %select_n3A_1315 : vector<128x128xi1>, vector<128x128xi32>
    %slice3A_1324 = vector.extract_strided_slice %dot_general3A_1073 {offsets = [128, 1920], sizes = [128, 128], strides = [1, 1]} : vector<1024x2048xf32> to vector<128x128xf32>
    %sub3A_1325 = vector.broadcast %slice3A_1203 : vector<128x1xf32> to vector<128x128xf32>
    %sub3A_1326 = arith.subf %sub3A_1325, %slice3A_1324 : vector<128x128xf32>
    %lt3A_1327 = arith.cmpf olt, %sub3A_1326, %select_n3A_1320 : vector<128x128xf32>
    %select_n3A_1328 = arith.select %lt3A_1327, %sub3A_1326, %select_n3A_1320 : vector<128x128xi1>, vector<128x128xf32>
    %jit3A_1329 = arith.constant 31 : i32
    %broadcast_in_dim3A_1330 = vector.broadcast %jit3A_1329 : i32 to vector<128x128xi32>
    %select_n3A_1331 = arith.select %lt3A_1327, %broadcast_in_dim3A_1330, %select_n3A_1323 : vector<128x128xi1>, vector<128x128xi32>
    %slice3A_1332 = vector.extract_strided_slice %broadcast_in_dim3A {offsets = [256, 0], sizes = [128, 1], strides = [1, 1]} : vector<1024x1xf32> to vector<128x1xf32>
    %slice3A_1333 = vector.extract_strided_slice %dot_general3A_1073 {offsets = [256, 0], sizes = [128, 128], strides = [1, 1]} : vector<1024x2048xf32> to vector<128x128xf32>
    %sub3A_1334 = vector.broadcast %slice3A_1332 : vector<128x1xf32> to vector<128x128xf32>
    %sub3A_1335 = arith.subf %sub3A_1334, %slice3A_1333 : vector<128x128xf32>
    %lt3A_1336 = arith.cmpf olt, %sub3A_1335, %select_n3A_420 : vector<128x128xf32>
    %select_n3A_1337 = arith.select %lt3A_1336, %sub3A_1335, %select_n3A_420 : vector<128x128xi1>, vector<128x128xf32>
    %jit3A_1338 = arith.constant 16 : i32
    %broadcast_in_dim3A_1339 = vector.broadcast %jit3A_1338 : i32 to vector<128x128xi32>
    %select_n3A_1340 = arith.select %lt3A_1336, %broadcast_in_dim3A_1339, %select_n3A_423 : vector<128x128xi1>, vector<128x128xi32>
    %slice3A_1341 = vector.extract_strided_slice %dot_general3A_1073 {offsets = [256, 128], sizes = [128, 128], strides = [1, 1]} : vector<1024x2048xf32> to vector<128x128xf32>
    %sub3A_1342 = vector.broadcast %slice3A_1332 : vector<128x1xf32> to vector<128x128xf32>
    %sub3A_1343 = arith.subf %sub3A_1342, %slice3A_1341 : vector<128x128xf32>
    %lt3A_1344 = arith.cmpf olt, %sub3A_1343, %select_n3A_1337 : vector<128x128xf32>
    %select_n3A_1345 = arith.select %lt3A_1344, %sub3A_1343, %select_n3A_1337 : vector<128x128xi1>, vector<128x128xf32>
    %jit3A_1346 = arith.constant 17 : i32
    %broadcast_in_dim3A_1347 = vector.broadcast %jit3A_1346 : i32 to vector<128x128xi32>
    %select_n3A_1348 = arith.select %lt3A_1344, %broadcast_in_dim3A_1347, %select_n3A_1340 : vector<128x128xi1>, vector<128x128xi32>
    %slice3A_1349 = vector.extract_strided_slice %dot_general3A_1073 {offsets = [256, 256], sizes = [128, 128], strides = [1, 1]} : vector<1024x2048xf32> to vector<128x128xf32>
    %sub3A_1350 = vector.broadcast %slice3A_1332 : vector<128x1xf32> to vector<128x128xf32>
    %sub3A_1351 = arith.subf %sub3A_1350, %slice3A_1349 : vector<128x128xf32>
    %lt3A_1352 = arith.cmpf olt, %sub3A_1351, %select_n3A_1345 : vector<128x128xf32>
    %select_n3A_1353 = arith.select %lt3A_1352, %sub3A_1351, %select_n3A_1345 : vector<128x128xi1>, vector<128x128xf32>
    %jit3A_1354 = arith.constant 18 : i32
    %broadcast_in_dim3A_1355 = vector.broadcast %jit3A_1354 : i32 to vector<128x128xi32>
    %select_n3A_1356 = arith.select %lt3A_1352, %broadcast_in_dim3A_1355, %select_n3A_1348 : vector<128x128xi1>, vector<128x128xi32>
    %slice3A_1357 = vector.extract_strided_slice %dot_general3A_1073 {offsets = [256, 384], sizes = [128, 128], strides = [1, 1]} : vector<1024x2048xf32> to vector<128x128xf32>
    %sub3A_1358 = vector.broadcast %slice3A_1332 : vector<128x1xf32> to vector<128x128xf32>
    %sub3A_1359 = arith.subf %sub3A_1358, %slice3A_1357 : vector<128x128xf32>
    %lt3A_1360 = arith.cmpf olt, %sub3A_1359, %select_n3A_1353 : vector<128x128xf32>
    %select_n3A_1361 = arith.select %lt3A_1360, %sub3A_1359, %select_n3A_1353 : vector<128x128xi1>, vector<128x128xf32>
    %jit3A_1362 = arith.constant 19 : i32
    %broadcast_in_dim3A_1363 = vector.broadcast %jit3A_1362 : i32 to vector<128x128xi32>
    %select_n3A_1364 = arith.select %lt3A_1360, %broadcast_in_dim3A_1363, %select_n3A_1356 : vector<128x128xi1>, vector<128x128xi32>
    %slice3A_1365 = vector.extract_strided_slice %dot_general3A_1073 {offsets = [256, 512], sizes = [128, 128], strides = [1, 1]} : vector<1024x2048xf32> to vector<128x128xf32>
    %sub3A_1366 = vector.broadcast %slice3A_1332 : vector<128x1xf32> to vector<128x128xf32>
    %sub3A_1367 = arith.subf %sub3A_1366, %slice3A_1365 : vector<128x128xf32>
    %lt3A_1368 = arith.cmpf olt, %sub3A_1367, %select_n3A_1361 : vector<128x128xf32>
    %select_n3A_1369 = arith.select %lt3A_1368, %sub3A_1367, %select_n3A_1361 : vector<128x128xi1>, vector<128x128xf32>
    %jit3A_1370 = arith.constant 20 : i32
    %broadcast_in_dim3A_1371 = vector.broadcast %jit3A_1370 : i32 to vector<128x128xi32>
    %select_n3A_1372 = arith.select %lt3A_1368, %broadcast_in_dim3A_1371, %select_n3A_1364 : vector<128x128xi1>, vector<128x128xi32>
    %slice3A_1373 = vector.extract_strided_slice %dot_general3A_1073 {offsets = [256, 640], sizes = [128, 128], strides = [1, 1]} : vector<1024x2048xf32> to vector<128x128xf32>
    %sub3A_1374 = vector.broadcast %slice3A_1332 : vector<128x1xf32> to vector<128x128xf32>
    %sub3A_1375 = arith.subf %sub3A_1374, %slice3A_1373 : vector<128x128xf32>
    %lt3A_1376 = arith.cmpf olt, %sub3A_1375, %select_n3A_1369 : vector<128x128xf32>
    %select_n3A_1377 = arith.select %lt3A_1376, %sub3A_1375, %select_n3A_1369 : vector<128x128xi1>, vector<128x128xf32>
    %jit3A_1378 = arith.constant 21 : i32
    %broadcast_in_dim3A_1379 = vector.broadcast %jit3A_1378 : i32 to vector<128x128xi32>
    %select_n3A_1380 = arith.select %lt3A_1376, %broadcast_in_dim3A_1379, %select_n3A_1372 : vector<128x128xi1>, vector<128x128xi32>
    %slice3A_1381 = vector.extract_strided_slice %dot_general3A_1073 {offsets = [256, 768], sizes = [128, 128], strides = [1, 1]} : vector<1024x2048xf32> to vector<128x128xf32>
    %sub3A_1382 = vector.broadcast %slice3A_1332 : vector<128x1xf32> to vector<128x128xf32>
    %sub3A_1383 = arith.subf %sub3A_1382, %slice3A_1381 : vector<128x128xf32>
    %lt3A_1384 = arith.cmpf olt, %sub3A_1383, %select_n3A_1377 : vector<128x128xf32>
    %select_n3A_1385 = arith.select %lt3A_1384, %sub3A_1383, %select_n3A_1377 : vector<128x128xi1>, vector<128x128xf32>
    %jit3A_1386 = arith.constant 22 : i32
    %broadcast_in_dim3A_1387 = vector.broadcast %jit3A_1386 : i32 to vector<128x128xi32>
    %select_n3A_1388 = arith.select %lt3A_1384, %broadcast_in_dim3A_1387, %select_n3A_1380 : vector<128x128xi1>, vector<128x128xi32>
    %slice3A_1389 = vector.extract_strided_slice %dot_general3A_1073 {offsets = [256, 896], sizes = [128, 128], strides = [1, 1]} : vector<1024x2048xf32> to vector<128x128xf32>
    %sub3A_1390 = vector.broadcast %slice3A_1332 : vector<128x1xf32> to vector<128x128xf32>
    %sub3A_1391 = arith.subf %sub3A_1390, %slice3A_1389 : vector<128x128xf32>
    %lt3A_1392 = arith.cmpf olt, %sub3A_1391, %select_n3A_1385 : vector<128x128xf32>
    %select_n3A_1393 = arith.select %lt3A_1392, %sub3A_1391, %select_n3A_1385 : vector<128x128xi1>, vector<128x128xf32>
    %jit3A_1394 = arith.constant 23 : i32
    %broadcast_in_dim3A_1395 = vector.broadcast %jit3A_1394 : i32 to vector<128x128xi32>
    %select_n3A_1396 = arith.select %lt3A_1392, %broadcast_in_dim3A_1395, %select_n3A_1388 : vector<128x128xi1>, vector<128x128xi32>
    %slice3A_1397 = vector.extract_strided_slice %dot_general3A_1073 {offsets = [256, 1024], sizes = [128, 128], strides = [1, 1]} : vector<1024x2048xf32> to vector<128x128xf32>
    %sub3A_1398 = vector.broadcast %slice3A_1332 : vector<128x1xf32> to vector<128x128xf32>
    %sub3A_1399 = arith.subf %sub3A_1398, %slice3A_1397 : vector<128x128xf32>
    %lt3A_1400 = arith.cmpf olt, %sub3A_1399, %select_n3A_1393 : vector<128x128xf32>
    %select_n3A_1401 = arith.select %lt3A_1400, %sub3A_1399, %select_n3A_1393 : vector<128x128xi1>, vector<128x128xf32>
    %jit3A_1402 = arith.constant 24 : i32
    %broadcast_in_dim3A_1403 = vector.broadcast %jit3A_1402 : i32 to vector<128x128xi32>
    %select_n3A_1404 = arith.select %lt3A_1400, %broadcast_in_dim3A_1403, %select_n3A_1396 : vector<128x128xi1>, vector<128x128xi32>
    %slice3A_1405 = vector.extract_strided_slice %dot_general3A_1073 {offsets = [256, 1152], sizes = [128, 128], strides = [1, 1]} : vector<1024x2048xf32> to vector<128x128xf32>
    %sub3A_1406 = vector.broadcast %slice3A_1332 : vector<128x1xf32> to vector<128x128xf32>
    %sub3A_1407 = arith.subf %sub3A_1406, %slice3A_1405 : vector<128x128xf32>
    %lt3A_1408 = arith.cmpf olt, %sub3A_1407, %select_n3A_1401 : vector<128x128xf32>
    %select_n3A_1409 = arith.select %lt3A_1408, %sub3A_1407, %select_n3A_1401 : vector<128x128xi1>, vector<128x128xf32>
    %jit3A_1410 = arith.constant 25 : i32
    %broadcast_in_dim3A_1411 = vector.broadcast %jit3A_1410 : i32 to vector<128x128xi32>
    %select_n3A_1412 = arith.select %lt3A_1408, %broadcast_in_dim3A_1411, %select_n3A_1404 : vector<128x128xi1>, vector<128x128xi32>
    %slice3A_1413 = vector.extract_strided_slice %dot_general3A_1073 {offsets = [256, 1280], sizes = [128, 128], strides = [1, 1]} : vector<1024x2048xf32> to vector<128x128xf32>
    %sub3A_1414 = vector.broadcast %slice3A_1332 : vector<128x1xf32> to vector<128x128xf32>
    %sub3A_1415 = arith.subf %sub3A_1414, %slice3A_1413 : vector<128x128xf32>
    %lt3A_1416 = arith.cmpf olt, %sub3A_1415, %select_n3A_1409 : vector<128x128xf32>
    %select_n3A_1417 = arith.select %lt3A_1416, %sub3A_1415, %select_n3A_1409 : vector<128x128xi1>, vector<128x128xf32>
    %jit3A_1418 = arith.constant 26 : i32
    %broadcast_in_dim3A_1419 = vector.broadcast %jit3A_1418 : i32 to vector<128x128xi32>
    %select_n3A_1420 = arith.select %lt3A_1416, %broadcast_in_dim3A_1419, %select_n3A_1412 : vector<128x128xi1>, vector<128x128xi32>
    %slice3A_1421 = vector.extract_strided_slice %dot_general3A_1073 {offsets = [256, 1408], sizes = [128, 128], strides = [1, 1]} : vector<1024x2048xf32> to vector<128x128xf32>
    %sub3A_1422 = vector.broadcast %slice3A_1332 : vector<128x1xf32> to vector<128x128xf32>
    %sub3A_1423 = arith.subf %sub3A_1422, %slice3A_1421 : vector<128x128xf32>
    %lt3A_1424 = arith.cmpf olt, %sub3A_1423, %select_n3A_1417 : vector<128x128xf32>
    %select_n3A_1425 = arith.select %lt3A_1424, %sub3A_1423, %select_n3A_1417 : vector<128x128xi1>, vector<128x128xf32>
    %jit3A_1426 = arith.constant 27 : i32
    %broadcast_in_dim3A_1427 = vector.broadcast %jit3A_1426 : i32 to vector<128x128xi32>
    %select_n3A_1428 = arith.select %lt3A_1424, %broadcast_in_dim3A_1427, %select_n3A_1420 : vector<128x128xi1>, vector<128x128xi32>
    %slice3A_1429 = vector.extract_strided_slice %dot_general3A_1073 {offsets = [256, 1536], sizes = [128, 128], strides = [1, 1]} : vector<1024x2048xf32> to vector<128x128xf32>
    %sub3A_1430 = vector.broadcast %slice3A_1332 : vector<128x1xf32> to vector<128x128xf32>
    %sub3A_1431 = arith.subf %sub3A_1430, %slice3A_1429 : vector<128x128xf32>
    %lt3A_1432 = arith.cmpf olt, %sub3A_1431, %select_n3A_1425 : vector<128x128xf32>
    %select_n3A_1433 = arith.select %lt3A_1432, %sub3A_1431, %select_n3A_1425 : vector<128x128xi1>, vector<128x128xf32>
    %jit3A_1434 = arith.constant 28 : i32
    %broadcast_in_dim3A_1435 = vector.broadcast %jit3A_1434 : i32 to vector<128x128xi32>
    %select_n3A_1436 = arith.select %lt3A_1432, %broadcast_in_dim3A_1435, %select_n3A_1428 : vector<128x128xi1>, vector<128x128xi32>
    %slice3A_1437 = vector.extract_strided_slice %dot_general3A_1073 {offsets = [256, 1664], sizes = [128, 128], strides = [1, 1]} : vector<1024x2048xf32> to vector<128x128xf32>
    %sub3A_1438 = vector.broadcast %slice3A_1332 : vector<128x1xf32> to vector<128x128xf32>
    %sub3A_1439 = arith.subf %sub3A_1438, %slice3A_1437 : vector<128x128xf32>
    %lt3A_1440 = arith.cmpf olt, %sub3A_1439, %select_n3A_1433 : vector<128x128xf32>
    %select_n3A_1441 = arith.select %lt3A_1440, %sub3A_1439, %select_n3A_1433 : vector<128x128xi1>, vector<128x128xf32>
    %jit3A_1442 = arith.constant 29 : i32
    %broadcast_in_dim3A_1443 = vector.broadcast %jit3A_1442 : i32 to vector<128x128xi32>
    %select_n3A_1444 = arith.select %lt3A_1440, %broadcast_in_dim3A_1443, %select_n3A_1436 : vector<128x128xi1>, vector<128x128xi32>
    %slice3A_1445 = vector.extract_strided_slice %dot_general3A_1073 {offsets = [256, 1792], sizes = [128, 128], strides = [1, 1]} : vector<1024x2048xf32> to vector<128x128xf32>
    %sub3A_1446 = vector.broadcast %slice3A_1332 : vector<128x1xf32> to vector<128x128xf32>
    %sub3A_1447 = arith.subf %sub3A_1446, %slice3A_1445 : vector<128x128xf32>
    %lt3A_1448 = arith.cmpf olt, %sub3A_1447, %select_n3A_1441 : vector<128x128xf32>
    %select_n3A_1449 = arith.select %lt3A_1448, %sub3A_1447, %select_n3A_1441 : vector<128x128xi1>, vector<128x128xf32>
    %jit3A_1450 = arith.constant 30 : i32
    %broadcast_in_dim3A_1451 = vector.broadcast %jit3A_1450 : i32 to vector<128x128xi32>
    %select_n3A_1452 = arith.select %lt3A_1448, %broadcast_in_dim3A_1451, %select_n3A_1444 : vector<128x128xi1>, vector<128x128xi32>
    %slice3A_1453 = vector.extract_strided_slice %dot_general3A_1073 {offsets = [256, 1920], sizes = [128, 128], strides = [1, 1]} : vector<1024x2048xf32> to vector<128x128xf32>
    %sub3A_1454 = vector.broadcast %slice3A_1332 : vector<128x1xf32> to vector<128x128xf32>
    %sub3A_1455 = arith.subf %sub3A_1454, %slice3A_1453 : vector<128x128xf32>
    %lt3A_1456 = arith.cmpf olt, %sub3A_1455, %select_n3A_1449 : vector<128x128xf32>
    %select_n3A_1457 = arith.select %lt3A_1456, %sub3A_1455, %select_n3A_1449 : vector<128x128xi1>, vector<128x128xf32>
    %jit3A_1458 = arith.constant 31 : i32
    %broadcast_in_dim3A_1459 = vector.broadcast %jit3A_1458 : i32 to vector<128x128xi32>
    %select_n3A_1460 = arith.select %lt3A_1456, %broadcast_in_dim3A_1459, %select_n3A_1452 : vector<128x128xi1>, vector<128x128xi32>
    %slice3A_1461 = vector.extract_strided_slice %broadcast_in_dim3A {offsets = [384, 0], sizes = [128, 1], strides = [1, 1]} : vector<1024x1xf32> to vector<128x1xf32>
    %slice3A_1462 = vector.extract_strided_slice %dot_general3A_1073 {offsets = [384, 0], sizes = [128, 128], strides = [1, 1]} : vector<1024x2048xf32> to vector<128x128xf32>
    %sub3A_1463 = vector.broadcast %slice3A_1461 : vector<128x1xf32> to vector<128x128xf32>
    %sub3A_1464 = arith.subf %sub3A_1463, %slice3A_1462 : vector<128x128xf32>
    %lt3A_1465 = arith.cmpf olt, %sub3A_1464, %select_n3A_549 : vector<128x128xf32>
    %select_n3A_1466 = arith.select %lt3A_1465, %sub3A_1464, %select_n3A_549 : vector<128x128xi1>, vector<128x128xf32>
    %jit3A_1467 = arith.constant 16 : i32
    %broadcast_in_dim3A_1468 = vector.broadcast %jit3A_1467 : i32 to vector<128x128xi32>
    %select_n3A_1469 = arith.select %lt3A_1465, %broadcast_in_dim3A_1468, %select_n3A_552 : vector<128x128xi1>, vector<128x128xi32>
    %slice3A_1470 = vector.extract_strided_slice %dot_general3A_1073 {offsets = [384, 128], sizes = [128, 128], strides = [1, 1]} : vector<1024x2048xf32> to vector<128x128xf32>
    %sub3A_1471 = vector.broadcast %slice3A_1461 : vector<128x1xf32> to vector<128x128xf32>
    %sub3A_1472 = arith.subf %sub3A_1471, %slice3A_1470 : vector<128x128xf32>
    %lt3A_1473 = arith.cmpf olt, %sub3A_1472, %select_n3A_1466 : vector<128x128xf32>
    %select_n3A_1474 = arith.select %lt3A_1473, %sub3A_1472, %select_n3A_1466 : vector<128x128xi1>, vector<128x128xf32>
    %jit3A_1475 = arith.constant 17 : i32
    %broadcast_in_dim3A_1476 = vector.broadcast %jit3A_1475 : i32 to vector<128x128xi32>
    %select_n3A_1477 = arith.select %lt3A_1473, %broadcast_in_dim3A_1476, %select_n3A_1469 : vector<128x128xi1>, vector<128x128xi32>
    %slice3A_1478 = vector.extract_strided_slice %dot_general3A_1073 {offsets = [384, 256], sizes = [128, 128], strides = [1, 1]} : vector<1024x2048xf32> to vector<128x128xf32>
    %sub3A_1479 = vector.broadcast %slice3A_1461 : vector<128x1xf32> to vector<128x128xf32>
    %sub3A_1480 = arith.subf %sub3A_1479, %slice3A_1478 : vector<128x128xf32>
    %lt3A_1481 = arith.cmpf olt, %sub3A_1480, %select_n3A_1474 : vector<128x128xf32>
    %select_n3A_1482 = arith.select %lt3A_1481, %sub3A_1480, %select_n3A_1474 : vector<128x128xi1>, vector<128x128xf32>
    %jit3A_1483 = arith.constant 18 : i32
    %broadcast_in_dim3A_1484 = vector.broadcast %jit3A_1483 : i32 to vector<128x128xi32>
    %select_n3A_1485 = arith.select %lt3A_1481, %broadcast_in_dim3A_1484, %select_n3A_1477 : vector<128x128xi1>, vector<128x128xi32>
    %slice3A_1486 = vector.extract_strided_slice %dot_general3A_1073 {offsets = [384, 384], sizes = [128, 128], strides = [1, 1]} : vector<1024x2048xf32> to vector<128x128xf32>
    %sub3A_1487 = vector.broadcast %slice3A_1461 : vector<128x1xf32> to vector<128x128xf32>
    %sub3A_1488 = arith.subf %sub3A_1487, %slice3A_1486 : vector<128x128xf32>
    %lt3A_1489 = arith.cmpf olt, %sub3A_1488, %select_n3A_1482 : vector<128x128xf32>
    %select_n3A_1490 = arith.select %lt3A_1489, %sub3A_1488, %select_n3A_1482 : vector<128x128xi1>, vector<128x128xf32>
    %jit3A_1491 = arith.constant 19 : i32
    %broadcast_in_dim3A_1492 = vector.broadcast %jit3A_1491 : i32 to vector<128x128xi32>
    %select_n3A_1493 = arith.select %lt3A_1489, %broadcast_in_dim3A_1492, %select_n3A_1485 : vector<128x128xi1>, vector<128x128xi32>
    %slice3A_1494 = vector.extract_strided_slice %dot_general3A_1073 {offsets = [384, 512], sizes = [128, 128], strides = [1, 1]} : vector<1024x2048xf32> to vector<128x128xf32>
    %sub3A_1495 = vector.broadcast %slice3A_1461 : vector<128x1xf32> to vector<128x128xf32>
    %sub3A_1496 = arith.subf %sub3A_1495, %slice3A_1494 : vector<128x128xf32>
    %lt3A_1497 = arith.cmpf olt, %sub3A_1496, %select_n3A_1490 : vector<128x128xf32>
    %select_n3A_1498 = arith.select %lt3A_1497, %sub3A_1496, %select_n3A_1490 : vector<128x128xi1>, vector<128x128xf32>
    %jit3A_1499 = arith.constant 20 : i32
    %broadcast_in_dim3A_1500 = vector.broadcast %jit3A_1499 : i32 to vector<128x128xi32>
    %select_n3A_1501 = arith.select %lt3A_1497, %broadcast_in_dim3A_1500, %select_n3A_1493 : vector<128x128xi1>, vector<128x128xi32>
    %slice3A_1502 = vector.extract_strided_slice %dot_general3A_1073 {offsets = [384, 640], sizes = [128, 128], strides = [1, 1]} : vector<1024x2048xf32> to vector<128x128xf32>
    %sub3A_1503 = vector.broadcast %slice3A_1461 : vector<128x1xf32> to vector<128x128xf32>
    %sub3A_1504 = arith.subf %sub3A_1503, %slice3A_1502 : vector<128x128xf32>
    %lt3A_1505 = arith.cmpf olt, %sub3A_1504, %select_n3A_1498 : vector<128x128xf32>
    %select_n3A_1506 = arith.select %lt3A_1505, %sub3A_1504, %select_n3A_1498 : vector<128x128xi1>, vector<128x128xf32>
    %jit3A_1507 = arith.constant 21 : i32
    %broadcast_in_dim3A_1508 = vector.broadcast %jit3A_1507 : i32 to vector<128x128xi32>
    %select_n3A_1509 = arith.select %lt3A_1505, %broadcast_in_dim3A_1508, %select_n3A_1501 : vector<128x128xi1>, vector<128x128xi32>
    %slice3A_1510 = vector.extract_strided_slice %dot_general3A_1073 {offsets = [384, 768], sizes = [128, 128], strides = [1, 1]} : vector<1024x2048xf32> to vector<128x128xf32>
    %sub3A_1511 = vector.broadcast %slice3A_1461 : vector<128x1xf32> to vector<128x128xf32>
    %sub3A_1512 = arith.subf %sub3A_1511, %slice3A_1510 : vector<128x128xf32>
    %lt3A_1513 = arith.cmpf olt, %sub3A_1512, %select_n3A_1506 : vector<128x128xf32>
    %select_n3A_1514 = arith.select %lt3A_1513, %sub3A_1512, %select_n3A_1506 : vector<128x128xi1>, vector<128x128xf32>
    %jit3A_1515 = arith.constant 22 : i32
    %broadcast_in_dim3A_1516 = vector.broadcast %jit3A_1515 : i32 to vector<128x128xi32>
    %select_n3A_1517 = arith.select %lt3A_1513, %broadcast_in_dim3A_1516, %select_n3A_1509 : vector<128x128xi1>, vector<128x128xi32>
    %slice3A_1518 = vector.extract_strided_slice %dot_general3A_1073 {offsets = [384, 896], sizes = [128, 128], strides = [1, 1]} : vector<1024x2048xf32> to vector<128x128xf32>
    %sub3A_1519 = vector.broadcast %slice3A_1461 : vector<128x1xf32> to vector<128x128xf32>
    %sub3A_1520 = arith.subf %sub3A_1519, %slice3A_1518 : vector<128x128xf32>
    %lt3A_1521 = arith.cmpf olt, %sub3A_1520, %select_n3A_1514 : vector<128x128xf32>
    %select_n3A_1522 = arith.select %lt3A_1521, %sub3A_1520, %select_n3A_1514 : vector<128x128xi1>, vector<128x128xf32>
    %jit3A_1523 = arith.constant 23 : i32
    %broadcast_in_dim3A_1524 = vector.broadcast %jit3A_1523 : i32 to vector<128x128xi32>
    %select_n3A_1525 = arith.select %lt3A_1521, %broadcast_in_dim3A_1524, %select_n3A_1517 : vector<128x128xi1>, vector<128x128xi32>
    %slice3A_1526 = vector.extract_strided_slice %dot_general3A_1073 {offsets = [384, 1024], sizes = [128, 128], strides = [1, 1]} : vector<1024x2048xf32> to vector<128x128xf32>
    %sub3A_1527 = vector.broadcast %slice3A_1461 : vector<128x1xf32> to vector<128x128xf32>
    %sub3A_1528 = arith.subf %sub3A_1527, %slice3A_1526 : vector<128x128xf32>
    %lt3A_1529 = arith.cmpf olt, %sub3A_1528, %select_n3A_1522 : vector<128x128xf32>
    %select_n3A_1530 = arith.select %lt3A_1529, %sub3A_1528, %select_n3A_1522 : vector<128x128xi1>, vector<128x128xf32>
    %jit3A_1531 = arith.constant 24 : i32
    %broadcast_in_dim3A_1532 = vector.broadcast %jit3A_1531 : i32 to vector<128x128xi32>
    %select_n3A_1533 = arith.select %lt3A_1529, %broadcast_in_dim3A_1532, %select_n3A_1525 : vector<128x128xi1>, vector<128x128xi32>
    %slice3A_1534 = vector.extract_strided_slice %dot_general3A_1073 {offsets = [384, 1152], sizes = [128, 128], strides = [1, 1]} : vector<1024x2048xf32> to vector<128x128xf32>
    %sub3A_1535 = vector.broadcast %slice3A_1461 : vector<128x1xf32> to vector<128x128xf32>
    %sub3A_1536 = arith.subf %sub3A_1535, %slice3A_1534 : vector<128x128xf32>
    %lt3A_1537 = arith.cmpf olt, %sub3A_1536, %select_n3A_1530 : vector<128x128xf32>
    %select_n3A_1538 = arith.select %lt3A_1537, %sub3A_1536, %select_n3A_1530 : vector<128x128xi1>, vector<128x128xf32>
    %jit3A_1539 = arith.constant 25 : i32
    %broadcast_in_dim3A_1540 = vector.broadcast %jit3A_1539 : i32 to vector<128x128xi32>
    %select_n3A_1541 = arith.select %lt3A_1537, %broadcast_in_dim3A_1540, %select_n3A_1533 : vector<128x128xi1>, vector<128x128xi32>
    %slice3A_1542 = vector.extract_strided_slice %dot_general3A_1073 {offsets = [384, 1280], sizes = [128, 128], strides = [1, 1]} : vector<1024x2048xf32> to vector<128x128xf32>
    %sub3A_1543 = vector.broadcast %slice3A_1461 : vector<128x1xf32> to vector<128x128xf32>
    %sub3A_1544 = arith.subf %sub3A_1543, %slice3A_1542 : vector<128x128xf32>
    %lt3A_1545 = arith.cmpf olt, %sub3A_1544, %select_n3A_1538 : vector<128x128xf32>
    %select_n3A_1546 = arith.select %lt3A_1545, %sub3A_1544, %select_n3A_1538 : vector<128x128xi1>, vector<128x128xf32>
    %jit3A_1547 = arith.constant 26 : i32
    %broadcast_in_dim3A_1548 = vector.broadcast %jit3A_1547 : i32 to vector<128x128xi32>
    %select_n3A_1549 = arith.select %lt3A_1545, %broadcast_in_dim3A_1548, %select_n3A_1541 : vector<128x128xi1>, vector<128x128xi32>
    %slice3A_1550 = vector.extract_strided_slice %dot_general3A_1073 {offsets = [384, 1408], sizes = [128, 128], strides = [1, 1]} : vector<1024x2048xf32> to vector<128x128xf32>
    %sub3A_1551 = vector.broadcast %slice3A_1461 : vector<128x1xf32> to vector<128x128xf32>
    %sub3A_1552 = arith.subf %sub3A_1551, %slice3A_1550 : vector<128x128xf32>
    %lt3A_1553 = arith.cmpf olt, %sub3A_1552, %select_n3A_1546 : vector<128x128xf32>
    %select_n3A_1554 = arith.select %lt3A_1553, %sub3A_1552, %select_n3A_1546 : vector<128x128xi1>, vector<128x128xf32>
    %jit3A_1555 = arith.constant 27 : i32
    %broadcast_in_dim3A_1556 = vector.broadcast %jit3A_1555 : i32 to vector<128x128xi32>
    %select_n3A_1557 = arith.select %lt3A_1553, %broadcast_in_dim3A_1556, %select_n3A_1549 : vector<128x128xi1>, vector<128x128xi32>
    %slice3A_1558 = vector.extract_strided_slice %dot_general3A_1073 {offsets = [384, 1536], sizes = [128, 128], strides = [1, 1]} : vector<1024x2048xf32> to vector<128x128xf32>
    %sub3A_1559 = vector.broadcast %slice3A_1461 : vector<128x1xf32> to vector<128x128xf32>
    %sub3A_1560 = arith.subf %sub3A_1559, %slice3A_1558 : vector<128x128xf32>
    %lt3A_1561 = arith.cmpf olt, %sub3A_1560, %select_n3A_1554 : vector<128x128xf32>
    %select_n3A_1562 = arith.select %lt3A_1561, %sub3A_1560, %select_n3A_1554 : vector<128x128xi1>, vector<128x128xf32>
    %jit3A_1563 = arith.constant 28 : i32
    %broadcast_in_dim3A_1564 = vector.broadcast %jit3A_1563 : i32 to vector<128x128xi32>
    %select_n3A_1565 = arith.select %lt3A_1561, %broadcast_in_dim3A_1564, %select_n3A_1557 : vector<128x128xi1>, vector<128x128xi32>
    %slice3A_1566 = vector.extract_strided_slice %dot_general3A_1073 {offsets = [384, 1664], sizes = [128, 128], strides = [1, 1]} : vector<1024x2048xf32> to vector<128x128xf32>
    %sub3A_1567 = vector.broadcast %slice3A_1461 : vector<128x1xf32> to vector<128x128xf32>
    %sub3A_1568 = arith.subf %sub3A_1567, %slice3A_1566 : vector<128x128xf32>
    %lt3A_1569 = arith.cmpf olt, %sub3A_1568, %select_n3A_1562 : vector<128x128xf32>
    %select_n3A_1570 = arith.select %lt3A_1569, %sub3A_1568, %select_n3A_1562 : vector<128x128xi1>, vector<128x128xf32>
    %jit3A_1571 = arith.constant 29 : i32
    %broadcast_in_dim3A_1572 = vector.broadcast %jit3A_1571 : i32 to vector<128x128xi32>
    %select_n3A_1573 = arith.select %lt3A_1569, %broadcast_in_dim3A_1572, %select_n3A_1565 : vector<128x128xi1>, vector<128x128xi32>
    %slice3A_1574 = vector.extract_strided_slice %dot_general3A_1073 {offsets = [384, 1792], sizes = [128, 128], strides = [1, 1]} : vector<1024x2048xf32> to vector<128x128xf32>
    %sub3A_1575 = vector.broadcast %slice3A_1461 : vector<128x1xf32> to vector<128x128xf32>
    %sub3A_1576 = arith.subf %sub3A_1575, %slice3A_1574 : vector<128x128xf32>
    %lt3A_1577 = arith.cmpf olt, %sub3A_1576, %select_n3A_1570 : vector<128x128xf32>
    %select_n3A_1578 = arith.select %lt3A_1577, %sub3A_1576, %select_n3A_1570 : vector<128x128xi1>, vector<128x128xf32>
    %jit3A_1579 = arith.constant 30 : i32
    %broadcast_in_dim3A_1580 = vector.broadcast %jit3A_1579 : i32 to vector<128x128xi32>
    %select_n3A_1581 = arith.select %lt3A_1577, %broadcast_in_dim3A_1580, %select_n3A_1573 : vector<128x128xi1>, vector<128x128xi32>
    %slice3A_1582 = vector.extract_strided_slice %dot_general3A_1073 {offsets = [384, 1920], sizes = [128, 128], strides = [1, 1]} : vector<1024x2048xf32> to vector<128x128xf32>
    %sub3A_1583 = vector.broadcast %slice3A_1461 : vector<128x1xf32> to vector<128x128xf32>
    %sub3A_1584 = arith.subf %sub3A_1583, %slice3A_1582 : vector<128x128xf32>
    %lt3A_1585 = arith.cmpf olt, %sub3A_1584, %select_n3A_1578 : vector<128x128xf32>
    %select_n3A_1586 = arith.select %lt3A_1585, %sub3A_1584, %select_n3A_1578 : vector<128x128xi1>, vector<128x128xf32>
    %jit3A_1587 = arith.constant 31 : i32
    %broadcast_in_dim3A_1588 = vector.broadcast %jit3A_1587 : i32 to vector<128x128xi32>
    %select_n3A_1589 = arith.select %lt3A_1585, %broadcast_in_dim3A_1588, %select_n3A_1581 : vector<128x128xi1>, vector<128x128xi32>
    %slice3A_1590 = vector.extract_strided_slice %broadcast_in_dim3A {offsets = [512, 0], sizes = [128, 1], strides = [1, 1]} : vector<1024x1xf32> to vector<128x1xf32>
    %slice3A_1591 = vector.extract_strided_slice %dot_general3A_1073 {offsets = [512, 0], sizes = [128, 128], strides = [1, 1]} : vector<1024x2048xf32> to vector<128x128xf32>
    %sub3A_1592 = vector.broadcast %slice3A_1590 : vector<128x1xf32> to vector<128x128xf32>
    %sub3A_1593 = arith.subf %sub3A_1592, %slice3A_1591 : vector<128x128xf32>
    %lt3A_1594 = arith.cmpf olt, %sub3A_1593, %select_n3A_678 : vector<128x128xf32>
    %select_n3A_1595 = arith.select %lt3A_1594, %sub3A_1593, %select_n3A_678 : vector<128x128xi1>, vector<128x128xf32>
    %jit3A_1596 = arith.constant 16 : i32
    %broadcast_in_dim3A_1597 = vector.broadcast %jit3A_1596 : i32 to vector<128x128xi32>
    %select_n3A_1598 = arith.select %lt3A_1594, %broadcast_in_dim3A_1597, %select_n3A_681 : vector<128x128xi1>, vector<128x128xi32>
    %slice3A_1599 = vector.extract_strided_slice %dot_general3A_1073 {offsets = [512, 128], sizes = [128, 128], strides = [1, 1]} : vector<1024x2048xf32> to vector<128x128xf32>
    %sub3A_1600 = vector.broadcast %slice3A_1590 : vector<128x1xf32> to vector<128x128xf32>
    %sub3A_1601 = arith.subf %sub3A_1600, %slice3A_1599 : vector<128x128xf32>
    %lt3A_1602 = arith.cmpf olt, %sub3A_1601, %select_n3A_1595 : vector<128x128xf32>
    %select_n3A_1603 = arith.select %lt3A_1602, %sub3A_1601, %select_n3A_1595 : vector<128x128xi1>, vector<128x128xf32>
    %jit3A_1604 = arith.constant 17 : i32
    %broadcast_in_dim3A_1605 = vector.broadcast %jit3A_1604 : i32 to vector<128x128xi32>
    %select_n3A_1606 = arith.select %lt3A_1602, %broadcast_in_dim3A_1605, %select_n3A_1598 : vector<128x128xi1>, vector<128x128xi32>
    %slice3A_1607 = vector.extract_strided_slice %dot_general3A_1073 {offsets = [512, 256], sizes = [128, 128], strides = [1, 1]} : vector<1024x2048xf32> to vector<128x128xf32>
    %sub3A_1608 = vector.broadcast %slice3A_1590 : vector<128x1xf32> to vector<128x128xf32>
    %sub3A_1609 = arith.subf %sub3A_1608, %slice3A_1607 : vector<128x128xf32>
    %lt3A_1610 = arith.cmpf olt, %sub3A_1609, %select_n3A_1603 : vector<128x128xf32>
    %select_n3A_1611 = arith.select %lt3A_1610, %sub3A_1609, %select_n3A_1603 : vector<128x128xi1>, vector<128x128xf32>
    %jit3A_1612 = arith.constant 18 : i32
    %broadcast_in_dim3A_1613 = vector.broadcast %jit3A_1612 : i32 to vector<128x128xi32>
    %select_n3A_1614 = arith.select %lt3A_1610, %broadcast_in_dim3A_1613, %select_n3A_1606 : vector<128x128xi1>, vector<128x128xi32>
    %slice3A_1615 = vector.extract_strided_slice %dot_general3A_1073 {offsets = [512, 384], sizes = [128, 128], strides = [1, 1]} : vector<1024x2048xf32> to vector<128x128xf32>
    %sub3A_1616 = vector.broadcast %slice3A_1590 : vector<128x1xf32> to vector<128x128xf32>
    %sub3A_1617 = arith.subf %sub3A_1616, %slice3A_1615 : vector<128x128xf32>
    %lt3A_1618 = arith.cmpf olt, %sub3A_1617, %select_n3A_1611 : vector<128x128xf32>
    %select_n3A_1619 = arith.select %lt3A_1618, %sub3A_1617, %select_n3A_1611 : vector<128x128xi1>, vector<128x128xf32>
    %jit3A_1620 = arith.constant 19 : i32
    %broadcast_in_dim3A_1621 = vector.broadcast %jit3A_1620 : i32 to vector<128x128xi32>
    %select_n3A_1622 = arith.select %lt3A_1618, %broadcast_in_dim3A_1621, %select_n3A_1614 : vector<128x128xi1>, vector<128x128xi32>
    %slice3A_1623 = vector.extract_strided_slice %dot_general3A_1073 {offsets = [512, 512], sizes = [128, 128], strides = [1, 1]} : vector<1024x2048xf32> to vector<128x128xf32>
    %sub3A_1624 = vector.broadcast %slice3A_1590 : vector<128x1xf32> to vector<128x128xf32>
    %sub3A_1625 = arith.subf %sub3A_1624, %slice3A_1623 : vector<128x128xf32>
    %lt3A_1626 = arith.cmpf olt, %sub3A_1625, %select_n3A_1619 : vector<128x128xf32>
    %select_n3A_1627 = arith.select %lt3A_1626, %sub3A_1625, %select_n3A_1619 : vector<128x128xi1>, vector<128x128xf32>
    %jit3A_1628 = arith.constant 20 : i32
    %broadcast_in_dim3A_1629 = vector.broadcast %jit3A_1628 : i32 to vector<128x128xi32>
    %select_n3A_1630 = arith.select %lt3A_1626, %broadcast_in_dim3A_1629, %select_n3A_1622 : vector<128x128xi1>, vector<128x128xi32>
    %slice3A_1631 = vector.extract_strided_slice %dot_general3A_1073 {offsets = [512, 640], sizes = [128, 128], strides = [1, 1]} : vector<1024x2048xf32> to vector<128x128xf32>
    %sub3A_1632 = vector.broadcast %slice3A_1590 : vector<128x1xf32> to vector<128x128xf32>
    %sub3A_1633 = arith.subf %sub3A_1632, %slice3A_1631 : vector<128x128xf32>
    %lt3A_1634 = arith.cmpf olt, %sub3A_1633, %select_n3A_1627 : vector<128x128xf32>
    %select_n3A_1635 = arith.select %lt3A_1634, %sub3A_1633, %select_n3A_1627 : vector<128x128xi1>, vector<128x128xf32>
    %jit3A_1636 = arith.constant 21 : i32
    %broadcast_in_dim3A_1637 = vector.broadcast %jit3A_1636 : i32 to vector<128x128xi32>
    %select_n3A_1638 = arith.select %lt3A_1634, %broadcast_in_dim3A_1637, %select_n3A_1630 : vector<128x128xi1>, vector<128x128xi32>
    %slice3A_1639 = vector.extract_strided_slice %dot_general3A_1073 {offsets = [512, 768], sizes = [128, 128], strides = [1, 1]} : vector<1024x2048xf32> to vector<128x128xf32>
    %sub3A_1640 = vector.broadcast %slice3A_1590 : vector<128x1xf32> to vector<128x128xf32>
    %sub3A_1641 = arith.subf %sub3A_1640, %slice3A_1639 : vector<128x128xf32>
    %lt3A_1642 = arith.cmpf olt, %sub3A_1641, %select_n3A_1635 : vector<128x128xf32>
    %select_n3A_1643 = arith.select %lt3A_1642, %sub3A_1641, %select_n3A_1635 : vector<128x128xi1>, vector<128x128xf32>
    %jit3A_1644 = arith.constant 22 : i32
    %broadcast_in_dim3A_1645 = vector.broadcast %jit3A_1644 : i32 to vector<128x128xi32>
    %select_n3A_1646 = arith.select %lt3A_1642, %broadcast_in_dim3A_1645, %select_n3A_1638 : vector<128x128xi1>, vector<128x128xi32>
    %slice3A_1647 = vector.extract_strided_slice %dot_general3A_1073 {offsets = [512, 896], sizes = [128, 128], strides = [1, 1]} : vector<1024x2048xf32> to vector<128x128xf32>
    %sub3A_1648 = vector.broadcast %slice3A_1590 : vector<128x1xf32> to vector<128x128xf32>
    %sub3A_1649 = arith.subf %sub3A_1648, %slice3A_1647 : vector<128x128xf32>
    %lt3A_1650 = arith.cmpf olt, %sub3A_1649, %select_n3A_1643 : vector<128x128xf32>
    %select_n3A_1651 = arith.select %lt3A_1650, %sub3A_1649, %select_n3A_1643 : vector<128x128xi1>, vector<128x128xf32>
    %jit3A_1652 = arith.constant 23 : i32
    %broadcast_in_dim3A_1653 = vector.broadcast %jit3A_1652 : i32 to vector<128x128xi32>
    %select_n3A_1654 = arith.select %lt3A_1650, %broadcast_in_dim3A_1653, %select_n3A_1646 : vector<128x128xi1>, vector<128x128xi32>
    %slice3A_1655 = vector.extract_strided_slice %dot_general3A_1073 {offsets = [512, 1024], sizes = [128, 128], strides = [1, 1]} : vector<1024x2048xf32> to vector<128x128xf32>
    %sub3A_1656 = vector.broadcast %slice3A_1590 : vector<128x1xf32> to vector<128x128xf32>
    %sub3A_1657 = arith.subf %sub3A_1656, %slice3A_1655 : vector<128x128xf32>
    %lt3A_1658 = arith.cmpf olt, %sub3A_1657, %select_n3A_1651 : vector<128x128xf32>
    %select_n3A_1659 = arith.select %lt3A_1658, %sub3A_1657, %select_n3A_1651 : vector<128x128xi1>, vector<128x128xf32>
    %jit3A_1660 = arith.constant 24 : i32
    %broadcast_in_dim3A_1661 = vector.broadcast %jit3A_1660 : i32 to vector<128x128xi32>
    %select_n3A_1662 = arith.select %lt3A_1658, %broadcast_in_dim3A_1661, %select_n3A_1654 : vector<128x128xi1>, vector<128x128xi32>
    %slice3A_1663 = vector.extract_strided_slice %dot_general3A_1073 {offsets = [512, 1152], sizes = [128, 128], strides = [1, 1]} : vector<1024x2048xf32> to vector<128x128xf32>
    %sub3A_1664 = vector.broadcast %slice3A_1590 : vector<128x1xf32> to vector<128x128xf32>
    %sub3A_1665 = arith.subf %sub3A_1664, %slice3A_1663 : vector<128x128xf32>
    %lt3A_1666 = arith.cmpf olt, %sub3A_1665, %select_n3A_1659 : vector<128x128xf32>
    %select_n3A_1667 = arith.select %lt3A_1666, %sub3A_1665, %select_n3A_1659 : vector<128x128xi1>, vector<128x128xf32>
    %jit3A_1668 = arith.constant 25 : i32
    %broadcast_in_dim3A_1669 = vector.broadcast %jit3A_1668 : i32 to vector<128x128xi32>
    %select_n3A_1670 = arith.select %lt3A_1666, %broadcast_in_dim3A_1669, %select_n3A_1662 : vector<128x128xi1>, vector<128x128xi32>
    %slice3A_1671 = vector.extract_strided_slice %dot_general3A_1073 {offsets = [512, 1280], sizes = [128, 128], strides = [1, 1]} : vector<1024x2048xf32> to vector<128x128xf32>
    %sub3A_1672 = vector.broadcast %slice3A_1590 : vector<128x1xf32> to vector<128x128xf32>
    %sub3A_1673 = arith.subf %sub3A_1672, %slice3A_1671 : vector<128x128xf32>
    %lt3A_1674 = arith.cmpf olt, %sub3A_1673, %select_n3A_1667 : vector<128x128xf32>
    %select_n3A_1675 = arith.select %lt3A_1674, %sub3A_1673, %select_n3A_1667 : vector<128x128xi1>, vector<128x128xf32>
    %jit3A_1676 = arith.constant 26 : i32
    %broadcast_in_dim3A_1677 = vector.broadcast %jit3A_1676 : i32 to vector<128x128xi32>
    %select_n3A_1678 = arith.select %lt3A_1674, %broadcast_in_dim3A_1677, %select_n3A_1670 : vector<128x128xi1>, vector<128x128xi32>
    %slice3A_1679 = vector.extract_strided_slice %dot_general3A_1073 {offsets = [512, 1408], sizes = [128, 128], strides = [1, 1]} : vector<1024x2048xf32> to vector<128x128xf32>
    %sub3A_1680 = vector.broadcast %slice3A_1590 : vector<128x1xf32> to vector<128x128xf32>
    %sub3A_1681 = arith.subf %sub3A_1680, %slice3A_1679 : vector<128x128xf32>
    %lt3A_1682 = arith.cmpf olt, %sub3A_1681, %select_n3A_1675 : vector<128x128xf32>
    %select_n3A_1683 = arith.select %lt3A_1682, %sub3A_1681, %select_n3A_1675 : vector<128x128xi1>, vector<128x128xf32>
    %jit3A_1684 = arith.constant 27 : i32
    %broadcast_in_dim3A_1685 = vector.broadcast %jit3A_1684 : i32 to vector<128x128xi32>
    %select_n3A_1686 = arith.select %lt3A_1682, %broadcast_in_dim3A_1685, %select_n3A_1678 : vector<128x128xi1>, vector<128x128xi32>
    %slice3A_1687 = vector.extract_strided_slice %dot_general3A_1073 {offsets = [512, 1536], sizes = [128, 128], strides = [1, 1]} : vector<1024x2048xf32> to vector<128x128xf32>
    %sub3A_1688 = vector.broadcast %slice3A_1590 : vector<128x1xf32> to vector<128x128xf32>
    %sub3A_1689 = arith.subf %sub3A_1688, %slice3A_1687 : vector<128x128xf32>
    %lt3A_1690 = arith.cmpf olt, %sub3A_1689, %select_n3A_1683 : vector<128x128xf32>
    %select_n3A_1691 = arith.select %lt3A_1690, %sub3A_1689, %select_n3A_1683 : vector<128x128xi1>, vector<128x128xf32>
    %jit3A_1692 = arith.constant 28 : i32
    %broadcast_in_dim3A_1693 = vector.broadcast %jit3A_1692 : i32 to vector<128x128xi32>
    %select_n3A_1694 = arith.select %lt3A_1690, %broadcast_in_dim3A_1693, %select_n3A_1686 : vector<128x128xi1>, vector<128x128xi32>
    %slice3A_1695 = vector.extract_strided_slice %dot_general3A_1073 {offsets = [512, 1664], sizes = [128, 128], strides = [1, 1]} : vector<1024x2048xf32> to vector<128x128xf32>
    %sub3A_1696 = vector.broadcast %slice3A_1590 : vector<128x1xf32> to vector<128x128xf32>
    %sub3A_1697 = arith.subf %sub3A_1696, %slice3A_1695 : vector<128x128xf32>
    %lt3A_1698 = arith.cmpf olt, %sub3A_1697, %select_n3A_1691 : vector<128x128xf32>
    %select_n3A_1699 = arith.select %lt3A_1698, %sub3A_1697, %select_n3A_1691 : vector<128x128xi1>, vector<128x128xf32>
    %jit3A_1700 = arith.constant 29 : i32
    %broadcast_in_dim3A_1701 = vector.broadcast %jit3A_1700 : i32 to vector<128x128xi32>
    %select_n3A_1702 = arith.select %lt3A_1698, %broadcast_in_dim3A_1701, %select_n3A_1694 : vector<128x128xi1>, vector<128x128xi32>
    %slice3A_1703 = vector.extract_strided_slice %dot_general3A_1073 {offsets = [512, 1792], sizes = [128, 128], strides = [1, 1]} : vector<1024x2048xf32> to vector<128x128xf32>
    %sub3A_1704 = vector.broadcast %slice3A_1590 : vector<128x1xf32> to vector<128x128xf32>
    %sub3A_1705 = arith.subf %sub3A_1704, %slice3A_1703 : vector<128x128xf32>
    %lt3A_1706 = arith.cmpf olt, %sub3A_1705, %select_n3A_1699 : vector<128x128xf32>
    %select_n3A_1707 = arith.select %lt3A_1706, %sub3A_1705, %select_n3A_1699 : vector<128x128xi1>, vector<128x128xf32>
    %jit3A_1708 = arith.constant 30 : i32
    %broadcast_in_dim3A_1709 = vector.broadcast %jit3A_1708 : i32 to vector<128x128xi32>
    %select_n3A_1710 = arith.select %lt3A_1706, %broadcast_in_dim3A_1709, %select_n3A_1702 : vector<128x128xi1>, vector<128x128xi32>
    %slice3A_1711 = vector.extract_strided_slice %dot_general3A_1073 {offsets = [512, 1920], sizes = [128, 128], strides = [1, 1]} : vector<1024x2048xf32> to vector<128x128xf32>
    %sub3A_1712 = vector.broadcast %slice3A_1590 : vector<128x1xf32> to vector<128x128xf32>
    %sub3A_1713 = arith.subf %sub3A_1712, %slice3A_1711 : vector<128x128xf32>
    %lt3A_1714 = arith.cmpf olt, %sub3A_1713, %select_n3A_1707 : vector<128x128xf32>
    %select_n3A_1715 = arith.select %lt3A_1714, %sub3A_1713, %select_n3A_1707 : vector<128x128xi1>, vector<128x128xf32>
    %jit3A_1716 = arith.constant 31 : i32
    %broadcast_in_dim3A_1717 = vector.broadcast %jit3A_1716 : i32 to vector<128x128xi32>
    %select_n3A_1718 = arith.select %lt3A_1714, %broadcast_in_dim3A_1717, %select_n3A_1710 : vector<128x128xi1>, vector<128x128xi32>
    %slice3A_1719 = vector.extract_strided_slice %broadcast_in_dim3A {offsets = [640, 0], sizes = [128, 1], strides = [1, 1]} : vector<1024x1xf32> to vector<128x1xf32>
    %slice3A_1720 = vector.extract_strided_slice %dot_general3A_1073 {offsets = [640, 0], sizes = [128, 128], strides = [1, 1]} : vector<1024x2048xf32> to vector<128x128xf32>
    %sub3A_1721 = vector.broadcast %slice3A_1719 : vector<128x1xf32> to vector<128x128xf32>
    %sub3A_1722 = arith.subf %sub3A_1721, %slice3A_1720 : vector<128x128xf32>
    %lt3A_1723 = arith.cmpf olt, %sub3A_1722, %select_n3A_807 : vector<128x128xf32>
    %select_n3A_1724 = arith.select %lt3A_1723, %sub3A_1722, %select_n3A_807 : vector<128x128xi1>, vector<128x128xf32>
    %jit3A_1725 = arith.constant 16 : i32
    %broadcast_in_dim3A_1726 = vector.broadcast %jit3A_1725 : i32 to vector<128x128xi32>
    %select_n3A_1727 = arith.select %lt3A_1723, %broadcast_in_dim3A_1726, %select_n3A_810 : vector<128x128xi1>, vector<128x128xi32>
    %slice3A_1728 = vector.extract_strided_slice %dot_general3A_1073 {offsets = [640, 128], sizes = [128, 128], strides = [1, 1]} : vector<1024x2048xf32> to vector<128x128xf32>
    %sub3A_1729 = vector.broadcast %slice3A_1719 : vector<128x1xf32> to vector<128x128xf32>
    %sub3A_1730 = arith.subf %sub3A_1729, %slice3A_1728 : vector<128x128xf32>
    %lt3A_1731 = arith.cmpf olt, %sub3A_1730, %select_n3A_1724 : vector<128x128xf32>
    %select_n3A_1732 = arith.select %lt3A_1731, %sub3A_1730, %select_n3A_1724 : vector<128x128xi1>, vector<128x128xf32>
    %jit3A_1733 = arith.constant 17 : i32
    %broadcast_in_dim3A_1734 = vector.broadcast %jit3A_1733 : i32 to vector<128x128xi32>
    %select_n3A_1735 = arith.select %lt3A_1731, %broadcast_in_dim3A_1734, %select_n3A_1727 : vector<128x128xi1>, vector<128x128xi32>
    %slice3A_1736 = vector.extract_strided_slice %dot_general3A_1073 {offsets = [640, 256], sizes = [128, 128], strides = [1, 1]} : vector<1024x2048xf32> to vector<128x128xf32>
    %sub3A_1737 = vector.broadcast %slice3A_1719 : vector<128x1xf32> to vector<128x128xf32>
    %sub3A_1738 = arith.subf %sub3A_1737, %slice3A_1736 : vector<128x128xf32>
    %lt3A_1739 = arith.cmpf olt, %sub3A_1738, %select_n3A_1732 : vector<128x128xf32>
    %select_n3A_1740 = arith.select %lt3A_1739, %sub3A_1738, %select_n3A_1732 : vector<128x128xi1>, vector<128x128xf32>
    %jit3A_1741 = arith.constant 18 : i32
    %broadcast_in_dim3A_1742 = vector.broadcast %jit3A_1741 : i32 to vector<128x128xi32>
    %select_n3A_1743 = arith.select %lt3A_1739, %broadcast_in_dim3A_1742, %select_n3A_1735 : vector<128x128xi1>, vector<128x128xi32>
    %slice3A_1744 = vector.extract_strided_slice %dot_general3A_1073 {offsets = [640, 384], sizes = [128, 128], strides = [1, 1]} : vector<1024x2048xf32> to vector<128x128xf32>
    %sub3A_1745 = vector.broadcast %slice3A_1719 : vector<128x1xf32> to vector<128x128xf32>
    %sub3A_1746 = arith.subf %sub3A_1745, %slice3A_1744 : vector<128x128xf32>
    %lt3A_1747 = arith.cmpf olt, %sub3A_1746, %select_n3A_1740 : vector<128x128xf32>
    %select_n3A_1748 = arith.select %lt3A_1747, %sub3A_1746, %select_n3A_1740 : vector<128x128xi1>, vector<128x128xf32>
    %jit3A_1749 = arith.constant 19 : i32
    %broadcast_in_dim3A_1750 = vector.broadcast %jit3A_1749 : i32 to vector<128x128xi32>
    %select_n3A_1751 = arith.select %lt3A_1747, %broadcast_in_dim3A_1750, %select_n3A_1743 : vector<128x128xi1>, vector<128x128xi32>
    %slice3A_1752 = vector.extract_strided_slice %dot_general3A_1073 {offsets = [640, 512], sizes = [128, 128], strides = [1, 1]} : vector<1024x2048xf32> to vector<128x128xf32>
    %sub3A_1753 = vector.broadcast %slice3A_1719 : vector<128x1xf32> to vector<128x128xf32>
    %sub3A_1754 = arith.subf %sub3A_1753, %slice3A_1752 : vector<128x128xf32>
    %lt3A_1755 = arith.cmpf olt, %sub3A_1754, %select_n3A_1748 : vector<128x128xf32>
    %select_n3A_1756 = arith.select %lt3A_1755, %sub3A_1754, %select_n3A_1748 : vector<128x128xi1>, vector<128x128xf32>
    %jit3A_1757 = arith.constant 20 : i32
    %broadcast_in_dim3A_1758 = vector.broadcast %jit3A_1757 : i32 to vector<128x128xi32>
    %select_n3A_1759 = arith.select %lt3A_1755, %broadcast_in_dim3A_1758, %select_n3A_1751 : vector<128x128xi1>, vector<128x128xi32>
    %slice3A_1760 = vector.extract_strided_slice %dot_general3A_1073 {offsets = [640, 640], sizes = [128, 128], strides = [1, 1]} : vector<1024x2048xf32> to vector<128x128xf32>
    %sub3A_1761 = vector.broadcast %slice3A_1719 : vector<128x1xf32> to vector<128x128xf32>
    %sub3A_1762 = arith.subf %sub3A_1761, %slice3A_1760 : vector<128x128xf32>
    %lt3A_1763 = arith.cmpf olt, %sub3A_1762, %select_n3A_1756 : vector<128x128xf32>
    %select_n3A_1764 = arith.select %lt3A_1763, %sub3A_1762, %select_n3A_1756 : vector<128x128xi1>, vector<128x128xf32>
    %jit3A_1765 = arith.constant 21 : i32
    %broadcast_in_dim3A_1766 = vector.broadcast %jit3A_1765 : i32 to vector<128x128xi32>
    %select_n3A_1767 = arith.select %lt3A_1763, %broadcast_in_dim3A_1766, %select_n3A_1759 : vector<128x128xi1>, vector<128x128xi32>
    %slice3A_1768 = vector.extract_strided_slice %dot_general3A_1073 {offsets = [640, 768], sizes = [128, 128], strides = [1, 1]} : vector<1024x2048xf32> to vector<128x128xf32>
    %sub3A_1769 = vector.broadcast %slice3A_1719 : vector<128x1xf32> to vector<128x128xf32>
    %sub3A_1770 = arith.subf %sub3A_1769, %slice3A_1768 : vector<128x128xf32>
    %lt3A_1771 = arith.cmpf olt, %sub3A_1770, %select_n3A_1764 : vector<128x128xf32>
    %select_n3A_1772 = arith.select %lt3A_1771, %sub3A_1770, %select_n3A_1764 : vector<128x128xi1>, vector<128x128xf32>
    %jit3A_1773 = arith.constant 22 : i32
    %broadcast_in_dim3A_1774 = vector.broadcast %jit3A_1773 : i32 to vector<128x128xi32>
    %select_n3A_1775 = arith.select %lt3A_1771, %broadcast_in_dim3A_1774, %select_n3A_1767 : vector<128x128xi1>, vector<128x128xi32>
    %slice3A_1776 = vector.extract_strided_slice %dot_general3A_1073 {offsets = [640, 896], sizes = [128, 128], strides = [1, 1]} : vector<1024x2048xf32> to vector<128x128xf32>
    %sub3A_1777 = vector.broadcast %slice3A_1719 : vector<128x1xf32> to vector<128x128xf32>
    %sub3A_1778 = arith.subf %sub3A_1777, %slice3A_1776 : vector<128x128xf32>
    %lt3A_1779 = arith.cmpf olt, %sub3A_1778, %select_n3A_1772 : vector<128x128xf32>
    %select_n3A_1780 = arith.select %lt3A_1779, %sub3A_1778, %select_n3A_1772 : vector<128x128xi1>, vector<128x128xf32>
    %jit3A_1781 = arith.constant 23 : i32
    %broadcast_in_dim3A_1782 = vector.broadcast %jit3A_1781 : i32 to vector<128x128xi32>
    %select_n3A_1783 = arith.select %lt3A_1779, %broadcast_in_dim3A_1782, %select_n3A_1775 : vector<128x128xi1>, vector<128x128xi32>
    %slice3A_1784 = vector.extract_strided_slice %dot_general3A_1073 {offsets = [640, 1024], sizes = [128, 128], strides = [1, 1]} : vector<1024x2048xf32> to vector<128x128xf32>
    %sub3A_1785 = vector.broadcast %slice3A_1719 : vector<128x1xf32> to vector<128x128xf32>
    %sub3A_1786 = arith.subf %sub3A_1785, %slice3A_1784 : vector<128x128xf32>
    %lt3A_1787 = arith.cmpf olt, %sub3A_1786, %select_n3A_1780 : vector<128x128xf32>
    %select_n3A_1788 = arith.select %lt3A_1787, %sub3A_1786, %select_n3A_1780 : vector<128x128xi1>, vector<128x128xf32>
    %jit3A_1789 = arith.constant 24 : i32
    %broadcast_in_dim3A_1790 = vector.broadcast %jit3A_1789 : i32 to vector<128x128xi32>
    %select_n3A_1791 = arith.select %lt3A_1787, %broadcast_in_dim3A_1790, %select_n3A_1783 : vector<128x128xi1>, vector<128x128xi32>
    %slice3A_1792 = vector.extract_strided_slice %dot_general3A_1073 {offsets = [640, 1152], sizes = [128, 128], strides = [1, 1]} : vector<1024x2048xf32> to vector<128x128xf32>
    %sub3A_1793 = vector.broadcast %slice3A_1719 : vector<128x1xf32> to vector<128x128xf32>
    %sub3A_1794 = arith.subf %sub3A_1793, %slice3A_1792 : vector<128x128xf32>
    %lt3A_1795 = arith.cmpf olt, %sub3A_1794, %select_n3A_1788 : vector<128x128xf32>
    %select_n3A_1796 = arith.select %lt3A_1795, %sub3A_1794, %select_n3A_1788 : vector<128x128xi1>, vector<128x128xf32>
    %jit3A_1797 = arith.constant 25 : i32
    %broadcast_in_dim3A_1798 = vector.broadcast %jit3A_1797 : i32 to vector<128x128xi32>
    %select_n3A_1799 = arith.select %lt3A_1795, %broadcast_in_dim3A_1798, %select_n3A_1791 : vector<128x128xi1>, vector<128x128xi32>
    %slice3A_1800 = vector.extract_strided_slice %dot_general3A_1073 {offsets = [640, 1280], sizes = [128, 128], strides = [1, 1]} : vector<1024x2048xf32> to vector<128x128xf32>
    %sub3A_1801 = vector.broadcast %slice3A_1719 : vector<128x1xf32> to vector<128x128xf32>
    %sub3A_1802 = arith.subf %sub3A_1801, %slice3A_1800 : vector<128x128xf32>
    %lt3A_1803 = arith.cmpf olt, %sub3A_1802, %select_n3A_1796 : vector<128x128xf32>
    %select_n3A_1804 = arith.select %lt3A_1803, %sub3A_1802, %select_n3A_1796 : vector<128x128xi1>, vector<128x128xf32>
    %jit3A_1805 = arith.constant 26 : i32
    %broadcast_in_dim3A_1806 = vector.broadcast %jit3A_1805 : i32 to vector<128x128xi32>
    %select_n3A_1807 = arith.select %lt3A_1803, %broadcast_in_dim3A_1806, %select_n3A_1799 : vector<128x128xi1>, vector<128x128xi32>
    %slice3A_1808 = vector.extract_strided_slice %dot_general3A_1073 {offsets = [640, 1408], sizes = [128, 128], strides = [1, 1]} : vector<1024x2048xf32> to vector<128x128xf32>
    %sub3A_1809 = vector.broadcast %slice3A_1719 : vector<128x1xf32> to vector<128x128xf32>
    %sub3A_1810 = arith.subf %sub3A_1809, %slice3A_1808 : vector<128x128xf32>
    %lt3A_1811 = arith.cmpf olt, %sub3A_1810, %select_n3A_1804 : vector<128x128xf32>
    %select_n3A_1812 = arith.select %lt3A_1811, %sub3A_1810, %select_n3A_1804 : vector<128x128xi1>, vector<128x128xf32>
    %jit3A_1813 = arith.constant 27 : i32
    %broadcast_in_dim3A_1814 = vector.broadcast %jit3A_1813 : i32 to vector<128x128xi32>
    %select_n3A_1815 = arith.select %lt3A_1811, %broadcast_in_dim3A_1814, %select_n3A_1807 : vector<128x128xi1>, vector<128x128xi32>
    %slice3A_1816 = vector.extract_strided_slice %dot_general3A_1073 {offsets = [640, 1536], sizes = [128, 128], strides = [1, 1]} : vector<1024x2048xf32> to vector<128x128xf32>
    %sub3A_1817 = vector.broadcast %slice3A_1719 : vector<128x1xf32> to vector<128x128xf32>
    %sub3A_1818 = arith.subf %sub3A_1817, %slice3A_1816 : vector<128x128xf32>
    %lt3A_1819 = arith.cmpf olt, %sub3A_1818, %select_n3A_1812 : vector<128x128xf32>
    %select_n3A_1820 = arith.select %lt3A_1819, %sub3A_1818, %select_n3A_1812 : vector<128x128xi1>, vector<128x128xf32>
    %jit3A_1821 = arith.constant 28 : i32
    %broadcast_in_dim3A_1822 = vector.broadcast %jit3A_1821 : i32 to vector<128x128xi32>
    %select_n3A_1823 = arith.select %lt3A_1819, %broadcast_in_dim3A_1822, %select_n3A_1815 : vector<128x128xi1>, vector<128x128xi32>
    %slice3A_1824 = vector.extract_strided_slice %dot_general3A_1073 {offsets = [640, 1664], sizes = [128, 128], strides = [1, 1]} : vector<1024x2048xf32> to vector<128x128xf32>
    %sub3A_1825 = vector.broadcast %slice3A_1719 : vector<128x1xf32> to vector<128x128xf32>
    %sub3A_1826 = arith.subf %sub3A_1825, %slice3A_1824 : vector<128x128xf32>
    %lt3A_1827 = arith.cmpf olt, %sub3A_1826, %select_n3A_1820 : vector<128x128xf32>
    %select_n3A_1828 = arith.select %lt3A_1827, %sub3A_1826, %select_n3A_1820 : vector<128x128xi1>, vector<128x128xf32>
    %jit3A_1829 = arith.constant 29 : i32
    %broadcast_in_dim3A_1830 = vector.broadcast %jit3A_1829 : i32 to vector<128x128xi32>
    %select_n3A_1831 = arith.select %lt3A_1827, %broadcast_in_dim3A_1830, %select_n3A_1823 : vector<128x128xi1>, vector<128x128xi32>
    %slice3A_1832 = vector.extract_strided_slice %dot_general3A_1073 {offsets = [640, 1792], sizes = [128, 128], strides = [1, 1]} : vector<1024x2048xf32> to vector<128x128xf32>
    %sub3A_1833 = vector.broadcast %slice3A_1719 : vector<128x1xf32> to vector<128x128xf32>
    %sub3A_1834 = arith.subf %sub3A_1833, %slice3A_1832 : vector<128x128xf32>
    %lt3A_1835 = arith.cmpf olt, %sub3A_1834, %select_n3A_1828 : vector<128x128xf32>
    %select_n3A_1836 = arith.select %lt3A_1835, %sub3A_1834, %select_n3A_1828 : vector<128x128xi1>, vector<128x128xf32>
    %jit3A_1837 = arith.constant 30 : i32
    %broadcast_in_dim3A_1838 = vector.broadcast %jit3A_1837 : i32 to vector<128x128xi32>
    %select_n3A_1839 = arith.select %lt3A_1835, %broadcast_in_dim3A_1838, %select_n3A_1831 : vector<128x128xi1>, vector<128x128xi32>
    %slice3A_1840 = vector.extract_strided_slice %dot_general3A_1073 {offsets = [640, 1920], sizes = [128, 128], strides = [1, 1]} : vector<1024x2048xf32> to vector<128x128xf32>
    %sub3A_1841 = vector.broadcast %slice3A_1719 : vector<128x1xf32> to vector<128x128xf32>
    %sub3A_1842 = arith.subf %sub3A_1841, %slice3A_1840 : vector<128x128xf32>
    %lt3A_1843 = arith.cmpf olt, %sub3A_1842, %select_n3A_1836 : vector<128x128xf32>
    %select_n3A_1844 = arith.select %lt3A_1843, %sub3A_1842, %select_n3A_1836 : vector<128x128xi1>, vector<128x128xf32>
    %jit3A_1845 = arith.constant 31 : i32
    %broadcast_in_dim3A_1846 = vector.broadcast %jit3A_1845 : i32 to vector<128x128xi32>
    %select_n3A_1847 = arith.select %lt3A_1843, %broadcast_in_dim3A_1846, %select_n3A_1839 : vector<128x128xi1>, vector<128x128xi32>
    %slice3A_1848 = vector.extract_strided_slice %broadcast_in_dim3A {offsets = [768, 0], sizes = [128, 1], strides = [1, 1]} : vector<1024x1xf32> to vector<128x1xf32>
    %slice3A_1849 = vector.extract_strided_slice %dot_general3A_1073 {offsets = [768, 0], sizes = [128, 128], strides = [1, 1]} : vector<1024x2048xf32> to vector<128x128xf32>
    %sub3A_1850 = vector.broadcast %slice3A_1848 : vector<128x1xf32> to vector<128x128xf32>
    %sub3A_1851 = arith.subf %sub3A_1850, %slice3A_1849 : vector<128x128xf32>
    %lt3A_1852 = arith.cmpf olt, %sub3A_1851, %select_n3A_936 : vector<128x128xf32>
    %select_n3A_1853 = arith.select %lt3A_1852, %sub3A_1851, %select_n3A_936 : vector<128x128xi1>, vector<128x128xf32>
    %jit3A_1854 = arith.constant 16 : i32
    %broadcast_in_dim3A_1855 = vector.broadcast %jit3A_1854 : i32 to vector<128x128xi32>
    %select_n3A_1856 = arith.select %lt3A_1852, %broadcast_in_dim3A_1855, %select_n3A_939 : vector<128x128xi1>, vector<128x128xi32>
    %slice3A_1857 = vector.extract_strided_slice %dot_general3A_1073 {offsets = [768, 128], sizes = [128, 128], strides = [1, 1]} : vector<1024x2048xf32> to vector<128x128xf32>
    %sub3A_1858 = vector.broadcast %slice3A_1848 : vector<128x1xf32> to vector<128x128xf32>
    %sub3A_1859 = arith.subf %sub3A_1858, %slice3A_1857 : vector<128x128xf32>
    %lt3A_1860 = arith.cmpf olt, %sub3A_1859, %select_n3A_1853 : vector<128x128xf32>
    %select_n3A_1861 = arith.select %lt3A_1860, %sub3A_1859, %select_n3A_1853 : vector<128x128xi1>, vector<128x128xf32>
    %jit3A_1862 = arith.constant 17 : i32
    %broadcast_in_dim3A_1863 = vector.broadcast %jit3A_1862 : i32 to vector<128x128xi32>
    %select_n3A_1864 = arith.select %lt3A_1860, %broadcast_in_dim3A_1863, %select_n3A_1856 : vector<128x128xi1>, vector<128x128xi32>
    %slice3A_1865 = vector.extract_strided_slice %dot_general3A_1073 {offsets = [768, 256], sizes = [128, 128], strides = [1, 1]} : vector<1024x2048xf32> to vector<128x128xf32>
    %sub3A_1866 = vector.broadcast %slice3A_1848 : vector<128x1xf32> to vector<128x128xf32>
    %sub3A_1867 = arith.subf %sub3A_1866, %slice3A_1865 : vector<128x128xf32>
    %lt3A_1868 = arith.cmpf olt, %sub3A_1867, %select_n3A_1861 : vector<128x128xf32>
    %select_n3A_1869 = arith.select %lt3A_1868, %sub3A_1867, %select_n3A_1861 : vector<128x128xi1>, vector<128x128xf32>
    %jit3A_1870 = arith.constant 18 : i32
    %broadcast_in_dim3A_1871 = vector.broadcast %jit3A_1870 : i32 to vector<128x128xi32>
    %select_n3A_1872 = arith.select %lt3A_1868, %broadcast_in_dim3A_1871, %select_n3A_1864 : vector<128x128xi1>, vector<128x128xi32>
    %slice3A_1873 = vector.extract_strided_slice %dot_general3A_1073 {offsets = [768, 384], sizes = [128, 128], strides = [1, 1]} : vector<1024x2048xf32> to vector<128x128xf32>
    %sub3A_1874 = vector.broadcast %slice3A_1848 : vector<128x1xf32> to vector<128x128xf32>
    %sub3A_1875 = arith.subf %sub3A_1874, %slice3A_1873 : vector<128x128xf32>
    %lt3A_1876 = arith.cmpf olt, %sub3A_1875, %select_n3A_1869 : vector<128x128xf32>
    %select_n3A_1877 = arith.select %lt3A_1876, %sub3A_1875, %select_n3A_1869 : vector<128x128xi1>, vector<128x128xf32>
    %jit3A_1878 = arith.constant 19 : i32
    %broadcast_in_dim3A_1879 = vector.broadcast %jit3A_1878 : i32 to vector<128x128xi32>
    %select_n3A_1880 = arith.select %lt3A_1876, %broadcast_in_dim3A_1879, %select_n3A_1872 : vector<128x128xi1>, vector<128x128xi32>
    %slice3A_1881 = vector.extract_strided_slice %dot_general3A_1073 {offsets = [768, 512], sizes = [128, 128], strides = [1, 1]} : vector<1024x2048xf32> to vector<128x128xf32>
    %sub3A_1882 = vector.broadcast %slice3A_1848 : vector<128x1xf32> to vector<128x128xf32>
    %sub3A_1883 = arith.subf %sub3A_1882, %slice3A_1881 : vector<128x128xf32>
    %lt3A_1884 = arith.cmpf olt, %sub3A_1883, %select_n3A_1877 : vector<128x128xf32>
    %select_n3A_1885 = arith.select %lt3A_1884, %sub3A_1883, %select_n3A_1877 : vector<128x128xi1>, vector<128x128xf32>
    %jit3A_1886 = arith.constant 20 : i32
    %broadcast_in_dim3A_1887 = vector.broadcast %jit3A_1886 : i32 to vector<128x128xi32>
    %select_n3A_1888 = arith.select %lt3A_1884, %broadcast_in_dim3A_1887, %select_n3A_1880 : vector<128x128xi1>, vector<128x128xi32>
    %slice3A_1889 = vector.extract_strided_slice %dot_general3A_1073 {offsets = [768, 640], sizes = [128, 128], strides = [1, 1]} : vector<1024x2048xf32> to vector<128x128xf32>
    %sub3A_1890 = vector.broadcast %slice3A_1848 : vector<128x1xf32> to vector<128x128xf32>
    %sub3A_1891 = arith.subf %sub3A_1890, %slice3A_1889 : vector<128x128xf32>
    %lt3A_1892 = arith.cmpf olt, %sub3A_1891, %select_n3A_1885 : vector<128x128xf32>
    %select_n3A_1893 = arith.select %lt3A_1892, %sub3A_1891, %select_n3A_1885 : vector<128x128xi1>, vector<128x128xf32>
    %jit3A_1894 = arith.constant 21 : i32
    %broadcast_in_dim3A_1895 = vector.broadcast %jit3A_1894 : i32 to vector<128x128xi32>
    %select_n3A_1896 = arith.select %lt3A_1892, %broadcast_in_dim3A_1895, %select_n3A_1888 : vector<128x128xi1>, vector<128x128xi32>
    %slice3A_1897 = vector.extract_strided_slice %dot_general3A_1073 {offsets = [768, 768], sizes = [128, 128], strides = [1, 1]} : vector<1024x2048xf32> to vector<128x128xf32>
    %sub3A_1898 = vector.broadcast %slice3A_1848 : vector<128x1xf32> to vector<128x128xf32>
    %sub3A_1899 = arith.subf %sub3A_1898, %slice3A_1897 : vector<128x128xf32>
    %lt3A_1900 = arith.cmpf olt, %sub3A_1899, %select_n3A_1893 : vector<128x128xf32>
    %select_n3A_1901 = arith.select %lt3A_1900, %sub3A_1899, %select_n3A_1893 : vector<128x128xi1>, vector<128x128xf32>
    %jit3A_1902 = arith.constant 22 : i32
    %broadcast_in_dim3A_1903 = vector.broadcast %jit3A_1902 : i32 to vector<128x128xi32>
    %select_n3A_1904 = arith.select %lt3A_1900, %broadcast_in_dim3A_1903, %select_n3A_1896 : vector<128x128xi1>, vector<128x128xi32>
    %slice3A_1905 = vector.extract_strided_slice %dot_general3A_1073 {offsets = [768, 896], sizes = [128, 128], strides = [1, 1]} : vector<1024x2048xf32> to vector<128x128xf32>
    %sub3A_1906 = vector.broadcast %slice3A_1848 : vector<128x1xf32> to vector<128x128xf32>
    %sub3A_1907 = arith.subf %sub3A_1906, %slice3A_1905 : vector<128x128xf32>
    %lt3A_1908 = arith.cmpf olt, %sub3A_1907, %select_n3A_1901 : vector<128x128xf32>
    %select_n3A_1909 = arith.select %lt3A_1908, %sub3A_1907, %select_n3A_1901 : vector<128x128xi1>, vector<128x128xf32>
    %jit3A_1910 = arith.constant 23 : i32
    %broadcast_in_dim3A_1911 = vector.broadcast %jit3A_1910 : i32 to vector<128x128xi32>
    %select_n3A_1912 = arith.select %lt3A_1908, %broadcast_in_dim3A_1911, %select_n3A_1904 : vector<128x128xi1>, vector<128x128xi32>
    %slice3A_1913 = vector.extract_strided_slice %dot_general3A_1073 {offsets = [768, 1024], sizes = [128, 128], strides = [1, 1]} : vector<1024x2048xf32> to vector<128x128xf32>
    %sub3A_1914 = vector.broadcast %slice3A_1848 : vector<128x1xf32> to vector<128x128xf32>
    %sub3A_1915 = arith.subf %sub3A_1914, %slice3A_1913 : vector<128x128xf32>
    %lt3A_1916 = arith.cmpf olt, %sub3A_1915, %select_n3A_1909 : vector<128x128xf32>
    %select_n3A_1917 = arith.select %lt3A_1916, %sub3A_1915, %select_n3A_1909 : vector<128x128xi1>, vector<128x128xf32>
    %jit3A_1918 = arith.constant 24 : i32
    %broadcast_in_dim3A_1919 = vector.broadcast %jit3A_1918 : i32 to vector<128x128xi32>
    %select_n3A_1920 = arith.select %lt3A_1916, %broadcast_in_dim3A_1919, %select_n3A_1912 : vector<128x128xi1>, vector<128x128xi32>
    %slice3A_1921 = vector.extract_strided_slice %dot_general3A_1073 {offsets = [768, 1152], sizes = [128, 128], strides = [1, 1]} : vector<1024x2048xf32> to vector<128x128xf32>
    %sub3A_1922 = vector.broadcast %slice3A_1848 : vector<128x1xf32> to vector<128x128xf32>
    %sub3A_1923 = arith.subf %sub3A_1922, %slice3A_1921 : vector<128x128xf32>
    %lt3A_1924 = arith.cmpf olt, %sub3A_1923, %select_n3A_1917 : vector<128x128xf32>
    %select_n3A_1925 = arith.select %lt3A_1924, %sub3A_1923, %select_n3A_1917 : vector<128x128xi1>, vector<128x128xf32>
    %jit3A_1926 = arith.constant 25 : i32
    %broadcast_in_dim3A_1927 = vector.broadcast %jit3A_1926 : i32 to vector<128x128xi32>
    %select_n3A_1928 = arith.select %lt3A_1924, %broadcast_in_dim3A_1927, %select_n3A_1920 : vector<128x128xi1>, vector<128x128xi32>
    %slice3A_1929 = vector.extract_strided_slice %dot_general3A_1073 {offsets = [768, 1280], sizes = [128, 128], strides = [1, 1]} : vector<1024x2048xf32> to vector<128x128xf32>
    %sub3A_1930 = vector.broadcast %slice3A_1848 : vector<128x1xf32> to vector<128x128xf32>
    %sub3A_1931 = arith.subf %sub3A_1930, %slice3A_1929 : vector<128x128xf32>
    %lt3A_1932 = arith.cmpf olt, %sub3A_1931, %select_n3A_1925 : vector<128x128xf32>
    %select_n3A_1933 = arith.select %lt3A_1932, %sub3A_1931, %select_n3A_1925 : vector<128x128xi1>, vector<128x128xf32>
    %jit3A_1934 = arith.constant 26 : i32
    %broadcast_in_dim3A_1935 = vector.broadcast %jit3A_1934 : i32 to vector<128x128xi32>
    %select_n3A_1936 = arith.select %lt3A_1932, %broadcast_in_dim3A_1935, %select_n3A_1928 : vector<128x128xi1>, vector<128x128xi32>
    %slice3A_1937 = vector.extract_strided_slice %dot_general3A_1073 {offsets = [768, 1408], sizes = [128, 128], strides = [1, 1]} : vector<1024x2048xf32> to vector<128x128xf32>
    %sub3A_1938 = vector.broadcast %slice3A_1848 : vector<128x1xf32> to vector<128x128xf32>
    %sub3A_1939 = arith.subf %sub3A_1938, %slice3A_1937 : vector<128x128xf32>
    %lt3A_1940 = arith.cmpf olt, %sub3A_1939, %select_n3A_1933 : vector<128x128xf32>
    %select_n3A_1941 = arith.select %lt3A_1940, %sub3A_1939, %select_n3A_1933 : vector<128x128xi1>, vector<128x128xf32>
    %jit3A_1942 = arith.constant 27 : i32
    %broadcast_in_dim3A_1943 = vector.broadcast %jit3A_1942 : i32 to vector<128x128xi32>
    %select_n3A_1944 = arith.select %lt3A_1940, %broadcast_in_dim3A_1943, %select_n3A_1936 : vector<128x128xi1>, vector<128x128xi32>
    %slice3A_1945 = vector.extract_strided_slice %dot_general3A_1073 {offsets = [768, 1536], sizes = [128, 128], strides = [1, 1]} : vector<1024x2048xf32> to vector<128x128xf32>
    %sub3A_1946 = vector.broadcast %slice3A_1848 : vector<128x1xf32> to vector<128x128xf32>
    %sub3A_1947 = arith.subf %sub3A_1946, %slice3A_1945 : vector<128x128xf32>
    %lt3A_1948 = arith.cmpf olt, %sub3A_1947, %select_n3A_1941 : vector<128x128xf32>
    %select_n3A_1949 = arith.select %lt3A_1948, %sub3A_1947, %select_n3A_1941 : vector<128x128xi1>, vector<128x128xf32>
    %jit3A_1950 = arith.constant 28 : i32
    %broadcast_in_dim3A_1951 = vector.broadcast %jit3A_1950 : i32 to vector<128x128xi32>
    %select_n3A_1952 = arith.select %lt3A_1948, %broadcast_in_dim3A_1951, %select_n3A_1944 : vector<128x128xi1>, vector<128x128xi32>
    %slice3A_1953 = vector.extract_strided_slice %dot_general3A_1073 {offsets = [768, 1664], sizes = [128, 128], strides = [1, 1]} : vector<1024x2048xf32> to vector<128x128xf32>
    %sub3A_1954 = vector.broadcast %slice3A_1848 : vector<128x1xf32> to vector<128x128xf32>
    %sub3A_1955 = arith.subf %sub3A_1954, %slice3A_1953 : vector<128x128xf32>
    %lt3A_1956 = arith.cmpf olt, %sub3A_1955, %select_n3A_1949 : vector<128x128xf32>
    %select_n3A_1957 = arith.select %lt3A_1956, %sub3A_1955, %select_n3A_1949 : vector<128x128xi1>, vector<128x128xf32>
    %jit3A_1958 = arith.constant 29 : i32
    %broadcast_in_dim3A_1959 = vector.broadcast %jit3A_1958 : i32 to vector<128x128xi32>
    %select_n3A_1960 = arith.select %lt3A_1956, %broadcast_in_dim3A_1959, %select_n3A_1952 : vector<128x128xi1>, vector<128x128xi32>
    %slice3A_1961 = vector.extract_strided_slice %dot_general3A_1073 {offsets = [768, 1792], sizes = [128, 128], strides = [1, 1]} : vector<1024x2048xf32> to vector<128x128xf32>
    %sub3A_1962 = vector.broadcast %slice3A_1848 : vector<128x1xf32> to vector<128x128xf32>
    %sub3A_1963 = arith.subf %sub3A_1962, %slice3A_1961 : vector<128x128xf32>
    %lt3A_1964 = arith.cmpf olt, %sub3A_1963, %select_n3A_1957 : vector<128x128xf32>
    %select_n3A_1965 = arith.select %lt3A_1964, %sub3A_1963, %select_n3A_1957 : vector<128x128xi1>, vector<128x128xf32>
    %jit3A_1966 = arith.constant 30 : i32
    %broadcast_in_dim3A_1967 = vector.broadcast %jit3A_1966 : i32 to vector<128x128xi32>
    %select_n3A_1968 = arith.select %lt3A_1964, %broadcast_in_dim3A_1967, %select_n3A_1960 : vector<128x128xi1>, vector<128x128xi32>
    %slice3A_1969 = vector.extract_strided_slice %dot_general3A_1073 {offsets = [768, 1920], sizes = [128, 128], strides = [1, 1]} : vector<1024x2048xf32> to vector<128x128xf32>
    %sub3A_1970 = vector.broadcast %slice3A_1848 : vector<128x1xf32> to vector<128x128xf32>
    %sub3A_1971 = arith.subf %sub3A_1970, %slice3A_1969 : vector<128x128xf32>
    %lt3A_1972 = arith.cmpf olt, %sub3A_1971, %select_n3A_1965 : vector<128x128xf32>
    %select_n3A_1973 = arith.select %lt3A_1972, %sub3A_1971, %select_n3A_1965 : vector<128x128xi1>, vector<128x128xf32>
    %jit3A_1974 = arith.constant 31 : i32
    %broadcast_in_dim3A_1975 = vector.broadcast %jit3A_1974 : i32 to vector<128x128xi32>
    %select_n3A_1976 = arith.select %lt3A_1972, %broadcast_in_dim3A_1975, %select_n3A_1968 : vector<128x128xi1>, vector<128x128xi32>
    %slice3A_1977 = vector.extract_strided_slice %broadcast_in_dim3A {offsets = [896, 0], sizes = [128, 1], strides = [1, 1]} : vector<1024x1xf32> to vector<128x1xf32>
    %slice3A_1978 = vector.extract_strided_slice %dot_general3A_1073 {offsets = [896, 0], sizes = [128, 128], strides = [1, 1]} : vector<1024x2048xf32> to vector<128x128xf32>
    %sub3A_1979 = vector.broadcast %slice3A_1977 : vector<128x1xf32> to vector<128x128xf32>
    %sub3A_1980 = arith.subf %sub3A_1979, %slice3A_1978 : vector<128x128xf32>
    %lt3A_1981 = arith.cmpf olt, %sub3A_1980, %select_n3A_1065 : vector<128x128xf32>
    %select_n3A_1982 = arith.select %lt3A_1981, %sub3A_1980, %select_n3A_1065 : vector<128x128xi1>, vector<128x128xf32>
    %jit3A_1983 = arith.constant 16 : i32
    %broadcast_in_dim3A_1984 = vector.broadcast %jit3A_1983 : i32 to vector<128x128xi32>
    %select_n3A_1985 = arith.select %lt3A_1981, %broadcast_in_dim3A_1984, %select_n3A_1068 : vector<128x128xi1>, vector<128x128xi32>
    %slice3A_1986 = vector.extract_strided_slice %dot_general3A_1073 {offsets = [896, 128], sizes = [128, 128], strides = [1, 1]} : vector<1024x2048xf32> to vector<128x128xf32>
    %sub3A_1987 = vector.broadcast %slice3A_1977 : vector<128x1xf32> to vector<128x128xf32>
    %sub3A_1988 = arith.subf %sub3A_1987, %slice3A_1986 : vector<128x128xf32>
    %lt3A_1989 = arith.cmpf olt, %sub3A_1988, %select_n3A_1982 : vector<128x128xf32>
    %select_n3A_1990 = arith.select %lt3A_1989, %sub3A_1988, %select_n3A_1982 : vector<128x128xi1>, vector<128x128xf32>
    %jit3A_1991 = arith.constant 17 : i32
    %broadcast_in_dim3A_1992 = vector.broadcast %jit3A_1991 : i32 to vector<128x128xi32>
    %select_n3A_1993 = arith.select %lt3A_1989, %broadcast_in_dim3A_1992, %select_n3A_1985 : vector<128x128xi1>, vector<128x128xi32>
    %slice3A_1994 = vector.extract_strided_slice %dot_general3A_1073 {offsets = [896, 256], sizes = [128, 128], strides = [1, 1]} : vector<1024x2048xf32> to vector<128x128xf32>
    %sub3A_1995 = vector.broadcast %slice3A_1977 : vector<128x1xf32> to vector<128x128xf32>
    %sub3A_1996 = arith.subf %sub3A_1995, %slice3A_1994 : vector<128x128xf32>
    %lt3A_1997 = arith.cmpf olt, %sub3A_1996, %select_n3A_1990 : vector<128x128xf32>
    %select_n3A_1998 = arith.select %lt3A_1997, %sub3A_1996, %select_n3A_1990 : vector<128x128xi1>, vector<128x128xf32>
    %jit3A_1999 = arith.constant 18 : i32
    %broadcast_in_dim3A_2000 = vector.broadcast %jit3A_1999 : i32 to vector<128x128xi32>
    %select_n3A_2001 = arith.select %lt3A_1997, %broadcast_in_dim3A_2000, %select_n3A_1993 : vector<128x128xi1>, vector<128x128xi32>
    %slice3A_2002 = vector.extract_strided_slice %dot_general3A_1073 {offsets = [896, 384], sizes = [128, 128], strides = [1, 1]} : vector<1024x2048xf32> to vector<128x128xf32>
    %sub3A_2003 = vector.broadcast %slice3A_1977 : vector<128x1xf32> to vector<128x128xf32>
    %sub3A_2004 = arith.subf %sub3A_2003, %slice3A_2002 : vector<128x128xf32>
    %lt3A_2005 = arith.cmpf olt, %sub3A_2004, %select_n3A_1998 : vector<128x128xf32>
    %select_n3A_2006 = arith.select %lt3A_2005, %sub3A_2004, %select_n3A_1998 : vector<128x128xi1>, vector<128x128xf32>
    %jit3A_2007 = arith.constant 19 : i32
    %broadcast_in_dim3A_2008 = vector.broadcast %jit3A_2007 : i32 to vector<128x128xi32>
    %select_n3A_2009 = arith.select %lt3A_2005, %broadcast_in_dim3A_2008, %select_n3A_2001 : vector<128x128xi1>, vector<128x128xi32>
    %slice3A_2010 = vector.extract_strided_slice %dot_general3A_1073 {offsets = [896, 512], sizes = [128, 128], strides = [1, 1]} : vector<1024x2048xf32> to vector<128x128xf32>
    %sub3A_2011 = vector.broadcast %slice3A_1977 : vector<128x1xf32> to vector<128x128xf32>
    %sub3A_2012 = arith.subf %sub3A_2011, %slice3A_2010 : vector<128x128xf32>
    %lt3A_2013 = arith.cmpf olt, %sub3A_2012, %select_n3A_2006 : vector<128x128xf32>
    %select_n3A_2014 = arith.select %lt3A_2013, %sub3A_2012, %select_n3A_2006 : vector<128x128xi1>, vector<128x128xf32>
    %jit3A_2015 = arith.constant 20 : i32
    %broadcast_in_dim3A_2016 = vector.broadcast %jit3A_2015 : i32 to vector<128x128xi32>
    %select_n3A_2017 = arith.select %lt3A_2013, %broadcast_in_dim3A_2016, %select_n3A_2009 : vector<128x128xi1>, vector<128x128xi32>
    %slice3A_2018 = vector.extract_strided_slice %dot_general3A_1073 {offsets = [896, 640], sizes = [128, 128], strides = [1, 1]} : vector<1024x2048xf32> to vector<128x128xf32>
    %sub3A_2019 = vector.broadcast %slice3A_1977 : vector<128x1xf32> to vector<128x128xf32>
    %sub3A_2020 = arith.subf %sub3A_2019, %slice3A_2018 : vector<128x128xf32>
    %lt3A_2021 = arith.cmpf olt, %sub3A_2020, %select_n3A_2014 : vector<128x128xf32>
    %select_n3A_2022 = arith.select %lt3A_2021, %sub3A_2020, %select_n3A_2014 : vector<128x128xi1>, vector<128x128xf32>
    %jit3A_2023 = arith.constant 21 : i32
    %broadcast_in_dim3A_2024 = vector.broadcast %jit3A_2023 : i32 to vector<128x128xi32>
    %select_n3A_2025 = arith.select %lt3A_2021, %broadcast_in_dim3A_2024, %select_n3A_2017 : vector<128x128xi1>, vector<128x128xi32>
    %slice3A_2026 = vector.extract_strided_slice %dot_general3A_1073 {offsets = [896, 768], sizes = [128, 128], strides = [1, 1]} : vector<1024x2048xf32> to vector<128x128xf32>
    %sub3A_2027 = vector.broadcast %slice3A_1977 : vector<128x1xf32> to vector<128x128xf32>
    %sub3A_2028 = arith.subf %sub3A_2027, %slice3A_2026 : vector<128x128xf32>
    %lt3A_2029 = arith.cmpf olt, %sub3A_2028, %select_n3A_2022 : vector<128x128xf32>
    %select_n3A_2030 = arith.select %lt3A_2029, %sub3A_2028, %select_n3A_2022 : vector<128x128xi1>, vector<128x128xf32>
    %jit3A_2031 = arith.constant 22 : i32
    %broadcast_in_dim3A_2032 = vector.broadcast %jit3A_2031 : i32 to vector<128x128xi32>
    %select_n3A_2033 = arith.select %lt3A_2029, %broadcast_in_dim3A_2032, %select_n3A_2025 : vector<128x128xi1>, vector<128x128xi32>
    %slice3A_2034 = vector.extract_strided_slice %dot_general3A_1073 {offsets = [896, 896], sizes = [128, 128], strides = [1, 1]} : vector<1024x2048xf32> to vector<128x128xf32>
    %sub3A_2035 = vector.broadcast %slice3A_1977 : vector<128x1xf32> to vector<128x128xf32>
    %sub3A_2036 = arith.subf %sub3A_2035, %slice3A_2034 : vector<128x128xf32>
    %lt3A_2037 = arith.cmpf olt, %sub3A_2036, %select_n3A_2030 : vector<128x128xf32>
    %select_n3A_2038 = arith.select %lt3A_2037, %sub3A_2036, %select_n3A_2030 : vector<128x128xi1>, vector<128x128xf32>
    %jit3A_2039 = arith.constant 23 : i32
    %broadcast_in_dim3A_2040 = vector.broadcast %jit3A_2039 : i32 to vector<128x128xi32>
    %select_n3A_2041 = arith.select %lt3A_2037, %broadcast_in_dim3A_2040, %select_n3A_2033 : vector<128x128xi1>, vector<128x128xi32>
    %slice3A_2042 = vector.extract_strided_slice %dot_general3A_1073 {offsets = [896, 1024], sizes = [128, 128], strides = [1, 1]} : vector<1024x2048xf32> to vector<128x128xf32>
    %sub3A_2043 = vector.broadcast %slice3A_1977 : vector<128x1xf32> to vector<128x128xf32>
    %sub3A_2044 = arith.subf %sub3A_2043, %slice3A_2042 : vector<128x128xf32>
    %lt3A_2045 = arith.cmpf olt, %sub3A_2044, %select_n3A_2038 : vector<128x128xf32>
    %select_n3A_2046 = arith.select %lt3A_2045, %sub3A_2044, %select_n3A_2038 : vector<128x128xi1>, vector<128x128xf32>
    %jit3A_2047 = arith.constant 24 : i32
    %broadcast_in_dim3A_2048 = vector.broadcast %jit3A_2047 : i32 to vector<128x128xi32>
    %select_n3A_2049 = arith.select %lt3A_2045, %broadcast_in_dim3A_2048, %select_n3A_2041 : vector<128x128xi1>, vector<128x128xi32>
    %slice3A_2050 = vector.extract_strided_slice %dot_general3A_1073 {offsets = [896, 1152], sizes = [128, 128], strides = [1, 1]} : vector<1024x2048xf32> to vector<128x128xf32>
    %sub3A_2051 = vector.broadcast %slice3A_1977 : vector<128x1xf32> to vector<128x128xf32>
    %sub3A_2052 = arith.subf %sub3A_2051, %slice3A_2050 : vector<128x128xf32>
    %lt3A_2053 = arith.cmpf olt, %sub3A_2052, %select_n3A_2046 : vector<128x128xf32>
    %select_n3A_2054 = arith.select %lt3A_2053, %sub3A_2052, %select_n3A_2046 : vector<128x128xi1>, vector<128x128xf32>
    %jit3A_2055 = arith.constant 25 : i32
    %broadcast_in_dim3A_2056 = vector.broadcast %jit3A_2055 : i32 to vector<128x128xi32>
    %select_n3A_2057 = arith.select %lt3A_2053, %broadcast_in_dim3A_2056, %select_n3A_2049 : vector<128x128xi1>, vector<128x128xi32>
    %slice3A_2058 = vector.extract_strided_slice %dot_general3A_1073 {offsets = [896, 1280], sizes = [128, 128], strides = [1, 1]} : vector<1024x2048xf32> to vector<128x128xf32>
    %sub3A_2059 = vector.broadcast %slice3A_1977 : vector<128x1xf32> to vector<128x128xf32>
    %sub3A_2060 = arith.subf %sub3A_2059, %slice3A_2058 : vector<128x128xf32>
    %lt3A_2061 = arith.cmpf olt, %sub3A_2060, %select_n3A_2054 : vector<128x128xf32>
    %select_n3A_2062 = arith.select %lt3A_2061, %sub3A_2060, %select_n3A_2054 : vector<128x128xi1>, vector<128x128xf32>
    %jit3A_2063 = arith.constant 26 : i32
    %broadcast_in_dim3A_2064 = vector.broadcast %jit3A_2063 : i32 to vector<128x128xi32>
    %select_n3A_2065 = arith.select %lt3A_2061, %broadcast_in_dim3A_2064, %select_n3A_2057 : vector<128x128xi1>, vector<128x128xi32>
    %slice3A_2066 = vector.extract_strided_slice %dot_general3A_1073 {offsets = [896, 1408], sizes = [128, 128], strides = [1, 1]} : vector<1024x2048xf32> to vector<128x128xf32>
    %sub3A_2067 = vector.broadcast %slice3A_1977 : vector<128x1xf32> to vector<128x128xf32>
    %sub3A_2068 = arith.subf %sub3A_2067, %slice3A_2066 : vector<128x128xf32>
    %lt3A_2069 = arith.cmpf olt, %sub3A_2068, %select_n3A_2062 : vector<128x128xf32>
    %select_n3A_2070 = arith.select %lt3A_2069, %sub3A_2068, %select_n3A_2062 : vector<128x128xi1>, vector<128x128xf32>
    %jit3A_2071 = arith.constant 27 : i32
    %broadcast_in_dim3A_2072 = vector.broadcast %jit3A_2071 : i32 to vector<128x128xi32>
    %select_n3A_2073 = arith.select %lt3A_2069, %broadcast_in_dim3A_2072, %select_n3A_2065 : vector<128x128xi1>, vector<128x128xi32>
    %slice3A_2074 = vector.extract_strided_slice %dot_general3A_1073 {offsets = [896, 1536], sizes = [128, 128], strides = [1, 1]} : vector<1024x2048xf32> to vector<128x128xf32>
    %sub3A_2075 = vector.broadcast %slice3A_1977 : vector<128x1xf32> to vector<128x128xf32>
    %sub3A_2076 = arith.subf %sub3A_2075, %slice3A_2074 : vector<128x128xf32>
    %lt3A_2077 = arith.cmpf olt, %sub3A_2076, %select_n3A_2070 : vector<128x128xf32>
    %select_n3A_2078 = arith.select %lt3A_2077, %sub3A_2076, %select_n3A_2070 : vector<128x128xi1>, vector<128x128xf32>
    %jit3A_2079 = arith.constant 28 : i32
    %broadcast_in_dim3A_2080 = vector.broadcast %jit3A_2079 : i32 to vector<128x128xi32>
    %select_n3A_2081 = arith.select %lt3A_2077, %broadcast_in_dim3A_2080, %select_n3A_2073 : vector<128x128xi1>, vector<128x128xi32>
    %slice3A_2082 = vector.extract_strided_slice %dot_general3A_1073 {offsets = [896, 1664], sizes = [128, 128], strides = [1, 1]} : vector<1024x2048xf32> to vector<128x128xf32>
    %sub3A_2083 = vector.broadcast %slice3A_1977 : vector<128x1xf32> to vector<128x128xf32>
    %sub3A_2084 = arith.subf %sub3A_2083, %slice3A_2082 : vector<128x128xf32>
    %lt3A_2085 = arith.cmpf olt, %sub3A_2084, %select_n3A_2078 : vector<128x128xf32>
    %select_n3A_2086 = arith.select %lt3A_2085, %sub3A_2084, %select_n3A_2078 : vector<128x128xi1>, vector<128x128xf32>
    %jit3A_2087 = arith.constant 29 : i32
    %broadcast_in_dim3A_2088 = vector.broadcast %jit3A_2087 : i32 to vector<128x128xi32>
    %select_n3A_2089 = arith.select %lt3A_2085, %broadcast_in_dim3A_2088, %select_n3A_2081 : vector<128x128xi1>, vector<128x128xi32>
    %slice3A_2090 = vector.extract_strided_slice %dot_general3A_1073 {offsets = [896, 1792], sizes = [128, 128], strides = [1, 1]} : vector<1024x2048xf32> to vector<128x128xf32>
    %sub3A_2091 = vector.broadcast %slice3A_1977 : vector<128x1xf32> to vector<128x128xf32>
    %sub3A_2092 = arith.subf %sub3A_2091, %slice3A_2090 : vector<128x128xf32>
    %lt3A_2093 = arith.cmpf olt, %sub3A_2092, %select_n3A_2086 : vector<128x128xf32>
    %select_n3A_2094 = arith.select %lt3A_2093, %sub3A_2092, %select_n3A_2086 : vector<128x128xi1>, vector<128x128xf32>
    %jit3A_2095 = arith.constant 30 : i32
    %broadcast_in_dim3A_2096 = vector.broadcast %jit3A_2095 : i32 to vector<128x128xi32>
    %select_n3A_2097 = arith.select %lt3A_2093, %broadcast_in_dim3A_2096, %select_n3A_2089 : vector<128x128xi1>, vector<128x128xi32>
    %slice3A_2098 = vector.extract_strided_slice %dot_general3A_1073 {offsets = [896, 1920], sizes = [128, 128], strides = [1, 1]} : vector<1024x2048xf32> to vector<128x128xf32>
    %sub3A_2099 = vector.broadcast %slice3A_1977 : vector<128x1xf32> to vector<128x128xf32>
    %sub3A_2100 = arith.subf %sub3A_2099, %slice3A_2098 : vector<128x128xf32>
    %lt3A_2101 = arith.cmpf olt, %sub3A_2100, %select_n3A_2094 : vector<128x128xf32>
    %select_n3A_2102 = arith.select %lt3A_2101, %sub3A_2100, %select_n3A_2094 : vector<128x128xi1>, vector<128x128xf32>
    %jit3A_2103 = arith.constant 31 : i32
    %broadcast_in_dim3A_2104 = vector.broadcast %jit3A_2103 : i32 to vector<128x128xi32>
    %select_n3A_2105 = arith.select %lt3A_2101, %broadcast_in_dim3A_2104, %select_n3A_2097 : vector<128x128xi1>, vector<128x128xi32>
    %get3A_2106 = arith.constant 4096 : index
    %get3A_2107 = arith.constant 0 : index
    %get3A_2108 = vector.load %arg2[%get3A_2106, %get3A_2107] : memref<8192x256xf32, #tpu.memory_space<vmem>>, vector<2048x256xf32>
    %dot_general3A_2109 = arith.constant dense<0.000000e+00> : vector<1024x2048xf32>
    %dot_general3A_2110 = tpu.matmul %mul3A_3, %get3A_2108, %dot_general3A_2109 {dimension_numbers = #tpu.dot_dimension_numbers<[1], [1], [0], [0], [0, 0, 1, 0], [], []>, transpose_lhs_hint = false} : vector<1024x256xf32>, vector<2048x256xf32>, vector<1024x2048xf32> -> vector<1024x2048xf32>
    %slice3A_2111 = vector.extract_strided_slice %broadcast_in_dim3A {offsets = [0, 0], sizes = [128, 1], strides = [1, 1]} : vector<1024x1xf32> to vector<128x1xf32>
    %slice3A_2112 = vector.extract_strided_slice %dot_general3A_2110 {offsets = [0, 0], sizes = [128, 128], strides = [1, 1]} : vector<1024x2048xf32> to vector<128x128xf32>
    %sub3A_2113 = vector.broadcast %slice3A_2111 : vector<128x1xf32> to vector<128x128xf32>
    %sub3A_2114 = arith.subf %sub3A_2113, %slice3A_2112 : vector<128x128xf32>
    %lt3A_2115 = arith.cmpf olt, %sub3A_2114, %select_n3A_1199 : vector<128x128xf32>
    %select_n3A_2116 = arith.select %lt3A_2115, %sub3A_2114, %select_n3A_1199 : vector<128x128xi1>, vector<128x128xf32>
    %jit3A_2117 = arith.constant 32 : i32
    %broadcast_in_dim3A_2118 = vector.broadcast %jit3A_2117 : i32 to vector<128x128xi32>
    %select_n3A_2119 = arith.select %lt3A_2115, %broadcast_in_dim3A_2118, %select_n3A_1202 : vector<128x128xi1>, vector<128x128xi32>
    %slice3A_2120 = vector.extract_strided_slice %dot_general3A_2110 {offsets = [0, 128], sizes = [128, 128], strides = [1, 1]} : vector<1024x2048xf32> to vector<128x128xf32>
    %sub3A_2121 = vector.broadcast %slice3A_2111 : vector<128x1xf32> to vector<128x128xf32>
    %sub3A_2122 = arith.subf %sub3A_2121, %slice3A_2120 : vector<128x128xf32>
    %lt3A_2123 = arith.cmpf olt, %sub3A_2122, %select_n3A_2116 : vector<128x128xf32>
    %select_n3A_2124 = arith.select %lt3A_2123, %sub3A_2122, %select_n3A_2116 : vector<128x128xi1>, vector<128x128xf32>
    %jit3A_2125 = arith.constant 33 : i32
    %broadcast_in_dim3A_2126 = vector.broadcast %jit3A_2125 : i32 to vector<128x128xi32>
    %select_n3A_2127 = arith.select %lt3A_2123, %broadcast_in_dim3A_2126, %select_n3A_2119 : vector<128x128xi1>, vector<128x128xi32>
    %slice3A_2128 = vector.extract_strided_slice %dot_general3A_2110 {offsets = [0, 256], sizes = [128, 128], strides = [1, 1]} : vector<1024x2048xf32> to vector<128x128xf32>
    %sub3A_2129 = vector.broadcast %slice3A_2111 : vector<128x1xf32> to vector<128x128xf32>
    %sub3A_2130 = arith.subf %sub3A_2129, %slice3A_2128 : vector<128x128xf32>
    %lt3A_2131 = arith.cmpf olt, %sub3A_2130, %select_n3A_2124 : vector<128x128xf32>
    %select_n3A_2132 = arith.select %lt3A_2131, %sub3A_2130, %select_n3A_2124 : vector<128x128xi1>, vector<128x128xf32>
    %jit3A_2133 = arith.constant 34 : i32
    %broadcast_in_dim3A_2134 = vector.broadcast %jit3A_2133 : i32 to vector<128x128xi32>
    %select_n3A_2135 = arith.select %lt3A_2131, %broadcast_in_dim3A_2134, %select_n3A_2127 : vector<128x128xi1>, vector<128x128xi32>
    %slice3A_2136 = vector.extract_strided_slice %dot_general3A_2110 {offsets = [0, 384], sizes = [128, 128], strides = [1, 1]} : vector<1024x2048xf32> to vector<128x128xf32>
    %sub3A_2137 = vector.broadcast %slice3A_2111 : vector<128x1xf32> to vector<128x128xf32>
    %sub3A_2138 = arith.subf %sub3A_2137, %slice3A_2136 : vector<128x128xf32>
    %lt3A_2139 = arith.cmpf olt, %sub3A_2138, %select_n3A_2132 : vector<128x128xf32>
    %select_n3A_2140 = arith.select %lt3A_2139, %sub3A_2138, %select_n3A_2132 : vector<128x128xi1>, vector<128x128xf32>
    %jit3A_2141 = arith.constant 35 : i32
    %broadcast_in_dim3A_2142 = vector.broadcast %jit3A_2141 : i32 to vector<128x128xi32>
    %select_n3A_2143 = arith.select %lt3A_2139, %broadcast_in_dim3A_2142, %select_n3A_2135 : vector<128x128xi1>, vector<128x128xi32>
    %slice3A_2144 = vector.extract_strided_slice %dot_general3A_2110 {offsets = [0, 512], sizes = [128, 128], strides = [1, 1]} : vector<1024x2048xf32> to vector<128x128xf32>
    %sub3A_2145 = vector.broadcast %slice3A_2111 : vector<128x1xf32> to vector<128x128xf32>
    %sub3A_2146 = arith.subf %sub3A_2145, %slice3A_2144 : vector<128x128xf32>
    %lt3A_2147 = arith.cmpf olt, %sub3A_2146, %select_n3A_2140 : vector<128x128xf32>
    %select_n3A_2148 = arith.select %lt3A_2147, %sub3A_2146, %select_n3A_2140 : vector<128x128xi1>, vector<128x128xf32>
    %jit3A_2149 = arith.constant 36 : i32
    %broadcast_in_dim3A_2150 = vector.broadcast %jit3A_2149 : i32 to vector<128x128xi32>
    %select_n3A_2151 = arith.select %lt3A_2147, %broadcast_in_dim3A_2150, %select_n3A_2143 : vector<128x128xi1>, vector<128x128xi32>
    %slice3A_2152 = vector.extract_strided_slice %dot_general3A_2110 {offsets = [0, 640], sizes = [128, 128], strides = [1, 1]} : vector<1024x2048xf32> to vector<128x128xf32>
    %sub3A_2153 = vector.broadcast %slice3A_2111 : vector<128x1xf32> to vector<128x128xf32>
    %sub3A_2154 = arith.subf %sub3A_2153, %slice3A_2152 : vector<128x128xf32>
    %lt3A_2155 = arith.cmpf olt, %sub3A_2154, %select_n3A_2148 : vector<128x128xf32>
    %select_n3A_2156 = arith.select %lt3A_2155, %sub3A_2154, %select_n3A_2148 : vector<128x128xi1>, vector<128x128xf32>
    %jit3A_2157 = arith.constant 37 : i32
    %broadcast_in_dim3A_2158 = vector.broadcast %jit3A_2157 : i32 to vector<128x128xi32>
    %select_n3A_2159 = arith.select %lt3A_2155, %broadcast_in_dim3A_2158, %select_n3A_2151 : vector<128x128xi1>, vector<128x128xi32>
    %slice3A_2160 = vector.extract_strided_slice %dot_general3A_2110 {offsets = [0, 768], sizes = [128, 128], strides = [1, 1]} : vector<1024x2048xf32> to vector<128x128xf32>
    %sub3A_2161 = vector.broadcast %slice3A_2111 : vector<128x1xf32> to vector<128x128xf32>
    %sub3A_2162 = arith.subf %sub3A_2161, %slice3A_2160 : vector<128x128xf32>
    %lt3A_2163 = arith.cmpf olt, %sub3A_2162, %select_n3A_2156 : vector<128x128xf32>
    %select_n3A_2164 = arith.select %lt3A_2163, %sub3A_2162, %select_n3A_2156 : vector<128x128xi1>, vector<128x128xf32>
    %jit3A_2165 = arith.constant 38 : i32
    %broadcast_in_dim3A_2166 = vector.broadcast %jit3A_2165 : i32 to vector<128x128xi32>
    %select_n3A_2167 = arith.select %lt3A_2163, %broadcast_in_dim3A_2166, %select_n3A_2159 : vector<128x128xi1>, vector<128x128xi32>
    %slice3A_2168 = vector.extract_strided_slice %dot_general3A_2110 {offsets = [0, 896], sizes = [128, 128], strides = [1, 1]} : vector<1024x2048xf32> to vector<128x128xf32>
    %sub3A_2169 = vector.broadcast %slice3A_2111 : vector<128x1xf32> to vector<128x128xf32>
    %sub3A_2170 = arith.subf %sub3A_2169, %slice3A_2168 : vector<128x128xf32>
    %lt3A_2171 = arith.cmpf olt, %sub3A_2170, %select_n3A_2164 : vector<128x128xf32>
    %select_n3A_2172 = arith.select %lt3A_2171, %sub3A_2170, %select_n3A_2164 : vector<128x128xi1>, vector<128x128xf32>
    %jit3A_2173 = arith.constant 39 : i32
    %broadcast_in_dim3A_2174 = vector.broadcast %jit3A_2173 : i32 to vector<128x128xi32>
    %select_n3A_2175 = arith.select %lt3A_2171, %broadcast_in_dim3A_2174, %select_n3A_2167 : vector<128x128xi1>, vector<128x128xi32>
    %slice3A_2176 = vector.extract_strided_slice %dot_general3A_2110 {offsets = [0, 1024], sizes = [128, 128], strides = [1, 1]} : vector<1024x2048xf32> to vector<128x128xf32>
    %sub3A_2177 = vector.broadcast %slice3A_2111 : vector<128x1xf32> to vector<128x128xf32>
    %sub3A_2178 = arith.subf %sub3A_2177, %slice3A_2176 : vector<128x128xf32>
    %lt3A_2179 = arith.cmpf olt, %sub3A_2178, %select_n3A_2172 : vector<128x128xf32>
    %select_n3A_2180 = arith.select %lt3A_2179, %sub3A_2178, %select_n3A_2172 : vector<128x128xi1>, vector<128x128xf32>
    %jit3A_2181 = arith.constant 40 : i32
    %broadcast_in_dim3A_2182 = vector.broadcast %jit3A_2181 : i32 to vector<128x128xi32>
    %select_n3A_2183 = arith.select %lt3A_2179, %broadcast_in_dim3A_2182, %select_n3A_2175 : vector<128x128xi1>, vector<128x128xi32>
    %slice3A_2184 = vector.extract_strided_slice %dot_general3A_2110 {offsets = [0, 1152], sizes = [128, 128], strides = [1, 1]} : vector<1024x2048xf32> to vector<128x128xf32>
    %sub3A_2185 = vector.broadcast %slice3A_2111 : vector<128x1xf32> to vector<128x128xf32>
    %sub3A_2186 = arith.subf %sub3A_2185, %slice3A_2184 : vector<128x128xf32>
    %lt3A_2187 = arith.cmpf olt, %sub3A_2186, %select_n3A_2180 : vector<128x128xf32>
    %select_n3A_2188 = arith.select %lt3A_2187, %sub3A_2186, %select_n3A_2180 : vector<128x128xi1>, vector<128x128xf32>
    %jit3A_2189 = arith.constant 41 : i32
    %broadcast_in_dim3A_2190 = vector.broadcast %jit3A_2189 : i32 to vector<128x128xi32>
    %select_n3A_2191 = arith.select %lt3A_2187, %broadcast_in_dim3A_2190, %select_n3A_2183 : vector<128x128xi1>, vector<128x128xi32>
    %slice3A_2192 = vector.extract_strided_slice %dot_general3A_2110 {offsets = [0, 1280], sizes = [128, 128], strides = [1, 1]} : vector<1024x2048xf32> to vector<128x128xf32>
    %sub3A_2193 = vector.broadcast %slice3A_2111 : vector<128x1xf32> to vector<128x128xf32>
    %sub3A_2194 = arith.subf %sub3A_2193, %slice3A_2192 : vector<128x128xf32>
    %lt3A_2195 = arith.cmpf olt, %sub3A_2194, %select_n3A_2188 : vector<128x128xf32>
    %select_n3A_2196 = arith.select %lt3A_2195, %sub3A_2194, %select_n3A_2188 : vector<128x128xi1>, vector<128x128xf32>
    %jit3A_2197 = arith.constant 42 : i32
    %broadcast_in_dim3A_2198 = vector.broadcast %jit3A_2197 : i32 to vector<128x128xi32>
    %select_n3A_2199 = arith.select %lt3A_2195, %broadcast_in_dim3A_2198, %select_n3A_2191 : vector<128x128xi1>, vector<128x128xi32>
    %slice3A_2200 = vector.extract_strided_slice %dot_general3A_2110 {offsets = [0, 1408], sizes = [128, 128], strides = [1, 1]} : vector<1024x2048xf32> to vector<128x128xf32>
    %sub3A_2201 = vector.broadcast %slice3A_2111 : vector<128x1xf32> to vector<128x128xf32>
    %sub3A_2202 = arith.subf %sub3A_2201, %slice3A_2200 : vector<128x128xf32>
    %lt3A_2203 = arith.cmpf olt, %sub3A_2202, %select_n3A_2196 : vector<128x128xf32>
    %select_n3A_2204 = arith.select %lt3A_2203, %sub3A_2202, %select_n3A_2196 : vector<128x128xi1>, vector<128x128xf32>
    %jit3A_2205 = arith.constant 43 : i32
    %broadcast_in_dim3A_2206 = vector.broadcast %jit3A_2205 : i32 to vector<128x128xi32>
    %select_n3A_2207 = arith.select %lt3A_2203, %broadcast_in_dim3A_2206, %select_n3A_2199 : vector<128x128xi1>, vector<128x128xi32>
    %slice3A_2208 = vector.extract_strided_slice %dot_general3A_2110 {offsets = [0, 1536], sizes = [128, 128], strides = [1, 1]} : vector<1024x2048xf32> to vector<128x128xf32>
    %sub3A_2209 = vector.broadcast %slice3A_2111 : vector<128x1xf32> to vector<128x128xf32>
    %sub3A_2210 = arith.subf %sub3A_2209, %slice3A_2208 : vector<128x128xf32>
    %lt3A_2211 = arith.cmpf olt, %sub3A_2210, %select_n3A_2204 : vector<128x128xf32>
    %select_n3A_2212 = arith.select %lt3A_2211, %sub3A_2210, %select_n3A_2204 : vector<128x128xi1>, vector<128x128xf32>
    %jit3A_2213 = arith.constant 44 : i32
    %broadcast_in_dim3A_2214 = vector.broadcast %jit3A_2213 : i32 to vector<128x128xi32>
    %select_n3A_2215 = arith.select %lt3A_2211, %broadcast_in_dim3A_2214, %select_n3A_2207 : vector<128x128xi1>, vector<128x128xi32>
    %slice3A_2216 = vector.extract_strided_slice %dot_general3A_2110 {offsets = [0, 1664], sizes = [128, 128], strides = [1, 1]} : vector<1024x2048xf32> to vector<128x128xf32>
    %sub3A_2217 = vector.broadcast %slice3A_2111 : vector<128x1xf32> to vector<128x128xf32>
    %sub3A_2218 = arith.subf %sub3A_2217, %slice3A_2216 : vector<128x128xf32>
    %lt3A_2219 = arith.cmpf olt, %sub3A_2218, %select_n3A_2212 : vector<128x128xf32>
    %select_n3A_2220 = arith.select %lt3A_2219, %sub3A_2218, %select_n3A_2212 : vector<128x128xi1>, vector<128x128xf32>
    %jit3A_2221 = arith.constant 45 : i32
    %broadcast_in_dim3A_2222 = vector.broadcast %jit3A_2221 : i32 to vector<128x128xi32>
    %select_n3A_2223 = arith.select %lt3A_2219, %broadcast_in_dim3A_2222, %select_n3A_2215 : vector<128x128xi1>, vector<128x128xi32>
    %slice3A_2224 = vector.extract_strided_slice %dot_general3A_2110 {offsets = [0, 1792], sizes = [128, 128], strides = [1, 1]} : vector<1024x2048xf32> to vector<128x128xf32>
    %sub3A_2225 = vector.broadcast %slice3A_2111 : vector<128x1xf32> to vector<128x128xf32>
    %sub3A_2226 = arith.subf %sub3A_2225, %slice3A_2224 : vector<128x128xf32>
    %lt3A_2227 = arith.cmpf olt, %sub3A_2226, %select_n3A_2220 : vector<128x128xf32>
    %select_n3A_2228 = arith.select %lt3A_2227, %sub3A_2226, %select_n3A_2220 : vector<128x128xi1>, vector<128x128xf32>
    %jit3A_2229 = arith.constant 46 : i32
    %broadcast_in_dim3A_2230 = vector.broadcast %jit3A_2229 : i32 to vector<128x128xi32>
    %select_n3A_2231 = arith.select %lt3A_2227, %broadcast_in_dim3A_2230, %select_n3A_2223 : vector<128x128xi1>, vector<128x128xi32>
    %slice3A_2232 = vector.extract_strided_slice %dot_general3A_2110 {offsets = [0, 1920], sizes = [128, 128], strides = [1, 1]} : vector<1024x2048xf32> to vector<128x128xf32>
    %sub3A_2233 = vector.broadcast %slice3A_2111 : vector<128x1xf32> to vector<128x128xf32>
    %sub3A_2234 = arith.subf %sub3A_2233, %slice3A_2232 : vector<128x128xf32>
    %lt3A_2235 = arith.cmpf olt, %sub3A_2234, %select_n3A_2228 : vector<128x128xf32>
    %select_n3A_2236 = arith.select %lt3A_2235, %sub3A_2234, %select_n3A_2228 : vector<128x128xi1>, vector<128x128xf32>
    %jit3A_2237 = arith.constant 47 : i32
    %broadcast_in_dim3A_2238 = vector.broadcast %jit3A_2237 : i32 to vector<128x128xi32>
    %select_n3A_2239 = arith.select %lt3A_2235, %broadcast_in_dim3A_2238, %select_n3A_2231 : vector<128x128xi1>, vector<128x128xi32>
    %slice3A_2240 = vector.extract_strided_slice %broadcast_in_dim3A {offsets = [128, 0], sizes = [128, 1], strides = [1, 1]} : vector<1024x1xf32> to vector<128x1xf32>
    %slice3A_2241 = vector.extract_strided_slice %dot_general3A_2110 {offsets = [128, 0], sizes = [128, 128], strides = [1, 1]} : vector<1024x2048xf32> to vector<128x128xf32>
    %sub3A_2242 = vector.broadcast %slice3A_2240 : vector<128x1xf32> to vector<128x128xf32>
    %sub3A_2243 = arith.subf %sub3A_2242, %slice3A_2241 : vector<128x128xf32>
    %lt3A_2244 = arith.cmpf olt, %sub3A_2243, %select_n3A_1328 : vector<128x128xf32>
    %select_n3A_2245 = arith.select %lt3A_2244, %sub3A_2243, %select_n3A_1328 : vector<128x128xi1>, vector<128x128xf32>
    %jit3A_2246 = arith.constant 32 : i32
    %broadcast_in_dim3A_2247 = vector.broadcast %jit3A_2246 : i32 to vector<128x128xi32>
    %select_n3A_2248 = arith.select %lt3A_2244, %broadcast_in_dim3A_2247, %select_n3A_1331 : vector<128x128xi1>, vector<128x128xi32>
    %slice3A_2249 = vector.extract_strided_slice %dot_general3A_2110 {offsets = [128, 128], sizes = [128, 128], strides = [1, 1]} : vector<1024x2048xf32> to vector<128x128xf32>
    %sub3A_2250 = vector.broadcast %slice3A_2240 : vector<128x1xf32> to vector<128x128xf32>
    %sub3A_2251 = arith.subf %sub3A_2250, %slice3A_2249 : vector<128x128xf32>
    %lt3A_2252 = arith.cmpf olt, %sub3A_2251, %select_n3A_2245 : vector<128x128xf32>
    %select_n3A_2253 = arith.select %lt3A_2252, %sub3A_2251, %select_n3A_2245 : vector<128x128xi1>, vector<128x128xf32>
    %jit3A_2254 = arith.constant 33 : i32
    %broadcast_in_dim3A_2255 = vector.broadcast %jit3A_2254 : i32 to vector<128x128xi32>
    %select_n3A_2256 = arith.select %lt3A_2252, %broadcast_in_dim3A_2255, %select_n3A_2248 : vector<128x128xi1>, vector<128x128xi32>
    %slice3A_2257 = vector.extract_strided_slice %dot_general3A_2110 {offsets = [128, 256], sizes = [128, 128], strides = [1, 1]} : vector<1024x2048xf32> to vector<128x128xf32>
    %sub3A_2258 = vector.broadcast %slice3A_2240 : vector<128x1xf32> to vector<128x128xf32>
    %sub3A_2259 = arith.subf %sub3A_2258, %slice3A_2257 : vector<128x128xf32>
    %lt3A_2260 = arith.cmpf olt, %sub3A_2259, %select_n3A_2253 : vector<128x128xf32>
    %select_n3A_2261 = arith.select %lt3A_2260, %sub3A_2259, %select_n3A_2253 : vector<128x128xi1>, vector<128x128xf32>
    %jit3A_2262 = arith.constant 34 : i32
    %broadcast_in_dim3A_2263 = vector.broadcast %jit3A_2262 : i32 to vector<128x128xi32>
    %select_n3A_2264 = arith.select %lt3A_2260, %broadcast_in_dim3A_2263, %select_n3A_2256 : vector<128x128xi1>, vector<128x128xi32>
    %slice3A_2265 = vector.extract_strided_slice %dot_general3A_2110 {offsets = [128, 384], sizes = [128, 128], strides = [1, 1]} : vector<1024x2048xf32> to vector<128x128xf32>
    %sub3A_2266 = vector.broadcast %slice3A_2240 : vector<128x1xf32> to vector<128x128xf32>
    %sub3A_2267 = arith.subf %sub3A_2266, %slice3A_2265 : vector<128x128xf32>
    %lt3A_2268 = arith.cmpf olt, %sub3A_2267, %select_n3A_2261 : vector<128x128xf32>
    %select_n3A_2269 = arith.select %lt3A_2268, %sub3A_2267, %select_n3A_2261 : vector<128x128xi1>, vector<128x128xf32>
    %jit3A_2270 = arith.constant 35 : i32
    %broadcast_in_dim3A_2271 = vector.broadcast %jit3A_2270 : i32 to vector<128x128xi32>
    %select_n3A_2272 = arith.select %lt3A_2268, %broadcast_in_dim3A_2271, %select_n3A_2264 : vector<128x128xi1>, vector<128x128xi32>
    %slice3A_2273 = vector.extract_strided_slice %dot_general3A_2110 {offsets = [128, 512], sizes = [128, 128], strides = [1, 1]} : vector<1024x2048xf32> to vector<128x128xf32>
    %sub3A_2274 = vector.broadcast %slice3A_2240 : vector<128x1xf32> to vector<128x128xf32>
    %sub3A_2275 = arith.subf %sub3A_2274, %slice3A_2273 : vector<128x128xf32>
    %lt3A_2276 = arith.cmpf olt, %sub3A_2275, %select_n3A_2269 : vector<128x128xf32>
    %select_n3A_2277 = arith.select %lt3A_2276, %sub3A_2275, %select_n3A_2269 : vector<128x128xi1>, vector<128x128xf32>
    %jit3A_2278 = arith.constant 36 : i32
    %broadcast_in_dim3A_2279 = vector.broadcast %jit3A_2278 : i32 to vector<128x128xi32>
    %select_n3A_2280 = arith.select %lt3A_2276, %broadcast_in_dim3A_2279, %select_n3A_2272 : vector<128x128xi1>, vector<128x128xi32>
    %slice3A_2281 = vector.extract_strided_slice %dot_general3A_2110 {offsets = [128, 640], sizes = [128, 128], strides = [1, 1]} : vector<1024x2048xf32> to vector<128x128xf32>
    %sub3A_2282 = vector.broadcast %slice3A_2240 : vector<128x1xf32> to vector<128x128xf32>
    %sub3A_2283 = arith.subf %sub3A_2282, %slice3A_2281 : vector<128x128xf32>
    %lt3A_2284 = arith.cmpf olt, %sub3A_2283, %select_n3A_2277 : vector<128x128xf32>
    %select_n3A_2285 = arith.select %lt3A_2284, %sub3A_2283, %select_n3A_2277 : vector<128x128xi1>, vector<128x128xf32>
    %jit3A_2286 = arith.constant 37 : i32
    %broadcast_in_dim3A_2287 = vector.broadcast %jit3A_2286 : i32 to vector<128x128xi32>
    %select_n3A_2288 = arith.select %lt3A_2284, %broadcast_in_dim3A_2287, %select_n3A_2280 : vector<128x128xi1>, vector<128x128xi32>
    %slice3A_2289 = vector.extract_strided_slice %dot_general3A_2110 {offsets = [128, 768], sizes = [128, 128], strides = [1, 1]} : vector<1024x2048xf32> to vector<128x128xf32>
    %sub3A_2290 = vector.broadcast %slice3A_2240 : vector<128x1xf32> to vector<128x128xf32>
    %sub3A_2291 = arith.subf %sub3A_2290, %slice3A_2289 : vector<128x128xf32>
    %lt3A_2292 = arith.cmpf olt, %sub3A_2291, %select_n3A_2285 : vector<128x128xf32>
    %select_n3A_2293 = arith.select %lt3A_2292, %sub3A_2291, %select_n3A_2285 : vector<128x128xi1>, vector<128x128xf32>
    %jit3A_2294 = arith.constant 38 : i32
    %broadcast_in_dim3A_2295 = vector.broadcast %jit3A_2294 : i32 to vector<128x128xi32>
    %select_n3A_2296 = arith.select %lt3A_2292, %broadcast_in_dim3A_2295, %select_n3A_2288 : vector<128x128xi1>, vector<128x128xi32>
    %slice3A_2297 = vector.extract_strided_slice %dot_general3A_2110 {offsets = [128, 896], sizes = [128, 128], strides = [1, 1]} : vector<1024x2048xf32> to vector<128x128xf32>
    %sub3A_2298 = vector.broadcast %slice3A_2240 : vector<128x1xf32> to vector<128x128xf32>
    %sub3A_2299 = arith.subf %sub3A_2298, %slice3A_2297 : vector<128x128xf32>
    %lt3A_2300 = arith.cmpf olt, %sub3A_2299, %select_n3A_2293 : vector<128x128xf32>
    %select_n3A_2301 = arith.select %lt3A_2300, %sub3A_2299, %select_n3A_2293 : vector<128x128xi1>, vector<128x128xf32>
    %jit3A_2302 = arith.constant 39 : i32
    %broadcast_in_dim3A_2303 = vector.broadcast %jit3A_2302 : i32 to vector<128x128xi32>
    %select_n3A_2304 = arith.select %lt3A_2300, %broadcast_in_dim3A_2303, %select_n3A_2296 : vector<128x128xi1>, vector<128x128xi32>
    %slice3A_2305 = vector.extract_strided_slice %dot_general3A_2110 {offsets = [128, 1024], sizes = [128, 128], strides = [1, 1]} : vector<1024x2048xf32> to vector<128x128xf32>
    %sub3A_2306 = vector.broadcast %slice3A_2240 : vector<128x1xf32> to vector<128x128xf32>
    %sub3A_2307 = arith.subf %sub3A_2306, %slice3A_2305 : vector<128x128xf32>
    %lt3A_2308 = arith.cmpf olt, %sub3A_2307, %select_n3A_2301 : vector<128x128xf32>
    %select_n3A_2309 = arith.select %lt3A_2308, %sub3A_2307, %select_n3A_2301 : vector<128x128xi1>, vector<128x128xf32>
    %jit3A_2310 = arith.constant 40 : i32
    %broadcast_in_dim3A_2311 = vector.broadcast %jit3A_2310 : i32 to vector<128x128xi32>
    %select_n3A_2312 = arith.select %lt3A_2308, %broadcast_in_dim3A_2311, %select_n3A_2304 : vector<128x128xi1>, vector<128x128xi32>
    %slice3A_2313 = vector.extract_strided_slice %dot_general3A_2110 {offsets = [128, 1152], sizes = [128, 128], strides = [1, 1]} : vector<1024x2048xf32> to vector<128x128xf32>
    %sub3A_2314 = vector.broadcast %slice3A_2240 : vector<128x1xf32> to vector<128x128xf32>
    %sub3A_2315 = arith.subf %sub3A_2314, %slice3A_2313 : vector<128x128xf32>
    %lt3A_2316 = arith.cmpf olt, %sub3A_2315, %select_n3A_2309 : vector<128x128xf32>
    %select_n3A_2317 = arith.select %lt3A_2316, %sub3A_2315, %select_n3A_2309 : vector<128x128xi1>, vector<128x128xf32>
    %jit3A_2318 = arith.constant 41 : i32
    %broadcast_in_dim3A_2319 = vector.broadcast %jit3A_2318 : i32 to vector<128x128xi32>
    %select_n3A_2320 = arith.select %lt3A_2316, %broadcast_in_dim3A_2319, %select_n3A_2312 : vector<128x128xi1>, vector<128x128xi32>
    %slice3A_2321 = vector.extract_strided_slice %dot_general3A_2110 {offsets = [128, 1280], sizes = [128, 128], strides = [1, 1]} : vector<1024x2048xf32> to vector<128x128xf32>
    %sub3A_2322 = vector.broadcast %slice3A_2240 : vector<128x1xf32> to vector<128x128xf32>
    %sub3A_2323 = arith.subf %sub3A_2322, %slice3A_2321 : vector<128x128xf32>
    %lt3A_2324 = arith.cmpf olt, %sub3A_2323, %select_n3A_2317 : vector<128x128xf32>
    %select_n3A_2325 = arith.select %lt3A_2324, %sub3A_2323, %select_n3A_2317 : vector<128x128xi1>, vector<128x128xf32>
    %jit3A_2326 = arith.constant 42 : i32
    %broadcast_in_dim3A_2327 = vector.broadcast %jit3A_2326 : i32 to vector<128x128xi32>
    %select_n3A_2328 = arith.select %lt3A_2324, %broadcast_in_dim3A_2327, %select_n3A_2320 : vector<128x128xi1>, vector<128x128xi32>
    %slice3A_2329 = vector.extract_strided_slice %dot_general3A_2110 {offsets = [128, 1408], sizes = [128, 128], strides = [1, 1]} : vector<1024x2048xf32> to vector<128x128xf32>
    %sub3A_2330 = vector.broadcast %slice3A_2240 : vector<128x1xf32> to vector<128x128xf32>
    %sub3A_2331 = arith.subf %sub3A_2330, %slice3A_2329 : vector<128x128xf32>
    %lt3A_2332 = arith.cmpf olt, %sub3A_2331, %select_n3A_2325 : vector<128x128xf32>
    %select_n3A_2333 = arith.select %lt3A_2332, %sub3A_2331, %select_n3A_2325 : vector<128x128xi1>, vector<128x128xf32>
    %jit3A_2334 = arith.constant 43 : i32
    %broadcast_in_dim3A_2335 = vector.broadcast %jit3A_2334 : i32 to vector<128x128xi32>
    %select_n3A_2336 = arith.select %lt3A_2332, %broadcast_in_dim3A_2335, %select_n3A_2328 : vector<128x128xi1>, vector<128x128xi32>
    %slice3A_2337 = vector.extract_strided_slice %dot_general3A_2110 {offsets = [128, 1536], sizes = [128, 128], strides = [1, 1]} : vector<1024x2048xf32> to vector<128x128xf32>
    %sub3A_2338 = vector.broadcast %slice3A_2240 : vector<128x1xf32> to vector<128x128xf32>
    %sub3A_2339 = arith.subf %sub3A_2338, %slice3A_2337 : vector<128x128xf32>
    %lt3A_2340 = arith.cmpf olt, %sub3A_2339, %select_n3A_2333 : vector<128x128xf32>
    %select_n3A_2341 = arith.select %lt3A_2340, %sub3A_2339, %select_n3A_2333 : vector<128x128xi1>, vector<128x128xf32>
    %jit3A_2342 = arith.constant 44 : i32
    %broadcast_in_dim3A_2343 = vector.broadcast %jit3A_2342 : i32 to vector<128x128xi32>
    %select_n3A_2344 = arith.select %lt3A_2340, %broadcast_in_dim3A_2343, %select_n3A_2336 : vector<128x128xi1>, vector<128x128xi32>
    %slice3A_2345 = vector.extract_strided_slice %dot_general3A_2110 {offsets = [128, 1664], sizes = [128, 128], strides = [1, 1]} : vector<1024x2048xf32> to vector<128x128xf32>
    %sub3A_2346 = vector.broadcast %slice3A_2240 : vector<128x1xf32> to vector<128x128xf32>
    %sub3A_2347 = arith.subf %sub3A_2346, %slice3A_2345 : vector<128x128xf32>
    %lt3A_2348 = arith.cmpf olt, %sub3A_2347, %select_n3A_2341 : vector<128x128xf32>
    %select_n3A_2349 = arith.select %lt3A_2348, %sub3A_2347, %select_n3A_2341 : vector<128x128xi1>, vector<128x128xf32>
    %jit3A_2350 = arith.constant 45 : i32
    %broadcast_in_dim3A_2351 = vector.broadcast %jit3A_2350 : i32 to vector<128x128xi32>
    %select_n3A_2352 = arith.select %lt3A_2348, %broadcast_in_dim3A_2351, %select_n3A_2344 : vector<128x128xi1>, vector<128x128xi32>
    %slice3A_2353 = vector.extract_strided_slice %dot_general3A_2110 {offsets = [128, 1792], sizes = [128, 128], strides = [1, 1]} : vector<1024x2048xf32> to vector<128x128xf32>
    %sub3A_2354 = vector.broadcast %slice3A_2240 : vector<128x1xf32> to vector<128x128xf32>
    %sub3A_2355 = arith.subf %sub3A_2354, %slice3A_2353 : vector<128x128xf32>
    %lt3A_2356 = arith.cmpf olt, %sub3A_2355, %select_n3A_2349 : vector<128x128xf32>
    %select_n3A_2357 = arith.select %lt3A_2356, %sub3A_2355, %select_n3A_2349 : vector<128x128xi1>, vector<128x128xf32>
    %jit3A_2358 = arith.constant 46 : i32
    %broadcast_in_dim3A_2359 = vector.broadcast %jit3A_2358 : i32 to vector<128x128xi32>
    %select_n3A_2360 = arith.select %lt3A_2356, %broadcast_in_dim3A_2359, %select_n3A_2352 : vector<128x128xi1>, vector<128x128xi32>
    %slice3A_2361 = vector.extract_strided_slice %dot_general3A_2110 {offsets = [128, 1920], sizes = [128, 128], strides = [1, 1]} : vector<1024x2048xf32> to vector<128x128xf32>
    %sub3A_2362 = vector.broadcast %slice3A_2240 : vector<128x1xf32> to vector<128x128xf32>
    %sub3A_2363 = arith.subf %sub3A_2362, %slice3A_2361 : vector<128x128xf32>
    %lt3A_2364 = arith.cmpf olt, %sub3A_2363, %select_n3A_2357 : vector<128x128xf32>
    %select_n3A_2365 = arith.select %lt3A_2364, %sub3A_2363, %select_n3A_2357 : vector<128x128xi1>, vector<128x128xf32>
    %jit3A_2366 = arith.constant 47 : i32
    %broadcast_in_dim3A_2367 = vector.broadcast %jit3A_2366 : i32 to vector<128x128xi32>
    %select_n3A_2368 = arith.select %lt3A_2364, %broadcast_in_dim3A_2367, %select_n3A_2360 : vector<128x128xi1>, vector<128x128xi32>
    %slice3A_2369 = vector.extract_strided_slice %broadcast_in_dim3A {offsets = [256, 0], sizes = [128, 1], strides = [1, 1]} : vector<1024x1xf32> to vector<128x1xf32>
    %slice3A_2370 = vector.extract_strided_slice %dot_general3A_2110 {offsets = [256, 0], sizes = [128, 128], strides = [1, 1]} : vector<1024x2048xf32> to vector<128x128xf32>
    %sub3A_2371 = vector.broadcast %slice3A_2369 : vector<128x1xf32> to vector<128x128xf32>
    %sub3A_2372 = arith.subf %sub3A_2371, %slice3A_2370 : vector<128x128xf32>
    %lt3A_2373 = arith.cmpf olt, %sub3A_2372, %select_n3A_1457 : vector<128x128xf32>
    %select_n3A_2374 = arith.select %lt3A_2373, %sub3A_2372, %select_n3A_1457 : vector<128x128xi1>, vector<128x128xf32>
    %jit3A_2375 = arith.constant 32 : i32
    %broadcast_in_dim3A_2376 = vector.broadcast %jit3A_2375 : i32 to vector<128x128xi32>
    %select_n3A_2377 = arith.select %lt3A_2373, %broadcast_in_dim3A_2376, %select_n3A_1460 : vector<128x128xi1>, vector<128x128xi32>
    %slice3A_2378 = vector.extract_strided_slice %dot_general3A_2110 {offsets = [256, 128], sizes = [128, 128], strides = [1, 1]} : vector<1024x2048xf32> to vector<128x128xf32>
    %sub3A_2379 = vector.broadcast %slice3A_2369 : vector<128x1xf32> to vector<128x128xf32>
    %sub3A_2380 = arith.subf %sub3A_2379, %slice3A_2378 : vector<128x128xf32>
    %lt3A_2381 = arith.cmpf olt, %sub3A_2380, %select_n3A_2374 : vector<128x128xf32>
    %select_n3A_2382 = arith.select %lt3A_2381, %sub3A_2380, %select_n3A_2374 : vector<128x128xi1>, vector<128x128xf32>
    %jit3A_2383 = arith.constant 33 : i32
    %broadcast_in_dim3A_2384 = vector.broadcast %jit3A_2383 : i32 to vector<128x128xi32>
    %select_n3A_2385 = arith.select %lt3A_2381, %broadcast_in_dim3A_2384, %select_n3A_2377 : vector<128x128xi1>, vector<128x128xi32>
    %slice3A_2386 = vector.extract_strided_slice %dot_general3A_2110 {offsets = [256, 256], sizes = [128, 128], strides = [1, 1]} : vector<1024x2048xf32> to vector<128x128xf32>
    %sub3A_2387 = vector.broadcast %slice3A_2369 : vector<128x1xf32> to vector<128x128xf32>
    %sub3A_2388 = arith.subf %sub3A_2387, %slice3A_2386 : vector<128x128xf32>
    %lt3A_2389 = arith.cmpf olt, %sub3A_2388, %select_n3A_2382 : vector<128x128xf32>
    %select_n3A_2390 = arith.select %lt3A_2389, %sub3A_2388, %select_n3A_2382 : vector<128x128xi1>, vector<128x128xf32>
    %jit3A_2391 = arith.constant 34 : i32
    %broadcast_in_dim3A_2392 = vector.broadcast %jit3A_2391 : i32 to vector<128x128xi32>
    %select_n3A_2393 = arith.select %lt3A_2389, %broadcast_in_dim3A_2392, %select_n3A_2385 : vector<128x128xi1>, vector<128x128xi32>
    %slice3A_2394 = vector.extract_strided_slice %dot_general3A_2110 {offsets = [256, 384], sizes = [128, 128], strides = [1, 1]} : vector<1024x2048xf32> to vector<128x128xf32>
    %sub3A_2395 = vector.broadcast %slice3A_2369 : vector<128x1xf32> to vector<128x128xf32>
    %sub3A_2396 = arith.subf %sub3A_2395, %slice3A_2394 : vector<128x128xf32>
    %lt3A_2397 = arith.cmpf olt, %sub3A_2396, %select_n3A_2390 : vector<128x128xf32>
    %select_n3A_2398 = arith.select %lt3A_2397, %sub3A_2396, %select_n3A_2390 : vector<128x128xi1>, vector<128x128xf32>
    %jit3A_2399 = arith.constant 35 : i32
    %broadcast_in_dim3A_2400 = vector.broadcast %jit3A_2399 : i32 to vector<128x128xi32>
    %select_n3A_2401 = arith.select %lt3A_2397, %broadcast_in_dim3A_2400, %select_n3A_2393 : vector<128x128xi1>, vector<128x128xi32>
    %slice3A_2402 = vector.extract_strided_slice %dot_general3A_2110 {offsets = [256, 512], sizes = [128, 128], strides = [1, 1]} : vector<1024x2048xf32> to vector<128x128xf32>
    %sub3A_2403 = vector.broadcast %slice3A_2369 : vector<128x1xf32> to vector<128x128xf32>
    %sub3A_2404 = arith.subf %sub3A_2403, %slice3A_2402 : vector<128x128xf32>
    %lt3A_2405 = arith.cmpf olt, %sub3A_2404, %select_n3A_2398 : vector<128x128xf32>
    %select_n3A_2406 = arith.select %lt3A_2405, %sub3A_2404, %select_n3A_2398 : vector<128x128xi1>, vector<128x128xf32>
    %jit3A_2407 = arith.constant 36 : i32
    %broadcast_in_dim3A_2408 = vector.broadcast %jit3A_2407 : i32 to vector<128x128xi32>
    %select_n3A_2409 = arith.select %lt3A_2405, %broadcast_in_dim3A_2408, %select_n3A_2401 : vector<128x128xi1>, vector<128x128xi32>
    %slice3A_2410 = vector.extract_strided_slice %dot_general3A_2110 {offsets = [256, 640], sizes = [128, 128], strides = [1, 1]} : vector<1024x2048xf32> to vector<128x128xf32>
    %sub3A_2411 = vector.broadcast %slice3A_2369 : vector<128x1xf32> to vector<128x128xf32>
    %sub3A_2412 = arith.subf %sub3A_2411, %slice3A_2410 : vector<128x128xf32>
    %lt3A_2413 = arith.cmpf olt, %sub3A_2412, %select_n3A_2406 : vector<128x128xf32>
    %select_n3A_2414 = arith.select %lt3A_2413, %sub3A_2412, %select_n3A_2406 : vector<128x128xi1>, vector<128x128xf32>
    %jit3A_2415 = arith.constant 37 : i32
    %broadcast_in_dim3A_2416 = vector.broadcast %jit3A_2415 : i32 to vector<128x128xi32>
    %select_n3A_2417 = arith.select %lt3A_2413, %broadcast_in_dim3A_2416, %select_n3A_2409 : vector<128x128xi1>, vector<128x128xi32>
    %slice3A_2418 = vector.extract_strided_slice %dot_general3A_2110 {offsets = [256, 768], sizes = [128, 128], strides = [1, 1]} : vector<1024x2048xf32> to vector<128x128xf32>
    %sub3A_2419 = vector.broadcast %slice3A_2369 : vector<128x1xf32> to vector<128x128xf32>
    %sub3A_2420 = arith.subf %sub3A_2419, %slice3A_2418 : vector<128x128xf32>
    %lt3A_2421 = arith.cmpf olt, %sub3A_2420, %select_n3A_2414 : vector<128x128xf32>
    %select_n3A_2422 = arith.select %lt3A_2421, %sub3A_2420, %select_n3A_2414 : vector<128x128xi1>, vector<128x128xf32>
    %jit3A_2423 = arith.constant 38 : i32
    %broadcast_in_dim3A_2424 = vector.broadcast %jit3A_2423 : i32 to vector<128x128xi32>
    %select_n3A_2425 = arith.select %lt3A_2421, %broadcast_in_dim3A_2424, %select_n3A_2417 : vector<128x128xi1>, vector<128x128xi32>
    %slice3A_2426 = vector.extract_strided_slice %dot_general3A_2110 {offsets = [256, 896], sizes = [128, 128], strides = [1, 1]} : vector<1024x2048xf32> to vector<128x128xf32>
    %sub3A_2427 = vector.broadcast %slice3A_2369 : vector<128x1xf32> to vector<128x128xf32>
    %sub3A_2428 = arith.subf %sub3A_2427, %slice3A_2426 : vector<128x128xf32>
    %lt3A_2429 = arith.cmpf olt, %sub3A_2428, %select_n3A_2422 : vector<128x128xf32>
    %select_n3A_2430 = arith.select %lt3A_2429, %sub3A_2428, %select_n3A_2422 : vector<128x128xi1>, vector<128x128xf32>
    %jit3A_2431 = arith.constant 39 : i32
    %broadcast_in_dim3A_2432 = vector.broadcast %jit3A_2431 : i32 to vector<128x128xi32>
    %select_n3A_2433 = arith.select %lt3A_2429, %broadcast_in_dim3A_2432, %select_n3A_2425 : vector<128x128xi1>, vector<128x128xi32>
    %slice3A_2434 = vector.extract_strided_slice %dot_general3A_2110 {offsets = [256, 1024], sizes = [128, 128], strides = [1, 1]} : vector<1024x2048xf32> to vector<128x128xf32>
    %sub3A_2435 = vector.broadcast %slice3A_2369 : vector<128x1xf32> to vector<128x128xf32>
    %sub3A_2436 = arith.subf %sub3A_2435, %slice3A_2434 : vector<128x128xf32>
    %lt3A_2437 = arith.cmpf olt, %sub3A_2436, %select_n3A_2430 : vector<128x128xf32>
    %select_n3A_2438 = arith.select %lt3A_2437, %sub3A_2436, %select_n3A_2430 : vector<128x128xi1>, vector<128x128xf32>
    %jit3A_2439 = arith.constant 40 : i32
    %broadcast_in_dim3A_2440 = vector.broadcast %jit3A_2439 : i32 to vector<128x128xi32>
    %select_n3A_2441 = arith.select %lt3A_2437, %broadcast_in_dim3A_2440, %select_n3A_2433 : vector<128x128xi1>, vector<128x128xi32>
    %slice3A_2442 = vector.extract_strided_slice %dot_general3A_2110 {offsets = [256, 1152], sizes = [128, 128], strides = [1, 1]} : vector<1024x2048xf32> to vector<128x128xf32>
    %sub3A_2443 = vector.broadcast %slice3A_2369 : vector<128x1xf32> to vector<128x128xf32>
    %sub3A_2444 = arith.subf %sub3A_2443, %slice3A_2442 : vector<128x128xf32>
    %lt3A_2445 = arith.cmpf olt, %sub3A_2444, %select_n3A_2438 : vector<128x128xf32>
    %select_n3A_2446 = arith.select %lt3A_2445, %sub3A_2444, %select_n3A_2438 : vector<128x128xi1>, vector<128x128xf32>
    %jit3A_2447 = arith.constant 41 : i32
    %broadcast_in_dim3A_2448 = vector.broadcast %jit3A_2447 : i32 to vector<128x128xi32>
    %select_n3A_2449 = arith.select %lt3A_2445, %broadcast_in_dim3A_2448, %select_n3A_2441 : vector<128x128xi1>, vector<128x128xi32>
    %slice3A_2450 = vector.extract_strided_slice %dot_general3A_2110 {offsets = [256, 1280], sizes = [128, 128], strides = [1, 1]} : vector<1024x2048xf32> to vector<128x128xf32>
    %sub3A_2451 = vector.broadcast %slice3A_2369 : vector<128x1xf32> to vector<128x128xf32>
    %sub3A_2452 = arith.subf %sub3A_2451, %slice3A_2450 : vector<128x128xf32>
    %lt3A_2453 = arith.cmpf olt, %sub3A_2452, %select_n3A_2446 : vector<128x128xf32>
    %select_n3A_2454 = arith.select %lt3A_2453, %sub3A_2452, %select_n3A_2446 : vector<128x128xi1>, vector<128x128xf32>
    %jit3A_2455 = arith.constant 42 : i32
    %broadcast_in_dim3A_2456 = vector.broadcast %jit3A_2455 : i32 to vector<128x128xi32>
    %select_n3A_2457 = arith.select %lt3A_2453, %broadcast_in_dim3A_2456, %select_n3A_2449 : vector<128x128xi1>, vector<128x128xi32>
    %slice3A_2458 = vector.extract_strided_slice %dot_general3A_2110 {offsets = [256, 1408], sizes = [128, 128], strides = [1, 1]} : vector<1024x2048xf32> to vector<128x128xf32>
    %sub3A_2459 = vector.broadcast %slice3A_2369 : vector<128x1xf32> to vector<128x128xf32>
    %sub3A_2460 = arith.subf %sub3A_2459, %slice3A_2458 : vector<128x128xf32>
    %lt3A_2461 = arith.cmpf olt, %sub3A_2460, %select_n3A_2454 : vector<128x128xf32>
    %select_n3A_2462 = arith.select %lt3A_2461, %sub3A_2460, %select_n3A_2454 : vector<128x128xi1>, vector<128x128xf32>
    %jit3A_2463 = arith.constant 43 : i32
    %broadcast_in_dim3A_2464 = vector.broadcast %jit3A_2463 : i32 to vector<128x128xi32>
    %select_n3A_2465 = arith.select %lt3A_2461, %broadcast_in_dim3A_2464, %select_n3A_2457 : vector<128x128xi1>, vector<128x128xi32>
    %slice3A_2466 = vector.extract_strided_slice %dot_general3A_2110 {offsets = [256, 1536], sizes = [128, 128], strides = [1, 1]} : vector<1024x2048xf32> to vector<128x128xf32>
    %sub3A_2467 = vector.broadcast %slice3A_2369 : vector<128x1xf32> to vector<128x128xf32>
    %sub3A_2468 = arith.subf %sub3A_2467, %slice3A_2466 : vector<128x128xf32>
    %lt3A_2469 = arith.cmpf olt, %sub3A_2468, %select_n3A_2462 : vector<128x128xf32>
    %select_n3A_2470 = arith.select %lt3A_2469, %sub3A_2468, %select_n3A_2462 : vector<128x128xi1>, vector<128x128xf32>
    %jit3A_2471 = arith.constant 44 : i32
    %broadcast_in_dim3A_2472 = vector.broadcast %jit3A_2471 : i32 to vector<128x128xi32>
    %select_n3A_2473 = arith.select %lt3A_2469, %broadcast_in_dim3A_2472, %select_n3A_2465 : vector<128x128xi1>, vector<128x128xi32>
    %slice3A_2474 = vector.extract_strided_slice %dot_general3A_2110 {offsets = [256, 1664], sizes = [128, 128], strides = [1, 1]} : vector<1024x2048xf32> to vector<128x128xf32>
    %sub3A_2475 = vector.broadcast %slice3A_2369 : vector<128x1xf32> to vector<128x128xf32>
    %sub3A_2476 = arith.subf %sub3A_2475, %slice3A_2474 : vector<128x128xf32>
    %lt3A_2477 = arith.cmpf olt, %sub3A_2476, %select_n3A_2470 : vector<128x128xf32>
    %select_n3A_2478 = arith.select %lt3A_2477, %sub3A_2476, %select_n3A_2470 : vector<128x128xi1>, vector<128x128xf32>
    %jit3A_2479 = arith.constant 45 : i32
    %broadcast_in_dim3A_2480 = vector.broadcast %jit3A_2479 : i32 to vector<128x128xi32>
    %select_n3A_2481 = arith.select %lt3A_2477, %broadcast_in_dim3A_2480, %select_n3A_2473 : vector<128x128xi1>, vector<128x128xi32>
    %slice3A_2482 = vector.extract_strided_slice %dot_general3A_2110 {offsets = [256, 1792], sizes = [128, 128], strides = [1, 1]} : vector<1024x2048xf32> to vector<128x128xf32>
    %sub3A_2483 = vector.broadcast %slice3A_2369 : vector<128x1xf32> to vector<128x128xf32>
    %sub3A_2484 = arith.subf %sub3A_2483, %slice3A_2482 : vector<128x128xf32>
    %lt3A_2485 = arith.cmpf olt, %sub3A_2484, %select_n3A_2478 : vector<128x128xf32>
    %select_n3A_2486 = arith.select %lt3A_2485, %sub3A_2484, %select_n3A_2478 : vector<128x128xi1>, vector<128x128xf32>
    %jit3A_2487 = arith.constant 46 : i32
    %broadcast_in_dim3A_2488 = vector.broadcast %jit3A_2487 : i32 to vector<128x128xi32>
    %select_n3A_2489 = arith.select %lt3A_2485, %broadcast_in_dim3A_2488, %select_n3A_2481 : vector<128x128xi1>, vector<128x128xi32>
    %slice3A_2490 = vector.extract_strided_slice %dot_general3A_2110 {offsets = [256, 1920], sizes = [128, 128], strides = [1, 1]} : vector<1024x2048xf32> to vector<128x128xf32>
    %sub3A_2491 = vector.broadcast %slice3A_2369 : vector<128x1xf32> to vector<128x128xf32>
    %sub3A_2492 = arith.subf %sub3A_2491, %slice3A_2490 : vector<128x128xf32>
    %lt3A_2493 = arith.cmpf olt, %sub3A_2492, %select_n3A_2486 : vector<128x128xf32>
    %select_n3A_2494 = arith.select %lt3A_2493, %sub3A_2492, %select_n3A_2486 : vector<128x128xi1>, vector<128x128xf32>
    %jit3A_2495 = arith.constant 47 : i32
    %broadcast_in_dim3A_2496 = vector.broadcast %jit3A_2495 : i32 to vector<128x128xi32>
    %select_n3A_2497 = arith.select %lt3A_2493, %broadcast_in_dim3A_2496, %select_n3A_2489 : vector<128x128xi1>, vector<128x128xi32>
    %slice3A_2498 = vector.extract_strided_slice %broadcast_in_dim3A {offsets = [384, 0], sizes = [128, 1], strides = [1, 1]} : vector<1024x1xf32> to vector<128x1xf32>
    %slice3A_2499 = vector.extract_strided_slice %dot_general3A_2110 {offsets = [384, 0], sizes = [128, 128], strides = [1, 1]} : vector<1024x2048xf32> to vector<128x128xf32>
    %sub3A_2500 = vector.broadcast %slice3A_2498 : vector<128x1xf32> to vector<128x128xf32>
    %sub3A_2501 = arith.subf %sub3A_2500, %slice3A_2499 : vector<128x128xf32>
    %lt3A_2502 = arith.cmpf olt, %sub3A_2501, %select_n3A_1586 : vector<128x128xf32>
    %select_n3A_2503 = arith.select %lt3A_2502, %sub3A_2501, %select_n3A_1586 : vector<128x128xi1>, vector<128x128xf32>
    %jit3A_2504 = arith.constant 32 : i32
    %broadcast_in_dim3A_2505 = vector.broadcast %jit3A_2504 : i32 to vector<128x128xi32>
    %select_n3A_2506 = arith.select %lt3A_2502, %broadcast_in_dim3A_2505, %select_n3A_1589 : vector<128x128xi1>, vector<128x128xi32>
    %slice3A_2507 = vector.extract_strided_slice %dot_general3A_2110 {offsets = [384, 128], sizes = [128, 128], strides = [1, 1]} : vector<1024x2048xf32> to vector<128x128xf32>
    %sub3A_2508 = vector.broadcast %slice3A_2498 : vector<128x1xf32> to vector<128x128xf32>
    %sub3A_2509 = arith.subf %sub3A_2508, %slice3A_2507 : vector<128x128xf32>
    %lt3A_2510 = arith.cmpf olt, %sub3A_2509, %select_n3A_2503 : vector<128x128xf32>
    %select_n3A_2511 = arith.select %lt3A_2510, %sub3A_2509, %select_n3A_2503 : vector<128x128xi1>, vector<128x128xf32>
    %jit3A_2512 = arith.constant 33 : i32
    %broadcast_in_dim3A_2513 = vector.broadcast %jit3A_2512 : i32 to vector<128x128xi32>
    %select_n3A_2514 = arith.select %lt3A_2510, %broadcast_in_dim3A_2513, %select_n3A_2506 : vector<128x128xi1>, vector<128x128xi32>
    %slice3A_2515 = vector.extract_strided_slice %dot_general3A_2110 {offsets = [384, 256], sizes = [128, 128], strides = [1, 1]} : vector<1024x2048xf32> to vector<128x128xf32>
    %sub3A_2516 = vector.broadcast %slice3A_2498 : vector<128x1xf32> to vector<128x128xf32>
    %sub3A_2517 = arith.subf %sub3A_2516, %slice3A_2515 : vector<128x128xf32>
    %lt3A_2518 = arith.cmpf olt, %sub3A_2517, %select_n3A_2511 : vector<128x128xf32>
    %select_n3A_2519 = arith.select %lt3A_2518, %sub3A_2517, %select_n3A_2511 : vector<128x128xi1>, vector<128x128xf32>
    %jit3A_2520 = arith.constant 34 : i32
    %broadcast_in_dim3A_2521 = vector.broadcast %jit3A_2520 : i32 to vector<128x128xi32>
    %select_n3A_2522 = arith.select %lt3A_2518, %broadcast_in_dim3A_2521, %select_n3A_2514 : vector<128x128xi1>, vector<128x128xi32>
    %slice3A_2523 = vector.extract_strided_slice %dot_general3A_2110 {offsets = [384, 384], sizes = [128, 128], strides = [1, 1]} : vector<1024x2048xf32> to vector<128x128xf32>
    %sub3A_2524 = vector.broadcast %slice3A_2498 : vector<128x1xf32> to vector<128x128xf32>
    %sub3A_2525 = arith.subf %sub3A_2524, %slice3A_2523 : vector<128x128xf32>
    %lt3A_2526 = arith.cmpf olt, %sub3A_2525, %select_n3A_2519 : vector<128x128xf32>
    %select_n3A_2527 = arith.select %lt3A_2526, %sub3A_2525, %select_n3A_2519 : vector<128x128xi1>, vector<128x128xf32>
    %jit3A_2528 = arith.constant 35 : i32
    %broadcast_in_dim3A_2529 = vector.broadcast %jit3A_2528 : i32 to vector<128x128xi32>
    %select_n3A_2530 = arith.select %lt3A_2526, %broadcast_in_dim3A_2529, %select_n3A_2522 : vector<128x128xi1>, vector<128x128xi32>
    %slice3A_2531 = vector.extract_strided_slice %dot_general3A_2110 {offsets = [384, 512], sizes = [128, 128], strides = [1, 1]} : vector<1024x2048xf32> to vector<128x128xf32>
    %sub3A_2532 = vector.broadcast %slice3A_2498 : vector<128x1xf32> to vector<128x128xf32>
    %sub3A_2533 = arith.subf %sub3A_2532, %slice3A_2531 : vector<128x128xf32>
    %lt3A_2534 = arith.cmpf olt, %sub3A_2533, %select_n3A_2527 : vector<128x128xf32>
    %select_n3A_2535 = arith.select %lt3A_2534, %sub3A_2533, %select_n3A_2527 : vector<128x128xi1>, vector<128x128xf32>
    %jit3A_2536 = arith.constant 36 : i32
    %broadcast_in_dim3A_2537 = vector.broadcast %jit3A_2536 : i32 to vector<128x128xi32>
    %select_n3A_2538 = arith.select %lt3A_2534, %broadcast_in_dim3A_2537, %select_n3A_2530 : vector<128x128xi1>, vector<128x128xi32>
    %slice3A_2539 = vector.extract_strided_slice %dot_general3A_2110 {offsets = [384, 640], sizes = [128, 128], strides = [1, 1]} : vector<1024x2048xf32> to vector<128x128xf32>
    %sub3A_2540 = vector.broadcast %slice3A_2498 : vector<128x1xf32> to vector<128x128xf32>
    %sub3A_2541 = arith.subf %sub3A_2540, %slice3A_2539 : vector<128x128xf32>
    %lt3A_2542 = arith.cmpf olt, %sub3A_2541, %select_n3A_2535 : vector<128x128xf32>
    %select_n3A_2543 = arith.select %lt3A_2542, %sub3A_2541, %select_n3A_2535 : vector<128x128xi1>, vector<128x128xf32>
    %jit3A_2544 = arith.constant 37 : i32
    %broadcast_in_dim3A_2545 = vector.broadcast %jit3A_2544 : i32 to vector<128x128xi32>
    %select_n3A_2546 = arith.select %lt3A_2542, %broadcast_in_dim3A_2545, %select_n3A_2538 : vector<128x128xi1>, vector<128x128xi32>
    %slice3A_2547 = vector.extract_strided_slice %dot_general3A_2110 {offsets = [384, 768], sizes = [128, 128], strides = [1, 1]} : vector<1024x2048xf32> to vector<128x128xf32>
    %sub3A_2548 = vector.broadcast %slice3A_2498 : vector<128x1xf32> to vector<128x128xf32>
    %sub3A_2549 = arith.subf %sub3A_2548, %slice3A_2547 : vector<128x128xf32>
    %lt3A_2550 = arith.cmpf olt, %sub3A_2549, %select_n3A_2543 : vector<128x128xf32>
    %select_n3A_2551 = arith.select %lt3A_2550, %sub3A_2549, %select_n3A_2543 : vector<128x128xi1>, vector<128x128xf32>
    %jit3A_2552 = arith.constant 38 : i32
    %broadcast_in_dim3A_2553 = vector.broadcast %jit3A_2552 : i32 to vector<128x128xi32>
    %select_n3A_2554 = arith.select %lt3A_2550, %broadcast_in_dim3A_2553, %select_n3A_2546 : vector<128x128xi1>, vector<128x128xi32>
    %slice3A_2555 = vector.extract_strided_slice %dot_general3A_2110 {offsets = [384, 896], sizes = [128, 128], strides = [1, 1]} : vector<1024x2048xf32> to vector<128x128xf32>
    %sub3A_2556 = vector.broadcast %slice3A_2498 : vector<128x1xf32> to vector<128x128xf32>
    %sub3A_2557 = arith.subf %sub3A_2556, %slice3A_2555 : vector<128x128xf32>
    %lt3A_2558 = arith.cmpf olt, %sub3A_2557, %select_n3A_2551 : vector<128x128xf32>
    %select_n3A_2559 = arith.select %lt3A_2558, %sub3A_2557, %select_n3A_2551 : vector<128x128xi1>, vector<128x128xf32>
    %jit3A_2560 = arith.constant 39 : i32
    %broadcast_in_dim3A_2561 = vector.broadcast %jit3A_2560 : i32 to vector<128x128xi32>
    %select_n3A_2562 = arith.select %lt3A_2558, %broadcast_in_dim3A_2561, %select_n3A_2554 : vector<128x128xi1>, vector<128x128xi32>
    %slice3A_2563 = vector.extract_strided_slice %dot_general3A_2110 {offsets = [384, 1024], sizes = [128, 128], strides = [1, 1]} : vector<1024x2048xf32> to vector<128x128xf32>
    %sub3A_2564 = vector.broadcast %slice3A_2498 : vector<128x1xf32> to vector<128x128xf32>
    %sub3A_2565 = arith.subf %sub3A_2564, %slice3A_2563 : vector<128x128xf32>
    %lt3A_2566 = arith.cmpf olt, %sub3A_2565, %select_n3A_2559 : vector<128x128xf32>
    %select_n3A_2567 = arith.select %lt3A_2566, %sub3A_2565, %select_n3A_2559 : vector<128x128xi1>, vector<128x128xf32>
    %jit3A_2568 = arith.constant 40 : i32
    %broadcast_in_dim3A_2569 = vector.broadcast %jit3A_2568 : i32 to vector<128x128xi32>
    %select_n3A_2570 = arith.select %lt3A_2566, %broadcast_in_dim3A_2569, %select_n3A_2562 : vector<128x128xi1>, vector<128x128xi32>
    %slice3A_2571 = vector.extract_strided_slice %dot_general3A_2110 {offsets = [384, 1152], sizes = [128, 128], strides = [1, 1]} : vector<1024x2048xf32> to vector<128x128xf32>
    %sub3A_2572 = vector.broadcast %slice3A_2498 : vector<128x1xf32> to vector<128x128xf32>
    %sub3A_2573 = arith.subf %sub3A_2572, %slice3A_2571 : vector<128x128xf32>
    %lt3A_2574 = arith.cmpf olt, %sub3A_2573, %select_n3A_2567 : vector<128x128xf32>
    %select_n3A_2575 = arith.select %lt3A_2574, %sub3A_2573, %select_n3A_2567 : vector<128x128xi1>, vector<128x128xf32>
    %jit3A_2576 = arith.constant 41 : i32
    %broadcast_in_dim3A_2577 = vector.broadcast %jit3A_2576 : i32 to vector<128x128xi32>
    %select_n3A_2578 = arith.select %lt3A_2574, %broadcast_in_dim3A_2577, %select_n3A_2570 : vector<128x128xi1>, vector<128x128xi32>
    %slice3A_2579 = vector.extract_strided_slice %dot_general3A_2110 {offsets = [384, 1280], sizes = [128, 128], strides = [1, 1]} : vector<1024x2048xf32> to vector<128x128xf32>
    %sub3A_2580 = vector.broadcast %slice3A_2498 : vector<128x1xf32> to vector<128x128xf32>
    %sub3A_2581 = arith.subf %sub3A_2580, %slice3A_2579 : vector<128x128xf32>
    %lt3A_2582 = arith.cmpf olt, %sub3A_2581, %select_n3A_2575 : vector<128x128xf32>
    %select_n3A_2583 = arith.select %lt3A_2582, %sub3A_2581, %select_n3A_2575 : vector<128x128xi1>, vector<128x128xf32>
    %jit3A_2584 = arith.constant 42 : i32
    %broadcast_in_dim3A_2585 = vector.broadcast %jit3A_2584 : i32 to vector<128x128xi32>
    %select_n3A_2586 = arith.select %lt3A_2582, %broadcast_in_dim3A_2585, %select_n3A_2578 : vector<128x128xi1>, vector<128x128xi32>
    %slice3A_2587 = vector.extract_strided_slice %dot_general3A_2110 {offsets = [384, 1408], sizes = [128, 128], strides = [1, 1]} : vector<1024x2048xf32> to vector<128x128xf32>
    %sub3A_2588 = vector.broadcast %slice3A_2498 : vector<128x1xf32> to vector<128x128xf32>
    %sub3A_2589 = arith.subf %sub3A_2588, %slice3A_2587 : vector<128x128xf32>
    %lt3A_2590 = arith.cmpf olt, %sub3A_2589, %select_n3A_2583 : vector<128x128xf32>
    %select_n3A_2591 = arith.select %lt3A_2590, %sub3A_2589, %select_n3A_2583 : vector<128x128xi1>, vector<128x128xf32>
    %jit3A_2592 = arith.constant 43 : i32
    %broadcast_in_dim3A_2593 = vector.broadcast %jit3A_2592 : i32 to vector<128x128xi32>
    %select_n3A_2594 = arith.select %lt3A_2590, %broadcast_in_dim3A_2593, %select_n3A_2586 : vector<128x128xi1>, vector<128x128xi32>
    %slice3A_2595 = vector.extract_strided_slice %dot_general3A_2110 {offsets = [384, 1536], sizes = [128, 128], strides = [1, 1]} : vector<1024x2048xf32> to vector<128x128xf32>
    %sub3A_2596 = vector.broadcast %slice3A_2498 : vector<128x1xf32> to vector<128x128xf32>
    %sub3A_2597 = arith.subf %sub3A_2596, %slice3A_2595 : vector<128x128xf32>
    %lt3A_2598 = arith.cmpf olt, %sub3A_2597, %select_n3A_2591 : vector<128x128xf32>
    %select_n3A_2599 = arith.select %lt3A_2598, %sub3A_2597, %select_n3A_2591 : vector<128x128xi1>, vector<128x128xf32>
    %jit3A_2600 = arith.constant 44 : i32
    %broadcast_in_dim3A_2601 = vector.broadcast %jit3A_2600 : i32 to vector<128x128xi32>
    %select_n3A_2602 = arith.select %lt3A_2598, %broadcast_in_dim3A_2601, %select_n3A_2594 : vector<128x128xi1>, vector<128x128xi32>
    %slice3A_2603 = vector.extract_strided_slice %dot_general3A_2110 {offsets = [384, 1664], sizes = [128, 128], strides = [1, 1]} : vector<1024x2048xf32> to vector<128x128xf32>
    %sub3A_2604 = vector.broadcast %slice3A_2498 : vector<128x1xf32> to vector<128x128xf32>
    %sub3A_2605 = arith.subf %sub3A_2604, %slice3A_2603 : vector<128x128xf32>
    %lt3A_2606 = arith.cmpf olt, %sub3A_2605, %select_n3A_2599 : vector<128x128xf32>
    %select_n3A_2607 = arith.select %lt3A_2606, %sub3A_2605, %select_n3A_2599 : vector<128x128xi1>, vector<128x128xf32>
    %jit3A_2608 = arith.constant 45 : i32
    %broadcast_in_dim3A_2609 = vector.broadcast %jit3A_2608 : i32 to vector<128x128xi32>
    %select_n3A_2610 = arith.select %lt3A_2606, %broadcast_in_dim3A_2609, %select_n3A_2602 : vector<128x128xi1>, vector<128x128xi32>
    %slice3A_2611 = vector.extract_strided_slice %dot_general3A_2110 {offsets = [384, 1792], sizes = [128, 128], strides = [1, 1]} : vector<1024x2048xf32> to vector<128x128xf32>
    %sub3A_2612 = vector.broadcast %slice3A_2498 : vector<128x1xf32> to vector<128x128xf32>
    %sub3A_2613 = arith.subf %sub3A_2612, %slice3A_2611 : vector<128x128xf32>
    %lt3A_2614 = arith.cmpf olt, %sub3A_2613, %select_n3A_2607 : vector<128x128xf32>
    %select_n3A_2615 = arith.select %lt3A_2614, %sub3A_2613, %select_n3A_2607 : vector<128x128xi1>, vector<128x128xf32>
    %jit3A_2616 = arith.constant 46 : i32
    %broadcast_in_dim3A_2617 = vector.broadcast %jit3A_2616 : i32 to vector<128x128xi32>
    %select_n3A_2618 = arith.select %lt3A_2614, %broadcast_in_dim3A_2617, %select_n3A_2610 : vector<128x128xi1>, vector<128x128xi32>
    %slice3A_2619 = vector.extract_strided_slice %dot_general3A_2110 {offsets = [384, 1920], sizes = [128, 128], strides = [1, 1]} : vector<1024x2048xf32> to vector<128x128xf32>
    %sub3A_2620 = vector.broadcast %slice3A_2498 : vector<128x1xf32> to vector<128x128xf32>
    %sub3A_2621 = arith.subf %sub3A_2620, %slice3A_2619 : vector<128x128xf32>
    %lt3A_2622 = arith.cmpf olt, %sub3A_2621, %select_n3A_2615 : vector<128x128xf32>
    %select_n3A_2623 = arith.select %lt3A_2622, %sub3A_2621, %select_n3A_2615 : vector<128x128xi1>, vector<128x128xf32>
    %jit3A_2624 = arith.constant 47 : i32
    %broadcast_in_dim3A_2625 = vector.broadcast %jit3A_2624 : i32 to vector<128x128xi32>
    %select_n3A_2626 = arith.select %lt3A_2622, %broadcast_in_dim3A_2625, %select_n3A_2618 : vector<128x128xi1>, vector<128x128xi32>
    %slice3A_2627 = vector.extract_strided_slice %broadcast_in_dim3A {offsets = [512, 0], sizes = [128, 1], strides = [1, 1]} : vector<1024x1xf32> to vector<128x1xf32>
    %slice3A_2628 = vector.extract_strided_slice %dot_general3A_2110 {offsets = [512, 0], sizes = [128, 128], strides = [1, 1]} : vector<1024x2048xf32> to vector<128x128xf32>
    %sub3A_2629 = vector.broadcast %slice3A_2627 : vector<128x1xf32> to vector<128x128xf32>
    %sub3A_2630 = arith.subf %sub3A_2629, %slice3A_2628 : vector<128x128xf32>
    %lt3A_2631 = arith.cmpf olt, %sub3A_2630, %select_n3A_1715 : vector<128x128xf32>
    %select_n3A_2632 = arith.select %lt3A_2631, %sub3A_2630, %select_n3A_1715 : vector<128x128xi1>, vector<128x128xf32>
    %jit3A_2633 = arith.constant 32 : i32
    %broadcast_in_dim3A_2634 = vector.broadcast %jit3A_2633 : i32 to vector<128x128xi32>
    %select_n3A_2635 = arith.select %lt3A_2631, %broadcast_in_dim3A_2634, %select_n3A_1718 : vector<128x128xi1>, vector<128x128xi32>
    %slice3A_2636 = vector.extract_strided_slice %dot_general3A_2110 {offsets = [512, 128], sizes = [128, 128], strides = [1, 1]} : vector<1024x2048xf32> to vector<128x128xf32>
    %sub3A_2637 = vector.broadcast %slice3A_2627 : vector<128x1xf32> to vector<128x128xf32>
    %sub3A_2638 = arith.subf %sub3A_2637, %slice3A_2636 : vector<128x128xf32>
    %lt3A_2639 = arith.cmpf olt, %sub3A_2638, %select_n3A_2632 : vector<128x128xf32>
    %select_n3A_2640 = arith.select %lt3A_2639, %sub3A_2638, %select_n3A_2632 : vector<128x128xi1>, vector<128x128xf32>
    %jit3A_2641 = arith.constant 33 : i32
    %broadcast_in_dim3A_2642 = vector.broadcast %jit3A_2641 : i32 to vector<128x128xi32>
    %select_n3A_2643 = arith.select %lt3A_2639, %broadcast_in_dim3A_2642, %select_n3A_2635 : vector<128x128xi1>, vector<128x128xi32>
    %slice3A_2644 = vector.extract_strided_slice %dot_general3A_2110 {offsets = [512, 256], sizes = [128, 128], strides = [1, 1]} : vector<1024x2048xf32> to vector<128x128xf32>
    %sub3A_2645 = vector.broadcast %slice3A_2627 : vector<128x1xf32> to vector<128x128xf32>
    %sub3A_2646 = arith.subf %sub3A_2645, %slice3A_2644 : vector<128x128xf32>
    %lt3A_2647 = arith.cmpf olt, %sub3A_2646, %select_n3A_2640 : vector<128x128xf32>
    %select_n3A_2648 = arith.select %lt3A_2647, %sub3A_2646, %select_n3A_2640 : vector<128x128xi1>, vector<128x128xf32>
    %jit3A_2649 = arith.constant 34 : i32
    %broadcast_in_dim3A_2650 = vector.broadcast %jit3A_2649 : i32 to vector<128x128xi32>
    %select_n3A_2651 = arith.select %lt3A_2647, %broadcast_in_dim3A_2650, %select_n3A_2643 : vector<128x128xi1>, vector<128x128xi32>
    %slice3A_2652 = vector.extract_strided_slice %dot_general3A_2110 {offsets = [512, 384], sizes = [128, 128], strides = [1, 1]} : vector<1024x2048xf32> to vector<128x128xf32>
    %sub3A_2653 = vector.broadcast %slice3A_2627 : vector<128x1xf32> to vector<128x128xf32>
    %sub3A_2654 = arith.subf %sub3A_2653, %slice3A_2652 : vector<128x128xf32>
    %lt3A_2655 = arith.cmpf olt, %sub3A_2654, %select_n3A_2648 : vector<128x128xf32>
    %select_n3A_2656 = arith.select %lt3A_2655, %sub3A_2654, %select_n3A_2648 : vector<128x128xi1>, vector<128x128xf32>
    %jit3A_2657 = arith.constant 35 : i32
    %broadcast_in_dim3A_2658 = vector.broadcast %jit3A_2657 : i32 to vector<128x128xi32>
    %select_n3A_2659 = arith.select %lt3A_2655, %broadcast_in_dim3A_2658, %select_n3A_2651 : vector<128x128xi1>, vector<128x128xi32>
    %slice3A_2660 = vector.extract_strided_slice %dot_general3A_2110 {offsets = [512, 512], sizes = [128, 128], strides = [1, 1]} : vector<1024x2048xf32> to vector<128x128xf32>
    %sub3A_2661 = vector.broadcast %slice3A_2627 : vector<128x1xf32> to vector<128x128xf32>
    %sub3A_2662 = arith.subf %sub3A_2661, %slice3A_2660 : vector<128x128xf32>
    %lt3A_2663 = arith.cmpf olt, %sub3A_2662, %select_n3A_2656 : vector<128x128xf32>
    %select_n3A_2664 = arith.select %lt3A_2663, %sub3A_2662, %select_n3A_2656 : vector<128x128xi1>, vector<128x128xf32>
    %jit3A_2665 = arith.constant 36 : i32
    %broadcast_in_dim3A_2666 = vector.broadcast %jit3A_2665 : i32 to vector<128x128xi32>
    %select_n3A_2667 = arith.select %lt3A_2663, %broadcast_in_dim3A_2666, %select_n3A_2659 : vector<128x128xi1>, vector<128x128xi32>
    %slice3A_2668 = vector.extract_strided_slice %dot_general3A_2110 {offsets = [512, 640], sizes = [128, 128], strides = [1, 1]} : vector<1024x2048xf32> to vector<128x128xf32>
    %sub3A_2669 = vector.broadcast %slice3A_2627 : vector<128x1xf32> to vector<128x128xf32>
    %sub3A_2670 = arith.subf %sub3A_2669, %slice3A_2668 : vector<128x128xf32>
    %lt3A_2671 = arith.cmpf olt, %sub3A_2670, %select_n3A_2664 : vector<128x128xf32>
    %select_n3A_2672 = arith.select %lt3A_2671, %sub3A_2670, %select_n3A_2664 : vector<128x128xi1>, vector<128x128xf32>
    %jit3A_2673 = arith.constant 37 : i32
    %broadcast_in_dim3A_2674 = vector.broadcast %jit3A_2673 : i32 to vector<128x128xi32>
    %select_n3A_2675 = arith.select %lt3A_2671, %broadcast_in_dim3A_2674, %select_n3A_2667 : vector<128x128xi1>, vector<128x128xi32>
    %slice3A_2676 = vector.extract_strided_slice %dot_general3A_2110 {offsets = [512, 768], sizes = [128, 128], strides = [1, 1]} : vector<1024x2048xf32> to vector<128x128xf32>
    %sub3A_2677 = vector.broadcast %slice3A_2627 : vector<128x1xf32> to vector<128x128xf32>
    %sub3A_2678 = arith.subf %sub3A_2677, %slice3A_2676 : vector<128x128xf32>
    %lt3A_2679 = arith.cmpf olt, %sub3A_2678, %select_n3A_2672 : vector<128x128xf32>
    %select_n3A_2680 = arith.select %lt3A_2679, %sub3A_2678, %select_n3A_2672 : vector<128x128xi1>, vector<128x128xf32>
    %jit3A_2681 = arith.constant 38 : i32
    %broadcast_in_dim3A_2682 = vector.broadcast %jit3A_2681 : i32 to vector<128x128xi32>
    %select_n3A_2683 = arith.select %lt3A_2679, %broadcast_in_dim3A_2682, %select_n3A_2675 : vector<128x128xi1>, vector<128x128xi32>
    %slice3A_2684 = vector.extract_strided_slice %dot_general3A_2110 {offsets = [512, 896], sizes = [128, 128], strides = [1, 1]} : vector<1024x2048xf32> to vector<128x128xf32>
    %sub3A_2685 = vector.broadcast %slice3A_2627 : vector<128x1xf32> to vector<128x128xf32>
    %sub3A_2686 = arith.subf %sub3A_2685, %slice3A_2684 : vector<128x128xf32>
    %lt3A_2687 = arith.cmpf olt, %sub3A_2686, %select_n3A_2680 : vector<128x128xf32>
    %select_n3A_2688 = arith.select %lt3A_2687, %sub3A_2686, %select_n3A_2680 : vector<128x128xi1>, vector<128x128xf32>
    %jit3A_2689 = arith.constant 39 : i32
    %broadcast_in_dim3A_2690 = vector.broadcast %jit3A_2689 : i32 to vector<128x128xi32>
    %select_n3A_2691 = arith.select %lt3A_2687, %broadcast_in_dim3A_2690, %select_n3A_2683 : vector<128x128xi1>, vector<128x128xi32>
    %slice3A_2692 = vector.extract_strided_slice %dot_general3A_2110 {offsets = [512, 1024], sizes = [128, 128], strides = [1, 1]} : vector<1024x2048xf32> to vector<128x128xf32>
    %sub3A_2693 = vector.broadcast %slice3A_2627 : vector<128x1xf32> to vector<128x128xf32>
    %sub3A_2694 = arith.subf %sub3A_2693, %slice3A_2692 : vector<128x128xf32>
    %lt3A_2695 = arith.cmpf olt, %sub3A_2694, %select_n3A_2688 : vector<128x128xf32>
    %select_n3A_2696 = arith.select %lt3A_2695, %sub3A_2694, %select_n3A_2688 : vector<128x128xi1>, vector<128x128xf32>
    %jit3A_2697 = arith.constant 40 : i32
    %broadcast_in_dim3A_2698 = vector.broadcast %jit3A_2697 : i32 to vector<128x128xi32>
    %select_n3A_2699 = arith.select %lt3A_2695, %broadcast_in_dim3A_2698, %select_n3A_2691 : vector<128x128xi1>, vector<128x128xi32>
    %slice3A_2700 = vector.extract_strided_slice %dot_general3A_2110 {offsets = [512, 1152], sizes = [128, 128], strides = [1, 1]} : vector<1024x2048xf32> to vector<128x128xf32>
    %sub3A_2701 = vector.broadcast %slice3A_2627 : vector<128x1xf32> to vector<128x128xf32>
    %sub3A_2702 = arith.subf %sub3A_2701, %slice3A_2700 : vector<128x128xf32>
    %lt3A_2703 = arith.cmpf olt, %sub3A_2702, %select_n3A_2696 : vector<128x128xf32>
    %select_n3A_2704 = arith.select %lt3A_2703, %sub3A_2702, %select_n3A_2696 : vector<128x128xi1>, vector<128x128xf32>
    %jit3A_2705 = arith.constant 41 : i32
    %broadcast_in_dim3A_2706 = vector.broadcast %jit3A_2705 : i32 to vector<128x128xi32>
    %select_n3A_2707 = arith.select %lt3A_2703, %broadcast_in_dim3A_2706, %select_n3A_2699 : vector<128x128xi1>, vector<128x128xi32>
    %slice3A_2708 = vector.extract_strided_slice %dot_general3A_2110 {offsets = [512, 1280], sizes = [128, 128], strides = [1, 1]} : vector<1024x2048xf32> to vector<128x128xf32>
    %sub3A_2709 = vector.broadcast %slice3A_2627 : vector<128x1xf32> to vector<128x128xf32>
    %sub3A_2710 = arith.subf %sub3A_2709, %slice3A_2708 : vector<128x128xf32>
    %lt3A_2711 = arith.cmpf olt, %sub3A_2710, %select_n3A_2704 : vector<128x128xf32>
    %select_n3A_2712 = arith.select %lt3A_2711, %sub3A_2710, %select_n3A_2704 : vector<128x128xi1>, vector<128x128xf32>
    %jit3A_2713 = arith.constant 42 : i32
    %broadcast_in_dim3A_2714 = vector.broadcast %jit3A_2713 : i32 to vector<128x128xi32>
    %select_n3A_2715 = arith.select %lt3A_2711, %broadcast_in_dim3A_2714, %select_n3A_2707 : vector<128x128xi1>, vector<128x128xi32>
    %slice3A_2716 = vector.extract_strided_slice %dot_general3A_2110 {offsets = [512, 1408], sizes = [128, 128], strides = [1, 1]} : vector<1024x2048xf32> to vector<128x128xf32>
    %sub3A_2717 = vector.broadcast %slice3A_2627 : vector<128x1xf32> to vector<128x128xf32>
    %sub3A_2718 = arith.subf %sub3A_2717, %slice3A_2716 : vector<128x128xf32>
    %lt3A_2719 = arith.cmpf olt, %sub3A_2718, %select_n3A_2712 : vector<128x128xf32>
    %select_n3A_2720 = arith.select %lt3A_2719, %sub3A_2718, %select_n3A_2712 : vector<128x128xi1>, vector<128x128xf32>
    %jit3A_2721 = arith.constant 43 : i32
    %broadcast_in_dim3A_2722 = vector.broadcast %jit3A_2721 : i32 to vector<128x128xi32>
    %select_n3A_2723 = arith.select %lt3A_2719, %broadcast_in_dim3A_2722, %select_n3A_2715 : vector<128x128xi1>, vector<128x128xi32>
    %slice3A_2724 = vector.extract_strided_slice %dot_general3A_2110 {offsets = [512, 1536], sizes = [128, 128], strides = [1, 1]} : vector<1024x2048xf32> to vector<128x128xf32>
    %sub3A_2725 = vector.broadcast %slice3A_2627 : vector<128x1xf32> to vector<128x128xf32>
    %sub3A_2726 = arith.subf %sub3A_2725, %slice3A_2724 : vector<128x128xf32>
    %lt3A_2727 = arith.cmpf olt, %sub3A_2726, %select_n3A_2720 : vector<128x128xf32>
    %select_n3A_2728 = arith.select %lt3A_2727, %sub3A_2726, %select_n3A_2720 : vector<128x128xi1>, vector<128x128xf32>
    %jit3A_2729 = arith.constant 44 : i32
    %broadcast_in_dim3A_2730 = vector.broadcast %jit3A_2729 : i32 to vector<128x128xi32>
    %select_n3A_2731 = arith.select %lt3A_2727, %broadcast_in_dim3A_2730, %select_n3A_2723 : vector<128x128xi1>, vector<128x128xi32>
    %slice3A_2732 = vector.extract_strided_slice %dot_general3A_2110 {offsets = [512, 1664], sizes = [128, 128], strides = [1, 1]} : vector<1024x2048xf32> to vector<128x128xf32>
    %sub3A_2733 = vector.broadcast %slice3A_2627 : vector<128x1xf32> to vector<128x128xf32>
    %sub3A_2734 = arith.subf %sub3A_2733, %slice3A_2732 : vector<128x128xf32>
    %lt3A_2735 = arith.cmpf olt, %sub3A_2734, %select_n3A_2728 : vector<128x128xf32>
    %select_n3A_2736 = arith.select %lt3A_2735, %sub3A_2734, %select_n3A_2728 : vector<128x128xi1>, vector<128x128xf32>
    %jit3A_2737 = arith.constant 45 : i32
    %broadcast_in_dim3A_2738 = vector.broadcast %jit3A_2737 : i32 to vector<128x128xi32>
    %select_n3A_2739 = arith.select %lt3A_2735, %broadcast_in_dim3A_2738, %select_n3A_2731 : vector<128x128xi1>, vector<128x128xi32>
    %slice3A_2740 = vector.extract_strided_slice %dot_general3A_2110 {offsets = [512, 1792], sizes = [128, 128], strides = [1, 1]} : vector<1024x2048xf32> to vector<128x128xf32>
    %sub3A_2741 = vector.broadcast %slice3A_2627 : vector<128x1xf32> to vector<128x128xf32>
    %sub3A_2742 = arith.subf %sub3A_2741, %slice3A_2740 : vector<128x128xf32>
    %lt3A_2743 = arith.cmpf olt, %sub3A_2742, %select_n3A_2736 : vector<128x128xf32>
    %select_n3A_2744 = arith.select %lt3A_2743, %sub3A_2742, %select_n3A_2736 : vector<128x128xi1>, vector<128x128xf32>
    %jit3A_2745 = arith.constant 46 : i32
    %broadcast_in_dim3A_2746 = vector.broadcast %jit3A_2745 : i32 to vector<128x128xi32>
    %select_n3A_2747 = arith.select %lt3A_2743, %broadcast_in_dim3A_2746, %select_n3A_2739 : vector<128x128xi1>, vector<128x128xi32>
    %slice3A_2748 = vector.extract_strided_slice %dot_general3A_2110 {offsets = [512, 1920], sizes = [128, 128], strides = [1, 1]} : vector<1024x2048xf32> to vector<128x128xf32>
    %sub3A_2749 = vector.broadcast %slice3A_2627 : vector<128x1xf32> to vector<128x128xf32>
    %sub3A_2750 = arith.subf %sub3A_2749, %slice3A_2748 : vector<128x128xf32>
    %lt3A_2751 = arith.cmpf olt, %sub3A_2750, %select_n3A_2744 : vector<128x128xf32>
    %select_n3A_2752 = arith.select %lt3A_2751, %sub3A_2750, %select_n3A_2744 : vector<128x128xi1>, vector<128x128xf32>
    %jit3A_2753 = arith.constant 47 : i32
    %broadcast_in_dim3A_2754 = vector.broadcast %jit3A_2753 : i32 to vector<128x128xi32>
    %select_n3A_2755 = arith.select %lt3A_2751, %broadcast_in_dim3A_2754, %select_n3A_2747 : vector<128x128xi1>, vector<128x128xi32>
    %slice3A_2756 = vector.extract_strided_slice %broadcast_in_dim3A {offsets = [640, 0], sizes = [128, 1], strides = [1, 1]} : vector<1024x1xf32> to vector<128x1xf32>
    %slice3A_2757 = vector.extract_strided_slice %dot_general3A_2110 {offsets = [640, 0], sizes = [128, 128], strides = [1, 1]} : vector<1024x2048xf32> to vector<128x128xf32>
    %sub3A_2758 = vector.broadcast %slice3A_2756 : vector<128x1xf32> to vector<128x128xf32>
    %sub3A_2759 = arith.subf %sub3A_2758, %slice3A_2757 : vector<128x128xf32>
    %lt3A_2760 = arith.cmpf olt, %sub3A_2759, %select_n3A_1844 : vector<128x128xf32>
    %select_n3A_2761 = arith.select %lt3A_2760, %sub3A_2759, %select_n3A_1844 : vector<128x128xi1>, vector<128x128xf32>
    %jit3A_2762 = arith.constant 32 : i32
    %broadcast_in_dim3A_2763 = vector.broadcast %jit3A_2762 : i32 to vector<128x128xi32>
    %select_n3A_2764 = arith.select %lt3A_2760, %broadcast_in_dim3A_2763, %select_n3A_1847 : vector<128x128xi1>, vector<128x128xi32>
    %slice3A_2765 = vector.extract_strided_slice %dot_general3A_2110 {offsets = [640, 128], sizes = [128, 128], strides = [1, 1]} : vector<1024x2048xf32> to vector<128x128xf32>
    %sub3A_2766 = vector.broadcast %slice3A_2756 : vector<128x1xf32> to vector<128x128xf32>
    %sub3A_2767 = arith.subf %sub3A_2766, %slice3A_2765 : vector<128x128xf32>
    %lt3A_2768 = arith.cmpf olt, %sub3A_2767, %select_n3A_2761 : vector<128x128xf32>
    %select_n3A_2769 = arith.select %lt3A_2768, %sub3A_2767, %select_n3A_2761 : vector<128x128xi1>, vector<128x128xf32>
    %jit3A_2770 = arith.constant 33 : i32
    %broadcast_in_dim3A_2771 = vector.broadcast %jit3A_2770 : i32 to vector<128x128xi32>
    %select_n3A_2772 = arith.select %lt3A_2768, %broadcast_in_dim3A_2771, %select_n3A_2764 : vector<128x128xi1>, vector<128x128xi32>
    %slice3A_2773 = vector.extract_strided_slice %dot_general3A_2110 {offsets = [640, 256], sizes = [128, 128], strides = [1, 1]} : vector<1024x2048xf32> to vector<128x128xf32>
    %sub3A_2774 = vector.broadcast %slice3A_2756 : vector<128x1xf32> to vector<128x128xf32>
    %sub3A_2775 = arith.subf %sub3A_2774, %slice3A_2773 : vector<128x128xf32>
    %lt3A_2776 = arith.cmpf olt, %sub3A_2775, %select_n3A_2769 : vector<128x128xf32>
    %select_n3A_2777 = arith.select %lt3A_2776, %sub3A_2775, %select_n3A_2769 : vector<128x128xi1>, vector<128x128xf32>
    %jit3A_2778 = arith.constant 34 : i32
    %broadcast_in_dim3A_2779 = vector.broadcast %jit3A_2778 : i32 to vector<128x128xi32>
    %select_n3A_2780 = arith.select %lt3A_2776, %broadcast_in_dim3A_2779, %select_n3A_2772 : vector<128x128xi1>, vector<128x128xi32>
    %slice3A_2781 = vector.extract_strided_slice %dot_general3A_2110 {offsets = [640, 384], sizes = [128, 128], strides = [1, 1]} : vector<1024x2048xf32> to vector<128x128xf32>
    %sub3A_2782 = vector.broadcast %slice3A_2756 : vector<128x1xf32> to vector<128x128xf32>
    %sub3A_2783 = arith.subf %sub3A_2782, %slice3A_2781 : vector<128x128xf32>
    %lt3A_2784 = arith.cmpf olt, %sub3A_2783, %select_n3A_2777 : vector<128x128xf32>
    %select_n3A_2785 = arith.select %lt3A_2784, %sub3A_2783, %select_n3A_2777 : vector<128x128xi1>, vector<128x128xf32>
    %jit3A_2786 = arith.constant 35 : i32
    %broadcast_in_dim3A_2787 = vector.broadcast %jit3A_2786 : i32 to vector<128x128xi32>
    %select_n3A_2788 = arith.select %lt3A_2784, %broadcast_in_dim3A_2787, %select_n3A_2780 : vector<128x128xi1>, vector<128x128xi32>
    %slice3A_2789 = vector.extract_strided_slice %dot_general3A_2110 {offsets = [640, 512], sizes = [128, 128], strides = [1, 1]} : vector<1024x2048xf32> to vector<128x128xf32>
    %sub3A_2790 = vector.broadcast %slice3A_2756 : vector<128x1xf32> to vector<128x128xf32>
    %sub3A_2791 = arith.subf %sub3A_2790, %slice3A_2789 : vector<128x128xf32>
    %lt3A_2792 = arith.cmpf olt, %sub3A_2791, %select_n3A_2785 : vector<128x128xf32>
    %select_n3A_2793 = arith.select %lt3A_2792, %sub3A_2791, %select_n3A_2785 : vector<128x128xi1>, vector<128x128xf32>
    %jit3A_2794 = arith.constant 36 : i32
    %broadcast_in_dim3A_2795 = vector.broadcast %jit3A_2794 : i32 to vector<128x128xi32>
    %select_n3A_2796 = arith.select %lt3A_2792, %broadcast_in_dim3A_2795, %select_n3A_2788 : vector<128x128xi1>, vector<128x128xi32>
    %slice3A_2797 = vector.extract_strided_slice %dot_general3A_2110 {offsets = [640, 640], sizes = [128, 128], strides = [1, 1]} : vector<1024x2048xf32> to vector<128x128xf32>
    %sub3A_2798 = vector.broadcast %slice3A_2756 : vector<128x1xf32> to vector<128x128xf32>
    %sub3A_2799 = arith.subf %sub3A_2798, %slice3A_2797 : vector<128x128xf32>
    %lt3A_2800 = arith.cmpf olt, %sub3A_2799, %select_n3A_2793 : vector<128x128xf32>
    %select_n3A_2801 = arith.select %lt3A_2800, %sub3A_2799, %select_n3A_2793 : vector<128x128xi1>, vector<128x128xf32>
    %jit3A_2802 = arith.constant 37 : i32
    %broadcast_in_dim3A_2803 = vector.broadcast %jit3A_2802 : i32 to vector<128x128xi32>
    %select_n3A_2804 = arith.select %lt3A_2800, %broadcast_in_dim3A_2803, %select_n3A_2796 : vector<128x128xi1>, vector<128x128xi32>
    %slice3A_2805 = vector.extract_strided_slice %dot_general3A_2110 {offsets = [640, 768], sizes = [128, 128], strides = [1, 1]} : vector<1024x2048xf32> to vector<128x128xf32>
    %sub3A_2806 = vector.broadcast %slice3A_2756 : vector<128x1xf32> to vector<128x128xf32>
    %sub3A_2807 = arith.subf %sub3A_2806, %slice3A_2805 : vector<128x128xf32>
    %lt3A_2808 = arith.cmpf olt, %sub3A_2807, %select_n3A_2801 : vector<128x128xf32>
    %select_n3A_2809 = arith.select %lt3A_2808, %sub3A_2807, %select_n3A_2801 : vector<128x128xi1>, vector<128x128xf32>
    %jit3A_2810 = arith.constant 38 : i32
    %broadcast_in_dim3A_2811 = vector.broadcast %jit3A_2810 : i32 to vector<128x128xi32>
    %select_n3A_2812 = arith.select %lt3A_2808, %broadcast_in_dim3A_2811, %select_n3A_2804 : vector<128x128xi1>, vector<128x128xi32>
    %slice3A_2813 = vector.extract_strided_slice %dot_general3A_2110 {offsets = [640, 896], sizes = [128, 128], strides = [1, 1]} : vector<1024x2048xf32> to vector<128x128xf32>
    %sub3A_2814 = vector.broadcast %slice3A_2756 : vector<128x1xf32> to vector<128x128xf32>
    %sub3A_2815 = arith.subf %sub3A_2814, %slice3A_2813 : vector<128x128xf32>
    %lt3A_2816 = arith.cmpf olt, %sub3A_2815, %select_n3A_2809 : vector<128x128xf32>
    %select_n3A_2817 = arith.select %lt3A_2816, %sub3A_2815, %select_n3A_2809 : vector<128x128xi1>, vector<128x128xf32>
    %jit3A_2818 = arith.constant 39 : i32
    %broadcast_in_dim3A_2819 = vector.broadcast %jit3A_2818 : i32 to vector<128x128xi32>
    %select_n3A_2820 = arith.select %lt3A_2816, %broadcast_in_dim3A_2819, %select_n3A_2812 : vector<128x128xi1>, vector<128x128xi32>
    %slice3A_2821 = vector.extract_strided_slice %dot_general3A_2110 {offsets = [640, 1024], sizes = [128, 128], strides = [1, 1]} : vector<1024x2048xf32> to vector<128x128xf32>
    %sub3A_2822 = vector.broadcast %slice3A_2756 : vector<128x1xf32> to vector<128x128xf32>
    %sub3A_2823 = arith.subf %sub3A_2822, %slice3A_2821 : vector<128x128xf32>
    %lt3A_2824 = arith.cmpf olt, %sub3A_2823, %select_n3A_2817 : vector<128x128xf32>
    %select_n3A_2825 = arith.select %lt3A_2824, %sub3A_2823, %select_n3A_2817 : vector<128x128xi1>, vector<128x128xf32>
    %jit3A_2826 = arith.constant 40 : i32
    %broadcast_in_dim3A_2827 = vector.broadcast %jit3A_2826 : i32 to vector<128x128xi32>
    %select_n3A_2828 = arith.select %lt3A_2824, %broadcast_in_dim3A_2827, %select_n3A_2820 : vector<128x128xi1>, vector<128x128xi32>
    %slice3A_2829 = vector.extract_strided_slice %dot_general3A_2110 {offsets = [640, 1152], sizes = [128, 128], strides = [1, 1]} : vector<1024x2048xf32> to vector<128x128xf32>
    %sub3A_2830 = vector.broadcast %slice3A_2756 : vector<128x1xf32> to vector<128x128xf32>
    %sub3A_2831 = arith.subf %sub3A_2830, %slice3A_2829 : vector<128x128xf32>
    %lt3A_2832 = arith.cmpf olt, %sub3A_2831, %select_n3A_2825 : vector<128x128xf32>
    %select_n3A_2833 = arith.select %lt3A_2832, %sub3A_2831, %select_n3A_2825 : vector<128x128xi1>, vector<128x128xf32>
    %jit3A_2834 = arith.constant 41 : i32
    %broadcast_in_dim3A_2835 = vector.broadcast %jit3A_2834 : i32 to vector<128x128xi32>
    %select_n3A_2836 = arith.select %lt3A_2832, %broadcast_in_dim3A_2835, %select_n3A_2828 : vector<128x128xi1>, vector<128x128xi32>
    %slice3A_2837 = vector.extract_strided_slice %dot_general3A_2110 {offsets = [640, 1280], sizes = [128, 128], strides = [1, 1]} : vector<1024x2048xf32> to vector<128x128xf32>
    %sub3A_2838 = vector.broadcast %slice3A_2756 : vector<128x1xf32> to vector<128x128xf32>
    %sub3A_2839 = arith.subf %sub3A_2838, %slice3A_2837 : vector<128x128xf32>
    %lt3A_2840 = arith.cmpf olt, %sub3A_2839, %select_n3A_2833 : vector<128x128xf32>
    %select_n3A_2841 = arith.select %lt3A_2840, %sub3A_2839, %select_n3A_2833 : vector<128x128xi1>, vector<128x128xf32>
    %jit3A_2842 = arith.constant 42 : i32
    %broadcast_in_dim3A_2843 = vector.broadcast %jit3A_2842 : i32 to vector<128x128xi32>
    %select_n3A_2844 = arith.select %lt3A_2840, %broadcast_in_dim3A_2843, %select_n3A_2836 : vector<128x128xi1>, vector<128x128xi32>
    %slice3A_2845 = vector.extract_strided_slice %dot_general3A_2110 {offsets = [640, 1408], sizes = [128, 128], strides = [1, 1]} : vector<1024x2048xf32> to vector<128x128xf32>
    %sub3A_2846 = vector.broadcast %slice3A_2756 : vector<128x1xf32> to vector<128x128xf32>
    %sub3A_2847 = arith.subf %sub3A_2846, %slice3A_2845 : vector<128x128xf32>
    %lt3A_2848 = arith.cmpf olt, %sub3A_2847, %select_n3A_2841 : vector<128x128xf32>
    %select_n3A_2849 = arith.select %lt3A_2848, %sub3A_2847, %select_n3A_2841 : vector<128x128xi1>, vector<128x128xf32>
    %jit3A_2850 = arith.constant 43 : i32
    %broadcast_in_dim3A_2851 = vector.broadcast %jit3A_2850 : i32 to vector<128x128xi32>
    %select_n3A_2852 = arith.select %lt3A_2848, %broadcast_in_dim3A_2851, %select_n3A_2844 : vector<128x128xi1>, vector<128x128xi32>
    %slice3A_2853 = vector.extract_strided_slice %dot_general3A_2110 {offsets = [640, 1536], sizes = [128, 128], strides = [1, 1]} : vector<1024x2048xf32> to vector<128x128xf32>
    %sub3A_2854 = vector.broadcast %slice3A_2756 : vector<128x1xf32> to vector<128x128xf32>
    %sub3A_2855 = arith.subf %sub3A_2854, %slice3A_2853 : vector<128x128xf32>
    %lt3A_2856 = arith.cmpf olt, %sub3A_2855, %select_n3A_2849 : vector<128x128xf32>
    %select_n3A_2857 = arith.select %lt3A_2856, %sub3A_2855, %select_n3A_2849 : vector<128x128xi1>, vector<128x128xf32>
    %jit3A_2858 = arith.constant 44 : i32
    %broadcast_in_dim3A_2859 = vector.broadcast %jit3A_2858 : i32 to vector<128x128xi32>
    %select_n3A_2860 = arith.select %lt3A_2856, %broadcast_in_dim3A_2859, %select_n3A_2852 : vector<128x128xi1>, vector<128x128xi32>
    %slice3A_2861 = vector.extract_strided_slice %dot_general3A_2110 {offsets = [640, 1664], sizes = [128, 128], strides = [1, 1]} : vector<1024x2048xf32> to vector<128x128xf32>
    %sub3A_2862 = vector.broadcast %slice3A_2756 : vector<128x1xf32> to vector<128x128xf32>
    %sub3A_2863 = arith.subf %sub3A_2862, %slice3A_2861 : vector<128x128xf32>
    %lt3A_2864 = arith.cmpf olt, %sub3A_2863, %select_n3A_2857 : vector<128x128xf32>
    %select_n3A_2865 = arith.select %lt3A_2864, %sub3A_2863, %select_n3A_2857 : vector<128x128xi1>, vector<128x128xf32>
    %jit3A_2866 = arith.constant 45 : i32
    %broadcast_in_dim3A_2867 = vector.broadcast %jit3A_2866 : i32 to vector<128x128xi32>
    %select_n3A_2868 = arith.select %lt3A_2864, %broadcast_in_dim3A_2867, %select_n3A_2860 : vector<128x128xi1>, vector<128x128xi32>
    %slice3A_2869 = vector.extract_strided_slice %dot_general3A_2110 {offsets = [640, 1792], sizes = [128, 128], strides = [1, 1]} : vector<1024x2048xf32> to vector<128x128xf32>
    %sub3A_2870 = vector.broadcast %slice3A_2756 : vector<128x1xf32> to vector<128x128xf32>
    %sub3A_2871 = arith.subf %sub3A_2870, %slice3A_2869 : vector<128x128xf32>
    %lt3A_2872 = arith.cmpf olt, %sub3A_2871, %select_n3A_2865 : vector<128x128xf32>
    %select_n3A_2873 = arith.select %lt3A_2872, %sub3A_2871, %select_n3A_2865 : vector<128x128xi1>, vector<128x128xf32>
    %jit3A_2874 = arith.constant 46 : i32
    %broadcast_in_dim3A_2875 = vector.broadcast %jit3A_2874 : i32 to vector<128x128xi32>
    %select_n3A_2876 = arith.select %lt3A_2872, %broadcast_in_dim3A_2875, %select_n3A_2868 : vector<128x128xi1>, vector<128x128xi32>
    %slice3A_2877 = vector.extract_strided_slice %dot_general3A_2110 {offsets = [640, 1920], sizes = [128, 128], strides = [1, 1]} : vector<1024x2048xf32> to vector<128x128xf32>
    %sub3A_2878 = vector.broadcast %slice3A_2756 : vector<128x1xf32> to vector<128x128xf32>
    %sub3A_2879 = arith.subf %sub3A_2878, %slice3A_2877 : vector<128x128xf32>
    %lt3A_2880 = arith.cmpf olt, %sub3A_2879, %select_n3A_2873 : vector<128x128xf32>
    %select_n3A_2881 = arith.select %lt3A_2880, %sub3A_2879, %select_n3A_2873 : vector<128x128xi1>, vector<128x128xf32>
    %jit3A_2882 = arith.constant 47 : i32
    %broadcast_in_dim3A_2883 = vector.broadcast %jit3A_2882 : i32 to vector<128x128xi32>
    %select_n3A_2884 = arith.select %lt3A_2880, %broadcast_in_dim3A_2883, %select_n3A_2876 : vector<128x128xi1>, vector<128x128xi32>
    %slice3A_2885 = vector.extract_strided_slice %broadcast_in_dim3A {offsets = [768, 0], sizes = [128, 1], strides = [1, 1]} : vector<1024x1xf32> to vector<128x1xf32>
    %slice3A_2886 = vector.extract_strided_slice %dot_general3A_2110 {offsets = [768, 0], sizes = [128, 128], strides = [1, 1]} : vector<1024x2048xf32> to vector<128x128xf32>
    %sub3A_2887 = vector.broadcast %slice3A_2885 : vector<128x1xf32> to vector<128x128xf32>
    %sub3A_2888 = arith.subf %sub3A_2887, %slice3A_2886 : vector<128x128xf32>
    %lt3A_2889 = arith.cmpf olt, %sub3A_2888, %select_n3A_1973 : vector<128x128xf32>
    %select_n3A_2890 = arith.select %lt3A_2889, %sub3A_2888, %select_n3A_1973 : vector<128x128xi1>, vector<128x128xf32>
    %jit3A_2891 = arith.constant 32 : i32
    %broadcast_in_dim3A_2892 = vector.broadcast %jit3A_2891 : i32 to vector<128x128xi32>
    %select_n3A_2893 = arith.select %lt3A_2889, %broadcast_in_dim3A_2892, %select_n3A_1976 : vector<128x128xi1>, vector<128x128xi32>
    %slice3A_2894 = vector.extract_strided_slice %dot_general3A_2110 {offsets = [768, 128], sizes = [128, 128], strides = [1, 1]} : vector<1024x2048xf32> to vector<128x128xf32>
    %sub3A_2895 = vector.broadcast %slice3A_2885 : vector<128x1xf32> to vector<128x128xf32>
    %sub3A_2896 = arith.subf %sub3A_2895, %slice3A_2894 : vector<128x128xf32>
    %lt3A_2897 = arith.cmpf olt, %sub3A_2896, %select_n3A_2890 : vector<128x128xf32>
    %select_n3A_2898 = arith.select %lt3A_2897, %sub3A_2896, %select_n3A_2890 : vector<128x128xi1>, vector<128x128xf32>
    %jit3A_2899 = arith.constant 33 : i32
    %broadcast_in_dim3A_2900 = vector.broadcast %jit3A_2899 : i32 to vector<128x128xi32>
    %select_n3A_2901 = arith.select %lt3A_2897, %broadcast_in_dim3A_2900, %select_n3A_2893 : vector<128x128xi1>, vector<128x128xi32>
    %slice3A_2902 = vector.extract_strided_slice %dot_general3A_2110 {offsets = [768, 256], sizes = [128, 128], strides = [1, 1]} : vector<1024x2048xf32> to vector<128x128xf32>
    %sub3A_2903 = vector.broadcast %slice3A_2885 : vector<128x1xf32> to vector<128x128xf32>
    %sub3A_2904 = arith.subf %sub3A_2903, %slice3A_2902 : vector<128x128xf32>
    %lt3A_2905 = arith.cmpf olt, %sub3A_2904, %select_n3A_2898 : vector<128x128xf32>
    %select_n3A_2906 = arith.select %lt3A_2905, %sub3A_2904, %select_n3A_2898 : vector<128x128xi1>, vector<128x128xf32>
    %jit3A_2907 = arith.constant 34 : i32
    %broadcast_in_dim3A_2908 = vector.broadcast %jit3A_2907 : i32 to vector<128x128xi32>
    %select_n3A_2909 = arith.select %lt3A_2905, %broadcast_in_dim3A_2908, %select_n3A_2901 : vector<128x128xi1>, vector<128x128xi32>
    %slice3A_2910 = vector.extract_strided_slice %dot_general3A_2110 {offsets = [768, 384], sizes = [128, 128], strides = [1, 1]} : vector<1024x2048xf32> to vector<128x128xf32>
    %sub3A_2911 = vector.broadcast %slice3A_2885 : vector<128x1xf32> to vector<128x128xf32>
    %sub3A_2912 = arith.subf %sub3A_2911, %slice3A_2910 : vector<128x128xf32>
    %lt3A_2913 = arith.cmpf olt, %sub3A_2912, %select_n3A_2906 : vector<128x128xf32>
    %select_n3A_2914 = arith.select %lt3A_2913, %sub3A_2912, %select_n3A_2906 : vector<128x128xi1>, vector<128x128xf32>
    %jit3A_2915 = arith.constant 35 : i32
    %broadcast_in_dim3A_2916 = vector.broadcast %jit3A_2915 : i32 to vector<128x128xi32>
    %select_n3A_2917 = arith.select %lt3A_2913, %broadcast_in_dim3A_2916, %select_n3A_2909 : vector<128x128xi1>, vector<128x128xi32>
    %slice3A_2918 = vector.extract_strided_slice %dot_general3A_2110 {offsets = [768, 512], sizes = [128, 128], strides = [1, 1]} : vector<1024x2048xf32> to vector<128x128xf32>
    %sub3A_2919 = vector.broadcast %slice3A_2885 : vector<128x1xf32> to vector<128x128xf32>
    %sub3A_2920 = arith.subf %sub3A_2919, %slice3A_2918 : vector<128x128xf32>
    %lt3A_2921 = arith.cmpf olt, %sub3A_2920, %select_n3A_2914 : vector<128x128xf32>
    %select_n3A_2922 = arith.select %lt3A_2921, %sub3A_2920, %select_n3A_2914 : vector<128x128xi1>, vector<128x128xf32>
    %jit3A_2923 = arith.constant 36 : i32
    %broadcast_in_dim3A_2924 = vector.broadcast %jit3A_2923 : i32 to vector<128x128xi32>
    %select_n3A_2925 = arith.select %lt3A_2921, %broadcast_in_dim3A_2924, %select_n3A_2917 : vector<128x128xi1>, vector<128x128xi32>
    %slice3A_2926 = vector.extract_strided_slice %dot_general3A_2110 {offsets = [768, 640], sizes = [128, 128], strides = [1, 1]} : vector<1024x2048xf32> to vector<128x128xf32>
    %sub3A_2927 = vector.broadcast %slice3A_2885 : vector<128x1xf32> to vector<128x128xf32>
    %sub3A_2928 = arith.subf %sub3A_2927, %slice3A_2926 : vector<128x128xf32>
    %lt3A_2929 = arith.cmpf olt, %sub3A_2928, %select_n3A_2922 : vector<128x128xf32>
    %select_n3A_2930 = arith.select %lt3A_2929, %sub3A_2928, %select_n3A_2922 : vector<128x128xi1>, vector<128x128xf32>
    %jit3A_2931 = arith.constant 37 : i32
    %broadcast_in_dim3A_2932 = vector.broadcast %jit3A_2931 : i32 to vector<128x128xi32>
    %select_n3A_2933 = arith.select %lt3A_2929, %broadcast_in_dim3A_2932, %select_n3A_2925 : vector<128x128xi1>, vector<128x128xi32>
    %slice3A_2934 = vector.extract_strided_slice %dot_general3A_2110 {offsets = [768, 768], sizes = [128, 128], strides = [1, 1]} : vector<1024x2048xf32> to vector<128x128xf32>
    %sub3A_2935 = vector.broadcast %slice3A_2885 : vector<128x1xf32> to vector<128x128xf32>
    %sub3A_2936 = arith.subf %sub3A_2935, %slice3A_2934 : vector<128x128xf32>
    %lt3A_2937 = arith.cmpf olt, %sub3A_2936, %select_n3A_2930 : vector<128x128xf32>
    %select_n3A_2938 = arith.select %lt3A_2937, %sub3A_2936, %select_n3A_2930 : vector<128x128xi1>, vector<128x128xf32>
    %jit3A_2939 = arith.constant 38 : i32
    %broadcast_in_dim3A_2940 = vector.broadcast %jit3A_2939 : i32 to vector<128x128xi32>
    %select_n3A_2941 = arith.select %lt3A_2937, %broadcast_in_dim3A_2940, %select_n3A_2933 : vector<128x128xi1>, vector<128x128xi32>
    %slice3A_2942 = vector.extract_strided_slice %dot_general3A_2110 {offsets = [768, 896], sizes = [128, 128], strides = [1, 1]} : vector<1024x2048xf32> to vector<128x128xf32>
    %sub3A_2943 = vector.broadcast %slice3A_2885 : vector<128x1xf32> to vector<128x128xf32>
    %sub3A_2944 = arith.subf %sub3A_2943, %slice3A_2942 : vector<128x128xf32>
    %lt3A_2945 = arith.cmpf olt, %sub3A_2944, %select_n3A_2938 : vector<128x128xf32>
    %select_n3A_2946 = arith.select %lt3A_2945, %sub3A_2944, %select_n3A_2938 : vector<128x128xi1>, vector<128x128xf32>
    %jit3A_2947 = arith.constant 39 : i32
    %broadcast_in_dim3A_2948 = vector.broadcast %jit3A_2947 : i32 to vector<128x128xi32>
    %select_n3A_2949 = arith.select %lt3A_2945, %broadcast_in_dim3A_2948, %select_n3A_2941 : vector<128x128xi1>, vector<128x128xi32>
    %slice3A_2950 = vector.extract_strided_slice %dot_general3A_2110 {offsets = [768, 1024], sizes = [128, 128], strides = [1, 1]} : vector<1024x2048xf32> to vector<128x128xf32>
    %sub3A_2951 = vector.broadcast %slice3A_2885 : vector<128x1xf32> to vector<128x128xf32>
    %sub3A_2952 = arith.subf %sub3A_2951, %slice3A_2950 : vector<128x128xf32>
    %lt3A_2953 = arith.cmpf olt, %sub3A_2952, %select_n3A_2946 : vector<128x128xf32>
    %select_n3A_2954 = arith.select %lt3A_2953, %sub3A_2952, %select_n3A_2946 : vector<128x128xi1>, vector<128x128xf32>
    %jit3A_2955 = arith.constant 40 : i32
    %broadcast_in_dim3A_2956 = vector.broadcast %jit3A_2955 : i32 to vector<128x128xi32>
    %select_n3A_2957 = arith.select %lt3A_2953, %broadcast_in_dim3A_2956, %select_n3A_2949 : vector<128x128xi1>, vector<128x128xi32>
    %slice3A_2958 = vector.extract_strided_slice %dot_general3A_2110 {offsets = [768, 1152], sizes = [128, 128], strides = [1, 1]} : vector<1024x2048xf32> to vector<128x128xf32>
    %sub3A_2959 = vector.broadcast %slice3A_2885 : vector<128x1xf32> to vector<128x128xf32>
    %sub3A_2960 = arith.subf %sub3A_2959, %slice3A_2958 : vector<128x128xf32>
    %lt3A_2961 = arith.cmpf olt, %sub3A_2960, %select_n3A_2954 : vector<128x128xf32>
    %select_n3A_2962 = arith.select %lt3A_2961, %sub3A_2960, %select_n3A_2954 : vector<128x128xi1>, vector<128x128xf32>
    %jit3A_2963 = arith.constant 41 : i32
    %broadcast_in_dim3A_2964 = vector.broadcast %jit3A_2963 : i32 to vector<128x128xi32>
    %select_n3A_2965 = arith.select %lt3A_2961, %broadcast_in_dim3A_2964, %select_n3A_2957 : vector<128x128xi1>, vector<128x128xi32>
    %slice3A_2966 = vector.extract_strided_slice %dot_general3A_2110 {offsets = [768, 1280], sizes = [128, 128], strides = [1, 1]} : vector<1024x2048xf32> to vector<128x128xf32>
    %sub3A_2967 = vector.broadcast %slice3A_2885 : vector<128x1xf32> to vector<128x128xf32>
    %sub3A_2968 = arith.subf %sub3A_2967, %slice3A_2966 : vector<128x128xf32>
    %lt3A_2969 = arith.cmpf olt, %sub3A_2968, %select_n3A_2962 : vector<128x128xf32>
    %select_n3A_2970 = arith.select %lt3A_2969, %sub3A_2968, %select_n3A_2962 : vector<128x128xi1>, vector<128x128xf32>
    %jit3A_2971 = arith.constant 42 : i32
    %broadcast_in_dim3A_2972 = vector.broadcast %jit3A_2971 : i32 to vector<128x128xi32>
    %select_n3A_2973 = arith.select %lt3A_2969, %broadcast_in_dim3A_2972, %select_n3A_2965 : vector<128x128xi1>, vector<128x128xi32>
    %slice3A_2974 = vector.extract_strided_slice %dot_general3A_2110 {offsets = [768, 1408], sizes = [128, 128], strides = [1, 1]} : vector<1024x2048xf32> to vector<128x128xf32>
    %sub3A_2975 = vector.broadcast %slice3A_2885 : vector<128x1xf32> to vector<128x128xf32>
    %sub3A_2976 = arith.subf %sub3A_2975, %slice3A_2974 : vector<128x128xf32>
    %lt3A_2977 = arith.cmpf olt, %sub3A_2976, %select_n3A_2970 : vector<128x128xf32>
    %select_n3A_2978 = arith.select %lt3A_2977, %sub3A_2976, %select_n3A_2970 : vector<128x128xi1>, vector<128x128xf32>
    %jit3A_2979 = arith.constant 43 : i32
    %broadcast_in_dim3A_2980 = vector.broadcast %jit3A_2979 : i32 to vector<128x128xi32>
    %select_n3A_2981 = arith.select %lt3A_2977, %broadcast_in_dim3A_2980, %select_n3A_2973 : vector<128x128xi1>, vector<128x128xi32>
    %slice3A_2982 = vector.extract_strided_slice %dot_general3A_2110 {offsets = [768, 1536], sizes = [128, 128], strides = [1, 1]} : vector<1024x2048xf32> to vector<128x128xf32>
    %sub3A_2983 = vector.broadcast %slice3A_2885 : vector<128x1xf32> to vector<128x128xf32>
    %sub3A_2984 = arith.subf %sub3A_2983, %slice3A_2982 : vector<128x128xf32>
    %lt3A_2985 = arith.cmpf olt, %sub3A_2984, %select_n3A_2978 : vector<128x128xf32>
    %select_n3A_2986 = arith.select %lt3A_2985, %sub3A_2984, %select_n3A_2978 : vector<128x128xi1>, vector<128x128xf32>
    %jit3A_2987 = arith.constant 44 : i32
    %broadcast_in_dim3A_2988 = vector.broadcast %jit3A_2987 : i32 to vector<128x128xi32>
    %select_n3A_2989 = arith.select %lt3A_2985, %broadcast_in_dim3A_2988, %select_n3A_2981 : vector<128x128xi1>, vector<128x128xi32>
    %slice3A_2990 = vector.extract_strided_slice %dot_general3A_2110 {offsets = [768, 1664], sizes = [128, 128], strides = [1, 1]} : vector<1024x2048xf32> to vector<128x128xf32>
    %sub3A_2991 = vector.broadcast %slice3A_2885 : vector<128x1xf32> to vector<128x128xf32>
    %sub3A_2992 = arith.subf %sub3A_2991, %slice3A_2990 : vector<128x128xf32>
    %lt3A_2993 = arith.cmpf olt, %sub3A_2992, %select_n3A_2986 : vector<128x128xf32>
    %select_n3A_2994 = arith.select %lt3A_2993, %sub3A_2992, %select_n3A_2986 : vector<128x128xi1>, vector<128x128xf32>
    %jit3A_2995 = arith.constant 45 : i32
    %broadcast_in_dim3A_2996 = vector.broadcast %jit3A_2995 : i32 to vector<128x128xi32>
    %select_n3A_2997 = arith.select %lt3A_2993, %broadcast_in_dim3A_2996, %select_n3A_2989 : vector<128x128xi1>, vector<128x128xi32>
    %slice3A_2998 = vector.extract_strided_slice %dot_general3A_2110 {offsets = [768, 1792], sizes = [128, 128], strides = [1, 1]} : vector<1024x2048xf32> to vector<128x128xf32>
    %sub3A_2999 = vector.broadcast %slice3A_2885 : vector<128x1xf32> to vector<128x128xf32>
    %sub3A_3000 = arith.subf %sub3A_2999, %slice3A_2998 : vector<128x128xf32>
    %lt3A_3001 = arith.cmpf olt, %sub3A_3000, %select_n3A_2994 : vector<128x128xf32>
    %select_n3A_3002 = arith.select %lt3A_3001, %sub3A_3000, %select_n3A_2994 : vector<128x128xi1>, vector<128x128xf32>
    %jit3A_3003 = arith.constant 46 : i32
    %broadcast_in_dim3A_3004 = vector.broadcast %jit3A_3003 : i32 to vector<128x128xi32>
    %select_n3A_3005 = arith.select %lt3A_3001, %broadcast_in_dim3A_3004, %select_n3A_2997 : vector<128x128xi1>, vector<128x128xi32>
    %slice3A_3006 = vector.extract_strided_slice %dot_general3A_2110 {offsets = [768, 1920], sizes = [128, 128], strides = [1, 1]} : vector<1024x2048xf32> to vector<128x128xf32>
    %sub3A_3007 = vector.broadcast %slice3A_2885 : vector<128x1xf32> to vector<128x128xf32>
    %sub3A_3008 = arith.subf %sub3A_3007, %slice3A_3006 : vector<128x128xf32>
    %lt3A_3009 = arith.cmpf olt, %sub3A_3008, %select_n3A_3002 : vector<128x128xf32>
    %select_n3A_3010 = arith.select %lt3A_3009, %sub3A_3008, %select_n3A_3002 : vector<128x128xi1>, vector<128x128xf32>
    %jit3A_3011 = arith.constant 47 : i32
    %broadcast_in_dim3A_3012 = vector.broadcast %jit3A_3011 : i32 to vector<128x128xi32>
    %select_n3A_3013 = arith.select %lt3A_3009, %broadcast_in_dim3A_3012, %select_n3A_3005 : vector<128x128xi1>, vector<128x128xi32>
    %slice3A_3014 = vector.extract_strided_slice %broadcast_in_dim3A {offsets = [896, 0], sizes = [128, 1], strides = [1, 1]} : vector<1024x1xf32> to vector<128x1xf32>
    %slice3A_3015 = vector.extract_strided_slice %dot_general3A_2110 {offsets = [896, 0], sizes = [128, 128], strides = [1, 1]} : vector<1024x2048xf32> to vector<128x128xf32>
    %sub3A_3016 = vector.broadcast %slice3A_3014 : vector<128x1xf32> to vector<128x128xf32>
    %sub3A_3017 = arith.subf %sub3A_3016, %slice3A_3015 : vector<128x128xf32>
    %lt3A_3018 = arith.cmpf olt, %sub3A_3017, %select_n3A_2102 : vector<128x128xf32>
    %select_n3A_3019 = arith.select %lt3A_3018, %sub3A_3017, %select_n3A_2102 : vector<128x128xi1>, vector<128x128xf32>
    %jit3A_3020 = arith.constant 32 : i32
    %broadcast_in_dim3A_3021 = vector.broadcast %jit3A_3020 : i32 to vector<128x128xi32>
    %select_n3A_3022 = arith.select %lt3A_3018, %broadcast_in_dim3A_3021, %select_n3A_2105 : vector<128x128xi1>, vector<128x128xi32>
    %slice3A_3023 = vector.extract_strided_slice %dot_general3A_2110 {offsets = [896, 128], sizes = [128, 128], strides = [1, 1]} : vector<1024x2048xf32> to vector<128x128xf32>
    %sub3A_3024 = vector.broadcast %slice3A_3014 : vector<128x1xf32> to vector<128x128xf32>
    %sub3A_3025 = arith.subf %sub3A_3024, %slice3A_3023 : vector<128x128xf32>
    %lt3A_3026 = arith.cmpf olt, %sub3A_3025, %select_n3A_3019 : vector<128x128xf32>
    %select_n3A_3027 = arith.select %lt3A_3026, %sub3A_3025, %select_n3A_3019 : vector<128x128xi1>, vector<128x128xf32>
    %jit3A_3028 = arith.constant 33 : i32
    %broadcast_in_dim3A_3029 = vector.broadcast %jit3A_3028 : i32 to vector<128x128xi32>
    %select_n3A_3030 = arith.select %lt3A_3026, %broadcast_in_dim3A_3029, %select_n3A_3022 : vector<128x128xi1>, vector<128x128xi32>
    %slice3A_3031 = vector.extract_strided_slice %dot_general3A_2110 {offsets = [896, 256], sizes = [128, 128], strides = [1, 1]} : vector<1024x2048xf32> to vector<128x128xf32>
    %sub3A_3032 = vector.broadcast %slice3A_3014 : vector<128x1xf32> to vector<128x128xf32>
    %sub3A_3033 = arith.subf %sub3A_3032, %slice3A_3031 : vector<128x128xf32>
    %lt3A_3034 = arith.cmpf olt, %sub3A_3033, %select_n3A_3027 : vector<128x128xf32>
    %select_n3A_3035 = arith.select %lt3A_3034, %sub3A_3033, %select_n3A_3027 : vector<128x128xi1>, vector<128x128xf32>
    %jit3A_3036 = arith.constant 34 : i32
    %broadcast_in_dim3A_3037 = vector.broadcast %jit3A_3036 : i32 to vector<128x128xi32>
    %select_n3A_3038 = arith.select %lt3A_3034, %broadcast_in_dim3A_3037, %select_n3A_3030 : vector<128x128xi1>, vector<128x128xi32>
    %slice3A_3039 = vector.extract_strided_slice %dot_general3A_2110 {offsets = [896, 384], sizes = [128, 128], strides = [1, 1]} : vector<1024x2048xf32> to vector<128x128xf32>
    %sub3A_3040 = vector.broadcast %slice3A_3014 : vector<128x1xf32> to vector<128x128xf32>
    %sub3A_3041 = arith.subf %sub3A_3040, %slice3A_3039 : vector<128x128xf32>
    %lt3A_3042 = arith.cmpf olt, %sub3A_3041, %select_n3A_3035 : vector<128x128xf32>
    %select_n3A_3043 = arith.select %lt3A_3042, %sub3A_3041, %select_n3A_3035 : vector<128x128xi1>, vector<128x128xf32>
    %jit3A_3044 = arith.constant 35 : i32
    %broadcast_in_dim3A_3045 = vector.broadcast %jit3A_3044 : i32 to vector<128x128xi32>
    %select_n3A_3046 = arith.select %lt3A_3042, %broadcast_in_dim3A_3045, %select_n3A_3038 : vector<128x128xi1>, vector<128x128xi32>
    %slice3A_3047 = vector.extract_strided_slice %dot_general3A_2110 {offsets = [896, 512], sizes = [128, 128], strides = [1, 1]} : vector<1024x2048xf32> to vector<128x128xf32>
    %sub3A_3048 = vector.broadcast %slice3A_3014 : vector<128x1xf32> to vector<128x128xf32>
    %sub3A_3049 = arith.subf %sub3A_3048, %slice3A_3047 : vector<128x128xf32>
    %lt3A_3050 = arith.cmpf olt, %sub3A_3049, %select_n3A_3043 : vector<128x128xf32>
    %select_n3A_3051 = arith.select %lt3A_3050, %sub3A_3049, %select_n3A_3043 : vector<128x128xi1>, vector<128x128xf32>
    %jit3A_3052 = arith.constant 36 : i32
    %broadcast_in_dim3A_3053 = vector.broadcast %jit3A_3052 : i32 to vector<128x128xi32>
    %select_n3A_3054 = arith.select %lt3A_3050, %broadcast_in_dim3A_3053, %select_n3A_3046 : vector<128x128xi1>, vector<128x128xi32>
    %slice3A_3055 = vector.extract_strided_slice %dot_general3A_2110 {offsets = [896, 640], sizes = [128, 128], strides = [1, 1]} : vector<1024x2048xf32> to vector<128x128xf32>
    %sub3A_3056 = vector.broadcast %slice3A_3014 : vector<128x1xf32> to vector<128x128xf32>
    %sub3A_3057 = arith.subf %sub3A_3056, %slice3A_3055 : vector<128x128xf32>
    %lt3A_3058 = arith.cmpf olt, %sub3A_3057, %select_n3A_3051 : vector<128x128xf32>
    %select_n3A_3059 = arith.select %lt3A_3058, %sub3A_3057, %select_n3A_3051 : vector<128x128xi1>, vector<128x128xf32>
    %jit3A_3060 = arith.constant 37 : i32
    %broadcast_in_dim3A_3061 = vector.broadcast %jit3A_3060 : i32 to vector<128x128xi32>
    %select_n3A_3062 = arith.select %lt3A_3058, %broadcast_in_dim3A_3061, %select_n3A_3054 : vector<128x128xi1>, vector<128x128xi32>
    %slice3A_3063 = vector.extract_strided_slice %dot_general3A_2110 {offsets = [896, 768], sizes = [128, 128], strides = [1, 1]} : vector<1024x2048xf32> to vector<128x128xf32>
    %sub3A_3064 = vector.broadcast %slice3A_3014 : vector<128x1xf32> to vector<128x128xf32>
    %sub3A_3065 = arith.subf %sub3A_3064, %slice3A_3063 : vector<128x128xf32>
    %lt3A_3066 = arith.cmpf olt, %sub3A_3065, %select_n3A_3059 : vector<128x128xf32>
    %select_n3A_3067 = arith.select %lt3A_3066, %sub3A_3065, %select_n3A_3059 : vector<128x128xi1>, vector<128x128xf32>
    %jit3A_3068 = arith.constant 38 : i32
    %broadcast_in_dim3A_3069 = vector.broadcast %jit3A_3068 : i32 to vector<128x128xi32>
    %select_n3A_3070 = arith.select %lt3A_3066, %broadcast_in_dim3A_3069, %select_n3A_3062 : vector<128x128xi1>, vector<128x128xi32>
    %slice3A_3071 = vector.extract_strided_slice %dot_general3A_2110 {offsets = [896, 896], sizes = [128, 128], strides = [1, 1]} : vector<1024x2048xf32> to vector<128x128xf32>
    %sub3A_3072 = vector.broadcast %slice3A_3014 : vector<128x1xf32> to vector<128x128xf32>
    %sub3A_3073 = arith.subf %sub3A_3072, %slice3A_3071 : vector<128x128xf32>
    %lt3A_3074 = arith.cmpf olt, %sub3A_3073, %select_n3A_3067 : vector<128x128xf32>
    %select_n3A_3075 = arith.select %lt3A_3074, %sub3A_3073, %select_n3A_3067 : vector<128x128xi1>, vector<128x128xf32>
    %jit3A_3076 = arith.constant 39 : i32
    %broadcast_in_dim3A_3077 = vector.broadcast %jit3A_3076 : i32 to vector<128x128xi32>
    %select_n3A_3078 = arith.select %lt3A_3074, %broadcast_in_dim3A_3077, %select_n3A_3070 : vector<128x128xi1>, vector<128x128xi32>
    %slice3A_3079 = vector.extract_strided_slice %dot_general3A_2110 {offsets = [896, 1024], sizes = [128, 128], strides = [1, 1]} : vector<1024x2048xf32> to vector<128x128xf32>
    %sub3A_3080 = vector.broadcast %slice3A_3014 : vector<128x1xf32> to vector<128x128xf32>
    %sub3A_3081 = arith.subf %sub3A_3080, %slice3A_3079 : vector<128x128xf32>
    %lt3A_3082 = arith.cmpf olt, %sub3A_3081, %select_n3A_3075 : vector<128x128xf32>
    %select_n3A_3083 = arith.select %lt3A_3082, %sub3A_3081, %select_n3A_3075 : vector<128x128xi1>, vector<128x128xf32>
    %jit3A_3084 = arith.constant 40 : i32
    %broadcast_in_dim3A_3085 = vector.broadcast %jit3A_3084 : i32 to vector<128x128xi32>
    %select_n3A_3086 = arith.select %lt3A_3082, %broadcast_in_dim3A_3085, %select_n3A_3078 : vector<128x128xi1>, vector<128x128xi32>
    %slice3A_3087 = vector.extract_strided_slice %dot_general3A_2110 {offsets = [896, 1152], sizes = [128, 128], strides = [1, 1]} : vector<1024x2048xf32> to vector<128x128xf32>
    %sub3A_3088 = vector.broadcast %slice3A_3014 : vector<128x1xf32> to vector<128x128xf32>
    %sub3A_3089 = arith.subf %sub3A_3088, %slice3A_3087 : vector<128x128xf32>
    %lt3A_3090 = arith.cmpf olt, %sub3A_3089, %select_n3A_3083 : vector<128x128xf32>
    %select_n3A_3091 = arith.select %lt3A_3090, %sub3A_3089, %select_n3A_3083 : vector<128x128xi1>, vector<128x128xf32>
    %jit3A_3092 = arith.constant 41 : i32
    %broadcast_in_dim3A_3093 = vector.broadcast %jit3A_3092 : i32 to vector<128x128xi32>
    %select_n3A_3094 = arith.select %lt3A_3090, %broadcast_in_dim3A_3093, %select_n3A_3086 : vector<128x128xi1>, vector<128x128xi32>
    %slice3A_3095 = vector.extract_strided_slice %dot_general3A_2110 {offsets = [896, 1280], sizes = [128, 128], strides = [1, 1]} : vector<1024x2048xf32> to vector<128x128xf32>
    %sub3A_3096 = vector.broadcast %slice3A_3014 : vector<128x1xf32> to vector<128x128xf32>
    %sub3A_3097 = arith.subf %sub3A_3096, %slice3A_3095 : vector<128x128xf32>
    %lt3A_3098 = arith.cmpf olt, %sub3A_3097, %select_n3A_3091 : vector<128x128xf32>
    %select_n3A_3099 = arith.select %lt3A_3098, %sub3A_3097, %select_n3A_3091 : vector<128x128xi1>, vector<128x128xf32>
    %jit3A_3100 = arith.constant 42 : i32
    %broadcast_in_dim3A_3101 = vector.broadcast %jit3A_3100 : i32 to vector<128x128xi32>
    %select_n3A_3102 = arith.select %lt3A_3098, %broadcast_in_dim3A_3101, %select_n3A_3094 : vector<128x128xi1>, vector<128x128xi32>
    %slice3A_3103 = vector.extract_strided_slice %dot_general3A_2110 {offsets = [896, 1408], sizes = [128, 128], strides = [1, 1]} : vector<1024x2048xf32> to vector<128x128xf32>
    %sub3A_3104 = vector.broadcast %slice3A_3014 : vector<128x1xf32> to vector<128x128xf32>
    %sub3A_3105 = arith.subf %sub3A_3104, %slice3A_3103 : vector<128x128xf32>
    %lt3A_3106 = arith.cmpf olt, %sub3A_3105, %select_n3A_3099 : vector<128x128xf32>
    %select_n3A_3107 = arith.select %lt3A_3106, %sub3A_3105, %select_n3A_3099 : vector<128x128xi1>, vector<128x128xf32>
    %jit3A_3108 = arith.constant 43 : i32
    %broadcast_in_dim3A_3109 = vector.broadcast %jit3A_3108 : i32 to vector<128x128xi32>
    %select_n3A_3110 = arith.select %lt3A_3106, %broadcast_in_dim3A_3109, %select_n3A_3102 : vector<128x128xi1>, vector<128x128xi32>
    %slice3A_3111 = vector.extract_strided_slice %dot_general3A_2110 {offsets = [896, 1536], sizes = [128, 128], strides = [1, 1]} : vector<1024x2048xf32> to vector<128x128xf32>
    %sub3A_3112 = vector.broadcast %slice3A_3014 : vector<128x1xf32> to vector<128x128xf32>
    %sub3A_3113 = arith.subf %sub3A_3112, %slice3A_3111 : vector<128x128xf32>
    %lt3A_3114 = arith.cmpf olt, %sub3A_3113, %select_n3A_3107 : vector<128x128xf32>
    %select_n3A_3115 = arith.select %lt3A_3114, %sub3A_3113, %select_n3A_3107 : vector<128x128xi1>, vector<128x128xf32>
    %jit3A_3116 = arith.constant 44 : i32
    %broadcast_in_dim3A_3117 = vector.broadcast %jit3A_3116 : i32 to vector<128x128xi32>
    %select_n3A_3118 = arith.select %lt3A_3114, %broadcast_in_dim3A_3117, %select_n3A_3110 : vector<128x128xi1>, vector<128x128xi32>
    %slice3A_3119 = vector.extract_strided_slice %dot_general3A_2110 {offsets = [896, 1664], sizes = [128, 128], strides = [1, 1]} : vector<1024x2048xf32> to vector<128x128xf32>
    %sub3A_3120 = vector.broadcast %slice3A_3014 : vector<128x1xf32> to vector<128x128xf32>
    %sub3A_3121 = arith.subf %sub3A_3120, %slice3A_3119 : vector<128x128xf32>
    %lt3A_3122 = arith.cmpf olt, %sub3A_3121, %select_n3A_3115 : vector<128x128xf32>
    %select_n3A_3123 = arith.select %lt3A_3122, %sub3A_3121, %select_n3A_3115 : vector<128x128xi1>, vector<128x128xf32>
    %jit3A_3124 = arith.constant 45 : i32
    %broadcast_in_dim3A_3125 = vector.broadcast %jit3A_3124 : i32 to vector<128x128xi32>
    %select_n3A_3126 = arith.select %lt3A_3122, %broadcast_in_dim3A_3125, %select_n3A_3118 : vector<128x128xi1>, vector<128x128xi32>
    %slice3A_3127 = vector.extract_strided_slice %dot_general3A_2110 {offsets = [896, 1792], sizes = [128, 128], strides = [1, 1]} : vector<1024x2048xf32> to vector<128x128xf32>
    %sub3A_3128 = vector.broadcast %slice3A_3014 : vector<128x1xf32> to vector<128x128xf32>
    %sub3A_3129 = arith.subf %sub3A_3128, %slice3A_3127 : vector<128x128xf32>
    %lt3A_3130 = arith.cmpf olt, %sub3A_3129, %select_n3A_3123 : vector<128x128xf32>
    %select_n3A_3131 = arith.select %lt3A_3130, %sub3A_3129, %select_n3A_3123 : vector<128x128xi1>, vector<128x128xf32>
    %jit3A_3132 = arith.constant 46 : i32
    %broadcast_in_dim3A_3133 = vector.broadcast %jit3A_3132 : i32 to vector<128x128xi32>
    %select_n3A_3134 = arith.select %lt3A_3130, %broadcast_in_dim3A_3133, %select_n3A_3126 : vector<128x128xi1>, vector<128x128xi32>
    %slice3A_3135 = vector.extract_strided_slice %dot_general3A_2110 {offsets = [896, 1920], sizes = [128, 128], strides = [1, 1]} : vector<1024x2048xf32> to vector<128x128xf32>
    %sub3A_3136 = vector.broadcast %slice3A_3014 : vector<128x1xf32> to vector<128x128xf32>
    %sub3A_3137 = arith.subf %sub3A_3136, %slice3A_3135 : vector<128x128xf32>
    %lt3A_3138 = arith.cmpf olt, %sub3A_3137, %select_n3A_3131 : vector<128x128xf32>
    %select_n3A_3139 = arith.select %lt3A_3138, %sub3A_3137, %select_n3A_3131 : vector<128x128xi1>, vector<128x128xf32>
    %jit3A_3140 = arith.constant 47 : i32
    %broadcast_in_dim3A_3141 = vector.broadcast %jit3A_3140 : i32 to vector<128x128xi32>
    %select_n3A_3142 = arith.select %lt3A_3138, %broadcast_in_dim3A_3141, %select_n3A_3134 : vector<128x128xi1>, vector<128x128xi32>
    %get3A_3143 = arith.constant 6144 : index
    %get3A_3144 = arith.constant 0 : index
    %get3A_3145 = vector.load %arg2[%get3A_3143, %get3A_3144] : memref<8192x256xf32, #tpu.memory_space<vmem>>, vector<2048x256xf32>
    %dot_general3A_3146 = arith.constant dense<0.000000e+00> : vector<1024x2048xf32>
    %dot_general3A_3147 = tpu.matmul %mul3A_3, %get3A_3145, %dot_general3A_3146 {dimension_numbers = #tpu.dot_dimension_numbers<[1], [1], [0], [0], [0, 0, 1, 0], [], []>, transpose_lhs_hint = false} : vector<1024x256xf32>, vector<2048x256xf32>, vector<1024x2048xf32> -> vector<1024x2048xf32>
    %slice3A_3148 = vector.extract_strided_slice %broadcast_in_dim3A {offsets = [0, 0], sizes = [128, 1], strides = [1, 1]} : vector<1024x1xf32> to vector<128x1xf32>
    %slice3A_3149 = vector.extract_strided_slice %dot_general3A_3147 {offsets = [0, 0], sizes = [128, 128], strides = [1, 1]} : vector<1024x2048xf32> to vector<128x128xf32>
    %sub3A_3150 = vector.broadcast %slice3A_3148 : vector<128x1xf32> to vector<128x128xf32>
    %sub3A_3151 = arith.subf %sub3A_3150, %slice3A_3149 : vector<128x128xf32>
    %lt3A_3152 = arith.cmpf olt, %sub3A_3151, %select_n3A_2236 : vector<128x128xf32>
    %select_n3A_3153 = arith.select %lt3A_3152, %sub3A_3151, %select_n3A_2236 : vector<128x128xi1>, vector<128x128xf32>
    %jit3A_3154 = arith.constant 48 : i32
    %broadcast_in_dim3A_3155 = vector.broadcast %jit3A_3154 : i32 to vector<128x128xi32>
    %select_n3A_3156 = arith.select %lt3A_3152, %broadcast_in_dim3A_3155, %select_n3A_2239 : vector<128x128xi1>, vector<128x128xi32>
    %slice3A_3157 = vector.extract_strided_slice %dot_general3A_3147 {offsets = [0, 128], sizes = [128, 128], strides = [1, 1]} : vector<1024x2048xf32> to vector<128x128xf32>
    %sub3A_3158 = vector.broadcast %slice3A_3148 : vector<128x1xf32> to vector<128x128xf32>
    %sub3A_3159 = arith.subf %sub3A_3158, %slice3A_3157 : vector<128x128xf32>
    %lt3A_3160 = arith.cmpf olt, %sub3A_3159, %select_n3A_3153 : vector<128x128xf32>
    %select_n3A_3161 = arith.select %lt3A_3160, %sub3A_3159, %select_n3A_3153 : vector<128x128xi1>, vector<128x128xf32>
    %jit3A_3162 = arith.constant 49 : i32
    %broadcast_in_dim3A_3163 = vector.broadcast %jit3A_3162 : i32 to vector<128x128xi32>
    %select_n3A_3164 = arith.select %lt3A_3160, %broadcast_in_dim3A_3163, %select_n3A_3156 : vector<128x128xi1>, vector<128x128xi32>
    %slice3A_3165 = vector.extract_strided_slice %dot_general3A_3147 {offsets = [0, 256], sizes = [128, 128], strides = [1, 1]} : vector<1024x2048xf32> to vector<128x128xf32>
    %sub3A_3166 = vector.broadcast %slice3A_3148 : vector<128x1xf32> to vector<128x128xf32>
    %sub3A_3167 = arith.subf %sub3A_3166, %slice3A_3165 : vector<128x128xf32>
    %lt3A_3168 = arith.cmpf olt, %sub3A_3167, %select_n3A_3161 : vector<128x128xf32>
    %select_n3A_3169 = arith.select %lt3A_3168, %sub3A_3167, %select_n3A_3161 : vector<128x128xi1>, vector<128x128xf32>
    %jit3A_3170 = arith.constant 50 : i32
    %broadcast_in_dim3A_3171 = vector.broadcast %jit3A_3170 : i32 to vector<128x128xi32>
    %select_n3A_3172 = arith.select %lt3A_3168, %broadcast_in_dim3A_3171, %select_n3A_3164 : vector<128x128xi1>, vector<128x128xi32>
    %slice3A_3173 = vector.extract_strided_slice %dot_general3A_3147 {offsets = [0, 384], sizes = [128, 128], strides = [1, 1]} : vector<1024x2048xf32> to vector<128x128xf32>
    %sub3A_3174 = vector.broadcast %slice3A_3148 : vector<128x1xf32> to vector<128x128xf32>
    %sub3A_3175 = arith.subf %sub3A_3174, %slice3A_3173 : vector<128x128xf32>
    %lt3A_3176 = arith.cmpf olt, %sub3A_3175, %select_n3A_3169 : vector<128x128xf32>
    %select_n3A_3177 = arith.select %lt3A_3176, %sub3A_3175, %select_n3A_3169 : vector<128x128xi1>, vector<128x128xf32>
    %jit3A_3178 = arith.constant 51 : i32
    %broadcast_in_dim3A_3179 = vector.broadcast %jit3A_3178 : i32 to vector<128x128xi32>
    %select_n3A_3180 = arith.select %lt3A_3176, %broadcast_in_dim3A_3179, %select_n3A_3172 : vector<128x128xi1>, vector<128x128xi32>
    %slice3A_3181 = vector.extract_strided_slice %dot_general3A_3147 {offsets = [0, 512], sizes = [128, 128], strides = [1, 1]} : vector<1024x2048xf32> to vector<128x128xf32>
    %sub3A_3182 = vector.broadcast %slice3A_3148 : vector<128x1xf32> to vector<128x128xf32>
    %sub3A_3183 = arith.subf %sub3A_3182, %slice3A_3181 : vector<128x128xf32>
    %lt3A_3184 = arith.cmpf olt, %sub3A_3183, %select_n3A_3177 : vector<128x128xf32>
    %select_n3A_3185 = arith.select %lt3A_3184, %sub3A_3183, %select_n3A_3177 : vector<128x128xi1>, vector<128x128xf32>
    %jit3A_3186 = arith.constant 52 : i32
    %broadcast_in_dim3A_3187 = vector.broadcast %jit3A_3186 : i32 to vector<128x128xi32>
    %select_n3A_3188 = arith.select %lt3A_3184, %broadcast_in_dim3A_3187, %select_n3A_3180 : vector<128x128xi1>, vector<128x128xi32>
    %slice3A_3189 = vector.extract_strided_slice %dot_general3A_3147 {offsets = [0, 640], sizes = [128, 128], strides = [1, 1]} : vector<1024x2048xf32> to vector<128x128xf32>
    %sub3A_3190 = vector.broadcast %slice3A_3148 : vector<128x1xf32> to vector<128x128xf32>
    %sub3A_3191 = arith.subf %sub3A_3190, %slice3A_3189 : vector<128x128xf32>
    %lt3A_3192 = arith.cmpf olt, %sub3A_3191, %select_n3A_3185 : vector<128x128xf32>
    %select_n3A_3193 = arith.select %lt3A_3192, %sub3A_3191, %select_n3A_3185 : vector<128x128xi1>, vector<128x128xf32>
    %jit3A_3194 = arith.constant 53 : i32
    %broadcast_in_dim3A_3195 = vector.broadcast %jit3A_3194 : i32 to vector<128x128xi32>
    %select_n3A_3196 = arith.select %lt3A_3192, %broadcast_in_dim3A_3195, %select_n3A_3188 : vector<128x128xi1>, vector<128x128xi32>
    %slice3A_3197 = vector.extract_strided_slice %dot_general3A_3147 {offsets = [0, 768], sizes = [128, 128], strides = [1, 1]} : vector<1024x2048xf32> to vector<128x128xf32>
    %sub3A_3198 = vector.broadcast %slice3A_3148 : vector<128x1xf32> to vector<128x128xf32>
    %sub3A_3199 = arith.subf %sub3A_3198, %slice3A_3197 : vector<128x128xf32>
    %lt3A_3200 = arith.cmpf olt, %sub3A_3199, %select_n3A_3193 : vector<128x128xf32>
    %select_n3A_3201 = arith.select %lt3A_3200, %sub3A_3199, %select_n3A_3193 : vector<128x128xi1>, vector<128x128xf32>
    %jit3A_3202 = arith.constant 54 : i32
    %broadcast_in_dim3A_3203 = vector.broadcast %jit3A_3202 : i32 to vector<128x128xi32>
    %select_n3A_3204 = arith.select %lt3A_3200, %broadcast_in_dim3A_3203, %select_n3A_3196 : vector<128x128xi1>, vector<128x128xi32>
    %slice3A_3205 = vector.extract_strided_slice %dot_general3A_3147 {offsets = [0, 896], sizes = [128, 128], strides = [1, 1]} : vector<1024x2048xf32> to vector<128x128xf32>
    %sub3A_3206 = vector.broadcast %slice3A_3148 : vector<128x1xf32> to vector<128x128xf32>
    %sub3A_3207 = arith.subf %sub3A_3206, %slice3A_3205 : vector<128x128xf32>
    %lt3A_3208 = arith.cmpf olt, %sub3A_3207, %select_n3A_3201 : vector<128x128xf32>
    %select_n3A_3209 = arith.select %lt3A_3208, %sub3A_3207, %select_n3A_3201 : vector<128x128xi1>, vector<128x128xf32>
    %jit3A_3210 = arith.constant 55 : i32
    %broadcast_in_dim3A_3211 = vector.broadcast %jit3A_3210 : i32 to vector<128x128xi32>
    %select_n3A_3212 = arith.select %lt3A_3208, %broadcast_in_dim3A_3211, %select_n3A_3204 : vector<128x128xi1>, vector<128x128xi32>
    %slice3A_3213 = vector.extract_strided_slice %dot_general3A_3147 {offsets = [0, 1024], sizes = [128, 128], strides = [1, 1]} : vector<1024x2048xf32> to vector<128x128xf32>
    %sub3A_3214 = vector.broadcast %slice3A_3148 : vector<128x1xf32> to vector<128x128xf32>
    %sub3A_3215 = arith.subf %sub3A_3214, %slice3A_3213 : vector<128x128xf32>
    %lt3A_3216 = arith.cmpf olt, %sub3A_3215, %select_n3A_3209 : vector<128x128xf32>
    %select_n3A_3217 = arith.select %lt3A_3216, %sub3A_3215, %select_n3A_3209 : vector<128x128xi1>, vector<128x128xf32>
    %jit3A_3218 = arith.constant 56 : i32
    %broadcast_in_dim3A_3219 = vector.broadcast %jit3A_3218 : i32 to vector<128x128xi32>
    %select_n3A_3220 = arith.select %lt3A_3216, %broadcast_in_dim3A_3219, %select_n3A_3212 : vector<128x128xi1>, vector<128x128xi32>
    %slice3A_3221 = vector.extract_strided_slice %dot_general3A_3147 {offsets = [0, 1152], sizes = [128, 128], strides = [1, 1]} : vector<1024x2048xf32> to vector<128x128xf32>
    %sub3A_3222 = vector.broadcast %slice3A_3148 : vector<128x1xf32> to vector<128x128xf32>
    %sub3A_3223 = arith.subf %sub3A_3222, %slice3A_3221 : vector<128x128xf32>
    %lt3A_3224 = arith.cmpf olt, %sub3A_3223, %select_n3A_3217 : vector<128x128xf32>
    %select_n3A_3225 = arith.select %lt3A_3224, %sub3A_3223, %select_n3A_3217 : vector<128x128xi1>, vector<128x128xf32>
    %jit3A_3226 = arith.constant 57 : i32
    %broadcast_in_dim3A_3227 = vector.broadcast %jit3A_3226 : i32 to vector<128x128xi32>
    %select_n3A_3228 = arith.select %lt3A_3224, %broadcast_in_dim3A_3227, %select_n3A_3220 : vector<128x128xi1>, vector<128x128xi32>
    %slice3A_3229 = vector.extract_strided_slice %dot_general3A_3147 {offsets = [0, 1280], sizes = [128, 128], strides = [1, 1]} : vector<1024x2048xf32> to vector<128x128xf32>
    %sub3A_3230 = vector.broadcast %slice3A_3148 : vector<128x1xf32> to vector<128x128xf32>
    %sub3A_3231 = arith.subf %sub3A_3230, %slice3A_3229 : vector<128x128xf32>
    %lt3A_3232 = arith.cmpf olt, %sub3A_3231, %select_n3A_3225 : vector<128x128xf32>
    %select_n3A_3233 = arith.select %lt3A_3232, %sub3A_3231, %select_n3A_3225 : vector<128x128xi1>, vector<128x128xf32>
    %jit3A_3234 = arith.constant 58 : i32
    %broadcast_in_dim3A_3235 = vector.broadcast %jit3A_3234 : i32 to vector<128x128xi32>
    %select_n3A_3236 = arith.select %lt3A_3232, %broadcast_in_dim3A_3235, %select_n3A_3228 : vector<128x128xi1>, vector<128x128xi32>
    %slice3A_3237 = vector.extract_strided_slice %dot_general3A_3147 {offsets = [0, 1408], sizes = [128, 128], strides = [1, 1]} : vector<1024x2048xf32> to vector<128x128xf32>
    %sub3A_3238 = vector.broadcast %slice3A_3148 : vector<128x1xf32> to vector<128x128xf32>
    %sub3A_3239 = arith.subf %sub3A_3238, %slice3A_3237 : vector<128x128xf32>
    %lt3A_3240 = arith.cmpf olt, %sub3A_3239, %select_n3A_3233 : vector<128x128xf32>
    %select_n3A_3241 = arith.select %lt3A_3240, %sub3A_3239, %select_n3A_3233 : vector<128x128xi1>, vector<128x128xf32>
    %jit3A_3242 = arith.constant 59 : i32
    %broadcast_in_dim3A_3243 = vector.broadcast %jit3A_3242 : i32 to vector<128x128xi32>
    %select_n3A_3244 = arith.select %lt3A_3240, %broadcast_in_dim3A_3243, %select_n3A_3236 : vector<128x128xi1>, vector<128x128xi32>
    %slice3A_3245 = vector.extract_strided_slice %dot_general3A_3147 {offsets = [0, 1536], sizes = [128, 128], strides = [1, 1]} : vector<1024x2048xf32> to vector<128x128xf32>
    %sub3A_3246 = vector.broadcast %slice3A_3148 : vector<128x1xf32> to vector<128x128xf32>
    %sub3A_3247 = arith.subf %sub3A_3246, %slice3A_3245 : vector<128x128xf32>
    %lt3A_3248 = arith.cmpf olt, %sub3A_3247, %select_n3A_3241 : vector<128x128xf32>
    %select_n3A_3249 = arith.select %lt3A_3248, %sub3A_3247, %select_n3A_3241 : vector<128x128xi1>, vector<128x128xf32>
    %jit3A_3250 = arith.constant 60 : i32
    %broadcast_in_dim3A_3251 = vector.broadcast %jit3A_3250 : i32 to vector<128x128xi32>
    %select_n3A_3252 = arith.select %lt3A_3248, %broadcast_in_dim3A_3251, %select_n3A_3244 : vector<128x128xi1>, vector<128x128xi32>
    %slice3A_3253 = vector.extract_strided_slice %dot_general3A_3147 {offsets = [0, 1664], sizes = [128, 128], strides = [1, 1]} : vector<1024x2048xf32> to vector<128x128xf32>
    %sub3A_3254 = vector.broadcast %slice3A_3148 : vector<128x1xf32> to vector<128x128xf32>
    %sub3A_3255 = arith.subf %sub3A_3254, %slice3A_3253 : vector<128x128xf32>
    %lt3A_3256 = arith.cmpf olt, %sub3A_3255, %select_n3A_3249 : vector<128x128xf32>
    %select_n3A_3257 = arith.select %lt3A_3256, %sub3A_3255, %select_n3A_3249 : vector<128x128xi1>, vector<128x128xf32>
    %jit3A_3258 = arith.constant 61 : i32
    %broadcast_in_dim3A_3259 = vector.broadcast %jit3A_3258 : i32 to vector<128x128xi32>
    %select_n3A_3260 = arith.select %lt3A_3256, %broadcast_in_dim3A_3259, %select_n3A_3252 : vector<128x128xi1>, vector<128x128xi32>
    %slice3A_3261 = vector.extract_strided_slice %dot_general3A_3147 {offsets = [0, 1792], sizes = [128, 128], strides = [1, 1]} : vector<1024x2048xf32> to vector<128x128xf32>
    %sub3A_3262 = vector.broadcast %slice3A_3148 : vector<128x1xf32> to vector<128x128xf32>
    %sub3A_3263 = arith.subf %sub3A_3262, %slice3A_3261 : vector<128x128xf32>
    %lt3A_3264 = arith.cmpf olt, %sub3A_3263, %select_n3A_3257 : vector<128x128xf32>
    %select_n3A_3265 = arith.select %lt3A_3264, %sub3A_3263, %select_n3A_3257 : vector<128x128xi1>, vector<128x128xf32>
    %jit3A_3266 = arith.constant 62 : i32
    %broadcast_in_dim3A_3267 = vector.broadcast %jit3A_3266 : i32 to vector<128x128xi32>
    %select_n3A_3268 = arith.select %lt3A_3264, %broadcast_in_dim3A_3267, %select_n3A_3260 : vector<128x128xi1>, vector<128x128xi32>
    %slice3A_3269 = vector.extract_strided_slice %dot_general3A_3147 {offsets = [0, 1920], sizes = [128, 128], strides = [1, 1]} : vector<1024x2048xf32> to vector<128x128xf32>
    %sub3A_3270 = vector.broadcast %slice3A_3148 : vector<128x1xf32> to vector<128x128xf32>
    %sub3A_3271 = arith.subf %sub3A_3270, %slice3A_3269 : vector<128x128xf32>
    %lt3A_3272 = arith.cmpf olt, %sub3A_3271, %select_n3A_3265 : vector<128x128xf32>
    %select_n3A_3273 = arith.select %lt3A_3272, %sub3A_3271, %select_n3A_3265 : vector<128x128xi1>, vector<128x128xf32>
    %jit3A_3274 = arith.constant 63 : i32
    %broadcast_in_dim3A_3275 = vector.broadcast %jit3A_3274 : i32 to vector<128x128xi32>
    %select_n3A_3276 = arith.select %lt3A_3272, %broadcast_in_dim3A_3275, %select_n3A_3268 : vector<128x128xi1>, vector<128x128xi32>
    %slice3A_3277 = vector.extract_strided_slice %broadcast_in_dim3A {offsets = [128, 0], sizes = [128, 1], strides = [1, 1]} : vector<1024x1xf32> to vector<128x1xf32>
    %slice3A_3278 = vector.extract_strided_slice %dot_general3A_3147 {offsets = [128, 0], sizes = [128, 128], strides = [1, 1]} : vector<1024x2048xf32> to vector<128x128xf32>
    %sub3A_3279 = vector.broadcast %slice3A_3277 : vector<128x1xf32> to vector<128x128xf32>
    %sub3A_3280 = arith.subf %sub3A_3279, %slice3A_3278 : vector<128x128xf32>
    %lt3A_3281 = arith.cmpf olt, %sub3A_3280, %select_n3A_2365 : vector<128x128xf32>
    %select_n3A_3282 = arith.select %lt3A_3281, %sub3A_3280, %select_n3A_2365 : vector<128x128xi1>, vector<128x128xf32>
    %jit3A_3283 = arith.constant 48 : i32
    %broadcast_in_dim3A_3284 = vector.broadcast %jit3A_3283 : i32 to vector<128x128xi32>
    %select_n3A_3285 = arith.select %lt3A_3281, %broadcast_in_dim3A_3284, %select_n3A_2368 : vector<128x128xi1>, vector<128x128xi32>
    %slice3A_3286 = vector.extract_strided_slice %dot_general3A_3147 {offsets = [128, 128], sizes = [128, 128], strides = [1, 1]} : vector<1024x2048xf32> to vector<128x128xf32>
    %sub3A_3287 = vector.broadcast %slice3A_3277 : vector<128x1xf32> to vector<128x128xf32>
    %sub3A_3288 = arith.subf %sub3A_3287, %slice3A_3286 : vector<128x128xf32>
    %lt3A_3289 = arith.cmpf olt, %sub3A_3288, %select_n3A_3282 : vector<128x128xf32>
    %select_n3A_3290 = arith.select %lt3A_3289, %sub3A_3288, %select_n3A_3282 : vector<128x128xi1>, vector<128x128xf32>
    %jit3A_3291 = arith.constant 49 : i32
    %broadcast_in_dim3A_3292 = vector.broadcast %jit3A_3291 : i32 to vector<128x128xi32>
    %select_n3A_3293 = arith.select %lt3A_3289, %broadcast_in_dim3A_3292, %select_n3A_3285 : vector<128x128xi1>, vector<128x128xi32>
    %slice3A_3294 = vector.extract_strided_slice %dot_general3A_3147 {offsets = [128, 256], sizes = [128, 128], strides = [1, 1]} : vector<1024x2048xf32> to vector<128x128xf32>
    %sub3A_3295 = vector.broadcast %slice3A_3277 : vector<128x1xf32> to vector<128x128xf32>
    %sub3A_3296 = arith.subf %sub3A_3295, %slice3A_3294 : vector<128x128xf32>
    %lt3A_3297 = arith.cmpf olt, %sub3A_3296, %select_n3A_3290 : vector<128x128xf32>
    %select_n3A_3298 = arith.select %lt3A_3297, %sub3A_3296, %select_n3A_3290 : vector<128x128xi1>, vector<128x128xf32>
    %jit3A_3299 = arith.constant 50 : i32
    %broadcast_in_dim3A_3300 = vector.broadcast %jit3A_3299 : i32 to vector<128x128xi32>
    %select_n3A_3301 = arith.select %lt3A_3297, %broadcast_in_dim3A_3300, %select_n3A_3293 : vector<128x128xi1>, vector<128x128xi32>
    %slice3A_3302 = vector.extract_strided_slice %dot_general3A_3147 {offsets = [128, 384], sizes = [128, 128], strides = [1, 1]} : vector<1024x2048xf32> to vector<128x128xf32>
    %sub3A_3303 = vector.broadcast %slice3A_3277 : vector<128x1xf32> to vector<128x128xf32>
    %sub3A_3304 = arith.subf %sub3A_3303, %slice3A_3302 : vector<128x128xf32>
    %lt3A_3305 = arith.cmpf olt, %sub3A_3304, %select_n3A_3298 : vector<128x128xf32>
    %select_n3A_3306 = arith.select %lt3A_3305, %sub3A_3304, %select_n3A_3298 : vector<128x128xi1>, vector<128x128xf32>
    %jit3A_3307 = arith.constant 51 : i32
    %broadcast_in_dim3A_3308 = vector.broadcast %jit3A_3307 : i32 to vector<128x128xi32>
    %select_n3A_3309 = arith.select %lt3A_3305, %broadcast_in_dim3A_3308, %select_n3A_3301 : vector<128x128xi1>, vector<128x128xi32>
    %slice3A_3310 = vector.extract_strided_slice %dot_general3A_3147 {offsets = [128, 512], sizes = [128, 128], strides = [1, 1]} : vector<1024x2048xf32> to vector<128x128xf32>
    %sub3A_3311 = vector.broadcast %slice3A_3277 : vector<128x1xf32> to vector<128x128xf32>
    %sub3A_3312 = arith.subf %sub3A_3311, %slice3A_3310 : vector<128x128xf32>
    %lt3A_3313 = arith.cmpf olt, %sub3A_3312, %select_n3A_3306 : vector<128x128xf32>
    %select_n3A_3314 = arith.select %lt3A_3313, %sub3A_3312, %select_n3A_3306 : vector<128x128xi1>, vector<128x128xf32>
    %jit3A_3315 = arith.constant 52 : i32
    %broadcast_in_dim3A_3316 = vector.broadcast %jit3A_3315 : i32 to vector<128x128xi32>
    %select_n3A_3317 = arith.select %lt3A_3313, %broadcast_in_dim3A_3316, %select_n3A_3309 : vector<128x128xi1>, vector<128x128xi32>
    %slice3A_3318 = vector.extract_strided_slice %dot_general3A_3147 {offsets = [128, 640], sizes = [128, 128], strides = [1, 1]} : vector<1024x2048xf32> to vector<128x128xf32>
    %sub3A_3319 = vector.broadcast %slice3A_3277 : vector<128x1xf32> to vector<128x128xf32>
    %sub3A_3320 = arith.subf %sub3A_3319, %slice3A_3318 : vector<128x128xf32>
    %lt3A_3321 = arith.cmpf olt, %sub3A_3320, %select_n3A_3314 : vector<128x128xf32>
    %select_n3A_3322 = arith.select %lt3A_3321, %sub3A_3320, %select_n3A_3314 : vector<128x128xi1>, vector<128x128xf32>
    %jit3A_3323 = arith.constant 53 : i32
    %broadcast_in_dim3A_3324 = vector.broadcast %jit3A_3323 : i32 to vector<128x128xi32>
    %select_n3A_3325 = arith.select %lt3A_3321, %broadcast_in_dim3A_3324, %select_n3A_3317 : vector<128x128xi1>, vector<128x128xi32>
    %slice3A_3326 = vector.extract_strided_slice %dot_general3A_3147 {offsets = [128, 768], sizes = [128, 128], strides = [1, 1]} : vector<1024x2048xf32> to vector<128x128xf32>
    %sub3A_3327 = vector.broadcast %slice3A_3277 : vector<128x1xf32> to vector<128x128xf32>
    %sub3A_3328 = arith.subf %sub3A_3327, %slice3A_3326 : vector<128x128xf32>
    %lt3A_3329 = arith.cmpf olt, %sub3A_3328, %select_n3A_3322 : vector<128x128xf32>
    %select_n3A_3330 = arith.select %lt3A_3329, %sub3A_3328, %select_n3A_3322 : vector<128x128xi1>, vector<128x128xf32>
    %jit3A_3331 = arith.constant 54 : i32
    %broadcast_in_dim3A_3332 = vector.broadcast %jit3A_3331 : i32 to vector<128x128xi32>
    %select_n3A_3333 = arith.select %lt3A_3329, %broadcast_in_dim3A_3332, %select_n3A_3325 : vector<128x128xi1>, vector<128x128xi32>
    %slice3A_3334 = vector.extract_strided_slice %dot_general3A_3147 {offsets = [128, 896], sizes = [128, 128], strides = [1, 1]} : vector<1024x2048xf32> to vector<128x128xf32>
    %sub3A_3335 = vector.broadcast %slice3A_3277 : vector<128x1xf32> to vector<128x128xf32>
    %sub3A_3336 = arith.subf %sub3A_3335, %slice3A_3334 : vector<128x128xf32>
    %lt3A_3337 = arith.cmpf olt, %sub3A_3336, %select_n3A_3330 : vector<128x128xf32>
    %select_n3A_3338 = arith.select %lt3A_3337, %sub3A_3336, %select_n3A_3330 : vector<128x128xi1>, vector<128x128xf32>
    %jit3A_3339 = arith.constant 55 : i32
    %broadcast_in_dim3A_3340 = vector.broadcast %jit3A_3339 : i32 to vector<128x128xi32>
    %select_n3A_3341 = arith.select %lt3A_3337, %broadcast_in_dim3A_3340, %select_n3A_3333 : vector<128x128xi1>, vector<128x128xi32>
    %slice3A_3342 = vector.extract_strided_slice %dot_general3A_3147 {offsets = [128, 1024], sizes = [128, 128], strides = [1, 1]} : vector<1024x2048xf32> to vector<128x128xf32>
    %sub3A_3343 = vector.broadcast %slice3A_3277 : vector<128x1xf32> to vector<128x128xf32>
    %sub3A_3344 = arith.subf %sub3A_3343, %slice3A_3342 : vector<128x128xf32>
    %lt3A_3345 = arith.cmpf olt, %sub3A_3344, %select_n3A_3338 : vector<128x128xf32>
    %select_n3A_3346 = arith.select %lt3A_3345, %sub3A_3344, %select_n3A_3338 : vector<128x128xi1>, vector<128x128xf32>
    %jit3A_3347 = arith.constant 56 : i32
    %broadcast_in_dim3A_3348 = vector.broadcast %jit3A_3347 : i32 to vector<128x128xi32>
    %select_n3A_3349 = arith.select %lt3A_3345, %broadcast_in_dim3A_3348, %select_n3A_3341 : vector<128x128xi1>, vector<128x128xi32>
    %slice3A_3350 = vector.extract_strided_slice %dot_general3A_3147 {offsets = [128, 1152], sizes = [128, 128], strides = [1, 1]} : vector<1024x2048xf32> to vector<128x128xf32>
    %sub3A_3351 = vector.broadcast %slice3A_3277 : vector<128x1xf32> to vector<128x128xf32>
    %sub3A_3352 = arith.subf %sub3A_3351, %slice3A_3350 : vector<128x128xf32>
    %lt3A_3353 = arith.cmpf olt, %sub3A_3352, %select_n3A_3346 : vector<128x128xf32>
    %select_n3A_3354 = arith.select %lt3A_3353, %sub3A_3352, %select_n3A_3346 : vector<128x128xi1>, vector<128x128xf32>
    %jit3A_3355 = arith.constant 57 : i32
    %broadcast_in_dim3A_3356 = vector.broadcast %jit3A_3355 : i32 to vector<128x128xi32>
    %select_n3A_3357 = arith.select %lt3A_3353, %broadcast_in_dim3A_3356, %select_n3A_3349 : vector<128x128xi1>, vector<128x128xi32>
    %slice3A_3358 = vector.extract_strided_slice %dot_general3A_3147 {offsets = [128, 1280], sizes = [128, 128], strides = [1, 1]} : vector<1024x2048xf32> to vector<128x128xf32>
    %sub3A_3359 = vector.broadcast %slice3A_3277 : vector<128x1xf32> to vector<128x128xf32>
    %sub3A_3360 = arith.subf %sub3A_3359, %slice3A_3358 : vector<128x128xf32>
    %lt3A_3361 = arith.cmpf olt, %sub3A_3360, %select_n3A_3354 : vector<128x128xf32>
    %select_n3A_3362 = arith.select %lt3A_3361, %sub3A_3360, %select_n3A_3354 : vector<128x128xi1>, vector<128x128xf32>
    %jit3A_3363 = arith.constant 58 : i32
    %broadcast_in_dim3A_3364 = vector.broadcast %jit3A_3363 : i32 to vector<128x128xi32>
    %select_n3A_3365 = arith.select %lt3A_3361, %broadcast_in_dim3A_3364, %select_n3A_3357 : vector<128x128xi1>, vector<128x128xi32>
    %slice3A_3366 = vector.extract_strided_slice %dot_general3A_3147 {offsets = [128, 1408], sizes = [128, 128], strides = [1, 1]} : vector<1024x2048xf32> to vector<128x128xf32>
    %sub3A_3367 = vector.broadcast %slice3A_3277 : vector<128x1xf32> to vector<128x128xf32>
    %sub3A_3368 = arith.subf %sub3A_3367, %slice3A_3366 : vector<128x128xf32>
    %lt3A_3369 = arith.cmpf olt, %sub3A_3368, %select_n3A_3362 : vector<128x128xf32>
    %select_n3A_3370 = arith.select %lt3A_3369, %sub3A_3368, %select_n3A_3362 : vector<128x128xi1>, vector<128x128xf32>
    %jit3A_3371 = arith.constant 59 : i32
    %broadcast_in_dim3A_3372 = vector.broadcast %jit3A_3371 : i32 to vector<128x128xi32>
    %select_n3A_3373 = arith.select %lt3A_3369, %broadcast_in_dim3A_3372, %select_n3A_3365 : vector<128x128xi1>, vector<128x128xi32>
    %slice3A_3374 = vector.extract_strided_slice %dot_general3A_3147 {offsets = [128, 1536], sizes = [128, 128], strides = [1, 1]} : vector<1024x2048xf32> to vector<128x128xf32>
    %sub3A_3375 = vector.broadcast %slice3A_3277 : vector<128x1xf32> to vector<128x128xf32>
    %sub3A_3376 = arith.subf %sub3A_3375, %slice3A_3374 : vector<128x128xf32>
    %lt3A_3377 = arith.cmpf olt, %sub3A_3376, %select_n3A_3370 : vector<128x128xf32>
    %select_n3A_3378 = arith.select %lt3A_3377, %sub3A_3376, %select_n3A_3370 : vector<128x128xi1>, vector<128x128xf32>
    %jit3A_3379 = arith.constant 60 : i32
    %broadcast_in_dim3A_3380 = vector.broadcast %jit3A_3379 : i32 to vector<128x128xi32>
    %select_n3A_3381 = arith.select %lt3A_3377, %broadcast_in_dim3A_3380, %select_n3A_3373 : vector<128x128xi1>, vector<128x128xi32>
    %slice3A_3382 = vector.extract_strided_slice %dot_general3A_3147 {offsets = [128, 1664], sizes = [128, 128], strides = [1, 1]} : vector<1024x2048xf32> to vector<128x128xf32>
    %sub3A_3383 = vector.broadcast %slice3A_3277 : vector<128x1xf32> to vector<128x128xf32>
    %sub3A_3384 = arith.subf %sub3A_3383, %slice3A_3382 : vector<128x128xf32>
    %lt3A_3385 = arith.cmpf olt, %sub3A_3384, %select_n3A_3378 : vector<128x128xf32>
    %select_n3A_3386 = arith.select %lt3A_3385, %sub3A_3384, %select_n3A_3378 : vector<128x128xi1>, vector<128x128xf32>
    %jit3A_3387 = arith.constant 61 : i32
    %broadcast_in_dim3A_3388 = vector.broadcast %jit3A_3387 : i32 to vector<128x128xi32>
    %select_n3A_3389 = arith.select %lt3A_3385, %broadcast_in_dim3A_3388, %select_n3A_3381 : vector<128x128xi1>, vector<128x128xi32>
    %slice3A_3390 = vector.extract_strided_slice %dot_general3A_3147 {offsets = [128, 1792], sizes = [128, 128], strides = [1, 1]} : vector<1024x2048xf32> to vector<128x128xf32>
    %sub3A_3391 = vector.broadcast %slice3A_3277 : vector<128x1xf32> to vector<128x128xf32>
    %sub3A_3392 = arith.subf %sub3A_3391, %slice3A_3390 : vector<128x128xf32>
    %lt3A_3393 = arith.cmpf olt, %sub3A_3392, %select_n3A_3386 : vector<128x128xf32>
    %select_n3A_3394 = arith.select %lt3A_3393, %sub3A_3392, %select_n3A_3386 : vector<128x128xi1>, vector<128x128xf32>
    %jit3A_3395 = arith.constant 62 : i32
    %broadcast_in_dim3A_3396 = vector.broadcast %jit3A_3395 : i32 to vector<128x128xi32>
    %select_n3A_3397 = arith.select %lt3A_3393, %broadcast_in_dim3A_3396, %select_n3A_3389 : vector<128x128xi1>, vector<128x128xi32>
    %slice3A_3398 = vector.extract_strided_slice %dot_general3A_3147 {offsets = [128, 1920], sizes = [128, 128], strides = [1, 1]} : vector<1024x2048xf32> to vector<128x128xf32>
    %sub3A_3399 = vector.broadcast %slice3A_3277 : vector<128x1xf32> to vector<128x128xf32>
    %sub3A_3400 = arith.subf %sub3A_3399, %slice3A_3398 : vector<128x128xf32>
    %lt3A_3401 = arith.cmpf olt, %sub3A_3400, %select_n3A_3394 : vector<128x128xf32>
    %select_n3A_3402 = arith.select %lt3A_3401, %sub3A_3400, %select_n3A_3394 : vector<128x128xi1>, vector<128x128xf32>
    %jit3A_3403 = arith.constant 63 : i32
    %broadcast_in_dim3A_3404 = vector.broadcast %jit3A_3403 : i32 to vector<128x128xi32>
    %select_n3A_3405 = arith.select %lt3A_3401, %broadcast_in_dim3A_3404, %select_n3A_3397 : vector<128x128xi1>, vector<128x128xi32>
    %slice3A_3406 = vector.extract_strided_slice %broadcast_in_dim3A {offsets = [256, 0], sizes = [128, 1], strides = [1, 1]} : vector<1024x1xf32> to vector<128x1xf32>
    %slice3A_3407 = vector.extract_strided_slice %dot_general3A_3147 {offsets = [256, 0], sizes = [128, 128], strides = [1, 1]} : vector<1024x2048xf32> to vector<128x128xf32>
    %sub3A_3408 = vector.broadcast %slice3A_3406 : vector<128x1xf32> to vector<128x128xf32>
    %sub3A_3409 = arith.subf %sub3A_3408, %slice3A_3407 : vector<128x128xf32>
    %lt3A_3410 = arith.cmpf olt, %sub3A_3409, %select_n3A_2494 : vector<128x128xf32>
    %select_n3A_3411 = arith.select %lt3A_3410, %sub3A_3409, %select_n3A_2494 : vector<128x128xi1>, vector<128x128xf32>
    %jit3A_3412 = arith.constant 48 : i32
    %broadcast_in_dim3A_3413 = vector.broadcast %jit3A_3412 : i32 to vector<128x128xi32>
    %select_n3A_3414 = arith.select %lt3A_3410, %broadcast_in_dim3A_3413, %select_n3A_2497 : vector<128x128xi1>, vector<128x128xi32>
    %slice3A_3415 = vector.extract_strided_slice %dot_general3A_3147 {offsets = [256, 128], sizes = [128, 128], strides = [1, 1]} : vector<1024x2048xf32> to vector<128x128xf32>
    %sub3A_3416 = vector.broadcast %slice3A_3406 : vector<128x1xf32> to vector<128x128xf32>
    %sub3A_3417 = arith.subf %sub3A_3416, %slice3A_3415 : vector<128x128xf32>
    %lt3A_3418 = arith.cmpf olt, %sub3A_3417, %select_n3A_3411 : vector<128x128xf32>
    %select_n3A_3419 = arith.select %lt3A_3418, %sub3A_3417, %select_n3A_3411 : vector<128x128xi1>, vector<128x128xf32>
    %jit3A_3420 = arith.constant 49 : i32
    %broadcast_in_dim3A_3421 = vector.broadcast %jit3A_3420 : i32 to vector<128x128xi32>
    %select_n3A_3422 = arith.select %lt3A_3418, %broadcast_in_dim3A_3421, %select_n3A_3414 : vector<128x128xi1>, vector<128x128xi32>
    %slice3A_3423 = vector.extract_strided_slice %dot_general3A_3147 {offsets = [256, 256], sizes = [128, 128], strides = [1, 1]} : vector<1024x2048xf32> to vector<128x128xf32>
    %sub3A_3424 = vector.broadcast %slice3A_3406 : vector<128x1xf32> to vector<128x128xf32>
    %sub3A_3425 = arith.subf %sub3A_3424, %slice3A_3423 : vector<128x128xf32>
    %lt3A_3426 = arith.cmpf olt, %sub3A_3425, %select_n3A_3419 : vector<128x128xf32>
    %select_n3A_3427 = arith.select %lt3A_3426, %sub3A_3425, %select_n3A_3419 : vector<128x128xi1>, vector<128x128xf32>
    %jit3A_3428 = arith.constant 50 : i32
    %broadcast_in_dim3A_3429 = vector.broadcast %jit3A_3428 : i32 to vector<128x128xi32>
    %select_n3A_3430 = arith.select %lt3A_3426, %broadcast_in_dim3A_3429, %select_n3A_3422 : vector<128x128xi1>, vector<128x128xi32>
    %slice3A_3431 = vector.extract_strided_slice %dot_general3A_3147 {offsets = [256, 384], sizes = [128, 128], strides = [1, 1]} : vector<1024x2048xf32> to vector<128x128xf32>
    %sub3A_3432 = vector.broadcast %slice3A_3406 : vector<128x1xf32> to vector<128x128xf32>
    %sub3A_3433 = arith.subf %sub3A_3432, %slice3A_3431 : vector<128x128xf32>
    %lt3A_3434 = arith.cmpf olt, %sub3A_3433, %select_n3A_3427 : vector<128x128xf32>
    %select_n3A_3435 = arith.select %lt3A_3434, %sub3A_3433, %select_n3A_3427 : vector<128x128xi1>, vector<128x128xf32>
    %jit3A_3436 = arith.constant 51 : i32
    %broadcast_in_dim3A_3437 = vector.broadcast %jit3A_3436 : i32 to vector<128x128xi32>
    %select_n3A_3438 = arith.select %lt3A_3434, %broadcast_in_dim3A_3437, %select_n3A_3430 : vector<128x128xi1>, vector<128x128xi32>
    %slice3A_3439 = vector.extract_strided_slice %dot_general3A_3147 {offsets = [256, 512], sizes = [128, 128], strides = [1, 1]} : vector<1024x2048xf32> to vector<128x128xf32>
    %sub3A_3440 = vector.broadcast %slice3A_3406 : vector<128x1xf32> to vector<128x128xf32>
    %sub3A_3441 = arith.subf %sub3A_3440, %slice3A_3439 : vector<128x128xf32>
    %lt3A_3442 = arith.cmpf olt, %sub3A_3441, %select_n3A_3435 : vector<128x128xf32>
    %select_n3A_3443 = arith.select %lt3A_3442, %sub3A_3441, %select_n3A_3435 : vector<128x128xi1>, vector<128x128xf32>
    %jit3A_3444 = arith.constant 52 : i32
    %broadcast_in_dim3A_3445 = vector.broadcast %jit3A_3444 : i32 to vector<128x128xi32>
    %select_n3A_3446 = arith.select %lt3A_3442, %broadcast_in_dim3A_3445, %select_n3A_3438 : vector<128x128xi1>, vector<128x128xi32>
    %slice3A_3447 = vector.extract_strided_slice %dot_general3A_3147 {offsets = [256, 640], sizes = [128, 128], strides = [1, 1]} : vector<1024x2048xf32> to vector<128x128xf32>
    %sub3A_3448 = vector.broadcast %slice3A_3406 : vector<128x1xf32> to vector<128x128xf32>
    %sub3A_3449 = arith.subf %sub3A_3448, %slice3A_3447 : vector<128x128xf32>
    %lt3A_3450 = arith.cmpf olt, %sub3A_3449, %select_n3A_3443 : vector<128x128xf32>
    %select_n3A_3451 = arith.select %lt3A_3450, %sub3A_3449, %select_n3A_3443 : vector<128x128xi1>, vector<128x128xf32>
    %jit3A_3452 = arith.constant 53 : i32
    %broadcast_in_dim3A_3453 = vector.broadcast %jit3A_3452 : i32 to vector<128x128xi32>
    %select_n3A_3454 = arith.select %lt3A_3450, %broadcast_in_dim3A_3453, %select_n3A_3446 : vector<128x128xi1>, vector<128x128xi32>
    %slice3A_3455 = vector.extract_strided_slice %dot_general3A_3147 {offsets = [256, 768], sizes = [128, 128], strides = [1, 1]} : vector<1024x2048xf32> to vector<128x128xf32>
    %sub3A_3456 = vector.broadcast %slice3A_3406 : vector<128x1xf32> to vector<128x128xf32>
    %sub3A_3457 = arith.subf %sub3A_3456, %slice3A_3455 : vector<128x128xf32>
    %lt3A_3458 = arith.cmpf olt, %sub3A_3457, %select_n3A_3451 : vector<128x128xf32>
    %select_n3A_3459 = arith.select %lt3A_3458, %sub3A_3457, %select_n3A_3451 : vector<128x128xi1>, vector<128x128xf32>
    %jit3A_3460 = arith.constant 54 : i32
    %broadcast_in_dim3A_3461 = vector.broadcast %jit3A_3460 : i32 to vector<128x128xi32>
    %select_n3A_3462 = arith.select %lt3A_3458, %broadcast_in_dim3A_3461, %select_n3A_3454 : vector<128x128xi1>, vector<128x128xi32>
    %slice3A_3463 = vector.extract_strided_slice %dot_general3A_3147 {offsets = [256, 896], sizes = [128, 128], strides = [1, 1]} : vector<1024x2048xf32> to vector<128x128xf32>
    %sub3A_3464 = vector.broadcast %slice3A_3406 : vector<128x1xf32> to vector<128x128xf32>
    %sub3A_3465 = arith.subf %sub3A_3464, %slice3A_3463 : vector<128x128xf32>
    %lt3A_3466 = arith.cmpf olt, %sub3A_3465, %select_n3A_3459 : vector<128x128xf32>
    %select_n3A_3467 = arith.select %lt3A_3466, %sub3A_3465, %select_n3A_3459 : vector<128x128xi1>, vector<128x128xf32>
    %jit3A_3468 = arith.constant 55 : i32
    %broadcast_in_dim3A_3469 = vector.broadcast %jit3A_3468 : i32 to vector<128x128xi32>
    %select_n3A_3470 = arith.select %lt3A_3466, %broadcast_in_dim3A_3469, %select_n3A_3462 : vector<128x128xi1>, vector<128x128xi32>
    %slice3A_3471 = vector.extract_strided_slice %dot_general3A_3147 {offsets = [256, 1024], sizes = [128, 128], strides = [1, 1]} : vector<1024x2048xf32> to vector<128x128xf32>
    %sub3A_3472 = vector.broadcast %slice3A_3406 : vector<128x1xf32> to vector<128x128xf32>
    %sub3A_3473 = arith.subf %sub3A_3472, %slice3A_3471 : vector<128x128xf32>
    %lt3A_3474 = arith.cmpf olt, %sub3A_3473, %select_n3A_3467 : vector<128x128xf32>
    %select_n3A_3475 = arith.select %lt3A_3474, %sub3A_3473, %select_n3A_3467 : vector<128x128xi1>, vector<128x128xf32>
    %jit3A_3476 = arith.constant 56 : i32
    %broadcast_in_dim3A_3477 = vector.broadcast %jit3A_3476 : i32 to vector<128x128xi32>
    %select_n3A_3478 = arith.select %lt3A_3474, %broadcast_in_dim3A_3477, %select_n3A_3470 : vector<128x128xi1>, vector<128x128xi32>
    %slice3A_3479 = vector.extract_strided_slice %dot_general3A_3147 {offsets = [256, 1152], sizes = [128, 128], strides = [1, 1]} : vector<1024x2048xf32> to vector<128x128xf32>
    %sub3A_3480 = vector.broadcast %slice3A_3406 : vector<128x1xf32> to vector<128x128xf32>
    %sub3A_3481 = arith.subf %sub3A_3480, %slice3A_3479 : vector<128x128xf32>
    %lt3A_3482 = arith.cmpf olt, %sub3A_3481, %select_n3A_3475 : vector<128x128xf32>
    %select_n3A_3483 = arith.select %lt3A_3482, %sub3A_3481, %select_n3A_3475 : vector<128x128xi1>, vector<128x128xf32>
    %jit3A_3484 = arith.constant 57 : i32
    %broadcast_in_dim3A_3485 = vector.broadcast %jit3A_3484 : i32 to vector<128x128xi32>
    %select_n3A_3486 = arith.select %lt3A_3482, %broadcast_in_dim3A_3485, %select_n3A_3478 : vector<128x128xi1>, vector<128x128xi32>
    %slice3A_3487 = vector.extract_strided_slice %dot_general3A_3147 {offsets = [256, 1280], sizes = [128, 128], strides = [1, 1]} : vector<1024x2048xf32> to vector<128x128xf32>
    %sub3A_3488 = vector.broadcast %slice3A_3406 : vector<128x1xf32> to vector<128x128xf32>
    %sub3A_3489 = arith.subf %sub3A_3488, %slice3A_3487 : vector<128x128xf32>
    %lt3A_3490 = arith.cmpf olt, %sub3A_3489, %select_n3A_3483 : vector<128x128xf32>
    %select_n3A_3491 = arith.select %lt3A_3490, %sub3A_3489, %select_n3A_3483 : vector<128x128xi1>, vector<128x128xf32>
    %jit3A_3492 = arith.constant 58 : i32
    %broadcast_in_dim3A_3493 = vector.broadcast %jit3A_3492 : i32 to vector<128x128xi32>
    %select_n3A_3494 = arith.select %lt3A_3490, %broadcast_in_dim3A_3493, %select_n3A_3486 : vector<128x128xi1>, vector<128x128xi32>
    %slice3A_3495 = vector.extract_strided_slice %dot_general3A_3147 {offsets = [256, 1408], sizes = [128, 128], strides = [1, 1]} : vector<1024x2048xf32> to vector<128x128xf32>
    %sub3A_3496 = vector.broadcast %slice3A_3406 : vector<128x1xf32> to vector<128x128xf32>
    %sub3A_3497 = arith.subf %sub3A_3496, %slice3A_3495 : vector<128x128xf32>
    %lt3A_3498 = arith.cmpf olt, %sub3A_3497, %select_n3A_3491 : vector<128x128xf32>
    %select_n3A_3499 = arith.select %lt3A_3498, %sub3A_3497, %select_n3A_3491 : vector<128x128xi1>, vector<128x128xf32>
    %jit3A_3500 = arith.constant 59 : i32
    %broadcast_in_dim3A_3501 = vector.broadcast %jit3A_3500 : i32 to vector<128x128xi32>
    %select_n3A_3502 = arith.select %lt3A_3498, %broadcast_in_dim3A_3501, %select_n3A_3494 : vector<128x128xi1>, vector<128x128xi32>
    %slice3A_3503 = vector.extract_strided_slice %dot_general3A_3147 {offsets = [256, 1536], sizes = [128, 128], strides = [1, 1]} : vector<1024x2048xf32> to vector<128x128xf32>
    %sub3A_3504 = vector.broadcast %slice3A_3406 : vector<128x1xf32> to vector<128x128xf32>
    %sub3A_3505 = arith.subf %sub3A_3504, %slice3A_3503 : vector<128x128xf32>
    %lt3A_3506 = arith.cmpf olt, %sub3A_3505, %select_n3A_3499 : vector<128x128xf32>
    %select_n3A_3507 = arith.select %lt3A_3506, %sub3A_3505, %select_n3A_3499 : vector<128x128xi1>, vector<128x128xf32>
    %jit3A_3508 = arith.constant 60 : i32
    %broadcast_in_dim3A_3509 = vector.broadcast %jit3A_3508 : i32 to vector<128x128xi32>
    %select_n3A_3510 = arith.select %lt3A_3506, %broadcast_in_dim3A_3509, %select_n3A_3502 : vector<128x128xi1>, vector<128x128xi32>
    %slice3A_3511 = vector.extract_strided_slice %dot_general3A_3147 {offsets = [256, 1664], sizes = [128, 128], strides = [1, 1]} : vector<1024x2048xf32> to vector<128x128xf32>
    %sub3A_3512 = vector.broadcast %slice3A_3406 : vector<128x1xf32> to vector<128x128xf32>
    %sub3A_3513 = arith.subf %sub3A_3512, %slice3A_3511 : vector<128x128xf32>
    %lt3A_3514 = arith.cmpf olt, %sub3A_3513, %select_n3A_3507 : vector<128x128xf32>
    %select_n3A_3515 = arith.select %lt3A_3514, %sub3A_3513, %select_n3A_3507 : vector<128x128xi1>, vector<128x128xf32>
    %jit3A_3516 = arith.constant 61 : i32
    %broadcast_in_dim3A_3517 = vector.broadcast %jit3A_3516 : i32 to vector<128x128xi32>
    %select_n3A_3518 = arith.select %lt3A_3514, %broadcast_in_dim3A_3517, %select_n3A_3510 : vector<128x128xi1>, vector<128x128xi32>
    %slice3A_3519 = vector.extract_strided_slice %dot_general3A_3147 {offsets = [256, 1792], sizes = [128, 128], strides = [1, 1]} : vector<1024x2048xf32> to vector<128x128xf32>
    %sub3A_3520 = vector.broadcast %slice3A_3406 : vector<128x1xf32> to vector<128x128xf32>
    %sub3A_3521 = arith.subf %sub3A_3520, %slice3A_3519 : vector<128x128xf32>
    %lt3A_3522 = arith.cmpf olt, %sub3A_3521, %select_n3A_3515 : vector<128x128xf32>
    %select_n3A_3523 = arith.select %lt3A_3522, %sub3A_3521, %select_n3A_3515 : vector<128x128xi1>, vector<128x128xf32>
    %jit3A_3524 = arith.constant 62 : i32
    %broadcast_in_dim3A_3525 = vector.broadcast %jit3A_3524 : i32 to vector<128x128xi32>
    %select_n3A_3526 = arith.select %lt3A_3522, %broadcast_in_dim3A_3525, %select_n3A_3518 : vector<128x128xi1>, vector<128x128xi32>
    %slice3A_3527 = vector.extract_strided_slice %dot_general3A_3147 {offsets = [256, 1920], sizes = [128, 128], strides = [1, 1]} : vector<1024x2048xf32> to vector<128x128xf32>
    %sub3A_3528 = vector.broadcast %slice3A_3406 : vector<128x1xf32> to vector<128x128xf32>
    %sub3A_3529 = arith.subf %sub3A_3528, %slice3A_3527 : vector<128x128xf32>
    %lt3A_3530 = arith.cmpf olt, %sub3A_3529, %select_n3A_3523 : vector<128x128xf32>
    %select_n3A_3531 = arith.select %lt3A_3530, %sub3A_3529, %select_n3A_3523 : vector<128x128xi1>, vector<128x128xf32>
    %jit3A_3532 = arith.constant 63 : i32
    %broadcast_in_dim3A_3533 = vector.broadcast %jit3A_3532 : i32 to vector<128x128xi32>
    %select_n3A_3534 = arith.select %lt3A_3530, %broadcast_in_dim3A_3533, %select_n3A_3526 : vector<128x128xi1>, vector<128x128xi32>
    %slice3A_3535 = vector.extract_strided_slice %broadcast_in_dim3A {offsets = [384, 0], sizes = [128, 1], strides = [1, 1]} : vector<1024x1xf32> to vector<128x1xf32>
    %slice3A_3536 = vector.extract_strided_slice %dot_general3A_3147 {offsets = [384, 0], sizes = [128, 128], strides = [1, 1]} : vector<1024x2048xf32> to vector<128x128xf32>
    %sub3A_3537 = vector.broadcast %slice3A_3535 : vector<128x1xf32> to vector<128x128xf32>
    %sub3A_3538 = arith.subf %sub3A_3537, %slice3A_3536 : vector<128x128xf32>
    %lt3A_3539 = arith.cmpf olt, %sub3A_3538, %select_n3A_2623 : vector<128x128xf32>
    %select_n3A_3540 = arith.select %lt3A_3539, %sub3A_3538, %select_n3A_2623 : vector<128x128xi1>, vector<128x128xf32>
    %jit3A_3541 = arith.constant 48 : i32
    %broadcast_in_dim3A_3542 = vector.broadcast %jit3A_3541 : i32 to vector<128x128xi32>
    %select_n3A_3543 = arith.select %lt3A_3539, %broadcast_in_dim3A_3542, %select_n3A_2626 : vector<128x128xi1>, vector<128x128xi32>
    %slice3A_3544 = vector.extract_strided_slice %dot_general3A_3147 {offsets = [384, 128], sizes = [128, 128], strides = [1, 1]} : vector<1024x2048xf32> to vector<128x128xf32>
    %sub3A_3545 = vector.broadcast %slice3A_3535 : vector<128x1xf32> to vector<128x128xf32>
    %sub3A_3546 = arith.subf %sub3A_3545, %slice3A_3544 : vector<128x128xf32>
    %lt3A_3547 = arith.cmpf olt, %sub3A_3546, %select_n3A_3540 : vector<128x128xf32>
    %select_n3A_3548 = arith.select %lt3A_3547, %sub3A_3546, %select_n3A_3540 : vector<128x128xi1>, vector<128x128xf32>
    %jit3A_3549 = arith.constant 49 : i32
    %broadcast_in_dim3A_3550 = vector.broadcast %jit3A_3549 : i32 to vector<128x128xi32>
    %select_n3A_3551 = arith.select %lt3A_3547, %broadcast_in_dim3A_3550, %select_n3A_3543 : vector<128x128xi1>, vector<128x128xi32>
    %slice3A_3552 = vector.extract_strided_slice %dot_general3A_3147 {offsets = [384, 256], sizes = [128, 128], strides = [1, 1]} : vector<1024x2048xf32> to vector<128x128xf32>
    %sub3A_3553 = vector.broadcast %slice3A_3535 : vector<128x1xf32> to vector<128x128xf32>
    %sub3A_3554 = arith.subf %sub3A_3553, %slice3A_3552 : vector<128x128xf32>
    %lt3A_3555 = arith.cmpf olt, %sub3A_3554, %select_n3A_3548 : vector<128x128xf32>
    %select_n3A_3556 = arith.select %lt3A_3555, %sub3A_3554, %select_n3A_3548 : vector<128x128xi1>, vector<128x128xf32>
    %jit3A_3557 = arith.constant 50 : i32
    %broadcast_in_dim3A_3558 = vector.broadcast %jit3A_3557 : i32 to vector<128x128xi32>
    %select_n3A_3559 = arith.select %lt3A_3555, %broadcast_in_dim3A_3558, %select_n3A_3551 : vector<128x128xi1>, vector<128x128xi32>
    %slice3A_3560 = vector.extract_strided_slice %dot_general3A_3147 {offsets = [384, 384], sizes = [128, 128], strides = [1, 1]} : vector<1024x2048xf32> to vector<128x128xf32>
    %sub3A_3561 = vector.broadcast %slice3A_3535 : vector<128x1xf32> to vector<128x128xf32>
    %sub3A_3562 = arith.subf %sub3A_3561, %slice3A_3560 : vector<128x128xf32>
    %lt3A_3563 = arith.cmpf olt, %sub3A_3562, %select_n3A_3556 : vector<128x128xf32>
    %select_n3A_3564 = arith.select %lt3A_3563, %sub3A_3562, %select_n3A_3556 : vector<128x128xi1>, vector<128x128xf32>
    %jit3A_3565 = arith.constant 51 : i32
    %broadcast_in_dim3A_3566 = vector.broadcast %jit3A_3565 : i32 to vector<128x128xi32>
    %select_n3A_3567 = arith.select %lt3A_3563, %broadcast_in_dim3A_3566, %select_n3A_3559 : vector<128x128xi1>, vector<128x128xi32>
    %slice3A_3568 = vector.extract_strided_slice %dot_general3A_3147 {offsets = [384, 512], sizes = [128, 128], strides = [1, 1]} : vector<1024x2048xf32> to vector<128x128xf32>
    %sub3A_3569 = vector.broadcast %slice3A_3535 : vector<128x1xf32> to vector<128x128xf32>
    %sub3A_3570 = arith.subf %sub3A_3569, %slice3A_3568 : vector<128x128xf32>
    %lt3A_3571 = arith.cmpf olt, %sub3A_3570, %select_n3A_3564 : vector<128x128xf32>
    %select_n3A_3572 = arith.select %lt3A_3571, %sub3A_3570, %select_n3A_3564 : vector<128x128xi1>, vector<128x128xf32>
    %jit3A_3573 = arith.constant 52 : i32
    %broadcast_in_dim3A_3574 = vector.broadcast %jit3A_3573 : i32 to vector<128x128xi32>
    %select_n3A_3575 = arith.select %lt3A_3571, %broadcast_in_dim3A_3574, %select_n3A_3567 : vector<128x128xi1>, vector<128x128xi32>
    %slice3A_3576 = vector.extract_strided_slice %dot_general3A_3147 {offsets = [384, 640], sizes = [128, 128], strides = [1, 1]} : vector<1024x2048xf32> to vector<128x128xf32>
    %sub3A_3577 = vector.broadcast %slice3A_3535 : vector<128x1xf32> to vector<128x128xf32>
    %sub3A_3578 = arith.subf %sub3A_3577, %slice3A_3576 : vector<128x128xf32>
    %lt3A_3579 = arith.cmpf olt, %sub3A_3578, %select_n3A_3572 : vector<128x128xf32>
    %select_n3A_3580 = arith.select %lt3A_3579, %sub3A_3578, %select_n3A_3572 : vector<128x128xi1>, vector<128x128xf32>
    %jit3A_3581 = arith.constant 53 : i32
    %broadcast_in_dim3A_3582 = vector.broadcast %jit3A_3581 : i32 to vector<128x128xi32>
    %select_n3A_3583 = arith.select %lt3A_3579, %broadcast_in_dim3A_3582, %select_n3A_3575 : vector<128x128xi1>, vector<128x128xi32>
    %slice3A_3584 = vector.extract_strided_slice %dot_general3A_3147 {offsets = [384, 768], sizes = [128, 128], strides = [1, 1]} : vector<1024x2048xf32> to vector<128x128xf32>
    %sub3A_3585 = vector.broadcast %slice3A_3535 : vector<128x1xf32> to vector<128x128xf32>
    %sub3A_3586 = arith.subf %sub3A_3585, %slice3A_3584 : vector<128x128xf32>
    %lt3A_3587 = arith.cmpf olt, %sub3A_3586, %select_n3A_3580 : vector<128x128xf32>
    %select_n3A_3588 = arith.select %lt3A_3587, %sub3A_3586, %select_n3A_3580 : vector<128x128xi1>, vector<128x128xf32>
    %jit3A_3589 = arith.constant 54 : i32
    %broadcast_in_dim3A_3590 = vector.broadcast %jit3A_3589 : i32 to vector<128x128xi32>
    %select_n3A_3591 = arith.select %lt3A_3587, %broadcast_in_dim3A_3590, %select_n3A_3583 : vector<128x128xi1>, vector<128x128xi32>
    %slice3A_3592 = vector.extract_strided_slice %dot_general3A_3147 {offsets = [384, 896], sizes = [128, 128], strides = [1, 1]} : vector<1024x2048xf32> to vector<128x128xf32>
    %sub3A_3593 = vector.broadcast %slice3A_3535 : vector<128x1xf32> to vector<128x128xf32>
    %sub3A_3594 = arith.subf %sub3A_3593, %slice3A_3592 : vector<128x128xf32>
    %lt3A_3595 = arith.cmpf olt, %sub3A_3594, %select_n3A_3588 : vector<128x128xf32>
    %select_n3A_3596 = arith.select %lt3A_3595, %sub3A_3594, %select_n3A_3588 : vector<128x128xi1>, vector<128x128xf32>
    %jit3A_3597 = arith.constant 55 : i32
    %broadcast_in_dim3A_3598 = vector.broadcast %jit3A_3597 : i32 to vector<128x128xi32>
    %select_n3A_3599 = arith.select %lt3A_3595, %broadcast_in_dim3A_3598, %select_n3A_3591 : vector<128x128xi1>, vector<128x128xi32>
    %slice3A_3600 = vector.extract_strided_slice %dot_general3A_3147 {offsets = [384, 1024], sizes = [128, 128], strides = [1, 1]} : vector<1024x2048xf32> to vector<128x128xf32>
    %sub3A_3601 = vector.broadcast %slice3A_3535 : vector<128x1xf32> to vector<128x128xf32>
    %sub3A_3602 = arith.subf %sub3A_3601, %slice3A_3600 : vector<128x128xf32>
    %lt3A_3603 = arith.cmpf olt, %sub3A_3602, %select_n3A_3596 : vector<128x128xf32>
    %select_n3A_3604 = arith.select %lt3A_3603, %sub3A_3602, %select_n3A_3596 : vector<128x128xi1>, vector<128x128xf32>
    %jit3A_3605 = arith.constant 56 : i32
    %broadcast_in_dim3A_3606 = vector.broadcast %jit3A_3605 : i32 to vector<128x128xi32>
    %select_n3A_3607 = arith.select %lt3A_3603, %broadcast_in_dim3A_3606, %select_n3A_3599 : vector<128x128xi1>, vector<128x128xi32>
    %slice3A_3608 = vector.extract_strided_slice %dot_general3A_3147 {offsets = [384, 1152], sizes = [128, 128], strides = [1, 1]} : vector<1024x2048xf32> to vector<128x128xf32>
    %sub3A_3609 = vector.broadcast %slice3A_3535 : vector<128x1xf32> to vector<128x128xf32>
    %sub3A_3610 = arith.subf %sub3A_3609, %slice3A_3608 : vector<128x128xf32>
    %lt3A_3611 = arith.cmpf olt, %sub3A_3610, %select_n3A_3604 : vector<128x128xf32>
    %select_n3A_3612 = arith.select %lt3A_3611, %sub3A_3610, %select_n3A_3604 : vector<128x128xi1>, vector<128x128xf32>
    %jit3A_3613 = arith.constant 57 : i32
    %broadcast_in_dim3A_3614 = vector.broadcast %jit3A_3613 : i32 to vector<128x128xi32>
    %select_n3A_3615 = arith.select %lt3A_3611, %broadcast_in_dim3A_3614, %select_n3A_3607 : vector<128x128xi1>, vector<128x128xi32>
    %slice3A_3616 = vector.extract_strided_slice %dot_general3A_3147 {offsets = [384, 1280], sizes = [128, 128], strides = [1, 1]} : vector<1024x2048xf32> to vector<128x128xf32>
    %sub3A_3617 = vector.broadcast %slice3A_3535 : vector<128x1xf32> to vector<128x128xf32>
    %sub3A_3618 = arith.subf %sub3A_3617, %slice3A_3616 : vector<128x128xf32>
    %lt3A_3619 = arith.cmpf olt, %sub3A_3618, %select_n3A_3612 : vector<128x128xf32>
    %select_n3A_3620 = arith.select %lt3A_3619, %sub3A_3618, %select_n3A_3612 : vector<128x128xi1>, vector<128x128xf32>
    %jit3A_3621 = arith.constant 58 : i32
    %broadcast_in_dim3A_3622 = vector.broadcast %jit3A_3621 : i32 to vector<128x128xi32>
    %select_n3A_3623 = arith.select %lt3A_3619, %broadcast_in_dim3A_3622, %select_n3A_3615 : vector<128x128xi1>, vector<128x128xi32>
    %slice3A_3624 = vector.extract_strided_slice %dot_general3A_3147 {offsets = [384, 1408], sizes = [128, 128], strides = [1, 1]} : vector<1024x2048xf32> to vector<128x128xf32>
    %sub3A_3625 = vector.broadcast %slice3A_3535 : vector<128x1xf32> to vector<128x128xf32>
    %sub3A_3626 = arith.subf %sub3A_3625, %slice3A_3624 : vector<128x128xf32>
    %lt3A_3627 = arith.cmpf olt, %sub3A_3626, %select_n3A_3620 : vector<128x128xf32>
    %select_n3A_3628 = arith.select %lt3A_3627, %sub3A_3626, %select_n3A_3620 : vector<128x128xi1>, vector<128x128xf32>
    %jit3A_3629 = arith.constant 59 : i32
    %broadcast_in_dim3A_3630 = vector.broadcast %jit3A_3629 : i32 to vector<128x128xi32>
    %select_n3A_3631 = arith.select %lt3A_3627, %broadcast_in_dim3A_3630, %select_n3A_3623 : vector<128x128xi1>, vector<128x128xi32>
    %slice3A_3632 = vector.extract_strided_slice %dot_general3A_3147 {offsets = [384, 1536], sizes = [128, 128], strides = [1, 1]} : vector<1024x2048xf32> to vector<128x128xf32>
    %sub3A_3633 = vector.broadcast %slice3A_3535 : vector<128x1xf32> to vector<128x128xf32>
    %sub3A_3634 = arith.subf %sub3A_3633, %slice3A_3632 : vector<128x128xf32>
    %lt3A_3635 = arith.cmpf olt, %sub3A_3634, %select_n3A_3628 : vector<128x128xf32>
    %select_n3A_3636 = arith.select %lt3A_3635, %sub3A_3634, %select_n3A_3628 : vector<128x128xi1>, vector<128x128xf32>
    %jit3A_3637 = arith.constant 60 : i32
    %broadcast_in_dim3A_3638 = vector.broadcast %jit3A_3637 : i32 to vector<128x128xi32>
    %select_n3A_3639 = arith.select %lt3A_3635, %broadcast_in_dim3A_3638, %select_n3A_3631 : vector<128x128xi1>, vector<128x128xi32>
    %slice3A_3640 = vector.extract_strided_slice %dot_general3A_3147 {offsets = [384, 1664], sizes = [128, 128], strides = [1, 1]} : vector<1024x2048xf32> to vector<128x128xf32>
    %sub3A_3641 = vector.broadcast %slice3A_3535 : vector<128x1xf32> to vector<128x128xf32>
    %sub3A_3642 = arith.subf %sub3A_3641, %slice3A_3640 : vector<128x128xf32>
    %lt3A_3643 = arith.cmpf olt, %sub3A_3642, %select_n3A_3636 : vector<128x128xf32>
    %select_n3A_3644 = arith.select %lt3A_3643, %sub3A_3642, %select_n3A_3636 : vector<128x128xi1>, vector<128x128xf32>
    %jit3A_3645 = arith.constant 61 : i32
    %broadcast_in_dim3A_3646 = vector.broadcast %jit3A_3645 : i32 to vector<128x128xi32>
    %select_n3A_3647 = arith.select %lt3A_3643, %broadcast_in_dim3A_3646, %select_n3A_3639 : vector<128x128xi1>, vector<128x128xi32>
    %slice3A_3648 = vector.extract_strided_slice %dot_general3A_3147 {offsets = [384, 1792], sizes = [128, 128], strides = [1, 1]} : vector<1024x2048xf32> to vector<128x128xf32>
    %sub3A_3649 = vector.broadcast %slice3A_3535 : vector<128x1xf32> to vector<128x128xf32>
    %sub3A_3650 = arith.subf %sub3A_3649, %slice3A_3648 : vector<128x128xf32>
    %lt3A_3651 = arith.cmpf olt, %sub3A_3650, %select_n3A_3644 : vector<128x128xf32>
    %select_n3A_3652 = arith.select %lt3A_3651, %sub3A_3650, %select_n3A_3644 : vector<128x128xi1>, vector<128x128xf32>
    %jit3A_3653 = arith.constant 62 : i32
    %broadcast_in_dim3A_3654 = vector.broadcast %jit3A_3653 : i32 to vector<128x128xi32>
    %select_n3A_3655 = arith.select %lt3A_3651, %broadcast_in_dim3A_3654, %select_n3A_3647 : vector<128x128xi1>, vector<128x128xi32>
    %slice3A_3656 = vector.extract_strided_slice %dot_general3A_3147 {offsets = [384, 1920], sizes = [128, 128], strides = [1, 1]} : vector<1024x2048xf32> to vector<128x128xf32>
    %sub3A_3657 = vector.broadcast %slice3A_3535 : vector<128x1xf32> to vector<128x128xf32>
    %sub3A_3658 = arith.subf %sub3A_3657, %slice3A_3656 : vector<128x128xf32>
    %lt3A_3659 = arith.cmpf olt, %sub3A_3658, %select_n3A_3652 : vector<128x128xf32>
    %select_n3A_3660 = arith.select %lt3A_3659, %sub3A_3658, %select_n3A_3652 : vector<128x128xi1>, vector<128x128xf32>
    %jit3A_3661 = arith.constant 63 : i32
    %broadcast_in_dim3A_3662 = vector.broadcast %jit3A_3661 : i32 to vector<128x128xi32>
    %select_n3A_3663 = arith.select %lt3A_3659, %broadcast_in_dim3A_3662, %select_n3A_3655 : vector<128x128xi1>, vector<128x128xi32>
    %slice3A_3664 = vector.extract_strided_slice %broadcast_in_dim3A {offsets = [512, 0], sizes = [128, 1], strides = [1, 1]} : vector<1024x1xf32> to vector<128x1xf32>
    %slice3A_3665 = vector.extract_strided_slice %dot_general3A_3147 {offsets = [512, 0], sizes = [128, 128], strides = [1, 1]} : vector<1024x2048xf32> to vector<128x128xf32>
    %sub3A_3666 = vector.broadcast %slice3A_3664 : vector<128x1xf32> to vector<128x128xf32>
    %sub3A_3667 = arith.subf %sub3A_3666, %slice3A_3665 : vector<128x128xf32>
    %lt3A_3668 = arith.cmpf olt, %sub3A_3667, %select_n3A_2752 : vector<128x128xf32>
    %select_n3A_3669 = arith.select %lt3A_3668, %sub3A_3667, %select_n3A_2752 : vector<128x128xi1>, vector<128x128xf32>
    %jit3A_3670 = arith.constant 48 : i32
    %broadcast_in_dim3A_3671 = vector.broadcast %jit3A_3670 : i32 to vector<128x128xi32>
    %select_n3A_3672 = arith.select %lt3A_3668, %broadcast_in_dim3A_3671, %select_n3A_2755 : vector<128x128xi1>, vector<128x128xi32>
    %slice3A_3673 = vector.extract_strided_slice %dot_general3A_3147 {offsets = [512, 128], sizes = [128, 128], strides = [1, 1]} : vector<1024x2048xf32> to vector<128x128xf32>
    %sub3A_3674 = vector.broadcast %slice3A_3664 : vector<128x1xf32> to vector<128x128xf32>
    %sub3A_3675 = arith.subf %sub3A_3674, %slice3A_3673 : vector<128x128xf32>
    %lt3A_3676 = arith.cmpf olt, %sub3A_3675, %select_n3A_3669 : vector<128x128xf32>
    %select_n3A_3677 = arith.select %lt3A_3676, %sub3A_3675, %select_n3A_3669 : vector<128x128xi1>, vector<128x128xf32>
    %jit3A_3678 = arith.constant 49 : i32
    %broadcast_in_dim3A_3679 = vector.broadcast %jit3A_3678 : i32 to vector<128x128xi32>
    %select_n3A_3680 = arith.select %lt3A_3676, %broadcast_in_dim3A_3679, %select_n3A_3672 : vector<128x128xi1>, vector<128x128xi32>
    %slice3A_3681 = vector.extract_strided_slice %dot_general3A_3147 {offsets = [512, 256], sizes = [128, 128], strides = [1, 1]} : vector<1024x2048xf32> to vector<128x128xf32>
    %sub3A_3682 = vector.broadcast %slice3A_3664 : vector<128x1xf32> to vector<128x128xf32>
    %sub3A_3683 = arith.subf %sub3A_3682, %slice3A_3681 : vector<128x128xf32>
    %lt3A_3684 = arith.cmpf olt, %sub3A_3683, %select_n3A_3677 : vector<128x128xf32>
    %select_n3A_3685 = arith.select %lt3A_3684, %sub3A_3683, %select_n3A_3677 : vector<128x128xi1>, vector<128x128xf32>
    %jit3A_3686 = arith.constant 50 : i32
    %broadcast_in_dim3A_3687 = vector.broadcast %jit3A_3686 : i32 to vector<128x128xi32>
    %select_n3A_3688 = arith.select %lt3A_3684, %broadcast_in_dim3A_3687, %select_n3A_3680 : vector<128x128xi1>, vector<128x128xi32>
    %slice3A_3689 = vector.extract_strided_slice %dot_general3A_3147 {offsets = [512, 384], sizes = [128, 128], strides = [1, 1]} : vector<1024x2048xf32> to vector<128x128xf32>
    %sub3A_3690 = vector.broadcast %slice3A_3664 : vector<128x1xf32> to vector<128x128xf32>
    %sub3A_3691 = arith.subf %sub3A_3690, %slice3A_3689 : vector<128x128xf32>
    %lt3A_3692 = arith.cmpf olt, %sub3A_3691, %select_n3A_3685 : vector<128x128xf32>
    %select_n3A_3693 = arith.select %lt3A_3692, %sub3A_3691, %select_n3A_3685 : vector<128x128xi1>, vector<128x128xf32>
    %jit3A_3694 = arith.constant 51 : i32
    %broadcast_in_dim3A_3695 = vector.broadcast %jit3A_3694 : i32 to vector<128x128xi32>
    %select_n3A_3696 = arith.select %lt3A_3692, %broadcast_in_dim3A_3695, %select_n3A_3688 : vector<128x128xi1>, vector<128x128xi32>
    %slice3A_3697 = vector.extract_strided_slice %dot_general3A_3147 {offsets = [512, 512], sizes = [128, 128], strides = [1, 1]} : vector<1024x2048xf32> to vector<128x128xf32>
    %sub3A_3698 = vector.broadcast %slice3A_3664 : vector<128x1xf32> to vector<128x128xf32>
    %sub3A_3699 = arith.subf %sub3A_3698, %slice3A_3697 : vector<128x128xf32>
    %lt3A_3700 = arith.cmpf olt, %sub3A_3699, %select_n3A_3693 : vector<128x128xf32>
    %select_n3A_3701 = arith.select %lt3A_3700, %sub3A_3699, %select_n3A_3693 : vector<128x128xi1>, vector<128x128xf32>
    %jit3A_3702 = arith.constant 52 : i32
    %broadcast_in_dim3A_3703 = vector.broadcast %jit3A_3702 : i32 to vector<128x128xi32>
    %select_n3A_3704 = arith.select %lt3A_3700, %broadcast_in_dim3A_3703, %select_n3A_3696 : vector<128x128xi1>, vector<128x128xi32>
    %slice3A_3705 = vector.extract_strided_slice %dot_general3A_3147 {offsets = [512, 640], sizes = [128, 128], strides = [1, 1]} : vector<1024x2048xf32> to vector<128x128xf32>
    %sub3A_3706 = vector.broadcast %slice3A_3664 : vector<128x1xf32> to vector<128x128xf32>
    %sub3A_3707 = arith.subf %sub3A_3706, %slice3A_3705 : vector<128x128xf32>
    %lt3A_3708 = arith.cmpf olt, %sub3A_3707, %select_n3A_3701 : vector<128x128xf32>
    %select_n3A_3709 = arith.select %lt3A_3708, %sub3A_3707, %select_n3A_3701 : vector<128x128xi1>, vector<128x128xf32>
    %jit3A_3710 = arith.constant 53 : i32
    %broadcast_in_dim3A_3711 = vector.broadcast %jit3A_3710 : i32 to vector<128x128xi32>
    %select_n3A_3712 = arith.select %lt3A_3708, %broadcast_in_dim3A_3711, %select_n3A_3704 : vector<128x128xi1>, vector<128x128xi32>
    %slice3A_3713 = vector.extract_strided_slice %dot_general3A_3147 {offsets = [512, 768], sizes = [128, 128], strides = [1, 1]} : vector<1024x2048xf32> to vector<128x128xf32>
    %sub3A_3714 = vector.broadcast %slice3A_3664 : vector<128x1xf32> to vector<128x128xf32>
    %sub3A_3715 = arith.subf %sub3A_3714, %slice3A_3713 : vector<128x128xf32>
    %lt3A_3716 = arith.cmpf olt, %sub3A_3715, %select_n3A_3709 : vector<128x128xf32>
    %select_n3A_3717 = arith.select %lt3A_3716, %sub3A_3715, %select_n3A_3709 : vector<128x128xi1>, vector<128x128xf32>
    %jit3A_3718 = arith.constant 54 : i32
    %broadcast_in_dim3A_3719 = vector.broadcast %jit3A_3718 : i32 to vector<128x128xi32>
    %select_n3A_3720 = arith.select %lt3A_3716, %broadcast_in_dim3A_3719, %select_n3A_3712 : vector<128x128xi1>, vector<128x128xi32>
    %slice3A_3721 = vector.extract_strided_slice %dot_general3A_3147 {offsets = [512, 896], sizes = [128, 128], strides = [1, 1]} : vector<1024x2048xf32> to vector<128x128xf32>
    %sub3A_3722 = vector.broadcast %slice3A_3664 : vector<128x1xf32> to vector<128x128xf32>
    %sub3A_3723 = arith.subf %sub3A_3722, %slice3A_3721 : vector<128x128xf32>
    %lt3A_3724 = arith.cmpf olt, %sub3A_3723, %select_n3A_3717 : vector<128x128xf32>
    %select_n3A_3725 = arith.select %lt3A_3724, %sub3A_3723, %select_n3A_3717 : vector<128x128xi1>, vector<128x128xf32>
    %jit3A_3726 = arith.constant 55 : i32
    %broadcast_in_dim3A_3727 = vector.broadcast %jit3A_3726 : i32 to vector<128x128xi32>
    %select_n3A_3728 = arith.select %lt3A_3724, %broadcast_in_dim3A_3727, %select_n3A_3720 : vector<128x128xi1>, vector<128x128xi32>
    %slice3A_3729 = vector.extract_strided_slice %dot_general3A_3147 {offsets = [512, 1024], sizes = [128, 128], strides = [1, 1]} : vector<1024x2048xf32> to vector<128x128xf32>
    %sub3A_3730 = vector.broadcast %slice3A_3664 : vector<128x1xf32> to vector<128x128xf32>
    %sub3A_3731 = arith.subf %sub3A_3730, %slice3A_3729 : vector<128x128xf32>
    %lt3A_3732 = arith.cmpf olt, %sub3A_3731, %select_n3A_3725 : vector<128x128xf32>
    %select_n3A_3733 = arith.select %lt3A_3732, %sub3A_3731, %select_n3A_3725 : vector<128x128xi1>, vector<128x128xf32>
    %jit3A_3734 = arith.constant 56 : i32
    %broadcast_in_dim3A_3735 = vector.broadcast %jit3A_3734 : i32 to vector<128x128xi32>
    %select_n3A_3736 = arith.select %lt3A_3732, %broadcast_in_dim3A_3735, %select_n3A_3728 : vector<128x128xi1>, vector<128x128xi32>
    %slice3A_3737 = vector.extract_strided_slice %dot_general3A_3147 {offsets = [512, 1152], sizes = [128, 128], strides = [1, 1]} : vector<1024x2048xf32> to vector<128x128xf32>
    %sub3A_3738 = vector.broadcast %slice3A_3664 : vector<128x1xf32> to vector<128x128xf32>
    %sub3A_3739 = arith.subf %sub3A_3738, %slice3A_3737 : vector<128x128xf32>
    %lt3A_3740 = arith.cmpf olt, %sub3A_3739, %select_n3A_3733 : vector<128x128xf32>
    %select_n3A_3741 = arith.select %lt3A_3740, %sub3A_3739, %select_n3A_3733 : vector<128x128xi1>, vector<128x128xf32>
    %jit3A_3742 = arith.constant 57 : i32
    %broadcast_in_dim3A_3743 = vector.broadcast %jit3A_3742 : i32 to vector<128x128xi32>
    %select_n3A_3744 = arith.select %lt3A_3740, %broadcast_in_dim3A_3743, %select_n3A_3736 : vector<128x128xi1>, vector<128x128xi32>
    %slice3A_3745 = vector.extract_strided_slice %dot_general3A_3147 {offsets = [512, 1280], sizes = [128, 128], strides = [1, 1]} : vector<1024x2048xf32> to vector<128x128xf32>
    %sub3A_3746 = vector.broadcast %slice3A_3664 : vector<128x1xf32> to vector<128x128xf32>
    %sub3A_3747 = arith.subf %sub3A_3746, %slice3A_3745 : vector<128x128xf32>
    %lt3A_3748 = arith.cmpf olt, %sub3A_3747, %select_n3A_3741 : vector<128x128xf32>
    %select_n3A_3749 = arith.select %lt3A_3748, %sub3A_3747, %select_n3A_3741 : vector<128x128xi1>, vector<128x128xf32>
    %jit3A_3750 = arith.constant 58 : i32
    %broadcast_in_dim3A_3751 = vector.broadcast %jit3A_3750 : i32 to vector<128x128xi32>
    %select_n3A_3752 = arith.select %lt3A_3748, %broadcast_in_dim3A_3751, %select_n3A_3744 : vector<128x128xi1>, vector<128x128xi32>
    %slice3A_3753 = vector.extract_strided_slice %dot_general3A_3147 {offsets = [512, 1408], sizes = [128, 128], strides = [1, 1]} : vector<1024x2048xf32> to vector<128x128xf32>
    %sub3A_3754 = vector.broadcast %slice3A_3664 : vector<128x1xf32> to vector<128x128xf32>
    %sub3A_3755 = arith.subf %sub3A_3754, %slice3A_3753 : vector<128x128xf32>
    %lt3A_3756 = arith.cmpf olt, %sub3A_3755, %select_n3A_3749 : vector<128x128xf32>
    %select_n3A_3757 = arith.select %lt3A_3756, %sub3A_3755, %select_n3A_3749 : vector<128x128xi1>, vector<128x128xf32>
    %jit3A_3758 = arith.constant 59 : i32
    %broadcast_in_dim3A_3759 = vector.broadcast %jit3A_3758 : i32 to vector<128x128xi32>
    %select_n3A_3760 = arith.select %lt3A_3756, %broadcast_in_dim3A_3759, %select_n3A_3752 : vector<128x128xi1>, vector<128x128xi32>
    %slice3A_3761 = vector.extract_strided_slice %dot_general3A_3147 {offsets = [512, 1536], sizes = [128, 128], strides = [1, 1]} : vector<1024x2048xf32> to vector<128x128xf32>
    %sub3A_3762 = vector.broadcast %slice3A_3664 : vector<128x1xf32> to vector<128x128xf32>
    %sub3A_3763 = arith.subf %sub3A_3762, %slice3A_3761 : vector<128x128xf32>
    %lt3A_3764 = arith.cmpf olt, %sub3A_3763, %select_n3A_3757 : vector<128x128xf32>
    %select_n3A_3765 = arith.select %lt3A_3764, %sub3A_3763, %select_n3A_3757 : vector<128x128xi1>, vector<128x128xf32>
    %jit3A_3766 = arith.constant 60 : i32
    %broadcast_in_dim3A_3767 = vector.broadcast %jit3A_3766 : i32 to vector<128x128xi32>
    %select_n3A_3768 = arith.select %lt3A_3764, %broadcast_in_dim3A_3767, %select_n3A_3760 : vector<128x128xi1>, vector<128x128xi32>
    %slice3A_3769 = vector.extract_strided_slice %dot_general3A_3147 {offsets = [512, 1664], sizes = [128, 128], strides = [1, 1]} : vector<1024x2048xf32> to vector<128x128xf32>
    %sub3A_3770 = vector.broadcast %slice3A_3664 : vector<128x1xf32> to vector<128x128xf32>
    %sub3A_3771 = arith.subf %sub3A_3770, %slice3A_3769 : vector<128x128xf32>
    %lt3A_3772 = arith.cmpf olt, %sub3A_3771, %select_n3A_3765 : vector<128x128xf32>
    %select_n3A_3773 = arith.select %lt3A_3772, %sub3A_3771, %select_n3A_3765 : vector<128x128xi1>, vector<128x128xf32>
    %jit3A_3774 = arith.constant 61 : i32
    %broadcast_in_dim3A_3775 = vector.broadcast %jit3A_3774 : i32 to vector<128x128xi32>
    %select_n3A_3776 = arith.select %lt3A_3772, %broadcast_in_dim3A_3775, %select_n3A_3768 : vector<128x128xi1>, vector<128x128xi32>
    %slice3A_3777 = vector.extract_strided_slice %dot_general3A_3147 {offsets = [512, 1792], sizes = [128, 128], strides = [1, 1]} : vector<1024x2048xf32> to vector<128x128xf32>
    %sub3A_3778 = vector.broadcast %slice3A_3664 : vector<128x1xf32> to vector<128x128xf32>
    %sub3A_3779 = arith.subf %sub3A_3778, %slice3A_3777 : vector<128x128xf32>
    %lt3A_3780 = arith.cmpf olt, %sub3A_3779, %select_n3A_3773 : vector<128x128xf32>
    %select_n3A_3781 = arith.select %lt3A_3780, %sub3A_3779, %select_n3A_3773 : vector<128x128xi1>, vector<128x128xf32>
    %jit3A_3782 = arith.constant 62 : i32
    %broadcast_in_dim3A_3783 = vector.broadcast %jit3A_3782 : i32 to vector<128x128xi32>
    %select_n3A_3784 = arith.select %lt3A_3780, %broadcast_in_dim3A_3783, %select_n3A_3776 : vector<128x128xi1>, vector<128x128xi32>
    %slice3A_3785 = vector.extract_strided_slice %dot_general3A_3147 {offsets = [512, 1920], sizes = [128, 128], strides = [1, 1]} : vector<1024x2048xf32> to vector<128x128xf32>
    %sub3A_3786 = vector.broadcast %slice3A_3664 : vector<128x1xf32> to vector<128x128xf32>
    %sub3A_3787 = arith.subf %sub3A_3786, %slice3A_3785 : vector<128x128xf32>
    %lt3A_3788 = arith.cmpf olt, %sub3A_3787, %select_n3A_3781 : vector<128x128xf32>
    %select_n3A_3789 = arith.select %lt3A_3788, %sub3A_3787, %select_n3A_3781 : vector<128x128xi1>, vector<128x128xf32>
    %jit3A_3790 = arith.constant 63 : i32
    %broadcast_in_dim3A_3791 = vector.broadcast %jit3A_3790 : i32 to vector<128x128xi32>
    %select_n3A_3792 = arith.select %lt3A_3788, %broadcast_in_dim3A_3791, %select_n3A_3784 : vector<128x128xi1>, vector<128x128xi32>
    %slice3A_3793 = vector.extract_strided_slice %broadcast_in_dim3A {offsets = [640, 0], sizes = [128, 1], strides = [1, 1]} : vector<1024x1xf32> to vector<128x1xf32>
    %slice3A_3794 = vector.extract_strided_slice %dot_general3A_3147 {offsets = [640, 0], sizes = [128, 128], strides = [1, 1]} : vector<1024x2048xf32> to vector<128x128xf32>
    %sub3A_3795 = vector.broadcast %slice3A_3793 : vector<128x1xf32> to vector<128x128xf32>
    %sub3A_3796 = arith.subf %sub3A_3795, %slice3A_3794 : vector<128x128xf32>
    %lt3A_3797 = arith.cmpf olt, %sub3A_3796, %select_n3A_2881 : vector<128x128xf32>
    %select_n3A_3798 = arith.select %lt3A_3797, %sub3A_3796, %select_n3A_2881 : vector<128x128xi1>, vector<128x128xf32>
    %jit3A_3799 = arith.constant 48 : i32
    %broadcast_in_dim3A_3800 = vector.broadcast %jit3A_3799 : i32 to vector<128x128xi32>
    %select_n3A_3801 = arith.select %lt3A_3797, %broadcast_in_dim3A_3800, %select_n3A_2884 : vector<128x128xi1>, vector<128x128xi32>
    %slice3A_3802 = vector.extract_strided_slice %dot_general3A_3147 {offsets = [640, 128], sizes = [128, 128], strides = [1, 1]} : vector<1024x2048xf32> to vector<128x128xf32>
    %sub3A_3803 = vector.broadcast %slice3A_3793 : vector<128x1xf32> to vector<128x128xf32>
    %sub3A_3804 = arith.subf %sub3A_3803, %slice3A_3802 : vector<128x128xf32>
    %lt3A_3805 = arith.cmpf olt, %sub3A_3804, %select_n3A_3798 : vector<128x128xf32>
    %select_n3A_3806 = arith.select %lt3A_3805, %sub3A_3804, %select_n3A_3798 : vector<128x128xi1>, vector<128x128xf32>
    %jit3A_3807 = arith.constant 49 : i32
    %broadcast_in_dim3A_3808 = vector.broadcast %jit3A_3807 : i32 to vector<128x128xi32>
    %select_n3A_3809 = arith.select %lt3A_3805, %broadcast_in_dim3A_3808, %select_n3A_3801 : vector<128x128xi1>, vector<128x128xi32>
    %slice3A_3810 = vector.extract_strided_slice %dot_general3A_3147 {offsets = [640, 256], sizes = [128, 128], strides = [1, 1]} : vector<1024x2048xf32> to vector<128x128xf32>
    %sub3A_3811 = vector.broadcast %slice3A_3793 : vector<128x1xf32> to vector<128x128xf32>
    %sub3A_3812 = arith.subf %sub3A_3811, %slice3A_3810 : vector<128x128xf32>
    %lt3A_3813 = arith.cmpf olt, %sub3A_3812, %select_n3A_3806 : vector<128x128xf32>
    %select_n3A_3814 = arith.select %lt3A_3813, %sub3A_3812, %select_n3A_3806 : vector<128x128xi1>, vector<128x128xf32>
    %jit3A_3815 = arith.constant 50 : i32
    %broadcast_in_dim3A_3816 = vector.broadcast %jit3A_3815 : i32 to vector<128x128xi32>
    %select_n3A_3817 = arith.select %lt3A_3813, %broadcast_in_dim3A_3816, %select_n3A_3809 : vector<128x128xi1>, vector<128x128xi32>
    %slice3A_3818 = vector.extract_strided_slice %dot_general3A_3147 {offsets = [640, 384], sizes = [128, 128], strides = [1, 1]} : vector<1024x2048xf32> to vector<128x128xf32>
    %sub3A_3819 = vector.broadcast %slice3A_3793 : vector<128x1xf32> to vector<128x128xf32>
    %sub3A_3820 = arith.subf %sub3A_3819, %slice3A_3818 : vector<128x128xf32>
    %lt3A_3821 = arith.cmpf olt, %sub3A_3820, %select_n3A_3814 : vector<128x128xf32>
    %select_n3A_3822 = arith.select %lt3A_3821, %sub3A_3820, %select_n3A_3814 : vector<128x128xi1>, vector<128x128xf32>
    %jit3A_3823 = arith.constant 51 : i32
    %broadcast_in_dim3A_3824 = vector.broadcast %jit3A_3823 : i32 to vector<128x128xi32>
    %select_n3A_3825 = arith.select %lt3A_3821, %broadcast_in_dim3A_3824, %select_n3A_3817 : vector<128x128xi1>, vector<128x128xi32>
    %slice3A_3826 = vector.extract_strided_slice %dot_general3A_3147 {offsets = [640, 512], sizes = [128, 128], strides = [1, 1]} : vector<1024x2048xf32> to vector<128x128xf32>
    %sub3A_3827 = vector.broadcast %slice3A_3793 : vector<128x1xf32> to vector<128x128xf32>
    %sub3A_3828 = arith.subf %sub3A_3827, %slice3A_3826 : vector<128x128xf32>
    %lt3A_3829 = arith.cmpf olt, %sub3A_3828, %select_n3A_3822 : vector<128x128xf32>
    %select_n3A_3830 = arith.select %lt3A_3829, %sub3A_3828, %select_n3A_3822 : vector<128x128xi1>, vector<128x128xf32>
    %jit3A_3831 = arith.constant 52 : i32
    %broadcast_in_dim3A_3832 = vector.broadcast %jit3A_3831 : i32 to vector<128x128xi32>
    %select_n3A_3833 = arith.select %lt3A_3829, %broadcast_in_dim3A_3832, %select_n3A_3825 : vector<128x128xi1>, vector<128x128xi32>
    %slice3A_3834 = vector.extract_strided_slice %dot_general3A_3147 {offsets = [640, 640], sizes = [128, 128], strides = [1, 1]} : vector<1024x2048xf32> to vector<128x128xf32>
    %sub3A_3835 = vector.broadcast %slice3A_3793 : vector<128x1xf32> to vector<128x128xf32>
    %sub3A_3836 = arith.subf %sub3A_3835, %slice3A_3834 : vector<128x128xf32>
    %lt3A_3837 = arith.cmpf olt, %sub3A_3836, %select_n3A_3830 : vector<128x128xf32>
    %select_n3A_3838 = arith.select %lt3A_3837, %sub3A_3836, %select_n3A_3830 : vector<128x128xi1>, vector<128x128xf32>
    %jit3A_3839 = arith.constant 53 : i32
    %broadcast_in_dim3A_3840 = vector.broadcast %jit3A_3839 : i32 to vector<128x128xi32>
    %select_n3A_3841 = arith.select %lt3A_3837, %broadcast_in_dim3A_3840, %select_n3A_3833 : vector<128x128xi1>, vector<128x128xi32>
    %slice3A_3842 = vector.extract_strided_slice %dot_general3A_3147 {offsets = [640, 768], sizes = [128, 128], strides = [1, 1]} : vector<1024x2048xf32> to vector<128x128xf32>
    %sub3A_3843 = vector.broadcast %slice3A_3793 : vector<128x1xf32> to vector<128x128xf32>
    %sub3A_3844 = arith.subf %sub3A_3843, %slice3A_3842 : vector<128x128xf32>
    %lt3A_3845 = arith.cmpf olt, %sub3A_3844, %select_n3A_3838 : vector<128x128xf32>
    %select_n3A_3846 = arith.select %lt3A_3845, %sub3A_3844, %select_n3A_3838 : vector<128x128xi1>, vector<128x128xf32>
    %jit3A_3847 = arith.constant 54 : i32
    %broadcast_in_dim3A_3848 = vector.broadcast %jit3A_3847 : i32 to vector<128x128xi32>
    %select_n3A_3849 = arith.select %lt3A_3845, %broadcast_in_dim3A_3848, %select_n3A_3841 : vector<128x128xi1>, vector<128x128xi32>
    %slice3A_3850 = vector.extract_strided_slice %dot_general3A_3147 {offsets = [640, 896], sizes = [128, 128], strides = [1, 1]} : vector<1024x2048xf32> to vector<128x128xf32>
    %sub3A_3851 = vector.broadcast %slice3A_3793 : vector<128x1xf32> to vector<128x128xf32>
    %sub3A_3852 = arith.subf %sub3A_3851, %slice3A_3850 : vector<128x128xf32>
    %lt3A_3853 = arith.cmpf olt, %sub3A_3852, %select_n3A_3846 : vector<128x128xf32>
    %select_n3A_3854 = arith.select %lt3A_3853, %sub3A_3852, %select_n3A_3846 : vector<128x128xi1>, vector<128x128xf32>
    %jit3A_3855 = arith.constant 55 : i32
    %broadcast_in_dim3A_3856 = vector.broadcast %jit3A_3855 : i32 to vector<128x128xi32>
    %select_n3A_3857 = arith.select %lt3A_3853, %broadcast_in_dim3A_3856, %select_n3A_3849 : vector<128x128xi1>, vector<128x128xi32>
    %slice3A_3858 = vector.extract_strided_slice %dot_general3A_3147 {offsets = [640, 1024], sizes = [128, 128], strides = [1, 1]} : vector<1024x2048xf32> to vector<128x128xf32>
    %sub3A_3859 = vector.broadcast %slice3A_3793 : vector<128x1xf32> to vector<128x128xf32>
    %sub3A_3860 = arith.subf %sub3A_3859, %slice3A_3858 : vector<128x128xf32>
    %lt3A_3861 = arith.cmpf olt, %sub3A_3860, %select_n3A_3854 : vector<128x128xf32>
    %select_n3A_3862 = arith.select %lt3A_3861, %sub3A_3860, %select_n3A_3854 : vector<128x128xi1>, vector<128x128xf32>
    %jit3A_3863 = arith.constant 56 : i32
    %broadcast_in_dim3A_3864 = vector.broadcast %jit3A_3863 : i32 to vector<128x128xi32>
    %select_n3A_3865 = arith.select %lt3A_3861, %broadcast_in_dim3A_3864, %select_n3A_3857 : vector<128x128xi1>, vector<128x128xi32>
    %slice3A_3866 = vector.extract_strided_slice %dot_general3A_3147 {offsets = [640, 1152], sizes = [128, 128], strides = [1, 1]} : vector<1024x2048xf32> to vector<128x128xf32>
    %sub3A_3867 = vector.broadcast %slice3A_3793 : vector<128x1xf32> to vector<128x128xf32>
    %sub3A_3868 = arith.subf %sub3A_3867, %slice3A_3866 : vector<128x128xf32>
    %lt3A_3869 = arith.cmpf olt, %sub3A_3868, %select_n3A_3862 : vector<128x128xf32>
    %select_n3A_3870 = arith.select %lt3A_3869, %sub3A_3868, %select_n3A_3862 : vector<128x128xi1>, vector<128x128xf32>
    %jit3A_3871 = arith.constant 57 : i32
    %broadcast_in_dim3A_3872 = vector.broadcast %jit3A_3871 : i32 to vector<128x128xi32>
    %select_n3A_3873 = arith.select %lt3A_3869, %broadcast_in_dim3A_3872, %select_n3A_3865 : vector<128x128xi1>, vector<128x128xi32>
    %slice3A_3874 = vector.extract_strided_slice %dot_general3A_3147 {offsets = [640, 1280], sizes = [128, 128], strides = [1, 1]} : vector<1024x2048xf32> to vector<128x128xf32>
    %sub3A_3875 = vector.broadcast %slice3A_3793 : vector<128x1xf32> to vector<128x128xf32>
    %sub3A_3876 = arith.subf %sub3A_3875, %slice3A_3874 : vector<128x128xf32>
    %lt3A_3877 = arith.cmpf olt, %sub3A_3876, %select_n3A_3870 : vector<128x128xf32>
    %select_n3A_3878 = arith.select %lt3A_3877, %sub3A_3876, %select_n3A_3870 : vector<128x128xi1>, vector<128x128xf32>
    %jit3A_3879 = arith.constant 58 : i32
    %broadcast_in_dim3A_3880 = vector.broadcast %jit3A_3879 : i32 to vector<128x128xi32>
    %select_n3A_3881 = arith.select %lt3A_3877, %broadcast_in_dim3A_3880, %select_n3A_3873 : vector<128x128xi1>, vector<128x128xi32>
    %slice3A_3882 = vector.extract_strided_slice %dot_general3A_3147 {offsets = [640, 1408], sizes = [128, 128], strides = [1, 1]} : vector<1024x2048xf32> to vector<128x128xf32>
    %sub3A_3883 = vector.broadcast %slice3A_3793 : vector<128x1xf32> to vector<128x128xf32>
    %sub3A_3884 = arith.subf %sub3A_3883, %slice3A_3882 : vector<128x128xf32>
    %lt3A_3885 = arith.cmpf olt, %sub3A_3884, %select_n3A_3878 : vector<128x128xf32>
    %select_n3A_3886 = arith.select %lt3A_3885, %sub3A_3884, %select_n3A_3878 : vector<128x128xi1>, vector<128x128xf32>
    %jit3A_3887 = arith.constant 59 : i32
    %broadcast_in_dim3A_3888 = vector.broadcast %jit3A_3887 : i32 to vector<128x128xi32>
    %select_n3A_3889 = arith.select %lt3A_3885, %broadcast_in_dim3A_3888, %select_n3A_3881 : vector<128x128xi1>, vector<128x128xi32>
    %slice3A_3890 = vector.extract_strided_slice %dot_general3A_3147 {offsets = [640, 1536], sizes = [128, 128], strides = [1, 1]} : vector<1024x2048xf32> to vector<128x128xf32>
    %sub3A_3891 = vector.broadcast %slice3A_3793 : vector<128x1xf32> to vector<128x128xf32>
    %sub3A_3892 = arith.subf %sub3A_3891, %slice3A_3890 : vector<128x128xf32>
    %lt3A_3893 = arith.cmpf olt, %sub3A_3892, %select_n3A_3886 : vector<128x128xf32>
    %select_n3A_3894 = arith.select %lt3A_3893, %sub3A_3892, %select_n3A_3886 : vector<128x128xi1>, vector<128x128xf32>
    %jit3A_3895 = arith.constant 60 : i32
    %broadcast_in_dim3A_3896 = vector.broadcast %jit3A_3895 : i32 to vector<128x128xi32>
    %select_n3A_3897 = arith.select %lt3A_3893, %broadcast_in_dim3A_3896, %select_n3A_3889 : vector<128x128xi1>, vector<128x128xi32>
    %slice3A_3898 = vector.extract_strided_slice %dot_general3A_3147 {offsets = [640, 1664], sizes = [128, 128], strides = [1, 1]} : vector<1024x2048xf32> to vector<128x128xf32>
    %sub3A_3899 = vector.broadcast %slice3A_3793 : vector<128x1xf32> to vector<128x128xf32>
    %sub3A_3900 = arith.subf %sub3A_3899, %slice3A_3898 : vector<128x128xf32>
    %lt3A_3901 = arith.cmpf olt, %sub3A_3900, %select_n3A_3894 : vector<128x128xf32>
    %select_n3A_3902 = arith.select %lt3A_3901, %sub3A_3900, %select_n3A_3894 : vector<128x128xi1>, vector<128x128xf32>
    %jit3A_3903 = arith.constant 61 : i32
    %broadcast_in_dim3A_3904 = vector.broadcast %jit3A_3903 : i32 to vector<128x128xi32>
    %select_n3A_3905 = arith.select %lt3A_3901, %broadcast_in_dim3A_3904, %select_n3A_3897 : vector<128x128xi1>, vector<128x128xi32>
    %slice3A_3906 = vector.extract_strided_slice %dot_general3A_3147 {offsets = [640, 1792], sizes = [128, 128], strides = [1, 1]} : vector<1024x2048xf32> to vector<128x128xf32>
    %sub3A_3907 = vector.broadcast %slice3A_3793 : vector<128x1xf32> to vector<128x128xf32>
    %sub3A_3908 = arith.subf %sub3A_3907, %slice3A_3906 : vector<128x128xf32>
    %lt3A_3909 = arith.cmpf olt, %sub3A_3908, %select_n3A_3902 : vector<128x128xf32>
    %select_n3A_3910 = arith.select %lt3A_3909, %sub3A_3908, %select_n3A_3902 : vector<128x128xi1>, vector<128x128xf32>
    %jit3A_3911 = arith.constant 62 : i32
    %broadcast_in_dim3A_3912 = vector.broadcast %jit3A_3911 : i32 to vector<128x128xi32>
    %select_n3A_3913 = arith.select %lt3A_3909, %broadcast_in_dim3A_3912, %select_n3A_3905 : vector<128x128xi1>, vector<128x128xi32>
    %slice3A_3914 = vector.extract_strided_slice %dot_general3A_3147 {offsets = [640, 1920], sizes = [128, 128], strides = [1, 1]} : vector<1024x2048xf32> to vector<128x128xf32>
    %sub3A_3915 = vector.broadcast %slice3A_3793 : vector<128x1xf32> to vector<128x128xf32>
    %sub3A_3916 = arith.subf %sub3A_3915, %slice3A_3914 : vector<128x128xf32>
    %lt3A_3917 = arith.cmpf olt, %sub3A_3916, %select_n3A_3910 : vector<128x128xf32>
    %select_n3A_3918 = arith.select %lt3A_3917, %sub3A_3916, %select_n3A_3910 : vector<128x128xi1>, vector<128x128xf32>
    %jit3A_3919 = arith.constant 63 : i32
    %broadcast_in_dim3A_3920 = vector.broadcast %jit3A_3919 : i32 to vector<128x128xi32>
    %select_n3A_3921 = arith.select %lt3A_3917, %broadcast_in_dim3A_3920, %select_n3A_3913 : vector<128x128xi1>, vector<128x128xi32>
    %slice3A_3922 = vector.extract_strided_slice %broadcast_in_dim3A {offsets = [768, 0], sizes = [128, 1], strides = [1, 1]} : vector<1024x1xf32> to vector<128x1xf32>
    %slice3A_3923 = vector.extract_strided_slice %dot_general3A_3147 {offsets = [768, 0], sizes = [128, 128], strides = [1, 1]} : vector<1024x2048xf32> to vector<128x128xf32>
    %sub3A_3924 = vector.broadcast %slice3A_3922 : vector<128x1xf32> to vector<128x128xf32>
    %sub3A_3925 = arith.subf %sub3A_3924, %slice3A_3923 : vector<128x128xf32>
    %lt3A_3926 = arith.cmpf olt, %sub3A_3925, %select_n3A_3010 : vector<128x128xf32>
    %select_n3A_3927 = arith.select %lt3A_3926, %sub3A_3925, %select_n3A_3010 : vector<128x128xi1>, vector<128x128xf32>
    %jit3A_3928 = arith.constant 48 : i32
    %broadcast_in_dim3A_3929 = vector.broadcast %jit3A_3928 : i32 to vector<128x128xi32>
    %select_n3A_3930 = arith.select %lt3A_3926, %broadcast_in_dim3A_3929, %select_n3A_3013 : vector<128x128xi1>, vector<128x128xi32>
    %slice3A_3931 = vector.extract_strided_slice %dot_general3A_3147 {offsets = [768, 128], sizes = [128, 128], strides = [1, 1]} : vector<1024x2048xf32> to vector<128x128xf32>
    %sub3A_3932 = vector.broadcast %slice3A_3922 : vector<128x1xf32> to vector<128x128xf32>
    %sub3A_3933 = arith.subf %sub3A_3932, %slice3A_3931 : vector<128x128xf32>
    %lt3A_3934 = arith.cmpf olt, %sub3A_3933, %select_n3A_3927 : vector<128x128xf32>
    %select_n3A_3935 = arith.select %lt3A_3934, %sub3A_3933, %select_n3A_3927 : vector<128x128xi1>, vector<128x128xf32>
    %jit3A_3936 = arith.constant 49 : i32
    %broadcast_in_dim3A_3937 = vector.broadcast %jit3A_3936 : i32 to vector<128x128xi32>
    %select_n3A_3938 = arith.select %lt3A_3934, %broadcast_in_dim3A_3937, %select_n3A_3930 : vector<128x128xi1>, vector<128x128xi32>
    %slice3A_3939 = vector.extract_strided_slice %dot_general3A_3147 {offsets = [768, 256], sizes = [128, 128], strides = [1, 1]} : vector<1024x2048xf32> to vector<128x128xf32>
    %sub3A_3940 = vector.broadcast %slice3A_3922 : vector<128x1xf32> to vector<128x128xf32>
    %sub3A_3941 = arith.subf %sub3A_3940, %slice3A_3939 : vector<128x128xf32>
    %lt3A_3942 = arith.cmpf olt, %sub3A_3941, %select_n3A_3935 : vector<128x128xf32>
    %select_n3A_3943 = arith.select %lt3A_3942, %sub3A_3941, %select_n3A_3935 : vector<128x128xi1>, vector<128x128xf32>
    %jit3A_3944 = arith.constant 50 : i32
    %broadcast_in_dim3A_3945 = vector.broadcast %jit3A_3944 : i32 to vector<128x128xi32>
    %select_n3A_3946 = arith.select %lt3A_3942, %broadcast_in_dim3A_3945, %select_n3A_3938 : vector<128x128xi1>, vector<128x128xi32>
    %slice3A_3947 = vector.extract_strided_slice %dot_general3A_3147 {offsets = [768, 384], sizes = [128, 128], strides = [1, 1]} : vector<1024x2048xf32> to vector<128x128xf32>
    %sub3A_3948 = vector.broadcast %slice3A_3922 : vector<128x1xf32> to vector<128x128xf32>
    %sub3A_3949 = arith.subf %sub3A_3948, %slice3A_3947 : vector<128x128xf32>
    %lt3A_3950 = arith.cmpf olt, %sub3A_3949, %select_n3A_3943 : vector<128x128xf32>
    %select_n3A_3951 = arith.select %lt3A_3950, %sub3A_3949, %select_n3A_3943 : vector<128x128xi1>, vector<128x128xf32>
    %jit3A_3952 = arith.constant 51 : i32
    %broadcast_in_dim3A_3953 = vector.broadcast %jit3A_3952 : i32 to vector<128x128xi32>
    %select_n3A_3954 = arith.select %lt3A_3950, %broadcast_in_dim3A_3953, %select_n3A_3946 : vector<128x128xi1>, vector<128x128xi32>
    %slice3A_3955 = vector.extract_strided_slice %dot_general3A_3147 {offsets = [768, 512], sizes = [128, 128], strides = [1, 1]} : vector<1024x2048xf32> to vector<128x128xf32>
    %sub3A_3956 = vector.broadcast %slice3A_3922 : vector<128x1xf32> to vector<128x128xf32>
    %sub3A_3957 = arith.subf %sub3A_3956, %slice3A_3955 : vector<128x128xf32>
    %lt3A_3958 = arith.cmpf olt, %sub3A_3957, %select_n3A_3951 : vector<128x128xf32>
    %select_n3A_3959 = arith.select %lt3A_3958, %sub3A_3957, %select_n3A_3951 : vector<128x128xi1>, vector<128x128xf32>
    %jit3A_3960 = arith.constant 52 : i32
    %broadcast_in_dim3A_3961 = vector.broadcast %jit3A_3960 : i32 to vector<128x128xi32>
    %select_n3A_3962 = arith.select %lt3A_3958, %broadcast_in_dim3A_3961, %select_n3A_3954 : vector<128x128xi1>, vector<128x128xi32>
    %slice3A_3963 = vector.extract_strided_slice %dot_general3A_3147 {offsets = [768, 640], sizes = [128, 128], strides = [1, 1]} : vector<1024x2048xf32> to vector<128x128xf32>
    %sub3A_3964 = vector.broadcast %slice3A_3922 : vector<128x1xf32> to vector<128x128xf32>
    %sub3A_3965 = arith.subf %sub3A_3964, %slice3A_3963 : vector<128x128xf32>
    %lt3A_3966 = arith.cmpf olt, %sub3A_3965, %select_n3A_3959 : vector<128x128xf32>
    %select_n3A_3967 = arith.select %lt3A_3966, %sub3A_3965, %select_n3A_3959 : vector<128x128xi1>, vector<128x128xf32>
    %jit3A_3968 = arith.constant 53 : i32
    %broadcast_in_dim3A_3969 = vector.broadcast %jit3A_3968 : i32 to vector<128x128xi32>
    %select_n3A_3970 = arith.select %lt3A_3966, %broadcast_in_dim3A_3969, %select_n3A_3962 : vector<128x128xi1>, vector<128x128xi32>
    %slice3A_3971 = vector.extract_strided_slice %dot_general3A_3147 {offsets = [768, 768], sizes = [128, 128], strides = [1, 1]} : vector<1024x2048xf32> to vector<128x128xf32>
    %sub3A_3972 = vector.broadcast %slice3A_3922 : vector<128x1xf32> to vector<128x128xf32>
    %sub3A_3973 = arith.subf %sub3A_3972, %slice3A_3971 : vector<128x128xf32>
    %lt3A_3974 = arith.cmpf olt, %sub3A_3973, %select_n3A_3967 : vector<128x128xf32>
    %select_n3A_3975 = arith.select %lt3A_3974, %sub3A_3973, %select_n3A_3967 : vector<128x128xi1>, vector<128x128xf32>
    %jit3A_3976 = arith.constant 54 : i32
    %broadcast_in_dim3A_3977 = vector.broadcast %jit3A_3976 : i32 to vector<128x128xi32>
    %select_n3A_3978 = arith.select %lt3A_3974, %broadcast_in_dim3A_3977, %select_n3A_3970 : vector<128x128xi1>, vector<128x128xi32>
    %slice3A_3979 = vector.extract_strided_slice %dot_general3A_3147 {offsets = [768, 896], sizes = [128, 128], strides = [1, 1]} : vector<1024x2048xf32> to vector<128x128xf32>
    %sub3A_3980 = vector.broadcast %slice3A_3922 : vector<128x1xf32> to vector<128x128xf32>
    %sub3A_3981 = arith.subf %sub3A_3980, %slice3A_3979 : vector<128x128xf32>
    %lt3A_3982 = arith.cmpf olt, %sub3A_3981, %select_n3A_3975 : vector<128x128xf32>
    %select_n3A_3983 = arith.select %lt3A_3982, %sub3A_3981, %select_n3A_3975 : vector<128x128xi1>, vector<128x128xf32>
    %jit3A_3984 = arith.constant 55 : i32
    %broadcast_in_dim3A_3985 = vector.broadcast %jit3A_3984 : i32 to vector<128x128xi32>
    %select_n3A_3986 = arith.select %lt3A_3982, %broadcast_in_dim3A_3985, %select_n3A_3978 : vector<128x128xi1>, vector<128x128xi32>
    %slice3A_3987 = vector.extract_strided_slice %dot_general3A_3147 {offsets = [768, 1024], sizes = [128, 128], strides = [1, 1]} : vector<1024x2048xf32> to vector<128x128xf32>
    %sub3A_3988 = vector.broadcast %slice3A_3922 : vector<128x1xf32> to vector<128x128xf32>
    %sub3A_3989 = arith.subf %sub3A_3988, %slice3A_3987 : vector<128x128xf32>
    %lt3A_3990 = arith.cmpf olt, %sub3A_3989, %select_n3A_3983 : vector<128x128xf32>
    %select_n3A_3991 = arith.select %lt3A_3990, %sub3A_3989, %select_n3A_3983 : vector<128x128xi1>, vector<128x128xf32>
    %jit3A_3992 = arith.constant 56 : i32
    %broadcast_in_dim3A_3993 = vector.broadcast %jit3A_3992 : i32 to vector<128x128xi32>
    %select_n3A_3994 = arith.select %lt3A_3990, %broadcast_in_dim3A_3993, %select_n3A_3986 : vector<128x128xi1>, vector<128x128xi32>
    %slice3A_3995 = vector.extract_strided_slice %dot_general3A_3147 {offsets = [768, 1152], sizes = [128, 128], strides = [1, 1]} : vector<1024x2048xf32> to vector<128x128xf32>
    %sub3A_3996 = vector.broadcast %slice3A_3922 : vector<128x1xf32> to vector<128x128xf32>
    %sub3A_3997 = arith.subf %sub3A_3996, %slice3A_3995 : vector<128x128xf32>
    %lt3A_3998 = arith.cmpf olt, %sub3A_3997, %select_n3A_3991 : vector<128x128xf32>
    %select_n3A_3999 = arith.select %lt3A_3998, %sub3A_3997, %select_n3A_3991 : vector<128x128xi1>, vector<128x128xf32>
    %jit3A_4000 = arith.constant 57 : i32
    %broadcast_in_dim3A_4001 = vector.broadcast %jit3A_4000 : i32 to vector<128x128xi32>
    %select_n3A_4002 = arith.select %lt3A_3998, %broadcast_in_dim3A_4001, %select_n3A_3994 : vector<128x128xi1>, vector<128x128xi32>
    %slice3A_4003 = vector.extract_strided_slice %dot_general3A_3147 {offsets = [768, 1280], sizes = [128, 128], strides = [1, 1]} : vector<1024x2048xf32> to vector<128x128xf32>
    %sub3A_4004 = vector.broadcast %slice3A_3922 : vector<128x1xf32> to vector<128x128xf32>
    %sub3A_4005 = arith.subf %sub3A_4004, %slice3A_4003 : vector<128x128xf32>
    %lt3A_4006 = arith.cmpf olt, %sub3A_4005, %select_n3A_3999 : vector<128x128xf32>
    %select_n3A_4007 = arith.select %lt3A_4006, %sub3A_4005, %select_n3A_3999 : vector<128x128xi1>, vector<128x128xf32>
    %jit3A_4008 = arith.constant 58 : i32
    %broadcast_in_dim3A_4009 = vector.broadcast %jit3A_4008 : i32 to vector<128x128xi32>
    %select_n3A_4010 = arith.select %lt3A_4006, %broadcast_in_dim3A_4009, %select_n3A_4002 : vector<128x128xi1>, vector<128x128xi32>
    %slice3A_4011 = vector.extract_strided_slice %dot_general3A_3147 {offsets = [768, 1408], sizes = [128, 128], strides = [1, 1]} : vector<1024x2048xf32> to vector<128x128xf32>
    %sub3A_4012 = vector.broadcast %slice3A_3922 : vector<128x1xf32> to vector<128x128xf32>
    %sub3A_4013 = arith.subf %sub3A_4012, %slice3A_4011 : vector<128x128xf32>
    %lt3A_4014 = arith.cmpf olt, %sub3A_4013, %select_n3A_4007 : vector<128x128xf32>
    %select_n3A_4015 = arith.select %lt3A_4014, %sub3A_4013, %select_n3A_4007 : vector<128x128xi1>, vector<128x128xf32>
    %jit3A_4016 = arith.constant 59 : i32
    %broadcast_in_dim3A_4017 = vector.broadcast %jit3A_4016 : i32 to vector<128x128xi32>
    %select_n3A_4018 = arith.select %lt3A_4014, %broadcast_in_dim3A_4017, %select_n3A_4010 : vector<128x128xi1>, vector<128x128xi32>
    %slice3A_4019 = vector.extract_strided_slice %dot_general3A_3147 {offsets = [768, 1536], sizes = [128, 128], strides = [1, 1]} : vector<1024x2048xf32> to vector<128x128xf32>
    %sub3A_4020 = vector.broadcast %slice3A_3922 : vector<128x1xf32> to vector<128x128xf32>
    %sub3A_4021 = arith.subf %sub3A_4020, %slice3A_4019 : vector<128x128xf32>
    %lt3A_4022 = arith.cmpf olt, %sub3A_4021, %select_n3A_4015 : vector<128x128xf32>
    %select_n3A_4023 = arith.select %lt3A_4022, %sub3A_4021, %select_n3A_4015 : vector<128x128xi1>, vector<128x128xf32>
    %jit3A_4024 = arith.constant 60 : i32
    %broadcast_in_dim3A_4025 = vector.broadcast %jit3A_4024 : i32 to vector<128x128xi32>
    %select_n3A_4026 = arith.select %lt3A_4022, %broadcast_in_dim3A_4025, %select_n3A_4018 : vector<128x128xi1>, vector<128x128xi32>
    %slice3A_4027 = vector.extract_strided_slice %dot_general3A_3147 {offsets = [768, 1664], sizes = [128, 128], strides = [1, 1]} : vector<1024x2048xf32> to vector<128x128xf32>
    %sub3A_4028 = vector.broadcast %slice3A_3922 : vector<128x1xf32> to vector<128x128xf32>
    %sub3A_4029 = arith.subf %sub3A_4028, %slice3A_4027 : vector<128x128xf32>
    %lt3A_4030 = arith.cmpf olt, %sub3A_4029, %select_n3A_4023 : vector<128x128xf32>
    %select_n3A_4031 = arith.select %lt3A_4030, %sub3A_4029, %select_n3A_4023 : vector<128x128xi1>, vector<128x128xf32>
    %jit3A_4032 = arith.constant 61 : i32
    %broadcast_in_dim3A_4033 = vector.broadcast %jit3A_4032 : i32 to vector<128x128xi32>
    %select_n3A_4034 = arith.select %lt3A_4030, %broadcast_in_dim3A_4033, %select_n3A_4026 : vector<128x128xi1>, vector<128x128xi32>
    %slice3A_4035 = vector.extract_strided_slice %dot_general3A_3147 {offsets = [768, 1792], sizes = [128, 128], strides = [1, 1]} : vector<1024x2048xf32> to vector<128x128xf32>
    %sub3A_4036 = vector.broadcast %slice3A_3922 : vector<128x1xf32> to vector<128x128xf32>
    %sub3A_4037 = arith.subf %sub3A_4036, %slice3A_4035 : vector<128x128xf32>
    %lt3A_4038 = arith.cmpf olt, %sub3A_4037, %select_n3A_4031 : vector<128x128xf32>
    %select_n3A_4039 = arith.select %lt3A_4038, %sub3A_4037, %select_n3A_4031 : vector<128x128xi1>, vector<128x128xf32>
    %jit3A_4040 = arith.constant 62 : i32
    %broadcast_in_dim3A_4041 = vector.broadcast %jit3A_4040 : i32 to vector<128x128xi32>
    %select_n3A_4042 = arith.select %lt3A_4038, %broadcast_in_dim3A_4041, %select_n3A_4034 : vector<128x128xi1>, vector<128x128xi32>
    %slice3A_4043 = vector.extract_strided_slice %dot_general3A_3147 {offsets = [768, 1920], sizes = [128, 128], strides = [1, 1]} : vector<1024x2048xf32> to vector<128x128xf32>
    %sub3A_4044 = vector.broadcast %slice3A_3922 : vector<128x1xf32> to vector<128x128xf32>
    %sub3A_4045 = arith.subf %sub3A_4044, %slice3A_4043 : vector<128x128xf32>
    %lt3A_4046 = arith.cmpf olt, %sub3A_4045, %select_n3A_4039 : vector<128x128xf32>
    %select_n3A_4047 = arith.select %lt3A_4046, %sub3A_4045, %select_n3A_4039 : vector<128x128xi1>, vector<128x128xf32>
    %jit3A_4048 = arith.constant 63 : i32
    %broadcast_in_dim3A_4049 = vector.broadcast %jit3A_4048 : i32 to vector<128x128xi32>
    %select_n3A_4050 = arith.select %lt3A_4046, %broadcast_in_dim3A_4049, %select_n3A_4042 : vector<128x128xi1>, vector<128x128xi32>
    %slice3A_4051 = vector.extract_strided_slice %broadcast_in_dim3A {offsets = [896, 0], sizes = [128, 1], strides = [1, 1]} : vector<1024x1xf32> to vector<128x1xf32>
    %slice3A_4052 = vector.extract_strided_slice %dot_general3A_3147 {offsets = [896, 0], sizes = [128, 128], strides = [1, 1]} : vector<1024x2048xf32> to vector<128x128xf32>
    %sub3A_4053 = vector.broadcast %slice3A_4051 : vector<128x1xf32> to vector<128x128xf32>
    %sub3A_4054 = arith.subf %sub3A_4053, %slice3A_4052 : vector<128x128xf32>
    %lt3A_4055 = arith.cmpf olt, %sub3A_4054, %select_n3A_3139 : vector<128x128xf32>
    %select_n3A_4056 = arith.select %lt3A_4055, %sub3A_4054, %select_n3A_3139 : vector<128x128xi1>, vector<128x128xf32>
    %jit3A_4057 = arith.constant 48 : i32
    %broadcast_in_dim3A_4058 = vector.broadcast %jit3A_4057 : i32 to vector<128x128xi32>
    %select_n3A_4059 = arith.select %lt3A_4055, %broadcast_in_dim3A_4058, %select_n3A_3142 : vector<128x128xi1>, vector<128x128xi32>
    %slice3A_4060 = vector.extract_strided_slice %dot_general3A_3147 {offsets = [896, 128], sizes = [128, 128], strides = [1, 1]} : vector<1024x2048xf32> to vector<128x128xf32>
    %sub3A_4061 = vector.broadcast %slice3A_4051 : vector<128x1xf32> to vector<128x128xf32>
    %sub3A_4062 = arith.subf %sub3A_4061, %slice3A_4060 : vector<128x128xf32>
    %lt3A_4063 = arith.cmpf olt, %sub3A_4062, %select_n3A_4056 : vector<128x128xf32>
    %select_n3A_4064 = arith.select %lt3A_4063, %sub3A_4062, %select_n3A_4056 : vector<128x128xi1>, vector<128x128xf32>
    %jit3A_4065 = arith.constant 49 : i32
    %broadcast_in_dim3A_4066 = vector.broadcast %jit3A_4065 : i32 to vector<128x128xi32>
    %select_n3A_4067 = arith.select %lt3A_4063, %broadcast_in_dim3A_4066, %select_n3A_4059 : vector<128x128xi1>, vector<128x128xi32>
    %slice3A_4068 = vector.extract_strided_slice %dot_general3A_3147 {offsets = [896, 256], sizes = [128, 128], strides = [1, 1]} : vector<1024x2048xf32> to vector<128x128xf32>
    %sub3A_4069 = vector.broadcast %slice3A_4051 : vector<128x1xf32> to vector<128x128xf32>
    %sub3A_4070 = arith.subf %sub3A_4069, %slice3A_4068 : vector<128x128xf32>
    %lt3A_4071 = arith.cmpf olt, %sub3A_4070, %select_n3A_4064 : vector<128x128xf32>
    %select_n3A_4072 = arith.select %lt3A_4071, %sub3A_4070, %select_n3A_4064 : vector<128x128xi1>, vector<128x128xf32>
    %jit3A_4073 = arith.constant 50 : i32
    %broadcast_in_dim3A_4074 = vector.broadcast %jit3A_4073 : i32 to vector<128x128xi32>
    %select_n3A_4075 = arith.select %lt3A_4071, %broadcast_in_dim3A_4074, %select_n3A_4067 : vector<128x128xi1>, vector<128x128xi32>
    %slice3A_4076 = vector.extract_strided_slice %dot_general3A_3147 {offsets = [896, 384], sizes = [128, 128], strides = [1, 1]} : vector<1024x2048xf32> to vector<128x128xf32>
    %sub3A_4077 = vector.broadcast %slice3A_4051 : vector<128x1xf32> to vector<128x128xf32>
    %sub3A_4078 = arith.subf %sub3A_4077, %slice3A_4076 : vector<128x128xf32>
    %lt3A_4079 = arith.cmpf olt, %sub3A_4078, %select_n3A_4072 : vector<128x128xf32>
    %select_n3A_4080 = arith.select %lt3A_4079, %sub3A_4078, %select_n3A_4072 : vector<128x128xi1>, vector<128x128xf32>
    %jit3A_4081 = arith.constant 51 : i32
    %broadcast_in_dim3A_4082 = vector.broadcast %jit3A_4081 : i32 to vector<128x128xi32>
    %select_n3A_4083 = arith.select %lt3A_4079, %broadcast_in_dim3A_4082, %select_n3A_4075 : vector<128x128xi1>, vector<128x128xi32>
    %slice3A_4084 = vector.extract_strided_slice %dot_general3A_3147 {offsets = [896, 512], sizes = [128, 128], strides = [1, 1]} : vector<1024x2048xf32> to vector<128x128xf32>
    %sub3A_4085 = vector.broadcast %slice3A_4051 : vector<128x1xf32> to vector<128x128xf32>
    %sub3A_4086 = arith.subf %sub3A_4085, %slice3A_4084 : vector<128x128xf32>
    %lt3A_4087 = arith.cmpf olt, %sub3A_4086, %select_n3A_4080 : vector<128x128xf32>
    %select_n3A_4088 = arith.select %lt3A_4087, %sub3A_4086, %select_n3A_4080 : vector<128x128xi1>, vector<128x128xf32>
    %jit3A_4089 = arith.constant 52 : i32
    %broadcast_in_dim3A_4090 = vector.broadcast %jit3A_4089 : i32 to vector<128x128xi32>
    %select_n3A_4091 = arith.select %lt3A_4087, %broadcast_in_dim3A_4090, %select_n3A_4083 : vector<128x128xi1>, vector<128x128xi32>
    %slice3A_4092 = vector.extract_strided_slice %dot_general3A_3147 {offsets = [896, 640], sizes = [128, 128], strides = [1, 1]} : vector<1024x2048xf32> to vector<128x128xf32>
    %sub3A_4093 = vector.broadcast %slice3A_4051 : vector<128x1xf32> to vector<128x128xf32>
    %sub3A_4094 = arith.subf %sub3A_4093, %slice3A_4092 : vector<128x128xf32>
    %lt3A_4095 = arith.cmpf olt, %sub3A_4094, %select_n3A_4088 : vector<128x128xf32>
    %select_n3A_4096 = arith.select %lt3A_4095, %sub3A_4094, %select_n3A_4088 : vector<128x128xi1>, vector<128x128xf32>
    %jit3A_4097 = arith.constant 53 : i32
    %broadcast_in_dim3A_4098 = vector.broadcast %jit3A_4097 : i32 to vector<128x128xi32>
    %select_n3A_4099 = arith.select %lt3A_4095, %broadcast_in_dim3A_4098, %select_n3A_4091 : vector<128x128xi1>, vector<128x128xi32>
    %slice3A_4100 = vector.extract_strided_slice %dot_general3A_3147 {offsets = [896, 768], sizes = [128, 128], strides = [1, 1]} : vector<1024x2048xf32> to vector<128x128xf32>
    %sub3A_4101 = vector.broadcast %slice3A_4051 : vector<128x1xf32> to vector<128x128xf32>
    %sub3A_4102 = arith.subf %sub3A_4101, %slice3A_4100 : vector<128x128xf32>
    %lt3A_4103 = arith.cmpf olt, %sub3A_4102, %select_n3A_4096 : vector<128x128xf32>
    %select_n3A_4104 = arith.select %lt3A_4103, %sub3A_4102, %select_n3A_4096 : vector<128x128xi1>, vector<128x128xf32>
    %jit3A_4105 = arith.constant 54 : i32
    %broadcast_in_dim3A_4106 = vector.broadcast %jit3A_4105 : i32 to vector<128x128xi32>
    %select_n3A_4107 = arith.select %lt3A_4103, %broadcast_in_dim3A_4106, %select_n3A_4099 : vector<128x128xi1>, vector<128x128xi32>
    %slice3A_4108 = vector.extract_strided_slice %dot_general3A_3147 {offsets = [896, 896], sizes = [128, 128], strides = [1, 1]} : vector<1024x2048xf32> to vector<128x128xf32>
    %sub3A_4109 = vector.broadcast %slice3A_4051 : vector<128x1xf32> to vector<128x128xf32>
    %sub3A_4110 = arith.subf %sub3A_4109, %slice3A_4108 : vector<128x128xf32>
    %lt3A_4111 = arith.cmpf olt, %sub3A_4110, %select_n3A_4104 : vector<128x128xf32>
    %select_n3A_4112 = arith.select %lt3A_4111, %sub3A_4110, %select_n3A_4104 : vector<128x128xi1>, vector<128x128xf32>
    %jit3A_4113 = arith.constant 55 : i32
    %broadcast_in_dim3A_4114 = vector.broadcast %jit3A_4113 : i32 to vector<128x128xi32>
    %select_n3A_4115 = arith.select %lt3A_4111, %broadcast_in_dim3A_4114, %select_n3A_4107 : vector<128x128xi1>, vector<128x128xi32>
    %slice3A_4116 = vector.extract_strided_slice %dot_general3A_3147 {offsets = [896, 1024], sizes = [128, 128], strides = [1, 1]} : vector<1024x2048xf32> to vector<128x128xf32>
    %sub3A_4117 = vector.broadcast %slice3A_4051 : vector<128x1xf32> to vector<128x128xf32>
    %sub3A_4118 = arith.subf %sub3A_4117, %slice3A_4116 : vector<128x128xf32>
    %lt3A_4119 = arith.cmpf olt, %sub3A_4118, %select_n3A_4112 : vector<128x128xf32>
    %select_n3A_4120 = arith.select %lt3A_4119, %sub3A_4118, %select_n3A_4112 : vector<128x128xi1>, vector<128x128xf32>
    %jit3A_4121 = arith.constant 56 : i32
    %broadcast_in_dim3A_4122 = vector.broadcast %jit3A_4121 : i32 to vector<128x128xi32>
    %select_n3A_4123 = arith.select %lt3A_4119, %broadcast_in_dim3A_4122, %select_n3A_4115 : vector<128x128xi1>, vector<128x128xi32>
    %slice3A_4124 = vector.extract_strided_slice %dot_general3A_3147 {offsets = [896, 1152], sizes = [128, 128], strides = [1, 1]} : vector<1024x2048xf32> to vector<128x128xf32>
    %sub3A_4125 = vector.broadcast %slice3A_4051 : vector<128x1xf32> to vector<128x128xf32>
    %sub3A_4126 = arith.subf %sub3A_4125, %slice3A_4124 : vector<128x128xf32>
    %lt3A_4127 = arith.cmpf olt, %sub3A_4126, %select_n3A_4120 : vector<128x128xf32>
    %select_n3A_4128 = arith.select %lt3A_4127, %sub3A_4126, %select_n3A_4120 : vector<128x128xi1>, vector<128x128xf32>
    %jit3A_4129 = arith.constant 57 : i32
    %broadcast_in_dim3A_4130 = vector.broadcast %jit3A_4129 : i32 to vector<128x128xi32>
    %select_n3A_4131 = arith.select %lt3A_4127, %broadcast_in_dim3A_4130, %select_n3A_4123 : vector<128x128xi1>, vector<128x128xi32>
    %slice3A_4132 = vector.extract_strided_slice %dot_general3A_3147 {offsets = [896, 1280], sizes = [128, 128], strides = [1, 1]} : vector<1024x2048xf32> to vector<128x128xf32>
    %sub3A_4133 = vector.broadcast %slice3A_4051 : vector<128x1xf32> to vector<128x128xf32>
    %sub3A_4134 = arith.subf %sub3A_4133, %slice3A_4132 : vector<128x128xf32>
    %lt3A_4135 = arith.cmpf olt, %sub3A_4134, %select_n3A_4128 : vector<128x128xf32>
    %select_n3A_4136 = arith.select %lt3A_4135, %sub3A_4134, %select_n3A_4128 : vector<128x128xi1>, vector<128x128xf32>
    %jit3A_4137 = arith.constant 58 : i32
    %broadcast_in_dim3A_4138 = vector.broadcast %jit3A_4137 : i32 to vector<128x128xi32>
    %select_n3A_4139 = arith.select %lt3A_4135, %broadcast_in_dim3A_4138, %select_n3A_4131 : vector<128x128xi1>, vector<128x128xi32>
    %slice3A_4140 = vector.extract_strided_slice %dot_general3A_3147 {offsets = [896, 1408], sizes = [128, 128], strides = [1, 1]} : vector<1024x2048xf32> to vector<128x128xf32>
    %sub3A_4141 = vector.broadcast %slice3A_4051 : vector<128x1xf32> to vector<128x128xf32>
    %sub3A_4142 = arith.subf %sub3A_4141, %slice3A_4140 : vector<128x128xf32>
    %lt3A_4143 = arith.cmpf olt, %sub3A_4142, %select_n3A_4136 : vector<128x128xf32>
    %select_n3A_4144 = arith.select %lt3A_4143, %sub3A_4142, %select_n3A_4136 : vector<128x128xi1>, vector<128x128xf32>
    %jit3A_4145 = arith.constant 59 : i32
    %broadcast_in_dim3A_4146 = vector.broadcast %jit3A_4145 : i32 to vector<128x128xi32>
    %select_n3A_4147 = arith.select %lt3A_4143, %broadcast_in_dim3A_4146, %select_n3A_4139 : vector<128x128xi1>, vector<128x128xi32>
    %slice3A_4148 = vector.extract_strided_slice %dot_general3A_3147 {offsets = [896, 1536], sizes = [128, 128], strides = [1, 1]} : vector<1024x2048xf32> to vector<128x128xf32>
    %sub3A_4149 = vector.broadcast %slice3A_4051 : vector<128x1xf32> to vector<128x128xf32>
    %sub3A_4150 = arith.subf %sub3A_4149, %slice3A_4148 : vector<128x128xf32>
    %lt3A_4151 = arith.cmpf olt, %sub3A_4150, %select_n3A_4144 : vector<128x128xf32>
    %select_n3A_4152 = arith.select %lt3A_4151, %sub3A_4150, %select_n3A_4144 : vector<128x128xi1>, vector<128x128xf32>
    %jit3A_4153 = arith.constant 60 : i32
    %broadcast_in_dim3A_4154 = vector.broadcast %jit3A_4153 : i32 to vector<128x128xi32>
    %select_n3A_4155 = arith.select %lt3A_4151, %broadcast_in_dim3A_4154, %select_n3A_4147 : vector<128x128xi1>, vector<128x128xi32>
    %slice3A_4156 = vector.extract_strided_slice %dot_general3A_3147 {offsets = [896, 1664], sizes = [128, 128], strides = [1, 1]} : vector<1024x2048xf32> to vector<128x128xf32>
    %sub3A_4157 = vector.broadcast %slice3A_4051 : vector<128x1xf32> to vector<128x128xf32>
    %sub3A_4158 = arith.subf %sub3A_4157, %slice3A_4156 : vector<128x128xf32>
    %lt3A_4159 = arith.cmpf olt, %sub3A_4158, %select_n3A_4152 : vector<128x128xf32>
    %select_n3A_4160 = arith.select %lt3A_4159, %sub3A_4158, %select_n3A_4152 : vector<128x128xi1>, vector<128x128xf32>
    %jit3A_4161 = arith.constant 61 : i32
    %broadcast_in_dim3A_4162 = vector.broadcast %jit3A_4161 : i32 to vector<128x128xi32>
    %select_n3A_4163 = arith.select %lt3A_4159, %broadcast_in_dim3A_4162, %select_n3A_4155 : vector<128x128xi1>, vector<128x128xi32>
    %slice3A_4164 = vector.extract_strided_slice %dot_general3A_3147 {offsets = [896, 1792], sizes = [128, 128], strides = [1, 1]} : vector<1024x2048xf32> to vector<128x128xf32>
    %sub3A_4165 = vector.broadcast %slice3A_4051 : vector<128x1xf32> to vector<128x128xf32>
    %sub3A_4166 = arith.subf %sub3A_4165, %slice3A_4164 : vector<128x128xf32>
    %lt3A_4167 = arith.cmpf olt, %sub3A_4166, %select_n3A_4160 : vector<128x128xf32>
    %select_n3A_4168 = arith.select %lt3A_4167, %sub3A_4166, %select_n3A_4160 : vector<128x128xi1>, vector<128x128xf32>
    %jit3A_4169 = arith.constant 62 : i32
    %broadcast_in_dim3A_4170 = vector.broadcast %jit3A_4169 : i32 to vector<128x128xi32>
    %select_n3A_4171 = arith.select %lt3A_4167, %broadcast_in_dim3A_4170, %select_n3A_4163 : vector<128x128xi1>, vector<128x128xi32>
    %slice3A_4172 = vector.extract_strided_slice %dot_general3A_3147 {offsets = [896, 1920], sizes = [128, 128], strides = [1, 1]} : vector<1024x2048xf32> to vector<128x128xf32>
    %sub3A_4173 = vector.broadcast %slice3A_4051 : vector<128x1xf32> to vector<128x128xf32>
    %sub3A_4174 = arith.subf %sub3A_4173, %slice3A_4172 : vector<128x128xf32>
    %lt3A_4175 = arith.cmpf olt, %sub3A_4174, %select_n3A_4168 : vector<128x128xf32>
    %select_n3A_4176 = arith.select %lt3A_4175, %sub3A_4174, %select_n3A_4168 : vector<128x128xi1>, vector<128x128xf32>
    %jit3A_4177 = arith.constant 63 : i32
    %broadcast_in_dim3A_4178 = vector.broadcast %jit3A_4177 : i32 to vector<128x128xi32>
    %select_n3A_4179 = arith.select %lt3A_4175, %broadcast_in_dim3A_4178, %select_n3A_4171 : vector<128x128xi1>, vector<128x128xi32>
    %iota3A = tpu.iota {dimensions = array<i32: 1>} : vector<1x128xi32>
    %mul3A_4180 = arith.constant 128 : i32
    %mul3A_4181 = vector.broadcast %mul3A_4180 : i32 to vector<128x128xi32>
    %mul3A_4182 = arith.muli %select_n3A_3276, %mul3A_4181 : vector<128x128xi32>
    %add3A = vector.broadcast %iota3A : vector<1x128xi32> to vector<128x128xi32>
    %add3A_4183 = arith.addi %mul3A_4182, %add3A : vector<128x128xi32>
    %reduce_min3A = arith.constant dense<0x7F800000> : vector<128xf32>
    %reduce_min3A_4184 = vector.multi_reduction <minimumf>, %select_n3A_3273, %reduce_min3A [1] : vector<128x128xf32> to vector<128xf32>
    %broadcast_in_dim3A_4185 = vector.shape_cast %reduce_min3A_4184 : vector<128xf32> to vector<128x1xf32>
    %eq3A = vector.broadcast %broadcast_in_dim3A_4185 : vector<128x1xf32> to vector<128x128xf32>
    %eq3A_4186 = arith.cmpf oeq, %select_n3A_3273, %eq3A : vector<128x128xf32>
    %jit3A_4187 = arith.constant 8192 : i32
    %broadcast_in_dim3A_4188 = vector.broadcast %jit3A_4187 : i32 to vector<128x128xi32>
    %select_n3A_4189 = arith.select %eq3A_4186, %add3A_4183, %broadcast_in_dim3A_4188 : vector<128x128xi1>, vector<128x128xi32>
    %reduce_min3A_4190 = arith.constant dense<2147483647> : vector<128xi32>
    %reduce_min3A_4191 = vector.multi_reduction <minsi>, %select_n3A_4189, %reduce_min3A_4190 [1] : vector<128x128xi32> to vector<128xi32>
    %broadcast_in_dim3A_4192 = vector.shape_cast %reduce_min3A_4191 : vector<128xi32> to vector<128x1xi32>
    %reshape3A = vector.shape_cast %broadcast_in_dim3A_4192 : vector<128x1xi32> to vector<1x128xi32>
    %swap3A = arith.constant 0 : index
    %swap3A_4193 = arith.constant 0 : index
    %swap3A_4194 = vector.load %arg3[%swap3A, %swap3A_4193] : memref<8x128xi32, #tpu.memory_space<vmem>>, vector<1x128xi32>
    tpu.vector_store %arg3[%swap3A, %swap3A_4193], %reshape3A {strides = array<i32>} : memref<8x128xi32, #tpu.memory_space<vmem>>, vector<1x128xi32>,
    %mul3A_4195 = arith.constant 128 : i32
    %mul3A_4196 = vector.broadcast %mul3A_4195 : i32 to vector<128x128xi32>
    %mul3A_4197 = arith.muli %select_n3A_3405, %mul3A_4196 : vector<128x128xi32>
    %add3A_4198 = vector.broadcast %iota3A : vector<1x128xi32> to vector<128x128xi32>
    %add3A_4199 = arith.addi %mul3A_4197, %add3A_4198 : vector<128x128xi32>
    %reduce_min3A_4200 = arith.constant dense<0x7F800000> : vector<128xf32>
    %reduce_min3A_4201 = vector.multi_reduction <minimumf>, %select_n3A_3402, %reduce_min3A_4200 [1] : vector<128x128xf32> to vector<128xf32>
    %broadcast_in_dim3A_4202 = vector.shape_cast %reduce_min3A_4201 : vector<128xf32> to vector<128x1xf32>
    %eq3A_4203 = vector.broadcast %broadcast_in_dim3A_4202 : vector<128x1xf32> to vector<128x128xf32>
    %eq3A_4204 = arith.cmpf oeq, %select_n3A_3402, %eq3A_4203 : vector<128x128xf32>
    %jit3A_4205 = arith.constant 8192 : i32
    %broadcast_in_dim3A_4206 = vector.broadcast %jit3A_4205 : i32 to vector<128x128xi32>
    %select_n3A_4207 = arith.select %eq3A_4204, %add3A_4199, %broadcast_in_dim3A_4206 : vector<128x128xi1>, vector<128x128xi32>
    %reduce_min3A_4208 = arith.constant dense<2147483647> : vector<128xi32>
    %reduce_min3A_4209 = vector.multi_reduction <minsi>, %select_n3A_4207, %reduce_min3A_4208 [1] : vector<128x128xi32> to vector<128xi32>
    %broadcast_in_dim3A_4210 = vector.shape_cast %reduce_min3A_4209 : vector<128xi32> to vector<128x1xi32>
    %reshape3A_4211 = vector.shape_cast %broadcast_in_dim3A_4210 : vector<128x1xi32> to vector<1x128xi32>
    %swap3A_4212 = arith.constant 1 : index
    %swap3A_4213 = arith.constant 0 : index
    %swap3A_4214 = vector.load %arg3[%swap3A_4212, %swap3A_4213] : memref<8x128xi32, #tpu.memory_space<vmem>>, vector<1x128xi32>
    tpu.vector_store %arg3[%swap3A_4212, %swap3A_4213], %reshape3A_4211 {strides = array<i32>} : memref<8x128xi32, #tpu.memory_space<vmem>>, vector<1x128xi32>,
    %mul3A_4215 = arith.constant 128 : i32
    %mul3A_4216 = vector.broadcast %mul3A_4215 : i32 to vector<128x128xi32>
    %mul3A_4217 = arith.muli %select_n3A_3534, %mul3A_4216 : vector<128x128xi32>
    %add3A_4218 = vector.broadcast %iota3A : vector<1x128xi32> to vector<128x128xi32>
    %add3A_4219 = arith.addi %mul3A_4217, %add3A_4218 : vector<128x128xi32>
    %reduce_min3A_4220 = arith.constant dense<0x7F800000> : vector<128xf32>
    %reduce_min3A_4221 = vector.multi_reduction <minimumf>, %select_n3A_3531, %reduce_min3A_4220 [1] : vector<128x128xf32> to vector<128xf32>
    %broadcast_in_dim3A_4222 = vector.shape_cast %reduce_min3A_4221 : vector<128xf32> to vector<128x1xf32>
    %eq3A_4223 = vector.broadcast %broadcast_in_dim3A_4222 : vector<128x1xf32> to vector<128x128xf32>
    %eq3A_4224 = arith.cmpf oeq, %select_n3A_3531, %eq3A_4223 : vector<128x128xf32>
    %jit3A_4225 = arith.constant 8192 : i32
    %broadcast_in_dim3A_4226 = vector.broadcast %jit3A_4225 : i32 to vector<128x128xi32>
    %select_n3A_4227 = arith.select %eq3A_4224, %add3A_4219, %broadcast_in_dim3A_4226 : vector<128x128xi1>, vector<128x128xi32>
    %reduce_min3A_4228 = arith.constant dense<2147483647> : vector<128xi32>
    %reduce_min3A_4229 = vector.multi_reduction <minsi>, %select_n3A_4227, %reduce_min3A_4228 [1] : vector<128x128xi32> to vector<128xi32>
    %broadcast_in_dim3A_4230 = vector.shape_cast %reduce_min3A_4229 : vector<128xi32> to vector<128x1xi32>
    %reshape3A_4231 = vector.shape_cast %broadcast_in_dim3A_4230 : vector<128x1xi32> to vector<1x128xi32>
    %swap3A_4232 = arith.constant 2 : index
    %swap3A_4233 = arith.constant 0 : index
    %swap3A_4234 = vector.load %arg3[%swap3A_4232, %swap3A_4233] : memref<8x128xi32, #tpu.memory_space<vmem>>, vector<1x128xi32>
    tpu.vector_store %arg3[%swap3A_4232, %swap3A_4233], %reshape3A_4231 {strides = array<i32>} : memref<8x128xi32, #tpu.memory_space<vmem>>, vector<1x128xi32>,
    %mul3A_4235 = arith.constant 128 : i32
    %mul3A_4236 = vector.broadcast %mul3A_4235 : i32 to vector<128x128xi32>
    %mul3A_4237 = arith.muli %select_n3A_3663, %mul3A_4236 : vector<128x128xi32>
    %add3A_4238 = vector.broadcast %iota3A : vector<1x128xi32> to vector<128x128xi32>
    %add3A_4239 = arith.addi %mul3A_4237, %add3A_4238 : vector<128x128xi32>
    %reduce_min3A_4240 = arith.constant dense<0x7F800000> : vector<128xf32>
    %reduce_min3A_4241 = vector.multi_reduction <minimumf>, %select_n3A_3660, %reduce_min3A_4240 [1] : vector<128x128xf32> to vector<128xf32>
    %broadcast_in_dim3A_4242 = vector.shape_cast %reduce_min3A_4241 : vector<128xf32> to vector<128x1xf32>
    %eq3A_4243 = vector.broadcast %broadcast_in_dim3A_4242 : vector<128x1xf32> to vector<128x128xf32>
    %eq3A_4244 = arith.cmpf oeq, %select_n3A_3660, %eq3A_4243 : vector<128x128xf32>
    %jit3A_4245 = arith.constant 8192 : i32
    %broadcast_in_dim3A_4246 = vector.broadcast %jit3A_4245 : i32 to vector<128x128xi32>
    %select_n3A_4247 = arith.select %eq3A_4244, %add3A_4239, %broadcast_in_dim3A_4246 : vector<128x128xi1>, vector<128x128xi32>
    %reduce_min3A_4248 = arith.constant dense<2147483647> : vector<128xi32>
    %reduce_min3A_4249 = vector.multi_reduction <minsi>, %select_n3A_4247, %reduce_min3A_4248 [1] : vector<128x128xi32> to vector<128xi32>
    %broadcast_in_dim3A_4250 = vector.shape_cast %reduce_min3A_4249 : vector<128xi32> to vector<128x1xi32>
    %reshape3A_4251 = vector.shape_cast %broadcast_in_dim3A_4250 : vector<128x1xi32> to vector<1x128xi32>
    %swap3A_4252 = arith.constant 3 : index
    %swap3A_4253 = arith.constant 0 : index
    %swap3A_4254 = vector.load %arg3[%swap3A_4252, %swap3A_4253] : memref<8x128xi32, #tpu.memory_space<vmem>>, vector<1x128xi32>
    tpu.vector_store %arg3[%swap3A_4252, %swap3A_4253], %reshape3A_4251 {strides = array<i32>} : memref<8x128xi32, #tpu.memory_space<vmem>>, vector<1x128xi32>,
    %mul3A_4255 = arith.constant 128 : i32
    %mul3A_4256 = vector.broadcast %mul3A_4255 : i32 to vector<128x128xi32>
    %mul3A_4257 = arith.muli %select_n3A_3792, %mul3A_4256 : vector<128x128xi32>
    %add3A_4258 = vector.broadcast %iota3A : vector<1x128xi32> to vector<128x128xi32>
    %add3A_4259 = arith.addi %mul3A_4257, %add3A_4258 : vector<128x128xi32>
    %reduce_min3A_4260 = arith.constant dense<0x7F800000> : vector<128xf32>
    %reduce_min3A_4261 = vector.multi_reduction <minimumf>, %select_n3A_3789, %reduce_min3A_4260 [1] : vector<128x128xf32> to vector<128xf32>
    %broadcast_in_dim3A_4262 = vector.shape_cast %reduce_min3A_4261 : vector<128xf32> to vector<128x1xf32>
    %eq3A_4263 = vector.broadcast %broadcast_in_dim3A_4262 : vector<128x1xf32> to vector<128x128xf32>
    %eq3A_4264 = arith.cmpf oeq, %select_n3A_3789, %eq3A_4263 : vector<128x128xf32>
    %jit3A_4265 = arith.constant 8192 : i32
    %broadcast_in_dim3A_4266 = vector.broadcast %jit3A_4265 : i32 to vector<128x128xi32>
    %select_n3A_4267 = arith.select %eq3A_4264, %add3A_4259, %broadcast_in_dim3A_4266 : vector<128x128xi1>, vector<128x128xi32>
    %reduce_min3A_4268 = arith.constant dense<2147483647> : vector<128xi32>
    %reduce_min3A_4269 = vector.multi_reduction <minsi>, %select_n3A_4267, %reduce_min3A_4268 [1] : vector<128x128xi32> to vector<128xi32>
    %broadcast_in_dim3A_4270 = vector.shape_cast %reduce_min3A_4269 : vector<128xi32> to vector<128x1xi32>
    %reshape3A_4271 = vector.shape_cast %broadcast_in_dim3A_4270 : vector<128x1xi32> to vector<1x128xi32>
    %swap3A_4272 = arith.constant 4 : index
    %swap3A_4273 = arith.constant 0 : index
    %swap3A_4274 = vector.load %arg3[%swap3A_4272, %swap3A_4273] : memref<8x128xi32, #tpu.memory_space<vmem>>, vector<1x128xi32>
    tpu.vector_store %arg3[%swap3A_4272, %swap3A_4273], %reshape3A_4271 {strides = array<i32>} : memref<8x128xi32, #tpu.memory_space<vmem>>, vector<1x128xi32>,
    %mul3A_4275 = arith.constant 128 : i32
    %mul3A_4276 = vector.broadcast %mul3A_4275 : i32 to vector<128x128xi32>
    %mul3A_4277 = arith.muli %select_n3A_3921, %mul3A_4276 : vector<128x128xi32>
    %add3A_4278 = vector.broadcast %iota3A : vector<1x128xi32> to vector<128x128xi32>
    %add3A_4279 = arith.addi %mul3A_4277, %add3A_4278 : vector<128x128xi32>
    %reduce_min3A_4280 = arith.constant dense<0x7F800000> : vector<128xf32>
    %reduce_min3A_4281 = vector.multi_reduction <minimumf>, %select_n3A_3918, %reduce_min3A_4280 [1] : vector<128x128xf32> to vector<128xf32>
    %broadcast_in_dim3A_4282 = vector.shape_cast %reduce_min3A_4281 : vector<128xf32> to vector<128x1xf32>
    %eq3A_4283 = vector.broadcast %broadcast_in_dim3A_4282 : vector<128x1xf32> to vector<128x128xf32>
    %eq3A_4284 = arith.cmpf oeq, %select_n3A_3918, %eq3A_4283 : vector<128x128xf32>
    %jit3A_4285 = arith.constant 8192 : i32
    %broadcast_in_dim3A_4286 = vector.broadcast %jit3A_4285 : i32 to vector<128x128xi32>
    %select_n3A_4287 = arith.select %eq3A_4284, %add3A_4279, %broadcast_in_dim3A_4286 : vector<128x128xi1>, vector<128x128xi32>
    %reduce_min3A_4288 = arith.constant dense<2147483647> : vector<128xi32>
    %reduce_min3A_4289 = vector.multi_reduction <minsi>, %select_n3A_4287, %reduce_min3A_4288 [1] : vector<128x128xi32> to vector<128xi32>
    %broadcast_in_dim3A_4290 = vector.shape_cast %reduce_min3A_4289 : vector<128xi32> to vector<128x1xi32>
    %reshape3A_4291 = vector.shape_cast %broadcast_in_dim3A_4290 : vector<128x1xi32> to vector<1x128xi32>
    %swap3A_4292 = arith.constant 5 : index
    %swap3A_4293 = arith.constant 0 : index
    %swap3A_4294 = vector.load %arg3[%swap3A_4292, %swap3A_4293] : memref<8x128xi32, #tpu.memory_space<vmem>>, vector<1x128xi32>
    tpu.vector_store %arg3[%swap3A_4292, %swap3A_4293], %reshape3A_4291 {strides = array<i32>} : memref<8x128xi32, #tpu.memory_space<vmem>>, vector<1x128xi32>,
    %mul3A_4295 = arith.constant 128 : i32
    %mul3A_4296 = vector.broadcast %mul3A_4295 : i32 to vector<128x128xi32>
    %mul3A_4297 = arith.muli %select_n3A_4050, %mul3A_4296 : vector<128x128xi32>
    %add3A_4298 = vector.broadcast %iota3A : vector<1x128xi32> to vector<128x128xi32>
    %add3A_4299 = arith.addi %mul3A_4297, %add3A_4298 : vector<128x128xi32>
    %reduce_min3A_4300 = arith.constant dense<0x7F800000> : vector<128xf32>
    %reduce_min3A_4301 = vector.multi_reduction <minimumf>, %select_n3A_4047, %reduce_min3A_4300 [1] : vector<128x128xf32> to vector<128xf32>
    %broadcast_in_dim3A_4302 = vector.shape_cast %reduce_min3A_4301 : vector<128xf32> to vector<128x1xf32>
    %eq3A_4303 = vector.broadcast %broadcast_in_dim3A_4302 : vector<128x1xf32> to vector<128x128xf32>
    %eq3A_4304 = arith.cmpf oeq, %select_n3A_4047, %eq3A_4303 : vector<128x128xf32>
    %jit3A_4305 = arith.constant 8192 : i32
    %broadcast_in_dim3A_4306 = vector.broadcast %jit3A_4305 : i32 to vector<128x128xi32>
    %select_n3A_4307 = arith.select %eq3A_4304, %add3A_4299, %broadcast_in_dim3A_4306 : vector<128x128xi1>, vector<128x128xi32>
    %reduce_min3A_4308 = arith.constant dense<2147483647> : vector<128xi32>
    %reduce_min3A_4309 = vector.multi_reduction <minsi>, %select_n3A_4307, %reduce_min3A_4308 [1] : vector<128x128xi32> to vector<128xi32>
    %broadcast_in_dim3A_4310 = vector.shape_cast %reduce_min3A_4309 : vector<128xi32> to vector<128x1xi32>
    %reshape3A_4311 = vector.shape_cast %broadcast_in_dim3A_4310 : vector<128x1xi32> to vector<1x128xi32>
    %swap3A_4312 = arith.constant 6 : index
    %swap3A_4313 = arith.constant 0 : index
    %swap3A_4314 = vector.load %arg3[%swap3A_4312, %swap3A_4313] : memref<8x128xi32, #tpu.memory_space<vmem>>, vector<1x128xi32>
    tpu.vector_store %arg3[%swap3A_4312, %swap3A_4313], %reshape3A_4311 {strides = array<i32>} : memref<8x128xi32, #tpu.memory_space<vmem>>, vector<1x128xi32>,
    %mul3A_4315 = arith.constant 128 : i32
    %mul3A_4316 = vector.broadcast %mul3A_4315 : i32 to vector<128x128xi32>
    %mul3A_4317 = arith.muli %select_n3A_4179, %mul3A_4316 : vector<128x128xi32>
    %add3A_4318 = vector.broadcast %iota3A : vector<1x128xi32> to vector<128x128xi32>
    %add3A_4319 = arith.addi %mul3A_4317, %add3A_4318 : vector<128x128xi32>
    %reduce_min3A_4320 = arith.constant dense<0x7F800000> : vector<128xf32>
    %reduce_min3A_4321 = vector.multi_reduction <minimumf>, %select_n3A_4176, %reduce_min3A_4320 [1] : vector<128x128xf32> to vector<128xf32>
    %broadcast_in_dim3A_4322 = vector.shape_cast %reduce_min3A_4321 : vector<128xf32> to vector<128x1xf32>
    %eq3A_4323 = vector.broadcast %broadcast_in_dim3A_4322 : vector<128x1xf32> to vector<128x128xf32>
    %eq3A_4324 = arith.cmpf oeq, %select_n3A_4176, %eq3A_4323 : vector<128x128xf32>
    %jit3A_4325 = arith.constant 8192 : i32
    %broadcast_in_dim3A_4326 = vector.broadcast %jit3A_4325 : i32 to vector<128x128xi32>
    %select_n3A_4327 = arith.select %eq3A_4324, %add3A_4319, %broadcast_in_dim3A_4326 : vector<128x128xi1>, vector<128x128xi32>
    %reduce_min3A_4328 = arith.constant dense<2147483647> : vector<128xi32>
    %reduce_min3A_4329 = vector.multi_reduction <minsi>, %select_n3A_4327, %reduce_min3A_4328 [1] : vector<128x128xi32> to vector<128xi32>
    %broadcast_in_dim3A_4330 = vector.shape_cast %reduce_min3A_4329 : vector<128xi32> to vector<128x1xi32>
    %reshape3A_4331 = vector.shape_cast %broadcast_in_dim3A_4330 : vector<128x1xi32> to vector<1x128xi32>
    %swap3A_4332 = arith.constant 7 : index
    %swap3A_4333 = arith.constant 0 : index
    %swap3A_4334 = vector.load %arg3[%swap3A_4332, %swap3A_4333] : memref<8x128xi32, #tpu.memory_space<vmem>>, vector<1x128xi32>
    tpu.vector_store %arg3[%swap3A_4332, %swap3A_4333], %reshape3A_4331 {strides = array<i32>} : memref<8x128xi32, #tpu.memory_space<vmem>>, vector<1x128xi32>,
    return
  }
  func.func @transform_0(%arg0: i32) -> (i32, i32) {
    %add3A = arith.constant 0 : i32
    %add3A_0 = arith.addi %arg0, %add3A : i32
    %c0_i32 = arith.constant 0 : i32
    %c0_i32_1 = arith.constant 0 : i32
    return %add3A_0, %c0_i32 : i32, i32
  }
  func.func @transform_1(%arg0: i32) -> (i32, i32) {
    %c0_i32 = arith.constant 0 : i32
    %c0_i32_0 = arith.constant 0 : i32
    %c0_i32_1 = arith.constant 0 : i32
    return %c0_i32, %c0_i32_0 : i32, i32
  }
  func.func @transform_2(%arg0: i32) -> (i32, i32) {
    %c0_i32 = arith.constant 0 : i32
    %c0_i32_0 = arith.constant 0 : i32
    return %arg0, %c0_i32 : i32, i32
  }
}

</mosaic_0001>

<sc_bundles>
// kernel: kernel.5.cloned.1.call-start
scs
__scs_entry_jumppad:
0x0: {  	(pc) =	sbr.rel $0x88, $3  }
0x1: {  	(tag) =	ssettag $0x0;
	lr =	simm.s32 $0x1  }
0x2: {  	[smem:$0x3F9F] =	sst lr;
	_ =	strace $0xD0000000  }
0x3: {  	_ = 	snop  }
0x4: {  	_ = 	snop  }
0x5: {  	_ = 	snop  }
0x6: {  	_ = 	snop  }
0x7: {  	_ = 	snop  }
__scs_overlays_trampoline_lowered:
0x8: {  	[smem:$0x3FAE] =	sst s0  }
0x9: {  	[smem:$0x3FAF] =	sst s1  }
0xa: {  	[smem:$0x3FB0] =	sst s2  }
0xb: {  	[smem:$0x3FB1] =	sst s3  }
0xc: {  	[smem:$0x3FB2] =	sst s4  }
0xd: {  	[smem:$0x3FB3] =	sst s5  }
0xe: {  	[smem:$0x3FB4] =	sst s6  }
0xf: {  	[smem:$0x3FB5] =	sst s7  }
0x10: {  	[smem:$0x3FB6] =	sst s8  }
0x11: {  	[smem:$0x3FB7] =	sst s9;
	s0 =	simm.s32 @!p0 $0x0  }
0x12: {  	s1 =	sld [smem:$0x3F9D];
	s0 =	simm.s32 @p0 $0x1  }
0x13: {  	[smem:$0x3FB8] =	sst s0;
	s0 =	simm.s32 @!p1 $0x0  }
0x14: {  	s2 =	sld [smem:$0x3F9C];
	s0 =	simm.s32 @p1 $0x1  }
0x15: {  	[smem:$0x3FB9] =	sst s0;
	s0 =	simm.s32 @!p2 $0x0  }
0x16: {  	s3 =	sld [smem:$0x3FDB];
	s0 =	simm.s32 @p2 $0x1  }
0x17: {  	s4 =	simm.s32 $0x1BF5;
	[smem:$0x3FBB] =	sst s0  }
0x18: {  	s0 =	sld [smem:$0x3F9E];
	_ =	swait.ge [sflag:s4], $0x0  }
0x19: {  	s7 =	sld [smem:$0x3F9F]  }
0x1a: {  	s8 =	sadd.s32 $0xFFFFE003, lr  }
0x1b: {  	s9 =	sadd.s32 $0xFFFFFEF7, lr;
	s5 =	simm.s32 $0xFFFFFFFF;
	p2 =	slt.u32 s8, $0xFFFFF086  }
0x1c: {  	p1 =	slt.u32 s9, $0xF7A;
	s5 =	simm.s32 @!p2 $0x0  }
0x1d: {  	s5 =	simm.s32 @p1 $0x1;
	p0 =	seq.s32 s7, s2  }
0x1e: {  	s7 =	smul.u32 @!p0 $0xF7A, s2;
	p2 =	seq.s32 @!p0 s5, $0x0  }
0x1f: {  	s9 =	smul.u32 $0xF7A, s1;
	s8 =	simm.s32 @!p0 $0x1BF5;
	p2 =	por !p2, p0  }
0x20: {  	[sflag:s8] =	ssyncset.s32 @!p0 $0xFFFFF086;
	s6 =	sadd.s32 @!p0 s3, s7;
	s7 =	simm.s32 @!p0 $0x108  }
0x21: {  	s3 =	sadd.s32 s3, s9;
	s6 =	sadd.s32 @!p0 $0x88, s6;
	s7 =	simm.s32 @p2 $0x1082  }
0x22: {  	[simem:s7], [sflag:s8] =	dma.local @!p0 [hbm:s6], $0xF7A  }
0x23: {  	s9 =	sor.u32 $0xD0000000, s2;
	s6 =	simm.s32 $0x108;
	_ =	swait.ge @!p0 [sflag:s8], $0x0  }
0x24: {  	s3 =	sadd.s32 $0x88, s3;
	s6 =	simm.s32 @!p1 $0x1082;
	[sflag:s4] =	ssyncset.s32 $0xFFFFF086  }
0x25: {  	[simem:s6], [sflag:s4] =	dma.local [hbm:s3], $0xF7A  }
0x26: {  	[smem:$0x3F9F] =	sst s1;
	(tag) =	ssettag s2;
	_ =	strace s9  }
0x27: {  	s1 =	sld [smem:$0x3FAF]  }
0x28: {  	s2 =	sld [smem:$0x3FB0]  }
0x29: {  	s4 =	sld [smem:$0x3FB2]  }
0x2a: {  	p0 =	seq.s32 s5, $0x0;
	s5 =	sld [smem:$0x3FB3]  }
0x2b: {  	s6 =	sld [smem:$0x3FB4]  }
0x2c: {  	s7 =	sld [smem:$0x3FB5]  }
0x2d: {  	s3 =	simm.s32 $0x108;
	s8 =	sld [smem:$0x3FB6]  }
0x2e: {  	s3 =	simm.s32 @!p0 $0x1082;
	s9 =	sld [smem:$0x3FB7]  }
0x2f: {  	lr =	sadd.s32 s0, s3;
	s0 =	sld [smem:$0x3FAE]  }
0x30: {  	s3 =	sld [smem:$0x3FB1]  }
0x31: {  	[smem:$0x3FBA] =	sst s10  }
0x32: {  	s10 =	sld [smem:$0x3FB8];
	_ =	sdelay $0x3  }
0x33: {  	p0 =	seq.s32 s10, $0x1;
	s10 =	sld [smem:$0x3FBA];
	_ =	sdelay $0x3  }
0x34: {  	[smem:$0x3FBA] =	sst s10  }
0x35: {  	s10 =	sld [smem:$0x3FB9];
	_ =	sdelay $0x3  }
0x36: {  	p1 =	seq.s32 s10, $0x1;
	s10 =	sld [smem:$0x3FBA];
	_ =	sdelay $0x3  }
0x37: {  	[smem:$0x3FBA] =	sst s10  }
0x38: {  	s10 =	sld [smem:$0x3FBB]  }
0x39: {  	_ = 	snop;
	(pc) =	sbr.ind lr, $3  }
0x3a: {  	_ = 	snop  }
0x3b: {  	_ = 	snop  }
0x3c: {  	p2 =	seq.s32 s10, $0x1;
	s10 =	sld [smem:$0x3FBA]  }
0x3d: {  	_ =	shalt  }
0x3e: {  	_ =	shalt  }
0x3f: {  	_ =	shalt  }
0x40: {  	_ =	shalt  }
0x41: {  	_ =	shalt  }
0x42: {  	_ =	shalt  }
0x43: {  	_ =	shalt  }
0x44: {  	_ =	shalt  }
0x45: {  	_ =	shalt  }
0x46: {  	_ =	shalt  }
0x47: {  	_ =	shalt  }
0x48: {  	_ =	shalt  }
0x49: {  	_ =	shalt  }
0x4a: {  	_ =	shalt  }
0x4b: {  	_ =	shalt  }
0x4c: {  	_ =	shalt  }
0x4d: {  	_ =	shalt  }
0x4e: {  	_ =	shalt  }
0x4f: {  	_ =	shalt  }
0x50: {  	_ =	shalt  }
0x51: {  	_ =	shalt  }
0x52: {  	_ =	shalt  }
0x53: {  	_ =	shalt  }
0x54: {  	_ =	shalt  }
0x55: {  	_ =	shalt  }
0x56: {  	_ =	shalt  }
0x57: {  	_ =	shalt  }
0x58: {  	_ =	shalt  }
0x59: {  	_ =	shalt  }
0x5a: {  	_ =	shalt  }
0x5b: {  	_ =	shalt  }
0x5c: {  	_ =	shalt  }
0x5d: {  	_ =	shalt  }
0x5e: {  	_ =	shalt  }
0x5f: {  	_ =	shalt  }
0x60: {  	_ =	shalt  }
0x61: {  	_ =	shalt  }
0x62: {  	_ =	shalt  }
0x63: {  	_ =	shalt  }
0x64: {  	_ =	shalt  }
0x65: {  	_ =	shalt  }
0x66: {  	_ =	shalt  }
0x67: {  	_ =	shalt  }
0x68: {  	_ =	shalt  }
0x69: {  	_ =	shalt  }
0x6a: {  	_ =	shalt  }
0x6b: {  	_ =	shalt  }
0x6c: {  	_ =	shalt  }
0x6d: {  	_ =	shalt  }
0x6e: {  	_ =	shalt  }
0x6f: {  	_ =	shalt  }
0x70: {  	_ =	shalt  }
0x71: {  	_ =	shalt  }
0x72: {  	_ =	shalt  }
0x73: {  	_ =	shalt  }
0x74: {  	_ =	shalt  }
0x75: {  	_ =	shalt  }
0x76: {  	_ =	shalt  }
0x77: {  	_ =	shalt  }
0x78: {  	_ =	shalt  }
0x79: {  	_ =	shalt  }
0x7a: {  	_ =	shalt  }
0x7b: {  	_ =	shalt  }
0x7c: {  	_ =	shalt  }
0x7d: {  	_ =	shalt  }
0x7e: {  	_ =	shalt  }
0x7f: {  	_ =	shalt  }
0x80: {  	_ =	shalt  }
0x81: {  	_ =	shalt  }
0x82: {  	_ =	shalt  }
0x83: {  	_ =	shalt  }
0x84: {  	_ =	shalt  }
0x85: {  	_ =	shalt  }
0x86: {  	_ =	shalt  }
0x87: {  	_ =	shalt  }
.Lfunc_end0:
.L_simem_size_0:
called_computation_lowered:
.L_overlay_start_0:
0x88: {  	s2 =	sld [smem:$0x3FD9]  }
0x89: {  	s3 =	sld [smem:$0x3FFE];
	_ =	sdelay $0x1  }
0x8a: {  	s1 =	srdreg.scid  }
0x8b: {  	s0 =	sand.u32 $0x1, s1  }
0x8c: {  	s14 =	sshll.u32 s0, $0xA;
	s2 =	sadd.s32 s3, s2  }
0x8d: {  	s2 =	sadd.s32 s2, s14  }
0x8e: {  	[smem:$0x3FC6] =	sst s2  }
0x8f: {  	_ = 	snop  }
0x90: {  	s2 =	sld [smem:$0x3FD0];
	_ =	sdelay $0x2  }
0x91: {  	s4 =	simm.s32 $0xA;
	s5 =	simm.s32 $0x10;
	s15 =	sld [smem:$0x3FC8]  }
0x92: {  	[smem:s5], [sflag:s4] =	dma.local [hbm:s2], $0x1  }
0x93: {  	_ =	swait.eq [sflag:s4], $0x1  }
0x94: {  	[sflag:s4] =	ssyncset.done $0x0  }
0x95: {  	[sflag:s4] =	ssyncadd.s32 $0xFFFFFFFF  }
0x96: {  	s16 =	sld [smem:$0x10];
	(tm) =	ssettm $0x1  }
0x97: {  	s17 =	sld [smem:$0x3FFB];
	_ =	sdelay $0x3  }
0x98: {  	_ =	strace s17  }
0x99: {  	s4 =	sld [smem:$0x3FFC];
	_ =	sdelay $0x3  }
0x9a: {  	_ =	strace s4  }
0x9b: {  	s4 =	sld [smem:$0x3FFD];
	_ =	sdelay $0x3  }
0x9c: {  	_ =	strace s4  }
0x9d: {  	_ =	strace $0x8FFFFFFF  }
0x9e: {  	s18 =	sld [smem:$0x3FDB];
	_ =	sdelay $0x1  }
0x9f: {  	s19 =	simm.s32 $_scs_section_size  }
0xa0: {  	s6 =	simm.s32 $_size__tile_overlayer_lowered;
	s7 =	simm.s32 $_tile_overlayer_lowered  }
0xa1: {  	s22 =	simm.s32 $0x1BFF;
	s21 =	sshll.u32 s7, $0x1;
	s4 =	sadd.s32 s19, s18  }
0xa2: {  	s8 =	simm.s32 $0x0;
	s20 =	sshll.u32 s6, $0x1;
	s6 =	sadd.s32 s21, s4  }
0xa3: {  	[timem:s8], [sflag:s22] =	dma.local [hbm:s6], s20  }
0xa4: {  	_ =	swait.ge [sflag:s22], s20  }
0xa5: {  	s5 =	ssub.s32 $0x0, s20;
	[sflag:s22] =	ssyncset.done $0x0  }
0xa6: {  	[sflag:s22] =	ssyncadd.s32 s5;
	_ =	sdelay $0x1  }
0xa7: {  	s23 =	simm.s32 $0x1B8B  }
0xa8: {  	_ =	swait.ge [sflag:s23], $0x1  }
0xa9: {  	[sflag:s23] =	ssyncset.done $0x0  }
0xaa: {  	s25 =	simm.s32 $0x1B8E;
	s24 =	sld [smem:$0x3FFE];
	[sflag:s23] =	ssyncadd.s32 $0xFFFFFFFF  }
0xab: {  	s26 =	simm.s32 $execute0_lowered;
	[smem:$0x3FD2] =	sst s25  }
0xac: {  	s6 =	sshll.u32 s26, $0x1;
	_ =	strace $0x80000046;
	[dreg:$0x1] =	wrdreg $0xFFFFFFFF  }
0xad: {  	s28 =	simm.s32 $_size_execute0_lowered;
	s4 =	sadd.s32 s4, s6;
	[dreg:$0x0] =	wrdreg $0x0  }
0xae: {  	s6 =	sshll.u32 s28, $0x1;
	[dreg:$0x2] =	wrdreg s4  }
0xaf: {  	[dreg:$0x3] =	wrdreg s6  }
0xb0: {  	[dreg:$0x4] =	wrdreg $0xC0  }
0xb1: {  	_ =	task [dreg:s8], $0x5FFFF  }
0xb2: {  	[dreg:$0x1] =	wrdreg $0xFFFFFFFF  }
0xb3: {  	[dreg:$0x0] =	wrdreg $0x60  }
0xb4: {  	[dreg:$0x2] =	wrdreg s15  }
0xb5: {  	[dreg:$0x3] =	wrdreg s24  }
0xb6: {  	[dreg:$0x4] =	wrdreg s16  }
0xb7: {  	[dreg:$0x5] =	wrdreg $0x9  }
0xb8: {  	_ =	task.clear_ibuf [dreg:s8], $0x6FFFF;
	_ =	strace $0x90000046  }
0xb9: {  	s29 =	simm.s32 $0x9;
	_ =	strace $0x80000048  }
0xba: {  	_ =	swait.ge [sflag:s29], $0x1  }
0xbb: {  	[sflag:s29] =	ssyncadd.s32 $0xFFFFFFFF  }
0xbc: {  	_ =	strace $0x90000048  }
0xbd: {  	_ =	sfence  }
0xbe: {  	s30 =	sld [smem:$0x0];
	_ =	sdelay $0x2  }
0xbf: {  	s31 =	sshll.u32 s1, $0xD;
	s1 =	sshrl.u32 s1, $0x2  }
0xc0: {  	s3 =	sand.u32 $0x4000, s31;
	s1 =	sadd.s32 s1, s30  }
0xc1: {  	s0 =	sor.u32 s3, s0;
	s1 =	sshll.u32 s1, $0x11  }
0xc2: {  	s0 =	sor.u32 s1, s0  }
0xc3: {  	s0 =	sadd.s32 $0x8F2B, s0  }
0xc4: {  	[sflag:s0] =	ssyncadd.remote.s32 $0x1  }
0xc5: {  	_ =	sfence.sel $0xFFFF  }
0xc6: {  	[dreg:$0x0] =	wrdreg $0xFFFFFFFF;
	(pc) =	sbr.abs _section_cstart, $3  }
0xc7: {  	[dreg:$0x1] =	wrdreg $0xFFFFFFFF  }
0xc8: {  	_ =	task.clear_ibuf [dreg:s8], $0x2FFFF;
	_ =	strace $0x9FFFFFFF  }
0xc9: {  	(tm) =	ssettm $0x7FFFFFFF  }
tec
execute0_lowered:
.L_overlay_start_1:
0x0: {  	(tag) =	ssettag $0x1  }
0x1: {  	s2 =	srdreg.scid;
	s1 =	rddreg [dreg:$0x0]  }
0x2: {  	s0 =	stileid.u32;
	s4 =	rddreg [dreg:$0x1]  }
0x3: {  	s6 =	rddreg [dreg:$0x2];
	s15 =	simm.s32 $0x980;
	s16 =	simm.s32 $0x1180  }
0x4: {  	s17 =	simm.s32 $0x1980;
	s2 =	sand.u32 $0x1, s2;
	s3 =	sshll.u32 s0, $0x1  }
0x5: {  	s18 =	simm.s32 $0x2180;
	s5 =	sor.u32 s2, s3;
	s3 =	simm.s32 $0x0  }
0x6: {  	s19 =	simm.s32 $0x2980;
	s20 =	simm.s32 $0x3180;
	[smem:$0x7FF] =	sst s3  }
0x7: {  	s21 =	simm.s32 $0x3980;
	_ =	strace $0x80000047;
	[dreg:$0x6] =	wrdreg s15  }
0x8: {  	s23 =	simm.s32 $0x4180;
	s24 =	simm.s32 $0x4980;
	[dreg:$0x7] =	wrdreg s16  }
0x9: {  	s25 =	simm.s32 $0x5180;
	s26 =	simm.s32 $0x5980;
	[dreg:$0x8] =	wrdreg s17  }
0xa: {  	s8 =	simm.s32 $0x6980;
	s9 =	simm.s32 $0x7180;
	[dreg:$0x9] =	wrdreg s18  }
0xb: {  	s10 =	simm.s32 $0x7980;
	s11 =	simm.s32 $0x8180;
	[dreg:$0xa] =	wrdreg s19  }
0xc: {  	s12 =	simm.s32 $0x8980;
	s13 =	simm.s32 $0x9180;
	[dreg:$0xb] =	wrdreg s20  }
0xd: {  	s28 =	simm.s32 $0x10180;
	s29 =	simm.s32 $0x10980;
	[dreg:$0xc] =	wrdreg s21  }
0xe: {  	s30 =	simm.s32 $0x11180;
	s31 =	simm.s32 $0x11980;
	[dreg:$0xd] =	wrdreg s23  }
0xf: {  	s2 =	ssub.s32 $0x2, s2;
	s7 =	smul.u32 $0x24, s5;
	[dreg:$0xe] =	wrdreg s24  }
0x10: {  	s5 =	smul.u32 $0x2400, s5;
	s22 =	sshrl.u32 s2, $0x1;
	[dreg:$0xf] =	wrdreg s25  }
0x11: {  	s2 =	ssub.s32 s2, s22;
	[dreg:$0x10] =	wrdreg s26;
	s15 =	simm.s32 $0xA180  }
0x12: {  	s16 =	simm.s32 $0xA980;
	s17 =	simm.s32 $0xB180;
	s18 =	simm.s32 $0xB980  }
0x13: {  	s19 =	simm.s32 $0xC180;
	s20 =	simm.s32 $0xC980;
	s21 =	simm.s32 $0xD180  }
0x14: {  	s22 =	simm.s32 $0xD980;
	s23 =	simm.s32 $0xE180;
	s24 =	simm.s32 $0xE980  }
0x15: {  	s25 =	simm.s32 $0xF180;
	s26 =	simm.s32 $0xF980;
	s4 =	sadd.s32 s7, s4  }
0x16: {  	v2 =	vlaneseq.u32;
	s14 =	sadd.s32 s6, s5;
	s5 =	simm.s32 $0x2;
	s6 =	simm.s32 $0x180  }
0x17: {  	vm0 =	vmmov $0xffff;
	v1 =	vshrl.u32 v2, $0x3;
	s4 =	sadd.s32 $0x1A00, s4;
	[dreg:$0x5] =	wrdreg s14;
	s14 =	simm.s32 $0x9980  }
0x18: {  	v0 =	vand.u32 $0x7, v2;
	v2 =	vor.u32 $0x8, v2;
	v1 =	vmul.u32 $0x8, v1;
	[dreg:$0x4] =	wrdreg s4;
	s4 =	smax.u32 s2, $0x1;
	s2 =	simm.s32 $0x1  }
.LBB2_1:
0x19: {  	s0 =	rddreg [dreg:$0x4]  }
0x1a: {  	[tilespmem:s3], [sflag:$0x2] =	stream.linear.gather [hbm4b:s0+s3], $0x120, $0x38;
	[tilespmem:$0x12180] =	vst v63  }
0x1b: {  	_ =	swait.ge [sflag:s5], $0x120  }
0x1c: {  	[sflag:s5] =	ssyncset.done $0x0  }
0x1d: {  	[sflag:s5] =	ssyncadd.s32 $0xFFFFFEE0  }
0x1e: {  	v3 =	vld [tilespmem:$0x0];
	_ =	sdelay $0x4  }
0x1f: {  	v4 =	vshll.u32 v3, $0x1  }
0x20: {  	v3 =	vand.u32 $0x7, v3;
	v4 =	vand.u32 $0xFFFFFFF0, v4  }
0x21: {  	v3 =	vor.u32 v3, v4  }
0x22: {  	v4 =	vperm.xlane v3, v0;
	_ =	sdelay $0x1  }
0x23: {  	v3 =	vperm.xlane v3, v2;
	v4 =	vadd.s32 v1, v4;
	_ =	sdelay $0x1  }
0x24: {  	v3 =	vadd.s32 v1, v3;
	_ =	sdelay $0x2  }
0x25: {  	[tilespmem:s6], [sflag:$0x1] =	stream.indirect_vreg.gather [hbm4b:s1+s3], $0x80, v4, vm0, $0xb8;
	[tilespmem:$0x12180] =	vst v63  }
0x26: {  	s7 =	rddreg [dreg:$0x6]  }
0x27: {  	[tilespmem:s7], [sflag:$0x1] =	stream.indirect_vreg.gather [hbm4b:s1+s3], $0x80, v3, vm0, $0xb8;
	[tilespmem:$0x12180] =	vst v63  }
0x28: {  	v3 =	vld [tilespmem:$0x10];
	_ =	sdelay $0x4  }
0x29: {  	v47 =	vshll.u32 v3, $0x1  }
0x2a: {  	v3 =	vand.u32 $0x7, v3;
	v4 =	vand.u32 $0xFFFFFFF0, v47  }
0x2b: {  	v3 =	vor.u32 v3, v4  }
0x2c: {  	v4 =	vperm.xlane v3, v0;
	_ =	sdelay $0x1  }
0x2d: {  	v3 =	vperm.xlane v3, v2;
	v4 =	vadd.s32 v1, v4;
	_ =	sdelay $0x1  }
0x2e: {  	v3 =	vadd.s32 v1, v3;
	_ =	sdelay $0x1  }
0x2f: {  	s0 =	rddreg [dreg:$0x7]  }
0x30: {  	[tilespmem:s0], [sflag:$0x1] =	stream.indirect_vreg.gather [hbm4b:s1+s3], $0x80, v4, vm0, $0xb8;
	[tilespmem:$0x12180] =	vst v63  }
0x31: {  	s7 =	rddreg [dreg:$0x8]  }
0x32: {  	[tilespmem:s7], [sflag:$0x1] =	stream.indirect_vreg.gather [hbm4b:s1+s3], $0x80, v3, vm0, $0xb8;
	[tilespmem:$0x12180] =	vst v63  }
0x33: {  	v3 =	vld [tilespmem:$0x20];
	_ =	sdelay $0x4  }
0x34: {  	v48 =	vshll.u32 v3, $0x1  }
0x35: {  	v3 =	vand.u32 $0x7, v3;
	v4 =	vand.u32 $0xFFFFFFF0, v48  }
0x36: {  	v3 =	vor.u32 v3, v4  }
0x37: {  	v4 =	vperm.xlane v3, v0;
	_ =	sdelay $0x1  }
0x38: {  	v3 =	vperm.xlane v3, v2;
	v4 =	vadd.s32 v1, v4;
	_ =	sdelay $0x1  }
0x39: {  	v3 =	vadd.s32 v1, v3;
	_ =	sdelay $0x1  }
0x3a: {  	s0 =	rddreg [dreg:$0x9]  }
0x3b: {  	[tilespmem:s0], [sflag:$0x1] =	stream.indirect_vreg.gather [hbm4b:s1+s3], $0x80, v4, vm0, $0xb8;
	[tilespmem:$0x12180] =	vst v63  }
0x3c: {  	s7 =	rddreg [dreg:$0xa]  }
0x3d: {  	[tilespmem:s7], [sflag:$0x1] =	stream.indirect_vreg.gather [hbm4b:s1+s3], $0x80, v3, vm0, $0xb8;
	[tilespmem:$0x12180] =	vst v63  }
0x3e: {  	v3 =	vld [tilespmem:$0x30];
	_ =	sdelay $0x4  }
0x3f: {  	v49 =	vshll.u32 v3, $0x1  }
0x40: {  	v3 =	vand.u32 $0x7, v3;
	v4 =	vand.u32 $0xFFFFFFF0, v49  }
0x41: {  	v3 =	vor.u32 v3, v4  }
0x42: {  	v4 =	vperm.xlane v3, v0;
	_ =	sdelay $0x1  }
0x43: {  	v3 =	vperm.xlane v3, v2;
	v4 =	vadd.s32 v1, v4;
	_ =	sdelay $0x1  }
0x44: {  	v3 =	vadd.s32 v1, v3;
	_ =	sdelay $0x1  }
0x45: {  	s0 =	rddreg [dreg:$0xb]  }
0x46: {  	[tilespmem:s0], [sflag:$0x1] =	stream.indirect_vreg.gather [hbm4b:s1+s3], $0x80, v4, vm0, $0xb8;
	[tilespmem:$0x12180] =	vst v63  }
0x47: {  	s7 =	rddreg [dreg:$0xc]  }
0x48: {  	[tilespmem:s7], [sflag:$0x1] =	stream.indirect_vreg.gather [hbm4b:s1+s3], $0x80, v3, vm0, $0xb8;
	[tilespmem:$0x12180] =	vst v63  }
0x49: {  	v3 =	vld [tilespmem:$0x40];
	_ =	sdelay $0x4  }
0x4a: {  	v50 =	vshll.u32 v3, $0x1  }
0x4b: {  	v3 =	vand.u32 $0x7, v3;
	v4 =	vand.u32 $0xFFFFFFF0, v50  }
0x4c: {  	v3 =	vor.u32 v3, v4  }
0x4d: {  	v4 =	vperm.xlane v3, v0;
	_ =	sdelay $0x1  }
0x4e: {  	v3 =	vperm.xlane v3, v2;
	v4 =	vadd.s32 v1, v4;
	_ =	sdelay $0x1  }
0x4f: {  	v3 =	vadd.s32 v1, v3;
	_ =	sdelay $0x1  }
0x50: {  	s0 =	rddreg [dreg:$0xd]  }
0x51: {  	[tilespmem:s0], [sflag:$0x1] =	stream.indirect_vreg.gather [hbm4b:s1+s3], $0x80, v4, vm0, $0xb8;
	[tilespmem:$0x12180] =	vst v63  }
0x52: {  	s7 =	rddreg [dreg:$0xe]  }
0x53: {  	[tilespmem:s7], [sflag:$0x1] =	stream.indirect_vreg.gather [hbm4b:s1+s3], $0x80, v3, vm0, $0xb8;
	[tilespmem:$0x12180] =	vst v63  }
0x54: {  	v3 =	vld [tilespmem:$0x50];
	_ =	sdelay $0x4  }
0x55: {  	v51 =	vshll.u32 v3, $0x1  }
0x56: {  	v3 =	vand.u32 $0x7, v3;
	v4 =	vand.u32 $0xFFFFFFF0, v51  }
0x57: {  	v3 =	vor.u32 v3, v4  }
0x58: {  	v4 =	vperm.xlane v3, v0;
	_ =	sdelay $0x1  }
0x59: {  	v3 =	vperm.xlane v3, v2;
	v4 =	vadd.s32 v1, v4;
	_ =	sdelay $0x1  }
0x5a: {  	v3 =	vadd.s32 v1, v3;
	_ =	sdelay $0x1  }
0x5b: {  	s0 =	rddreg [dreg:$0xf]  }
0x5c: {  	[tilespmem:s0], [sflag:$0x1] =	stream.indirect_vreg.gather [hbm4b:s1+s3], $0x80, v4, vm0, $0xb8;
	[tilespmem:$0x12180] =	vst v63  }
0x5d: {  	s7 =	rddreg [dreg:$0x10]  }
0x5e: {  	[tilespmem:s7], [sflag:$0x1] =	stream.indirect_vreg.gather [hbm4b:s1+s3], $0x80, v3, vm0, $0xb8;
	[tilespmem:$0x12180] =	vst v63  }
0x5f: {  	v3 =	vld [tilespmem:$0x60];
	_ =	sdelay $0x4  }
0x60: {  	v52 =	vshll.u32 v3, $0x1  }
0x61: {  	v3 =	vand.u32 $0x7, v3;
	v4 =	vand.u32 $0xFFFFFFF0, v52  }
0x62: {  	v3 =	vor.u32 v3, v4  }
0x63: {  	v4 =	vperm.xlane v3, v0;
	_ =	sdelay $0x1  }
0x64: {  	v3 =	vperm.xlane v3, v2;
	v4 =	vadd.s32 v1, v4;
	_ =	sdelay $0x1  }
0x65: {  	v3 =	vadd.s32 v1, v3;
	_ =	sdelay $0x1  }
0x66: {  	s7 =	simm.s32 $0x6180  }
0x67: {  	[tilespmem:s7], [sflag:$0x1] =	stream.indirect_vreg.gather [hbm4b:s1+s3], $0x80, v4, vm0, $0xb8;
	[tilespmem:$0x12180] =	vst v63  }
0x68: {  	_ = 	snop  }
0x69: {  	[tilespmem:s8], [sflag:$0x1] =	stream.indirect_vreg.gather [hbm4b:s1+s3], $0x80, v3, vm0, $0xb8;
	[tilespmem:$0x12180] =	vst v63  }
0x6a: {  	v3 =	vld [tilespmem:$0x70];
	_ =	sdelay $0x4  }
0x6b: {  	v53 =	vshll.u32 v3, $0x1  }
0x6c: {  	v3 =	vand.u32 $0x7, v3;
	v4 =	vand.u32 $0xFFFFFFF0, v53  }
0x6d: {  	v3 =	vor.u32 v3, v4  }
0x6e: {  	v4 =	vperm.xlane v3, v0;
	_ =	sdelay $0x1  }
0x6f: {  	v3 =	vperm.xlane v3, v2;
	v4 =	vadd.s32 v1, v4;
	_ =	sdelay $0x1  }
0x70: {  	v3 =	vadd.s32 v1, v3;
	_ =	sdelay $0x2  }
0x71: {  	[tilespmem:s9], [sflag:$0x1] =	stream.indirect_vreg.gather [hbm4b:s1+s3], $0x80, v4, vm0, $0xb8;
	[tilespmem:$0x12180] =	vst v63  }
0x72: {  	_ = 	snop  }
0x73: {  	[tilespmem:s10], [sflag:$0x1] =	stream.indirect_vreg.gather [hbm4b:s1+s3], $0x80, v3, vm0, $0xb8;
	[tilespmem:$0x12180] =	vst v63  }
0x74: {  	v3 =	vld [tilespmem:$0x80];
	_ =	sdelay $0x4  }
0x75: {  	v54 =	vshll.u32 v3, $0x1  }
0x76: {  	v3 =	vand.u32 $0x7, v3;
	v4 =	vand.u32 $0xFFFFFFF0, v54  }
0x77: {  	v3 =	vor.u32 v3, v4  }
0x78: {  	v4 =	vperm.xlane v3, v0;
	_ =	sdelay $0x1  }
0x79: {  	v3 =	vperm.xlane v3, v2;
	v4 =	vadd.s32 v1, v4;
	_ =	sdelay $0x1  }
0x7a: {  	v3 =	vadd.s32 v1, v3;
	_ =	sdelay $0x2  }
0x7b: {  	[tilespmem:s11], [sflag:$0x1] =	stream.indirect_vreg.gather [hbm4b:s1+s3], $0x80, v4, vm0, $0xb8;
	[tilespmem:$0x12180] =	vst v63  }
0x7c: {  	_ = 	snop  }
0x7d: {  	[tilespmem:s12], [sflag:$0x1] =	stream.indirect_vreg.gather [hbm4b:s1+s3], $0x80, v3, vm0, $0xb8;
	[tilespmem:$0x12180] =	vst v63  }
0x7e: {  	v3 =	vld [tilespmem:$0x90];
	_ =	sdelay $0x4  }
0x7f: {  	v55 =	vshll.u32 v3, $0x1  }
0x80: {  	v3 =	vand.u32 $0x7, v3;
	v4 =	vand.u32 $0xFFFFFFF0, v55  }
0x81: {  	v3 =	vor.u32 v3, v4  }
0x82: {  	v4 =	vperm.xlane v3, v0;
	_ =	sdelay $0x1  }
0x83: {  	v3 =	vperm.xlane v3, v2;
	v4 =	vadd.s32 v1, v4;
	_ =	sdelay $0x1  }
0x84: {  	v3 =	vadd.s32 v1, v3;
	_ =	sdelay $0x2  }
0x85: {  	[tilespmem:s13], [sflag:$0x1] =	stream.indirect_vreg.gather [hbm4b:s1+s3], $0x80, v4, vm0, $0xb8;
	[tilespmem:$0x12180] =	vst v63  }
0x86: {  	_ = 	snop  }
0x87: {  	[tilespmem:s14], [sflag:$0x1] =	stream.indirect_vreg.gather [hbm4b:s1+s3], $0x80, v3, vm0, $0xb8;
	[tilespmem:$0x12180] =	vst v63  }
0x88: {  	v3 =	vld [tilespmem:$0xA0];
	_ =	sdelay $0x4  }
0x89: {  	v56 =	vshll.u32 v3, $0x1  }
0x8a: {  	v3 =	vand.u32 $0x7, v3;
	v4 =	vand.u32 $0xFFFFFFF0, v56  }
0x8b: {  	v3 =	vor.u32 v3, v4  }
0x8c: {  	v4 =	vperm.xlane v3, v0;
	_ =	sdelay $0x1  }
0x8d: {  	v3 =	vperm.xlane v3, v2;
	v4 =	vadd.s32 v1, v4;
	_ =	sdelay $0x1  }
0x8e: {  	v3 =	vadd.s32 v1, v3;
	_ =	sdelay $0x2  }
0x8f: {  	[tilespmem:s15], [sflag:$0x1] =	stream.indirect_vreg.gather [hbm4b:s1+s3], $0x80, v4, vm0, $0xb8;
	[tilespmem:$0x12180] =	vst v63  }
0x90: {  	_ = 	snop  }
0x91: {  	[tilespmem:s16], [sflag:$0x1] =	stream.indirect_vreg.gather [hbm4b:s1+s3], $0x80, v3, vm0, $0xb8;
	[tilespmem:$0x12180] =	vst v63  }
0x92: {  	v3 =	vld [tilespmem:$0xB0];
	_ =	sdelay $0x4  }
0x93: {  	v57 =	vshll.u32 v3, $0x1  }
0x94: {  	v3 =	vand.u32 $0x7, v3;
	v4 =	vand.u32 $0xFFFFFFF0, v57  }
0x95: {  	v3 =	vor.u32 v3, v4  }
0x96: {  	v4 =	vperm.xlane v3, v0;
	_ =	sdelay $0x1  }
0x97: {  	v3 =	vperm.xlane v3, v2;
	v4 =	vadd.s32 v1, v4;
	_ =	sdelay $0x1  }
0x98: {  	v3 =	vadd.s32 v1, v3;
	_ =	sdelay $0x2  }
0x99: {  	[tilespmem:s17], [sflag:$0x1] =	stream.indirect_vreg.gather [hbm4b:s1+s3], $0x80, v4, vm0, $0xb8;
	[tilespmem:$0x12180] =	vst v63  }
0x9a: {  	_ = 	snop  }
0x9b: {  	[tilespmem:s18], [sflag:$0x1] =	stream.indirect_vreg.gather [hbm4b:s1+s3], $0x80, v3, vm0, $0xb8;
	[tilespmem:$0x12180] =	vst v63  }
0x9c: {  	v3 =	vld [tilespmem:$0xC0];
	_ =	sdelay $0x4  }
0x9d: {  	v58 =	vshll.u32 v3, $0x1  }
0x9e: {  	v3 =	vand.u32 $0x7, v3;
	v4 =	vand.u32 $0xFFFFFFF0, v58  }
0x9f: {  	v3 =	vor.u32 v3, v4  }
0xa0: {  	v4 =	vperm.xlane v3, v0;
	_ =	sdelay $0x1  }
0xa1: {  	v3 =	vperm.xlane v3, v2;
	v4 =	vadd.s32 v1, v4;
	_ =	sdelay $0x1  }
0xa2: {  	v3 =	vadd.s32 v1, v3;
	_ =	sdelay $0x2  }
0xa3: {  	[tilespmem:s19], [sflag:$0x1] =	stream.indirect_vreg.gather [hbm4b:s1+s3], $0x80, v4, vm0, $0xb8;
	[tilespmem:$0x12180] =	vst v63  }
0xa4: {  	_ = 	snop  }
0xa5: {  	[tilespmem:s20], [sflag:$0x1] =	stream.indirect_vreg.gather [hbm4b:s1+s3], $0x80, v3, vm0, $0xb8;
	[tilespmem:$0x12180] =	vst v63  }
0xa6: {  	v3 =	vld [tilespmem:$0xD0];
	_ =	sdelay $0x4  }
0xa7: {  	v59 =	vshll.u32 v3, $0x1  }
0xa8: {  	v3 =	vand.u32 $0x7, v3;
	v4 =	vand.u32 $0xFFFFFFF0, v59  }
0xa9: {  	v3 =	vor.u32 v3, v4  }
0xaa: {  	v4 =	vperm.xlane v3, v0;
	_ =	sdelay $0x1  }
0xab: {  	v3 =	vperm.xlane v3, v2;
	v4 =	vadd.s32 v1, v4;
	_ =	sdelay $0x1  }
0xac: {  	v3 =	vadd.s32 v1, v3;
	_ =	sdelay $0x2  }
0xad: {  	[tilespmem:s21], [sflag:$0x1] =	stream.indirect_vreg.gather [hbm4b:s1+s3], $0x80, v4, vm0, $0xb8;
	[tilespmem:$0x12180] =	vst v63  }
0xae: {  	_ = 	snop  }
0xaf: {  	[tilespmem:s22], [sflag:$0x1] =	stream.indirect_vreg.gather [hbm4b:s1+s3], $0x80, v3, vm0, $0xb8;
	[tilespmem:$0x12180] =	vst v63  }
0xb0: {  	v3 =	vld [tilespmem:$0xE0];
	_ =	sdelay $0x4  }
0xb1: {  	v60 =	vshll.u32 v3, $0x1  }
0xb2: {  	v3 =	vand.u32 $0x7, v3;
	v4 =	vand.u32 $0xFFFFFFF0, v60  }
0xb3: {  	v3 =	vor.u32 v3, v4  }
0xb4: {  	v4 =	vperm.xlane v3, v0;
	_ =	sdelay $0x1  }
0xb5: {  	v3 =	vperm.xlane v3, v2;
	v4 =	vadd.s32 v1, v4;
	_ =	sdelay $0x1  }
0xb6: {  	v3 =	vadd.s32 v1, v3;
	_ =	sdelay $0x2  }
0xb7: {  	[tilespmem:s23], [sflag:$0x1] =	stream.indirect_vreg.gather [hbm4b:s1+s3], $0x80, v4, vm0, $0xb8;
	[tilespmem:$0x12180] =	vst v63  }
0xb8: {  	_ = 	snop  }
0xb9: {  	[tilespmem:s24], [sflag:$0x1] =	stream.indirect_vreg.gather [hbm4b:s1+s3], $0x80, v3, vm0, $0xb8;
	[tilespmem:$0x12180] =	vst v63  }
0xba: {  	v3 =	vld [tilespmem:$0xF0];
	_ =	sdelay $0x4  }
0xbb: {  	v61 =	vshll.u32 v3, $0x1  }
0xbc: {  	v3 =	vand.u32 $0x7, v3;
	v4 =	vand.u32 $0xFFFFFFF0, v61  }
0xbd: {  	v3 =	vor.u32 v3, v4  }
0xbe: {  	v4 =	vperm.xlane v3, v0;
	_ =	sdelay $0x1  }
0xbf: {  	v3 =	vperm.xlane v3, v2;
	v4 =	vadd.s32 v1, v4;
	_ =	sdelay $0x1  }
0xc0: {  	v3 =	vadd.s32 v1, v3;
	_ =	sdelay $0x2  }
0xc1: {  	[tilespmem:s25], [sflag:$0x1] =	stream.indirect_vreg.gather [hbm4b:s1+s3], $0x80, v4, vm0, $0xb8;
	[tilespmem:$0x12180] =	vst v63  }
0xc2: {  	_ = 	snop  }
0xc3: {  	[tilespmem:s26], [sflag:$0x1] =	stream.indirect_vreg.gather [hbm4b:s1+s3], $0x80, v3, vm0, $0xb8;
	[tilespmem:$0x12180] =	vst v63  }
0xc4: {  	v3 =	vld [tilespmem:$0x100];
	_ =	sdelay $0x4  }
0xc5: {  	v62 =	vshll.u32 v3, $0x1  }
0xc6: {  	v3 =	vand.u32 $0x7, v3;
	v4 =	vand.u32 $0xFFFFFFF0, v62  }
0xc7: {  	v3 =	vor.u32 v3, v4  }
0xc8: {  	v4 =	vperm.xlane v3, v0;
	_ =	sdelay $0x1  }
0xc9: {  	v3 =	vperm.xlane v3, v2;
	v4 =	vadd.s32 v1, v4;
	_ =	sdelay $0x1  }
0xca: {  	v3 =	vadd.s32 v1, v3;
	_ =	sdelay $0x2  }
0xcb: {  	[tilespmem:s28], [sflag:$0x1] =	stream.indirect_vreg.gather [hbm4b:s1+s3], $0x80, v4, vm0, $0xb8;
	[tilespmem:$0x12180] =	vst v63  }
0xcc: {  	_ = 	snop  }
0xcd: {  	[tilespmem:s29], [sflag:$0x1] =	stream.indirect_vreg.gather [hbm4b:s1+s3], $0x80, v3, vm0, $0xb8;
	[tilespmem:$0x12180] =	vst v63  }
0xce: {  	v3 =	vld [tilespmem:$0x110];
	_ =	sdelay $0x4  }
0xcf: {  	v63 =	vshll.u32 v3, $0x1  }
0xd0: {  	v3 =	vand.u32 $0x7, v3;
	v4 =	vand.u32 $0xFFFFFFF0, v63  }
0xd1: {  	v3 =	vor.u32 v3, v4  }
0xd2: {  	v4 =	vperm.xlane v3, v0;
	_ =	sdelay $0x1  }
0xd3: {  	v3 =	vperm.xlane v3, v2;
	v4 =	vadd.s32 v1, v4;
	_ =	sdelay $0x1  }
0xd4: {  	v3 =	vadd.s32 v1, v3;
	_ =	sdelay $0x2  }
0xd5: {  	[tilespmem:s30], [sflag:$0x1] =	stream.indirect_vreg.gather [hbm4b:s1+s3], $0x80, v4, vm0, $0xb8;
	[tilespmem:$0x12180] =	vst v63  }
0xd6: {  	_ = 	snop  }
0xd7: {  	[tilespmem:s31], [sflag:$0x1] =	stream.indirect_vreg.gather [hbm4b:s1+s3], $0x80, v3, vm0, $0xb8;
	[tilespmem:$0x12180] =	vst v63  }
0xd8: {  	_ =	swait.ge [sflag:s2], $0x6000  }
0xd9: {  	[sflag:s2] =	ssyncset.done $0x0  }
0xda: {  	[sflag:s2] =	ssyncadd.s32 $0xFFFFA000  }
0xdb: {  	_ =	swait.ge [sflag:s2], $0x6000  }
0xdc: {  	[sflag:s2] =	ssyncset.done $0x0  }
0xdd: {  	[sflag:s2] =	ssyncadd.s32 $0xFFFFA000  }
0xde: {  	_ =	swait.ge [sflag:s2], $0x6000  }
0xdf: {  	p0 =	sne.s32 s4, $0x1;
	[sflag:s2] =	ssyncset.done $0x0  }
.Ltmp0:
0xe0: {  	s7 =	rddreg [dreg:$0x5];
	[sflag:s2] =	ssyncadd.s32 $0xFFFFA000;
	(pc) =	sbr.rel @p0 .LBB2_1-.Ltmp0, $4  }
0xe1: {  	[hbm4b:s7+s3] =	stream.linear.scatter [tilespmem:s6], [sflag:$0x2], $0x12000, $0x38;
	[tilespmem:$0x12180] =	vst v63  }
0xe2: {  	_ =	swait.ge [sflag:s5], $0x12000  }
0xe3: {  	[sflag:s5] =	ssyncset.done $0x0  }
0xe4: {  	s4 =	sadd.s32 $0xFFFFFFFF, s4;
	[sflag:s5] =	ssyncadd.s32 $0xFFFEE000  }
0xe5: {  	_ =	sfence.sel $0x180000  }
0xe6: {  	[bflag:$0x0] =	sbarrier.arrive $0xFFFF  }
0xe7: {  	_ =	strace $0x90000047  }
0xe8: {  	s0 =	stileid.u32;
	[bflag:$0x2] =	sbarrier.arrive $0xFFFF  }
0xe9: {  	p0 =	sne.s32 s0, $0x0;
	s0 =	rddreg [dreg:$0x3]  }
0xea: {  	s0 =	sadd.s32 @!p0 $0x100000, s0  }
0xeb: {  	[sflag:s0] =	ssyncadd.tile.s32 @!p0 $0x1;
	_ =	shalt  }
.Lfunc_end2:
_tile_overlayer_lowered:
.L_overlay_start_2:
0xec: {  	(tag) =	ssettag $0x2  }
0xed: {  	s0 =	rddreg [dreg:$0x0];
	s2 =	stileid.u32  }
0xee: {  	s1 =	rddreg [dreg:$0x1];
	p0 =	sne.s32 s2, $0x0  }
0xef: {  	s3 =	rddreg [dreg:$0x2];
	[bflag:$0x3] =	sbarrier.arrive $0xFFFF;
	s2 =	simm.s32 @!p0 $0x1C02  }
0xf0: {  	[timem:s3], [sflag:s2] =	dma.local @!p0 [hbm:s0], s1  }
0xf1: {  	s0 =	simm.s32 @!p0 $0x2  }
0xf2: {  	_ =	swait.ge @!p0 [sflag:s0], s1  }
0xf3: {  	s1 =	ssub.s32 @!p0 $0x0, s1;
	[sflag:s0] =	ssyncset.done @!p0 $0x0  }
0xf4: {  	[sflag:s0] =	ssyncadd.s32 @!p0 s1  }
0xf5: {  	[bflag:$0x3] =	sbarrier.arrive $0xFFFF  }
0xf6: {  	_ =	shalt  }

</sc_bundles>
